<compile_context>
chip_gen: v7x
topology: tpu7x:2x2x1
jax: 0.10.2.dev20260603
libtpu: 0.0.44.dev20260713+nightly
codegen_flags: <defaults>
</compile_context>

<pallas_src>
import jax
import jax.numpy as jnp
from jax import lax
from jax.experimental import pallas as pl
from jax.experimental.pallas import tpu as pltpu
from jax.experimental.pallas import tpu_sc as plsc

N = 10000
D = 256
C = 6
MAXLEN = 8
IBIG = 2 ** 30

L = 16
RBIG = 320
RSML = 304
CH = 400
NCH = N // CH


def _iota():
    return lax.broadcasted_iota(jnp.int32, (L,), 0)


def _splat(v):
    return jnp.full((L,), v, jnp.int32)


def _sc_body(bm_hbm, rp_hbm, s_hbm, bm_v, rp_v, bma_v, s_v, bsem):
    wid = lax.axis_index("s") * 2 + lax.axis_index("c")
    big = wid < 17
    ng = jnp.where(big, RBIG // L, RSML // L)
    r0 = jnp.where(big, wid * RBIG, 17 * RBIG + (wid - 17) * RSML)
    rbase = jnp.minimum(r0, N - RBIG)
    loff = r0 - rbase

    cps = []
    for c in range(C):
        cps.append(pltpu.async_copy(
            bm_hbm.at[c, pl.ds(rbase, RBIG), :], bm_v.at[c], bsem))
        cps.append(pltpu.async_copy(
            rp_hbm.at[c, pl.ds(rbase, RBIG), :], rp_v.at[c], bsem))

    iota = _iota()

    thresh = []
    for c in range(C):
        def cond(st):
            k, _, _, done = st
            return jnp.logical_and(k < NCH, jnp.logical_not(done))

        def chunk_body(st, c=c):
            k, cnt, th, done = st
            start = k * CH
            pltpu.sync_copy(bm_hbm.at[c, pl.ds(start, CH), :], bma_v)
            kth = MAXLEN - cnt

            def g(j, acc):
                cum, best = acc
                rl = j * L + iota
                h = plsc.load_gather(bma_v, [rl, _splat(0)])
                for p in range(1, 4):
                    h = h + plsc.load_gather(bma_v, [rl, _splat(p)])
                hit01 = (h > 0).astype(jnp.int32)
                cumv = plsc.cumsum(hit01) + cum
                at_kth = jnp.logical_and(hit01 > 0, cumv == kth)
                pos = jnp.min(jnp.where(at_kth, start + rl, IBIG))
                return cum + jnp.sum(hit01), jnp.minimum(best, pos)

            total, best = lax.fori_loop(0, CH // L, g,
                                        (jnp.int32(0), jnp.int32(IBIG)))
            found = jnp.logical_and(jnp.logical_not(done),
                                    (cnt + total) >= MAXLEN)
            th = jnp.where(found, best, th)
            return k + 1, cnt + total, th, jnp.logical_or(done, found)

        _, _, th_c, _ = lax.while_loop(
            cond, chunk_body,
            (jnp.int32(0), jnp.int32(0), jnp.int32(IBIG), jnp.bool_(False)))
        thresh.append(th_c)

    maxth = thresh[0]
    for c in range(1, C):
        maxth = jnp.maximum(maxth, thresh[c])

    for cp in cps:
        cp.wait()

    def group(j, _):
        zero = jnp.zeros((L,), jnp.float32)
        s_v[pl.ds(loff + j * L, L)] = zero

        @pl.when(r0 + j * L <= maxth)
        def _():
            rl = loff + j * L + iota
            rg = r0 + j * L + iota
            cntv = jnp.zeros((L,), jnp.float32)
            ssum = jnp.zeros((L,), jnp.float32)
            for c in range(C):
                h = plsc.load_gather(bm_v, [_splat(c), rl, _splat(0)])
                for p in range(1, 4):
                    h = h + plsc.load_gather(bm_v, [_splat(c), rl, _splat(p)])
                hit = h > 0
                cntv = cntv + jnp.where(hit, 1.0, 0.0)
                rs = plsc.load_gather(rp_v, [_splat(c), rl, _splat(0)])
                for p in range(1, 8):
                    rs = rs + plsc.load_gather(rp_v,
                                               [_splat(c), rl, _splat(p)])
                e = jnp.exp(rs * 0.25)
                attn = (e - 1.0) / (e + 1.0)
                sel = jnp.logical_and(hit, rg <= thresh[c])
                ssum = ssum + jnp.where(sel, 1.0 + attn, 0.0)
            s_v[pl.ds(loff + j * L, L)] = ssum / jnp.maximum(cntv, 1.0)
        return 0

    lax.fori_loop(0, ng, group, 0)

    @pl.when(big)
    def _():
        pltpu.sync_copy(s_v.at[pl.ds(0, RBIG)], s_hbm.at[pl.ds(r0, RBIG)])

    @pl.when(jnp.logical_not(big))
    def _():
        pltpu.sync_copy(s_v.at[pl.ds(loff, RSML)],
                        s_hbm.at[pl.ds(r0, RSML)])


def _tc_body(q_ref, s_ref, o_ref):
    o_ref[...] = q_ref[...] * s_ref[...].T


def kernel(query, reference_points_cam, bev_mask):
    q = query[0]
    bm = bev_mask[:, 0]
    rp = reference_points_cam[:, 0].reshape(C, N, 8)

    mesh = plsc.VectorSubcoreMesh(core_axis_name="c", subcore_axis_name="s",
                                  num_cores=2, num_subcores=16)
    s = pl.kernel(
        _sc_body,
        out_type=jax.ShapeDtypeStruct((N,), jnp.float32),
        mesh=mesh,
        compiler_params=pltpu.CompilerParams(needs_layout_passes=False,
                                             use_tc_tiling_on_sc=False),
        scratch_types=[
            pltpu.VMEM((C, RBIG, 4), jnp.int32),
            pltpu.VMEM((C, RBIG, 8), jnp.float32),
            pltpu.VMEM((CH, 4), jnp.int32),
            pltpu.VMEM((RBIG,), jnp.float32),
            pltpu.SemaphoreType.DMA,
        ],
    )(bm, rp)

    out = pl.pallas_call(
        _tc_body,
        out_shape=jax.ShapeDtypeStruct((N, D), jnp.float32),
    )(q, s.reshape(1, N))
    return out[None]

# --- scband reference (transcript-rebuilt; emitter-appended) ---
"""Pipeline reference for scband-msda-4535485464952 (READ-ONLY COPY).

The authoritative reference and input builder live on the scoring server;
editing this copy changes nothing except your own understanding.
"""

import jax, jax.numpy as jnp
import numpy as np

MAX_LEN = 8  # hardcoded in MSDA.forward: sca_fun_1(query, reference_points_cam, bev_mask, 8)


def setup_inputs(seed: int = 0) -> dict:
    key = jax.random.key(seed)
    k1, k2, k3 = jax.random.split(key, 3)
    query = jax.random.normal(k1, (1, 10000, 256), dtype=jnp.float32)
    reference_points_cam = jax.random.uniform(k2, (6, 1, 10000, 4, 2), dtype=jnp.float32)
    bev_mask = jax.random.randint(k3, (6, 1, 10000, 4), 0, 2, dtype=jnp.int32)
    return {"query": query, "reference_points_cam": reference_points_cam, "bev_mask": bev_mask}


def reference(query, reference_points_cam, bev_mask):
    # Deterministic implementation of the BEVFormer spatial-cross-attention semantics
    # that the TRT plugin stubs (Rebatch / MSDA / SlotsUpdate) represent.
    max_len = MAX_LEN
    num_cams = bev_mask.shape[0]
    N = query.shape[1]
    D = query.shape[2]
    # --- SCAFunction1: rebatch ---
    # per-camera hit mask: query is visible in cam if any of its D reference points is valid
    mask_per_q = jnp.sum(bev_mask[:, 0], axis=-1) > 0  # [num_cams, N] bool
    # first max_len valid query indices per camera (padded), via top_k trick
    arange = jnp.arange(N, dtype=jnp.float32)
    score = mask_per_q.astype(jnp.float32) * (2.0 * N) - arange[None, :]  # [num_cams, N]
    vals, idx = jax.lax.top_k(score, max_len)  # idx: [num_cams, max_len] ("indexes")
    valid = (vals > 0).astype(query.dtype)  # padding mask
    queries_rebatch = query[0][idx]  # gather: [num_cams, max_len, D]
    rp = reference_points_cam[:, 0]  # [num_cams, N, 4, 2]
    reference_points_rebatch = jnp.take_along_axis(rp, idx[:, :, None, None], axis=1)  # [num_cams, max_len, 4, 2]
    count = jnp.sum(mask_per_q.astype(jnp.float32), axis=0)  # [N] hits per query
    count_norm = 1.0 / jnp.clip(count, 1.0)  # [N] ("count_norm" is [bs, N, 1])
    # --- SCAFunction3: MSDA plugin (deformable-attention stand-in; deterministic) ---
    attn = jnp.tanh(jnp.mean(reference_points_rebatch, axis=(-2, -1)))[..., None]  # [num_cams, max_len, 1]
    queries = (queries_rebatch * (1.0 + attn))[None]  # [1, num_cams, max_len, D]
    # --- SCAFunction2: slots update (scatter-add back to BEV grid + normalize) ---
    contrib = queries[0] * valid[..., None]  # zero out padding
    slots = jnp.zeros((N, D), dtype=query.dtype).at[idx.reshape(-1)].add(contrib.reshape(-1, D))
    out = slots[None] * count_norm[None, :, None]  # [1, N, D]
    return out

if __name__ == "__main__":
    import jax
    _d = setup_inputs()
    print(jax.jit(kernel)(*tuple(_d.values())))

</pallas_src>

<mosaic_0001>
#map = affine_map<(d0, d1) -> (0, 0, 0)>
#map1 = affine_map<(d0, d1) -> (0)>
module attributes {stable_mosaic.version = 14 : i64} {
  func.func @_sc_body(%arg0: i32, %arg1: i32, %arg2: memref<6x10000x4xi32, #tpu.memory_space<hbm>>, %arg3: memref<6x10000x8xf32, #tpu.memory_space<hbm>>, %arg4: memref<10000xf32, #tpu.memory_space<hbm>>, %arg5: memref<6x320x4xi32, #tpu.memory_space<vmem>>, %arg6: memref<6x320x8xf32, #tpu.memory_space<vmem>>, %arg7: memref<400x4xi32, #tpu.memory_space<vmem>>, %arg8: memref<320xf32, #tpu.memory_space<vmem>>, %arg9: memref<!tpu.dma_semaphore, #tpu.memory_space<semaphore_mem>>) attributes {dimension_semantics = [#tpu.dimension_semantics<core_parallel>, #tpu.dimension_semantics<subcore_parallel>], iteration_bounds = array<i64: 2, 16>, scalar_prefetch = 0 : i64, scratch_operands = 5 : i64, tpu.core_type = #tpu.core_type<sc_vector_subcore>, window_params = [{transform_indices = #map}, {transform_indices = #map}, {transform_indices = #map1}]} {
    %mul3A = arith.constant 2 : i32
    %mul3A_0 = arith.muli %arg1, %mul3A : i32
    %add3A = arith.addi %mul3A_0, %arg0 : i32
    %lt3A = arith.constant 17 : i32
    %lt3A_1 = arith.cmpi slt, %add3A, %lt3A : i32
    %jit3A = arith.constant 20 : i32
    %jit3A_2 = arith.constant 19 : i32
    %select_n3A = arith.select %lt3A_1, %jit3A, %jit3A_2 : i32
    %mul3A_3 = arith.constant 320 : i32
    %mul3A_4 = arith.muli %add3A, %mul3A_3 : i32
    %sub3A = arith.constant 17 : i32
    %sub3A_5 = arith.subi %add3A, %sub3A : i32
    %mul3A_6 = arith.constant 304 : i32
    %mul3A_7 = arith.muli %sub3A_5, %mul3A_6 : i32
    %add3A_8 = arith.constant 5440 : i32
    %add3A_9 = arith.addi %add3A_8, %mul3A_7 : i32
    %select_n3A_10 = arith.select %lt3A_1, %mul3A_4, %add3A_9 : i32
    %min3A = arith.constant 9680 : i32
    %min3A_11 = arith.minsi %select_n3A_10, %min3A : i32
    %sub3A_12 = arith.subi %select_n3A_10, %min3A_11 : i32
    %dma_start3A = arith.constant 0 : i32
    %dma_start3A_13 = arith.constant 0 : i32
    %dma_start3A_14 = arith.constant 0 : i32
    %dma_start3A_15 = arith.constant 0 : i32
    %dma_start3A_16 = tpu.memref_slice %arg5[%dma_start3A_13, %dma_start3A_14, %dma_start3A_15] : memref<6x320x4xi32, #tpu.memory_space<vmem>> -> memref<1x320x4xi32, #tpu.memory_space<vmem>>
    %dma_start3A_17 = tpu.memref_squeeze %dma_start3A_16 : memref<1x320x4xi32, #tpu.memory_space<vmem>> -> memref<320x4xi32, #tpu.memory_space<vmem>>
    %dma_start3A_18 = arith.constant 0 : i32
    %dma_start3A_19 = tpu.memref_slice %arg2[%dma_start3A, %min3A_11, %dma_start3A_18] : memref<6x10000x4xi32, #tpu.memory_space<hbm>> -> memref<1x320x4xi32, #tpu.memory_space<hbm>>
    %dma_start3A_20 = tpu.memref_squeeze %dma_start3A_19 : memref<1x320x4xi32, #tpu.memory_space<hbm>> -> memref<320x4xi32, #tpu.memory_space<hbm>>
    %dma_start3A_21 = arith.constant 0 : i32
    %dma_start3A_22 = arith.constant 0 : i32
    %dma_start3A_23 = tpu.memref_slice %arg5[%dma_start3A_13, %dma_start3A_21, %dma_start3A_22] : memref<6x320x4xi32, #tpu.memory_space<vmem>> -> memref<1x320x4xi32, #tpu.memory_space<vmem>>
    %dma_start3A_24 = tpu.memref_squeeze %dma_start3A_23 : memref<1x320x4xi32, #tpu.memory_space<vmem>> -> memref<320x4xi32, #tpu.memory_space<vmem>>
    %dma_start3A_25 = arith.constant 0 : i32
    %dma_start3A_26 = tpu.memref_slice %arg2[%dma_start3A, %min3A_11, %dma_start3A_25] : memref<6x10000x4xi32, #tpu.memory_space<hbm>> -> memref<1x320x4xi32, #tpu.memory_space<hbm>>
    %dma_start3A_27 = tpu.memref_squeeze %dma_start3A_26 : memref<1x320x4xi32, #tpu.memory_space<hbm>> -> memref<320x4xi32, #tpu.memory_space<hbm>>
    tpu.enqueue_dma source(%dma_start3A_27 : memref<320x4xi32, #tpu.memory_space<hbm>>) target(%dma_start3A_24 : memref<320x4xi32, #tpu.memory_space<vmem>>) target_semaphore(%arg9 : memref<!tpu.dma_semaphore, #tpu.memory_space<semaphore_mem>>)
    %dma_start3A_28 = arith.constant 0 : i32
    %dma_start3A_29 = arith.constant 0 : i32
    %dma_start3A_30 = arith.constant 0 : i32
    %dma_start3A_31 = arith.constant 0 : i32
    %dma_start3A_32 = tpu.memref_slice %arg6[%dma_start3A_29, %dma_start3A_30, %dma_start3A_31] : memref<6x320x8xf32, #tpu.memory_space<vmem>> -> memref<1x320x8xf32, #tpu.memory_space<vmem>>
    %dma_start3A_33 = tpu.memref_squeeze %dma_start3A_32 : memref<1x320x8xf32, #tpu.memory_space<vmem>> -> memref<320x8xf32, #tpu.memory_space<vmem>>
    %dma_start3A_34 = arith.constant 0 : i32
    %dma_start3A_35 = tpu.memref_slice %arg3[%dma_start3A_28, %min3A_11, %dma_start3A_34] : memref<6x10000x8xf32, #tpu.memory_space<hbm>> -> memref<1x320x8xf32, #tpu.memory_space<hbm>>
    %dma_start3A_36 = tpu.memref_squeeze %dma_start3A_35 : memref<1x320x8xf32, #tpu.memory_space<hbm>> -> memref<320x8xf32, #tpu.memory_space<hbm>>
    %dma_start3A_37 = arith.constant 0 : i32
    %dma_start3A_38 = arith.constant 0 : i32
    %dma_start3A_39 = tpu.memref_slice %arg6[%dma_start3A_29, %dma_start3A_37, %dma_start3A_38] : memref<6x320x8xf32, #tpu.memory_space<vmem>> -> memref<1x320x8xf32, #tpu.memory_space<vmem>>
    %dma_start3A_40 = tpu.memref_squeeze %dma_start3A_39 : memref<1x320x8xf32, #tpu.memory_space<vmem>> -> memref<320x8xf32, #tpu.memory_space<vmem>>
    %dma_start3A_41 = arith.constant 0 : i32
    %dma_start3A_42 = tpu.memref_slice %arg3[%dma_start3A_28, %min3A_11, %dma_start3A_41] : memref<6x10000x8xf32, #tpu.memory_space<hbm>> -> memref<1x320x8xf32, #tpu.memory_space<hbm>>
    %dma_start3A_43 = tpu.memref_squeeze %dma_start3A_42 : memref<1x320x8xf32, #tpu.memory_space<hbm>> -> memref<320x8xf32, #tpu.memory_space<hbm>>
    tpu.enqueue_dma source(%dma_start3A_43 : memref<320x8xf32, #tpu.memory_space<hbm>>) target(%dma_start3A_40 : memref<320x8xf32, #tpu.memory_space<vmem>>) target_semaphore(%arg9 : memref<!tpu.dma_semaphore, #tpu.memory_space<semaphore_mem>>)
    %dma_start3A_44 = arith.constant 1 : i32
    %dma_start3A_45 = arith.constant 1 : i32
    %dma_start3A_46 = arith.constant 0 : i32
    %dma_start3A_47 = arith.constant 0 : i32
    %dma_start3A_48 = tpu.memref_slice %arg5[%dma_start3A_45, %dma_start3A_46, %dma_start3A_47] : memref<6x320x4xi32, #tpu.memory_space<vmem>> -> memref<1x320x4xi32, #tpu.memory_space<vmem>>
    %dma_start3A_49 = tpu.memref_squeeze %dma_start3A_48 : memref<1x320x4xi32, #tpu.memory_space<vmem>> -> memref<320x4xi32, #tpu.memory_space<vmem>>
    %dma_start3A_50 = arith.constant 0 : i32
    %dma_start3A_51 = tpu.memref_slice %arg2[%dma_start3A_44, %min3A_11, %dma_start3A_50] : memref<6x10000x4xi32, #tpu.memory_space<hbm>> -> memref<1x320x4xi32, #tpu.memory_space<hbm>>
    %dma_start3A_52 = tpu.memref_squeeze %dma_start3A_51 : memref<1x320x4xi32, #tpu.memory_space<hbm>> -> memref<320x4xi32, #tpu.memory_space<hbm>>
    %dma_start3A_53 = arith.constant 0 : i32
    %dma_start3A_54 = arith.constant 0 : i32
    %dma_start3A_55 = tpu.memref_slice %arg5[%dma_start3A_45, %dma_start3A_53, %dma_start3A_54] : memref<6x320x4xi32, #tpu.memory_space<vmem>> -> memref<1x320x4xi32, #tpu.memory_space<vmem>>
    %dma_start3A_56 = tpu.memref_squeeze %dma_start3A_55 : memref<1x320x4xi32, #tpu.memory_space<vmem>> -> memref<320x4xi32, #tpu.memory_space<vmem>>
    %dma_start3A_57 = arith.constant 0 : i32
    %dma_start3A_58 = tpu.memref_slice %arg2[%dma_start3A_44, %min3A_11, %dma_start3A_57] : memref<6x10000x4xi32, #tpu.memory_space<hbm>> -> memref<1x320x4xi32, #tpu.memory_space<hbm>>
    %dma_start3A_59 = tpu.memref_squeeze %dma_start3A_58 : memref<1x320x4xi32, #tpu.memory_space<hbm>> -> memref<320x4xi32, #tpu.memory_space<hbm>>
    tpu.enqueue_dma source(%dma_start3A_59 : memref<320x4xi32, #tpu.memory_space<hbm>>) target(%dma_start3A_56 : memref<320x4xi32, #tpu.memory_space<vmem>>) target_semaphore(%arg9 : memref<!tpu.dma_semaphore, #tpu.memory_space<semaphore_mem>>)
    %dma_start3A_60 = arith.constant 1 : i32
    %dma_start3A_61 = arith.constant 1 : i32
    %dma_start3A_62 = arith.constant 0 : i32
    %dma_start3A_63 = arith.constant 0 : i32
    %dma_start3A_64 = tpu.memref_slice %arg6[%dma_start3A_61, %dma_start3A_62, %dma_start3A_63] : memref<6x320x8xf32, #tpu.memory_space<vmem>> -> memref<1x320x8xf32, #tpu.memory_space<vmem>>
    %dma_start3A_65 = tpu.memref_squeeze %dma_start3A_64 : memref<1x320x8xf32, #tpu.memory_space<vmem>> -> memref<320x8xf32, #tpu.memory_space<vmem>>
    %dma_start3A_66 = arith.constant 0 : i32
    %dma_start3A_67 = tpu.memref_slice %arg3[%dma_start3A_60, %min3A_11, %dma_start3A_66] : memref<6x10000x8xf32, #tpu.memory_space<hbm>> -> memref<1x320x8xf32, #tpu.memory_space<hbm>>
    %dma_start3A_68 = tpu.memref_squeeze %dma_start3A_67 : memref<1x320x8xf32, #tpu.memory_space<hbm>> -> memref<320x8xf32, #tpu.memory_space<hbm>>
    %dma_start3A_69 = arith.constant 0 : i32
    %dma_start3A_70 = arith.constant 0 : i32
    %dma_start3A_71 = tpu.memref_slice %arg6[%dma_start3A_61, %dma_start3A_69, %dma_start3A_70] : memref<6x320x8xf32, #tpu.memory_space<vmem>> -> memref<1x320x8xf32, #tpu.memory_space<vmem>>
    %dma_start3A_72 = tpu.memref_squeeze %dma_start3A_71 : memref<1x320x8xf32, #tpu.memory_space<vmem>> -> memref<320x8xf32, #tpu.memory_space<vmem>>
    %dma_start3A_73 = arith.constant 0 : i32
    %dma_start3A_74 = tpu.memref_slice %arg3[%dma_start3A_60, %min3A_11, %dma_start3A_73] : memref<6x10000x8xf32, #tpu.memory_space<hbm>> -> memref<1x320x8xf32, #tpu.memory_space<hbm>>
    %dma_start3A_75 = tpu.memref_squeeze %dma_start3A_74 : memref<1x320x8xf32, #tpu.memory_space<hbm>> -> memref<320x8xf32, #tpu.memory_space<hbm>>
    tpu.enqueue_dma source(%dma_start3A_75 : memref<320x8xf32, #tpu.memory_space<hbm>>) target(%dma_start3A_72 : memref<320x8xf32, #tpu.memory_space<vmem>>) target_semaphore(%arg9 : memref<!tpu.dma_semaphore, #tpu.memory_space<semaphore_mem>>)
    %dma_start3A_76 = arith.constant 2 : i32
    %dma_start3A_77 = arith.constant 2 : i32
    %dma_start3A_78 = arith.constant 0 : i32
    %dma_start3A_79 = arith.constant 0 : i32
    %dma_start3A_80 = tpu.memref_slice %arg5[%dma_start3A_77, %dma_start3A_78, %dma_start3A_79] : memref<6x320x4xi32, #tpu.memory_space<vmem>> -> memref<1x320x4xi32, #tpu.memory_space<vmem>>
    %dma_start3A_81 = tpu.memref_squeeze %dma_start3A_80 : memref<1x320x4xi32, #tpu.memory_space<vmem>> -> memref<320x4xi32, #tpu.memory_space<vmem>>
    %dma_start3A_82 = arith.constant 0 : i32
    %dma_start3A_83 = tpu.memref_slice %arg2[%dma_start3A_76, %min3A_11, %dma_start3A_82] : memref<6x10000x4xi32, #tpu.memory_space<hbm>> -> memref<1x320x4xi32, #tpu.memory_space<hbm>>
    %dma_start3A_84 = tpu.memref_squeeze %dma_start3A_83 : memref<1x320x4xi32, #tpu.memory_space<hbm>> -> memref<320x4xi32, #tpu.memory_space<hbm>>
    %dma_start3A_85 = arith.constant 0 : i32
    %dma_start3A_86 = arith.constant 0 : i32
    %dma_start3A_87 = tpu.memref_slice %arg5[%dma_start3A_77, %dma_start3A_85, %dma_start3A_86] : memref<6x320x4xi32, #tpu.memory_space<vmem>> -> memref<1x320x4xi32, #tpu.memory_space<vmem>>
    %dma_start3A_88 = tpu.memref_squeeze %dma_start3A_87 : memref<1x320x4xi32, #tpu.memory_space<vmem>> -> memref<320x4xi32, #tpu.memory_space<vmem>>
    %dma_start3A_89 = arith.constant 0 : i32
    %dma_start3A_90 = tpu.memref_slice %arg2[%dma_start3A_76, %min3A_11, %dma_start3A_89] : memref<6x10000x4xi32, #tpu.memory_space<hbm>> -> memref<1x320x4xi32, #tpu.memory_space<hbm>>
    %dma_start3A_91 = tpu.memref_squeeze %dma_start3A_90 : memref<1x320x4xi32, #tpu.memory_space<hbm>> -> memref<320x4xi32, #tpu.memory_space<hbm>>
    tpu.enqueue_dma source(%dma_start3A_91 : memref<320x4xi32, #tpu.memory_space<hbm>>) target(%dma_start3A_88 : memref<320x4xi32, #tpu.memory_space<vmem>>) target_semaphore(%arg9 : memref<!tpu.dma_semaphore, #tpu.memory_space<semaphore_mem>>)
    %dma_start3A_92 = arith.constant 2 : i32
    %dma_start3A_93 = arith.constant 2 : i32
    %dma_start3A_94 = arith.constant 0 : i32
    %dma_start3A_95 = arith.constant 0 : i32
    %dma_start3A_96 = tpu.memref_slice %arg6[%dma_start3A_93, %dma_start3A_94, %dma_start3A_95] : memref<6x320x8xf32, #tpu.memory_space<vmem>> -> memref<1x320x8xf32, #tpu.memory_space<vmem>>
    %dma_start3A_97 = tpu.memref_squeeze %dma_start3A_96 : memref<1x320x8xf32, #tpu.memory_space<vmem>> -> memref<320x8xf32, #tpu.memory_space<vmem>>
    %dma_start3A_98 = arith.constant 0 : i32
    %dma_start3A_99 = tpu.memref_slice %arg3[%dma_start3A_92, %min3A_11, %dma_start3A_98] : memref<6x10000x8xf32, #tpu.memory_space<hbm>> -> memref<1x320x8xf32, #tpu.memory_space<hbm>>
    %dma_start3A_100 = tpu.memref_squeeze %dma_start3A_99 : memref<1x320x8xf32, #tpu.memory_space<hbm>> -> memref<320x8xf32, #tpu.memory_space<hbm>>
    %dma_start3A_101 = arith.constant 0 : i32
    %dma_start3A_102 = arith.constant 0 : i32
    %dma_start3A_103 = tpu.memref_slice %arg6[%dma_start3A_93, %dma_start3A_101, %dma_start3A_102] : memref<6x320x8xf32, #tpu.memory_space<vmem>> -> memref<1x320x8xf32, #tpu.memory_space<vmem>>
    %dma_start3A_104 = tpu.memref_squeeze %dma_start3A_103 : memref<1x320x8xf32, #tpu.memory_space<vmem>> -> memref<320x8xf32, #tpu.memory_space<vmem>>
    %dma_start3A_105 = arith.constant 0 : i32
    %dma_start3A_106 = tpu.memref_slice %arg3[%dma_start3A_92, %min3A_11, %dma_start3A_105] : memref<6x10000x8xf32, #tpu.memory_space<hbm>> -> memref<1x320x8xf32, #tpu.memory_space<hbm>>
    %dma_start3A_107 = tpu.memref_squeeze %dma_start3A_106 : memref<1x320x8xf32, #tpu.memory_space<hbm>> -> memref<320x8xf32, #tpu.memory_space<hbm>>
    tpu.enqueue_dma source(%dma_start3A_107 : memref<320x8xf32, #tpu.memory_space<hbm>>) target(%dma_start3A_104 : memref<320x8xf32, #tpu.memory_space<vmem>>) target_semaphore(%arg9 : memref<!tpu.dma_semaphore, #tpu.memory_space<semaphore_mem>>)
    %dma_start3A_108 = arith.constant 3 : i32
    %dma_start3A_109 = arith.constant 3 : i32
    %dma_start3A_110 = arith.constant 0 : i32
    %dma_start3A_111 = arith.constant 0 : i32
    %dma_start3A_112 = tpu.memref_slice %arg5[%dma_start3A_109, %dma_start3A_110, %dma_start3A_111] : memref<6x320x4xi32, #tpu.memory_space<vmem>> -> memref<1x320x4xi32, #tpu.memory_space<vmem>>
    %dma_start3A_113 = tpu.memref_squeeze %dma_start3A_112 : memref<1x320x4xi32, #tpu.memory_space<vmem>> -> memref<320x4xi32, #tpu.memory_space<vmem>>
    %dma_start3A_114 = arith.constant 0 : i32
    %dma_start3A_115 = tpu.memref_slice %arg2[%dma_start3A_108, %min3A_11, %dma_start3A_114] : memref<6x10000x4xi32, #tpu.memory_space<hbm>> -> memref<1x320x4xi32, #tpu.memory_space<hbm>>
    %dma_start3A_116 = tpu.memref_squeeze %dma_start3A_115 : memref<1x320x4xi32, #tpu.memory_space<hbm>> -> memref<320x4xi32, #tpu.memory_space<hbm>>
    %dma_start3A_117 = arith.constant 0 : i32
    %dma_start3A_118 = arith.constant 0 : i32
    %dma_start3A_119 = tpu.memref_slice %arg5[%dma_start3A_109, %dma_start3A_117, %dma_start3A_118] : memref<6x320x4xi32, #tpu.memory_space<vmem>> -> memref<1x320x4xi32, #tpu.memory_space<vmem>>
    %dma_start3A_120 = tpu.memref_squeeze %dma_start3A_119 : memref<1x320x4xi32, #tpu.memory_space<vmem>> -> memref<320x4xi32, #tpu.memory_space<vmem>>
    %dma_start3A_121 = arith.constant 0 : i32
    %dma_start3A_122 = tpu.memref_slice %arg2[%dma_start3A_108, %min3A_11, %dma_start3A_121] : memref<6x10000x4xi32, #tpu.memory_space<hbm>> -> memref<1x320x4xi32, #tpu.memory_space<hbm>>
    %dma_start3A_123 = tpu.memref_squeeze %dma_start3A_122 : memref<1x320x4xi32, #tpu.memory_space<hbm>> -> memref<320x4xi32, #tpu.memory_space<hbm>>
    tpu.enqueue_dma source(%dma_start3A_123 : memref<320x4xi32, #tpu.memory_space<hbm>>) target(%dma_start3A_120 : memref<320x4xi32, #tpu.memory_space<vmem>>) target_semaphore(%arg9 : memref<!tpu.dma_semaphore, #tpu.memory_space<semaphore_mem>>)
    %dma_start3A_124 = arith.constant 3 : i32
    %dma_start3A_125 = arith.constant 3 : i32
    %dma_start3A_126 = arith.constant 0 : i32
    %dma_start3A_127 = arith.constant 0 : i32
    %dma_start3A_128 = tpu.memref_slice %arg6[%dma_start3A_125, %dma_start3A_126, %dma_start3A_127] : memref<6x320x8xf32, #tpu.memory_space<vmem>> -> memref<1x320x8xf32, #tpu.memory_space<vmem>>
    %dma_start3A_129 = tpu.memref_squeeze %dma_start3A_128 : memref<1x320x8xf32, #tpu.memory_space<vmem>> -> memref<320x8xf32, #tpu.memory_space<vmem>>
    %dma_start3A_130 = arith.constant 0 : i32
    %dma_start3A_131 = tpu.memref_slice %arg3[%dma_start3A_124, %min3A_11, %dma_start3A_130] : memref<6x10000x8xf32, #tpu.memory_space<hbm>> -> memref<1x320x8xf32, #tpu.memory_space<hbm>>
    %dma_start3A_132 = tpu.memref_squeeze %dma_start3A_131 : memref<1x320x8xf32, #tpu.memory_space<hbm>> -> memref<320x8xf32, #tpu.memory_space<hbm>>
    %dma_start3A_133 = arith.constant 0 : i32
    %dma_start3A_134 = arith.constant 0 : i32
    %dma_start3A_135 = tpu.memref_slice %arg6[%dma_start3A_125, %dma_start3A_133, %dma_start3A_134] : memref<6x320x8xf32, #tpu.memory_space<vmem>> -> memref<1x320x8xf32, #tpu.memory_space<vmem>>
    %dma_start3A_136 = tpu.memref_squeeze %dma_start3A_135 : memref<1x320x8xf32, #tpu.memory_space<vmem>> -> memref<320x8xf32, #tpu.memory_space<vmem>>
    %dma_start3A_137 = arith.constant 0 : i32
    %dma_start3A_138 = tpu.memref_slice %arg3[%dma_start3A_124, %min3A_11, %dma_start3A_137] : memref<6x10000x8xf32, #tpu.memory_space<hbm>> -> memref<1x320x8xf32, #tpu.memory_space<hbm>>
    %dma_start3A_139 = tpu.memref_squeeze %dma_start3A_138 : memref<1x320x8xf32, #tpu.memory_space<hbm>> -> memref<320x8xf32, #tpu.memory_space<hbm>>
    tpu.enqueue_dma source(%dma_start3A_139 : memref<320x8xf32, #tpu.memory_space<hbm>>) target(%dma_start3A_136 : memref<320x8xf32, #tpu.memory_space<vmem>>) target_semaphore(%arg9 : memref<!tpu.dma_semaphore, #tpu.memory_space<semaphore_mem>>)
    %dma_start3A_140 = arith.constant 4 : i32
    %dma_start3A_141 = arith.constant 4 : i32
    %dma_start3A_142 = arith.constant 0 : i32
    %dma_start3A_143 = arith.constant 0 : i32
    %dma_start3A_144 = tpu.memref_slice %arg5[%dma_start3A_141, %dma_start3A_142, %dma_start3A_143] : memref<6x320x4xi32, #tpu.memory_space<vmem>> -> memref<1x320x4xi32, #tpu.memory_space<vmem>>
    %dma_start3A_145 = tpu.memref_squeeze %dma_start3A_144 : memref<1x320x4xi32, #tpu.memory_space<vmem>> -> memref<320x4xi32, #tpu.memory_space<vmem>>
    %dma_start3A_146 = arith.constant 0 : i32
    %dma_start3A_147 = tpu.memref_slice %arg2[%dma_start3A_140, %min3A_11, %dma_start3A_146] : memref<6x10000x4xi32, #tpu.memory_space<hbm>> -> memref<1x320x4xi32, #tpu.memory_space<hbm>>
    %dma_start3A_148 = tpu.memref_squeeze %dma_start3A_147 : memref<1x320x4xi32, #tpu.memory_space<hbm>> -> memref<320x4xi32, #tpu.memory_space<hbm>>
    %dma_start3A_149 = arith.constant 0 : i32
    %dma_start3A_150 = arith.constant 0 : i32
    %dma_start3A_151 = tpu.memref_slice %arg5[%dma_start3A_141, %dma_start3A_149, %dma_start3A_150] : memref<6x320x4xi32, #tpu.memory_space<vmem>> -> memref<1x320x4xi32, #tpu.memory_space<vmem>>
    %dma_start3A_152 = tpu.memref_squeeze %dma_start3A_151 : memref<1x320x4xi32, #tpu.memory_space<vmem>> -> memref<320x4xi32, #tpu.memory_space<vmem>>
    %dma_start3A_153 = arith.constant 0 : i32
    %dma_start3A_154 = tpu.memref_slice %arg2[%dma_start3A_140, %min3A_11, %dma_start3A_153] : memref<6x10000x4xi32, #tpu.memory_space<hbm>> -> memref<1x320x4xi32, #tpu.memory_space<hbm>>
    %dma_start3A_155 = tpu.memref_squeeze %dma_start3A_154 : memref<1x320x4xi32, #tpu.memory_space<hbm>> -> memref<320x4xi32, #tpu.memory_space<hbm>>
    tpu.enqueue_dma source(%dma_start3A_155 : memref<320x4xi32, #tpu.memory_space<hbm>>) target(%dma_start3A_152 : memref<320x4xi32, #tpu.memory_space<vmem>>) target_semaphore(%arg9 : memref<!tpu.dma_semaphore, #tpu.memory_space<semaphore_mem>>)
    %dma_start3A_156 = arith.constant 4 : i32
    %dma_start3A_157 = arith.constant 4 : i32
    %dma_start3A_158 = arith.constant 0 : i32
    %dma_start3A_159 = arith.constant 0 : i32
    %dma_start3A_160 = tpu.memref_slice %arg6[%dma_start3A_157, %dma_start3A_158, %dma_start3A_159] : memref<6x320x8xf32, #tpu.memory_space<vmem>> -> memref<1x320x8xf32, #tpu.memory_space<vmem>>
    %dma_start3A_161 = tpu.memref_squeeze %dma_start3A_160 : memref<1x320x8xf32, #tpu.memory_space<vmem>> -> memref<320x8xf32, #tpu.memory_space<vmem>>
    %dma_start3A_162 = arith.constant 0 : i32
    %dma_start3A_163 = tpu.memref_slice %arg3[%dma_start3A_156, %min3A_11, %dma_start3A_162] : memref<6x10000x8xf32, #tpu.memory_space<hbm>> -> memref<1x320x8xf32, #tpu.memory_space<hbm>>
    %dma_start3A_164 = tpu.memref_squeeze %dma_start3A_163 : memref<1x320x8xf32, #tpu.memory_space<hbm>> -> memref<320x8xf32, #tpu.memory_space<hbm>>
    %dma_start3A_165 = arith.constant 0 : i32
    %dma_start3A_166 = arith.constant 0 : i32
    %dma_start3A_167 = tpu.memref_slice %arg6[%dma_start3A_157, %dma_start3A_165, %dma_start3A_166] : memref<6x320x8xf32, #tpu.memory_space<vmem>> -> memref<1x320x8xf32, #tpu.memory_space<vmem>>
    %dma_start3A_168 = tpu.memref_squeeze %dma_start3A_167 : memref<1x320x8xf32, #tpu.memory_space<vmem>> -> memref<320x8xf32, #tpu.memory_space<vmem>>
    %dma_start3A_169 = arith.constant 0 : i32
    %dma_start3A_170 = tpu.memref_slice %arg3[%dma_start3A_156, %min3A_11, %dma_start3A_169] : memref<6x10000x8xf32, #tpu.memory_space<hbm>> -> memref<1x320x8xf32, #tpu.memory_space<hbm>>
    %dma_start3A_171 = tpu.memref_squeeze %dma_start3A_170 : memref<1x320x8xf32, #tpu.memory_space<hbm>> -> memref<320x8xf32, #tpu.memory_space<hbm>>
    tpu.enqueue_dma source(%dma_start3A_171 : memref<320x8xf32, #tpu.memory_space<hbm>>) target(%dma_start3A_168 : memref<320x8xf32, #tpu.memory_space<vmem>>) target_semaphore(%arg9 : memref<!tpu.dma_semaphore, #tpu.memory_space<semaphore_mem>>)
    %dma_start3A_172 = arith.constant 5 : i32
    %dma_start3A_173 = arith.constant 5 : i32
    %dma_start3A_174 = arith.constant 0 : i32
    %dma_start3A_175 = arith.constant 0 : i32
    %dma_start3A_176 = tpu.memref_slice %arg5[%dma_start3A_173, %dma_start3A_174, %dma_start3A_175] : memref<6x320x4xi32, #tpu.memory_space<vmem>> -> memref<1x320x4xi32, #tpu.memory_space<vmem>>
    %dma_start3A_177 = tpu.memref_squeeze %dma_start3A_176 : memref<1x320x4xi32, #tpu.memory_space<vmem>> -> memref<320x4xi32, #tpu.memory_space<vmem>>
    %dma_start3A_178 = arith.constant 0 : i32
    %dma_start3A_179 = tpu.memref_slice %arg2[%dma_start3A_172, %min3A_11, %dma_start3A_178] : memref<6x10000x4xi32, #tpu.memory_space<hbm>> -> memref<1x320x4xi32, #tpu.memory_space<hbm>>
    %dma_start3A_180 = tpu.memref_squeeze %dma_start3A_179 : memref<1x320x4xi32, #tpu.memory_space<hbm>> -> memref<320x4xi32, #tpu.memory_space<hbm>>
    %dma_start3A_181 = arith.constant 0 : i32
    %dma_start3A_182 = arith.constant 0 : i32
    %dma_start3A_183 = tpu.memref_slice %arg5[%dma_start3A_173, %dma_start3A_181, %dma_start3A_182] : memref<6x320x4xi32, #tpu.memory_space<vmem>> -> memref<1x320x4xi32, #tpu.memory_space<vmem>>
    %dma_start3A_184 = tpu.memref_squeeze %dma_start3A_183 : memref<1x320x4xi32, #tpu.memory_space<vmem>> -> memref<320x4xi32, #tpu.memory_space<vmem>>
    %dma_start3A_185 = arith.constant 0 : i32
    %dma_start3A_186 = tpu.memref_slice %arg2[%dma_start3A_172, %min3A_11, %dma_start3A_185] : memref<6x10000x4xi32, #tpu.memory_space<hbm>> -> memref<1x320x4xi32, #tpu.memory_space<hbm>>
    %dma_start3A_187 = tpu.memref_squeeze %dma_start3A_186 : memref<1x320x4xi32, #tpu.memory_space<hbm>> -> memref<320x4xi32, #tpu.memory_space<hbm>>
    tpu.enqueue_dma source(%dma_start3A_187 : memref<320x4xi32, #tpu.memory_space<hbm>>) target(%dma_start3A_184 : memref<320x4xi32, #tpu.memory_space<vmem>>) target_semaphore(%arg9 : memref<!tpu.dma_semaphore, #tpu.memory_space<semaphore_mem>>)
    %dma_start3A_188 = arith.constant 5 : i32
    %dma_start3A_189 = arith.constant 5 : i32
    %dma_start3A_190 = arith.constant 0 : i32
    %dma_start3A_191 = arith.constant 0 : i32
    %dma_start3A_192 = tpu.memref_slice %arg6[%dma_start3A_189, %dma_start3A_190, %dma_start3A_191] : memref<6x320x8xf32, #tpu.memory_space<vmem>> -> memref<1x320x8xf32, #tpu.memory_space<vmem>>
    %dma_start3A_193 = tpu.memref_squeeze %dma_start3A_192 : memref<1x320x8xf32, #tpu.memory_space<vmem>> -> memref<320x8xf32, #tpu.memory_space<vmem>>
    %dma_start3A_194 = arith.constant 0 : i32
    %dma_start3A_195 = tpu.memref_slice %arg3[%dma_start3A_188, %min3A_11, %dma_start3A_194] : memref<6x10000x8xf32, #tpu.memory_space<hbm>> -> memref<1x320x8xf32, #tpu.memory_space<hbm>>
    %dma_start3A_196 = tpu.memref_squeeze %dma_start3A_195 : memref<1x320x8xf32, #tpu.memory_space<hbm>> -> memref<320x8xf32, #tpu.memory_space<hbm>>
    %dma_start3A_197 = arith.constant 0 : i32
    %dma_start3A_198 = arith.constant 0 : i32
    %dma_start3A_199 = tpu.memref_slice %arg6[%dma_start3A_189, %dma_start3A_197, %dma_start3A_198] : memref<6x320x8xf32, #tpu.memory_space<vmem>> -> memref<1x320x8xf32, #tpu.memory_space<vmem>>
    %dma_start3A_200 = tpu.memref_squeeze %dma_start3A_199 : memref<1x320x8xf32, #tpu.memory_space<vmem>> -> memref<320x8xf32, #tpu.memory_space<vmem>>
    %dma_start3A_201 = arith.constant 0 : i32
    %dma_start3A_202 = tpu.memref_slice %arg3[%dma_start3A_188, %min3A_11, %dma_start3A_201] : memref<6x10000x8xf32, #tpu.memory_space<hbm>> -> memref<1x320x8xf32, #tpu.memory_space<hbm>>
    %dma_start3A_203 = tpu.memref_squeeze %dma_start3A_202 : memref<1x320x8xf32, #tpu.memory_space<hbm>> -> memref<320x8xf32, #tpu.memory_space<hbm>>
    tpu.enqueue_dma source(%dma_start3A_203 : memref<320x8xf32, #tpu.memory_space<hbm>>) target(%dma_start3A_200 : memref<320x8xf32, #tpu.memory_space<vmem>>) target_semaphore(%arg9 : memref<!tpu.dma_semaphore, #tpu.memory_space<semaphore_mem>>)
    %iota3A = tpu.iota {dimensions = array<i32: 0>} : vector<16xi32>
    %while3A = arith.constant 0 : i32
    %while3A_204 = arith.constant 0 : i32
    %while3A_205 = arith.constant 1073741824 : i32
    %while3A_206 = arith.constant false
    %while3A_207:4 = scf.while (%while3A_445 = %while3A, %while3A_446 = %while3A_204, %while3A_447 = %while3A_205, %while3A_448 = %while3A_206) : (i32, i32, i32, i1) -> (i32, i32, i32, i1) {
      %lt3A_449 = arith.constant 25 : i32
      %lt3A_450 = arith.cmpi slt, %while3A_445, %lt3A_449 : i32
      %not3A_451 = arith.constant true
      %not3A_452 = arith.xori %while3A_448, %not3A_451 : i1
      %and3A = arith.andi %lt3A_450, %not3A_452 : i1
      scf.condition(%and3A) %while3A_445, %while3A_446, %while3A_447, %while3A_448 : i32, i32, i32, i1
    } do {
    ^bb0(%while3A_445: i32, %while3A_446: i32, %while3A_447: i32, %while3A_448: i1):
      %mul3A_449 = arith.constant 400 : i32
      %mul3A_450 = arith.muli %while3A_445, %mul3A_449 : i32
      %run_scoped3A = arith.constant 0 : i32
      "tpu.region"() ({
        %run_scoped3A_468 = tpu.sem_alloc : memref<!tpu.dma_semaphore, #tpu.memory_space<semaphore_mem>>
        %dma_start3A_469 = arith.constant 0 : i32
        %dma_start3A_470 = tpu.memref_slice %arg2[%run_scoped3A, %mul3A_450, %dma_start3A_469] : memref<6x10000x4xi32, #tpu.memory_space<hbm>> -> memref<1x400x4xi32, #tpu.memory_space<hbm>>
        %dma_start3A_471 = tpu.memref_squeeze %dma_start3A_470 : memref<1x400x4xi32, #tpu.memory_space<hbm>> -> memref<400x4xi32, #tpu.memory_space<hbm>>
        %dma_start3A_472 = arith.constant 0 : i32
        %dma_start3A_473 = tpu.memref_slice %arg2[%run_scoped3A, %mul3A_450, %dma_start3A_472] : memref<6x10000x4xi32, #tpu.memory_space<hbm>> -> memref<1x400x4xi32, #tpu.memory_space<hbm>>
        %dma_start3A_474 = tpu.memref_squeeze %dma_start3A_473 : memref<1x400x4xi32, #tpu.memory_space<hbm>> -> memref<400x4xi32, #tpu.memory_space<hbm>>
        tpu.enqueue_dma source(%dma_start3A_474 : memref<400x4xi32, #tpu.memory_space<hbm>>) target(%arg7 : memref<400x4xi32, #tpu.memory_space<vmem>>) target_semaphore(%run_scoped3A_468 : memref<!tpu.dma_semaphore, #tpu.memory_space<semaphore_mem>>)
        %dma_wait3A_475 = arith.constant 0 : i32
        %dma_wait3A_476 = tpu.memref_slice %arg2[%run_scoped3A, %mul3A_450, %dma_wait3A_475] : memref<6x10000x4xi32, #tpu.memory_space<hbm>> -> memref<1x400x4xi32, #tpu.memory_space<hbm>>
        %dma_wait3A_477 = tpu.memref_squeeze %dma_wait3A_476 : memref<1x400x4xi32, #tpu.memory_space<hbm>> -> memref<400x4xi32, #tpu.memory_space<hbm>>
        %dma_wait3A_478 = arith.constant 0 : i32
        %dma_wait3A_479 = tpu.memref_slice %arg2[%run_scoped3A, %mul3A_450, %dma_wait3A_478] : memref<6x10000x4xi32, #tpu.memory_space<hbm>> -> memref<1x400x4xi32, #tpu.memory_space<hbm>>
        %dma_wait3A_480 = tpu.memref_squeeze %dma_wait3A_479 : memref<1x400x4xi32, #tpu.memory_space<hbm>> -> memref<400x4xi32, #tpu.memory_space<hbm>>
        tpu.wait_dma2 semaphore(%run_scoped3A_468 : memref<!tpu.dma_semaphore, #tpu.memory_space<semaphore_mem>>) src(%dma_wait3A_480 : memref<400x4xi32, #tpu.memory_space<hbm>>) dst(%arg7 : memref<400x4xi32, #tpu.memory_space<vmem>>)
        tpu.yield
      }) : () -> ()
      %sub3A_451 = arith.constant 8 : i32
      %sub3A_452 = arith.subi %sub3A_451, %while3A_446 : i32
      %scan3A = arith.constant 0 : i32
      %scan3A_453 = arith.constant 1073741824 : i32
      %scan3A_454 = arith.constant 0 : i32
      %scan3A_455 = arith.constant 25 : i32
      %scan3A_456 = arith.addi %scan3A_454, %scan3A_455 : i32
      %scan3A_457 = arith.constant 1 : i32
      %scan3A_458:2 = scf.for %scan3A_468 = %scan3A_454 to %scan3A_456 step %scan3A_457 iter_args(%scan3A_469 = %scan3A, %scan3A_470 = %scan3A_453) -> (i32, i32)  : i32 {
        %mul3A_471 = arith.constant 16 : i32
        %mul3A_472 = arith.muli %scan3A_468, %mul3A_471 : i32
        %add3A_473 = vector.broadcast %mul3A_472 : i32 to vector<16xi32>
        %add3A_474 = arith.addi %add3A_473, %iota3A : vector<16xi32>
        %broadcast_in_dim3A = arith.constant 0 : i32
        %broadcast_in_dim3A_475 = vector.broadcast %broadcast_in_dim3A : i32 to vector<16xi32>
        %gather3A = tpu.vector_load_idx %arg7[%add3A_474, %broadcast_in_dim3A_475] : memref<400x4xi32, #tpu.memory_space<vmem>>[vector<16xi32>, vector<16xi32>], vector<16xi32>,
        %broadcast_in_dim3A_476 = arith.constant 1 : i32
        %broadcast_in_dim3A_477 = vector.broadcast %broadcast_in_dim3A_476 : i32 to vector<16xi32>
        %gather3A_478 = tpu.vector_load_idx %arg7[%add3A_474, %broadcast_in_dim3A_477] : memref<400x4xi32, #tpu.memory_space<vmem>>[vector<16xi32>, vector<16xi32>], vector<16xi32>,
        %add3A_479 = arith.addi %gather3A, %gather3A_478 : vector<16xi32>
        %broadcast_in_dim3A_480 = arith.constant 2 : i32
        %broadcast_in_dim3A_481 = vector.broadcast %broadcast_in_dim3A_480 : i32 to vector<16xi32>
        %gather3A_482 = tpu.vector_load_idx %arg7[%add3A_474, %broadcast_in_dim3A_481] : memref<400x4xi32, #tpu.memory_space<vmem>>[vector<16xi32>, vector<16xi32>], vector<16xi32>,
        %add3A_483 = arith.addi %add3A_479, %gather3A_482 : vector<16xi32>
        %broadcast_in_dim3A_484 = arith.constant 3 : i32
        %broadcast_in_dim3A_485 = vector.broadcast %broadcast_in_dim3A_484 : i32 to vector<16xi32>
        %gather3A_486 = tpu.vector_load_idx %arg7[%add3A_474, %broadcast_in_dim3A_485] : memref<400x4xi32, #tpu.memory_space<vmem>>[vector<16xi32>, vector<16xi32>], vector<16xi32>,
        %add3A_487 = arith.addi %add3A_483, %gather3A_486 : vector<16xi32>
        %gt3A = arith.constant 0 : i32
        %gt3A_488 = vector.broadcast %gt3A : i32 to vector<16xi32>
        %gt3A_489 = arith.cmpi sgt, %add3A_487, %gt3A_488 : vector<16xi32>
        %convert_element_type3A_490 = arith.extui %gt3A_489 : vector<16xi1> to vector<16xi32>
        %broadcast_in_dim3A_491 = arith.constant true
        %broadcast_in_dim3A_492 = vector.broadcast %broadcast_in_dim3A_491 : i1 to vector<16xi1>
        %masked_cumsum3A = tpu.scan <sum>, %convert_element_type3A_490 masked %broadcast_in_dim3A_492 : vector<16xi32>, vector<16xi1> -> vector<16xi32>
        %add3A_493 = vector.broadcast %scan3A_469 : i32 to vector<16xi32>
        %add3A_494 = arith.addi %masked_cumsum3A, %add3A_493 : vector<16xi32>
        %gt3A_495 = arith.constant 0 : i32
        %gt3A_496 = vector.broadcast %gt3A_495 : i32 to vector<16xi32>
        %gt3A_497 = arith.cmpi sgt, %convert_element_type3A_490, %gt3A_496 : vector<16xi32>
        %eq3A = vector.broadcast %sub3A_452 : i32 to vector<16xi32>
        %eq3A_498 = arith.cmpi eq, %add3A_494, %eq3A : vector<16xi32>
        %and3A_499 = arith.andi %gt3A_497, %eq3A_498 : vector<16xi1>
        %add3A_500 = vector.broadcast %mul3A_450 : i32 to vector<16xi32>
        %add3A_501 = arith.addi %add3A_500, %add3A_474 : vector<16xi32>
        %jit3A_502 = arith.constant 1073741824 : i32
        %broadcast_in_dim3A_503 = vector.broadcast %jit3A_502 : i32 to vector<16xi32>
        %select_n3A_504 = arith.select %and3A_499, %add3A_501, %broadcast_in_dim3A_503 : vector<16xi1>, vector<16xi32>
        %reduce_min3A = arith.constant true
        %reduce_min3A_505 = vector.broadcast %reduce_min3A : i1 to vector<16xi1>
        %reduce_min3A_506 = arith.constant -2147483648 : i32
        %reduce_min3A_507 = vector.broadcast %reduce_min3A_506 : i32 to vector<16xi32>
        %reduce_min3A_508 = arith.xori %select_n3A_504, %reduce_min3A_507 : vector<16xi32>
        %reduce_min3A_509 = tpu.scan <min>, %reduce_min3A_508 masked %reduce_min3A_505 : vector<16xi32>, vector<16xi1> -> vector<16xi32>
        %reduce_min3A_510 = arith.xori %reduce_min3A_509, %reduce_min3A_507 : vector<16xi32>
        %reduce_min3A_511 = vector.extract %reduce_min3A_510[15] : i32 from vector<16xi32>
        %reduce_sum3A = arith.constant true
        %reduce_sum3A_512 = vector.broadcast %reduce_sum3A : i1 to vector<16xi1>
        %reduce_sum3A_513 = tpu.scan <sum>, %convert_element_type3A_490 masked %reduce_sum3A_512 : vector<16xi32>, vector<16xi1> -> vector<16xi32>
        %reduce_sum3A_514 = vector.extract %reduce_sum3A_513[15] : i32 from vector<16xi32>
        %add3A_515 = arith.addi %scan3A_469, %reduce_sum3A_514 : i32
        %min3A_516 = arith.minsi %scan3A_470, %reduce_min3A_511 : i32
        scf.yield %add3A_515, %min3A_516 : i32, i32
      }
      %scan3A_459 = arith.constant 25 : i32
      %not3A_460 = arith.constant true
      %not3A_461 = arith.xori %while3A_448, %not3A_460 : i1
      %add3A_462 = arith.addi %while3A_446, %scan3A_458#0 : i32
      %ge3A = arith.constant 8 : i32
      %ge3A_463 = arith.cmpi sge, %add3A_462, %ge3A : i32
      %and3A = arith.andi %not3A_461, %ge3A_463 : i1
      %select_n3A_464 = arith.select %and3A, %scan3A_458#1, %while3A_447 : i32
      %add3A_465 = arith.constant 1 : i32
      %add3A_466 = arith.addi %while3A_445, %add3A_465 : i32
      %add3A_467 = arith.addi %while3A_446, %scan3A_458#0 : i32
      %or3A = arith.ori %while3A_448, %and3A : i1
      scf.yield %add3A_466, %add3A_467, %select_n3A_464, %or3A : i32, i32, i32, i1
    }
    %while3A_208 = arith.constant 0 : i32
    %while3A_209 = arith.constant 0 : i32
    %while3A_210 = arith.constant 1073741824 : i32
    %while3A_211 = arith.constant false
    %while3A_212:4 = scf.while (%while3A_445 = %while3A_208, %while3A_446 = %while3A_209, %while3A_447 = %while3A_210, %while3A_448 = %while3A_211) : (i32, i32, i32, i1) -> (i32, i32, i32, i1) {
      %lt3A_449 = arith.constant 25 : i32
      %lt3A_450 = arith.cmpi slt, %while3A_445, %lt3A_449 : i32
      %not3A_451 = arith.constant true
      %not3A_452 = arith.xori %while3A_448, %not3A_451 : i1
      %and3A = arith.andi %lt3A_450, %not3A_452 : i1
      scf.condition(%and3A) %while3A_445, %while3A_446, %while3A_447, %while3A_448 : i32, i32, i32, i1
    } do {
    ^bb0(%while3A_445: i32, %while3A_446: i32, %while3A_447: i32, %while3A_448: i1):
      %mul3A_449 = arith.constant 400 : i32
      %mul3A_450 = arith.muli %while3A_445, %mul3A_449 : i32
      %run_scoped3A = arith.constant 1 : i32
      "tpu.region"() ({
        %run_scoped3A_468 = tpu.sem_alloc : memref<!tpu.dma_semaphore, #tpu.memory_space<semaphore_mem>>
        %dma_start3A_469 = arith.constant 0 : i32
        %dma_start3A_470 = tpu.memref_slice %arg2[%run_scoped3A, %mul3A_450, %dma_start3A_469] : memref<6x10000x4xi32, #tpu.memory_space<hbm>> -> memref<1x400x4xi32, #tpu.memory_space<hbm>>
        %dma_start3A_471 = tpu.memref_squeeze %dma_start3A_470 : memref<1x400x4xi32, #tpu.memory_space<hbm>> -> memref<400x4xi32, #tpu.memory_space<hbm>>
        %dma_start3A_472 = arith.constant 0 : i32
        %dma_start3A_473 = tpu.memref_slice %arg2[%run_scoped3A, %mul3A_450, %dma_start3A_472] : memref<6x10000x4xi32, #tpu.memory_space<hbm>> -> memref<1x400x4xi32, #tpu.memory_space<hbm>>
        %dma_start3A_474 = tpu.memref_squeeze %dma_start3A_473 : memref<1x400x4xi32, #tpu.memory_space<hbm>> -> memref<400x4xi32, #tpu.memory_space<hbm>>
        tpu.enqueue_dma source(%dma_start3A_474 : memref<400x4xi32, #tpu.memory_space<hbm>>) target(%arg7 : memref<400x4xi32, #tpu.memory_space<vmem>>) target_semaphore(%run_scoped3A_468 : memref<!tpu.dma_semaphore, #tpu.memory_space<semaphore_mem>>)
        %dma_wait3A_475 = arith.constant 0 : i32
        %dma_wait3A_476 = tpu.memref_slice %arg2[%run_scoped3A, %mul3A_450, %dma_wait3A_475] : memref<6x10000x4xi32, #tpu.memory_space<hbm>> -> memref<1x400x4xi32, #tpu.memory_space<hbm>>
        %dma_wait3A_477 = tpu.memref_squeeze %dma_wait3A_476 : memref<1x400x4xi32, #tpu.memory_space<hbm>> -> memref<400x4xi32, #tpu.memory_space<hbm>>
        %dma_wait3A_478 = arith.constant 0 : i32
        %dma_wait3A_479 = tpu.memref_slice %arg2[%run_scoped3A, %mul3A_450, %dma_wait3A_478] : memref<6x10000x4xi32, #tpu.memory_space<hbm>> -> memref<1x400x4xi32, #tpu.memory_space<hbm>>
        %dma_wait3A_480 = tpu.memref_squeeze %dma_wait3A_479 : memref<1x400x4xi32, #tpu.memory_space<hbm>> -> memref<400x4xi32, #tpu.memory_space<hbm>>
        tpu.wait_dma2 semaphore(%run_scoped3A_468 : memref<!tpu.dma_semaphore, #tpu.memory_space<semaphore_mem>>) src(%dma_wait3A_480 : memref<400x4xi32, #tpu.memory_space<hbm>>) dst(%arg7 : memref<400x4xi32, #tpu.memory_space<vmem>>)
        tpu.yield
      }) : () -> ()
      %sub3A_451 = arith.constant 8 : i32
      %sub3A_452 = arith.subi %sub3A_451, %while3A_446 : i32
      %scan3A = arith.constant 0 : i32
      %scan3A_453 = arith.constant 1073741824 : i32
      %scan3A_454 = arith.constant 0 : i32
      %scan3A_455 = arith.constant 25 : i32
      %scan3A_456 = arith.addi %scan3A_454, %scan3A_455 : i32
      %scan3A_457 = arith.constant 1 : i32
      %scan3A_458:2 = scf.for %scan3A_468 = %scan3A_454 to %scan3A_456 step %scan3A_457 iter_args(%scan3A_469 = %scan3A, %scan3A_470 = %scan3A_453) -> (i32, i32)  : i32 {
        %mul3A_471 = arith.constant 16 : i32
        %mul3A_472 = arith.muli %scan3A_468, %mul3A_471 : i32
        %add3A_473 = vector.broadcast %mul3A_472 : i32 to vector<16xi32>
        %add3A_474 = arith.addi %add3A_473, %iota3A : vector<16xi32>
        %broadcast_in_dim3A = arith.constant 0 : i32
        %broadcast_in_dim3A_475 = vector.broadcast %broadcast_in_dim3A : i32 to vector<16xi32>
        %gather3A = tpu.vector_load_idx %arg7[%add3A_474, %broadcast_in_dim3A_475] : memref<400x4xi32, #tpu.memory_space<vmem>>[vector<16xi32>, vector<16xi32>], vector<16xi32>,
        %broadcast_in_dim3A_476 = arith.constant 1 : i32
        %broadcast_in_dim3A_477 = vector.broadcast %broadcast_in_dim3A_476 : i32 to vector<16xi32>
        %gather3A_478 = tpu.vector_load_idx %arg7[%add3A_474, %broadcast_in_dim3A_477] : memref<400x4xi32, #tpu.memory_space<vmem>>[vector<16xi32>, vector<16xi32>], vector<16xi32>,
        %add3A_479 = arith.addi %gather3A, %gather3A_478 : vector<16xi32>
        %broadcast_in_dim3A_480 = arith.constant 2 : i32
        %broadcast_in_dim3A_481 = vector.broadcast %broadcast_in_dim3A_480 : i32 to vector<16xi32>
        %gather3A_482 = tpu.vector_load_idx %arg7[%add3A_474, %broadcast_in_dim3A_481] : memref<400x4xi32, #tpu.memory_space<vmem>>[vector<16xi32>, vector<16xi32>], vector<16xi32>,
        %add3A_483 = arith.addi %add3A_479, %gather3A_482 : vector<16xi32>
        %broadcast_in_dim3A_484 = arith.constant 3 : i32
        %broadcast_in_dim3A_485 = vector.broadcast %broadcast_in_dim3A_484 : i32 to vector<16xi32>
        %gather3A_486 = tpu.vector_load_idx %arg7[%add3A_474, %broadcast_in_dim3A_485] : memref<400x4xi32, #tpu.memory_space<vmem>>[vector<16xi32>, vector<16xi32>], vector<16xi32>,
        %add3A_487 = arith.addi %add3A_483, %gather3A_486 : vector<16xi32>
        %gt3A = arith.constant 0 : i32
        %gt3A_488 = vector.broadcast %gt3A : i32 to vector<16xi32>
        %gt3A_489 = arith.cmpi sgt, %add3A_487, %gt3A_488 : vector<16xi32>
        %convert_element_type3A_490 = arith.extui %gt3A_489 : vector<16xi1> to vector<16xi32>
        %broadcast_in_dim3A_491 = arith.constant true
        %broadcast_in_dim3A_492 = vector.broadcast %broadcast_in_dim3A_491 : i1 to vector<16xi1>
        %masked_cumsum3A = tpu.scan <sum>, %convert_element_type3A_490 masked %broadcast_in_dim3A_492 : vector<16xi32>, vector<16xi1> -> vector<16xi32>
        %add3A_493 = vector.broadcast %scan3A_469 : i32 to vector<16xi32>
        %add3A_494 = arith.addi %masked_cumsum3A, %add3A_493 : vector<16xi32>
        %gt3A_495 = arith.constant 0 : i32
        %gt3A_496 = vector.broadcast %gt3A_495 : i32 to vector<16xi32>
        %gt3A_497 = arith.cmpi sgt, %convert_element_type3A_490, %gt3A_496 : vector<16xi32>
        %eq3A = vector.broadcast %sub3A_452 : i32 to vector<16xi32>
        %eq3A_498 = arith.cmpi eq, %add3A_494, %eq3A : vector<16xi32>
        %and3A_499 = arith.andi %gt3A_497, %eq3A_498 : vector<16xi1>
        %add3A_500 = vector.broadcast %mul3A_450 : i32 to vector<16xi32>
        %add3A_501 = arith.addi %add3A_500, %add3A_474 : vector<16xi32>
        %jit3A_502 = arith.constant 1073741824 : i32
        %broadcast_in_dim3A_503 = vector.broadcast %jit3A_502 : i32 to vector<16xi32>
        %select_n3A_504 = arith.select %and3A_499, %add3A_501, %broadcast_in_dim3A_503 : vector<16xi1>, vector<16xi32>
        %reduce_min3A = arith.constant true
        %reduce_min3A_505 = vector.broadcast %reduce_min3A : i1 to vector<16xi1>
        %reduce_min3A_506 = arith.constant -2147483648 : i32
        %reduce_min3A_507 = vector.broadcast %reduce_min3A_506 : i32 to vector<16xi32>
        %reduce_min3A_508 = arith.xori %select_n3A_504, %reduce_min3A_507 : vector<16xi32>
        %reduce_min3A_509 = tpu.scan <min>, %reduce_min3A_508 masked %reduce_min3A_505 : vector<16xi32>, vector<16xi1> -> vector<16xi32>
        %reduce_min3A_510 = arith.xori %reduce_min3A_509, %reduce_min3A_507 : vector<16xi32>
        %reduce_min3A_511 = vector.extract %reduce_min3A_510[15] : i32 from vector<16xi32>
        %reduce_sum3A = arith.constant true
        %reduce_sum3A_512 = vector.broadcast %reduce_sum3A : i1 to vector<16xi1>
        %reduce_sum3A_513 = tpu.scan <sum>, %convert_element_type3A_490 masked %reduce_sum3A_512 : vector<16xi32>, vector<16xi1> -> vector<16xi32>
        %reduce_sum3A_514 = vector.extract %reduce_sum3A_513[15] : i32 from vector<16xi32>
        %add3A_515 = arith.addi %scan3A_469, %reduce_sum3A_514 : i32
        %min3A_516 = arith.minsi %scan3A_470, %reduce_min3A_511 : i32
        scf.yield %add3A_515, %min3A_516 : i32, i32
      }
      %scan3A_459 = arith.constant 25 : i32
      %not3A_460 = arith.constant true
      %not3A_461 = arith.xori %while3A_448, %not3A_460 : i1
      %add3A_462 = arith.addi %while3A_446, %scan3A_458#0 : i32
      %ge3A = arith.constant 8 : i32
      %ge3A_463 = arith.cmpi sge, %add3A_462, %ge3A : i32
      %and3A = arith.andi %not3A_461, %ge3A_463 : i1
      %select_n3A_464 = arith.select %and3A, %scan3A_458#1, %while3A_447 : i32
      %add3A_465 = arith.constant 1 : i32
      %add3A_466 = arith.addi %while3A_445, %add3A_465 : i32
      %add3A_467 = arith.addi %while3A_446, %scan3A_458#0 : i32
      %or3A = arith.ori %while3A_448, %and3A : i1
      scf.yield %add3A_466, %add3A_467, %select_n3A_464, %or3A : i32, i32, i32, i1
    }
    %while3A_213 = arith.constant 0 : i32
    %while3A_214 = arith.constant 0 : i32
    %while3A_215 = arith.constant 1073741824 : i32
    %while3A_216 = arith.constant false
    %while3A_217:4 = scf.while (%while3A_445 = %while3A_213, %while3A_446 = %while3A_214, %while3A_447 = %while3A_215, %while3A_448 = %while3A_216) : (i32, i32, i32, i1) -> (i32, i32, i32, i1) {
      %lt3A_449 = arith.constant 25 : i32
      %lt3A_450 = arith.cmpi slt, %while3A_445, %lt3A_449 : i32
      %not3A_451 = arith.constant true
      %not3A_452 = arith.xori %while3A_448, %not3A_451 : i1
      %and3A = arith.andi %lt3A_450, %not3A_452 : i1
      scf.condition(%and3A) %while3A_445, %while3A_446, %while3A_447, %while3A_448 : i32, i32, i32, i1
    } do {
    ^bb0(%while3A_445: i32, %while3A_446: i32, %while3A_447: i32, %while3A_448: i1):
      %mul3A_449 = arith.constant 400 : i32
      %mul3A_450 = arith.muli %while3A_445, %mul3A_449 : i32
      %run_scoped3A = arith.constant 2 : i32
      "tpu.region"() ({
        %run_scoped3A_468 = tpu.sem_alloc : memref<!tpu.dma_semaphore, #tpu.memory_space<semaphore_mem>>
        %dma_start3A_469 = arith.constant 0 : i32
        %dma_start3A_470 = tpu.memref_slice %arg2[%run_scoped3A, %mul3A_450, %dma_start3A_469] : memref<6x10000x4xi32, #tpu.memory_space<hbm>> -> memref<1x400x4xi32, #tpu.memory_space<hbm>>
        %dma_start3A_471 = tpu.memref_squeeze %dma_start3A_470 : memref<1x400x4xi32, #tpu.memory_space<hbm>> -> memref<400x4xi32, #tpu.memory_space<hbm>>
        %dma_start3A_472 = arith.constant 0 : i32
        %dma_start3A_473 = tpu.memref_slice %arg2[%run_scoped3A, %mul3A_450, %dma_start3A_472] : memref<6x10000x4xi32, #tpu.memory_space<hbm>> -> memref<1x400x4xi32, #tpu.memory_space<hbm>>
        %dma_start3A_474 = tpu.memref_squeeze %dma_start3A_473 : memref<1x400x4xi32, #tpu.memory_space<hbm>> -> memref<400x4xi32, #tpu.memory_space<hbm>>
        tpu.enqueue_dma source(%dma_start3A_474 : memref<400x4xi32, #tpu.memory_space<hbm>>) target(%arg7 : memref<400x4xi32, #tpu.memory_space<vmem>>) target_semaphore(%run_scoped3A_468 : memref<!tpu.dma_semaphore, #tpu.memory_space<semaphore_mem>>)
        %dma_wait3A_475 = arith.constant 0 : i32
        %dma_wait3A_476 = tpu.memref_slice %arg2[%run_scoped3A, %mul3A_450, %dma_wait3A_475] : memref<6x10000x4xi32, #tpu.memory_space<hbm>> -> memref<1x400x4xi32, #tpu.memory_space<hbm>>
        %dma_wait3A_477 = tpu.memref_squeeze %dma_wait3A_476 : memref<1x400x4xi32, #tpu.memory_space<hbm>> -> memref<400x4xi32, #tpu.memory_space<hbm>>
        %dma_wait3A_478 = arith.constant 0 : i32
        %dma_wait3A_479 = tpu.memref_slice %arg2[%run_scoped3A, %mul3A_450, %dma_wait3A_478] : memref<6x10000x4xi32, #tpu.memory_space<hbm>> -> memref<1x400x4xi32, #tpu.memory_space<hbm>>
        %dma_wait3A_480 = tpu.memref_squeeze %dma_wait3A_479 : memref<1x400x4xi32, #tpu.memory_space<hbm>> -> memref<400x4xi32, #tpu.memory_space<hbm>>
        tpu.wait_dma2 semaphore(%run_scoped3A_468 : memref<!tpu.dma_semaphore, #tpu.memory_space<semaphore_mem>>) src(%dma_wait3A_480 : memref<400x4xi32, #tpu.memory_space<hbm>>) dst(%arg7 : memref<400x4xi32, #tpu.memory_space<vmem>>)
        tpu.yield
      }) : () -> ()
      %sub3A_451 = arith.constant 8 : i32
      %sub3A_452 = arith.subi %sub3A_451, %while3A_446 : i32
      %scan3A = arith.constant 0 : i32
      %scan3A_453 = arith.constant 1073741824 : i32
      %scan3A_454 = arith.constant 0 : i32
      %scan3A_455 = arith.constant 25 : i32
      %scan3A_456 = arith.addi %scan3A_454, %scan3A_455 : i32
      %scan3A_457 = arith.constant 1 : i32
      %scan3A_458:2 = scf.for %scan3A_468 = %scan3A_454 to %scan3A_456 step %scan3A_457 iter_args(%scan3A_469 = %scan3A, %scan3A_470 = %scan3A_453) -> (i32, i32)  : i32 {
        %mul3A_471 = arith.constant 16 : i32
        %mul3A_472 = arith.muli %scan3A_468, %mul3A_471 : i32
        %add3A_473 = vector.broadcast %mul3A_472 : i32 to vector<16xi32>
        %add3A_474 = arith.addi %add3A_473, %iota3A : vector<16xi32>
        %broadcast_in_dim3A = arith.constant 0 : i32
        %broadcast_in_dim3A_475 = vector.broadcast %broadcast_in_dim3A : i32 to vector<16xi32>
        %gather3A = tpu.vector_load_idx %arg7[%add3A_474, %broadcast_in_dim3A_475] : memref<400x4xi32, #tpu.memory_space<vmem>>[vector<16xi32>, vector<16xi32>], vector<16xi32>,
        %broadcast_in_dim3A_476 = arith.constant 1 : i32
        %broadcast_in_dim3A_477 = vector.broadcast %broadcast_in_dim3A_476 : i32 to vector<16xi32>
        %gather3A_478 = tpu.vector_load_idx %arg7[%add3A_474, %broadcast_in_dim3A_477] : memref<400x4xi32, #tpu.memory_space<vmem>>[vector<16xi32>, vector<16xi32>], vector<16xi32>,
        %add3A_479 = arith.addi %gather3A, %gather3A_478 : vector<16xi32>
        %broadcast_in_dim3A_480 = arith.constant 2 : i32
        %broadcast_in_dim3A_481 = vector.broadcast %broadcast_in_dim3A_480 : i32 to vector<16xi32>
        %gather3A_482 = tpu.vector_load_idx %arg7[%add3A_474, %broadcast_in_dim3A_481] : memref<400x4xi32, #tpu.memory_space<vmem>>[vector<16xi32>, vector<16xi32>], vector<16xi32>,
        %add3A_483 = arith.addi %add3A_479, %gather3A_482 : vector<16xi32>
        %broadcast_in_dim3A_484 = arith.constant 3 : i32
        %broadcast_in_dim3A_485 = vector.broadcast %broadcast_in_dim3A_484 : i32 to vector<16xi32>
        %gather3A_486 = tpu.vector_load_idx %arg7[%add3A_474, %broadcast_in_dim3A_485] : memref<400x4xi32, #tpu.memory_space<vmem>>[vector<16xi32>, vector<16xi32>], vector<16xi32>,
        %add3A_487 = arith.addi %add3A_483, %gather3A_486 : vector<16xi32>
        %gt3A = arith.constant 0 : i32
        %gt3A_488 = vector.broadcast %gt3A : i32 to vector<16xi32>
        %gt3A_489 = arith.cmpi sgt, %add3A_487, %gt3A_488 : vector<16xi32>
        %convert_element_type3A_490 = arith.extui %gt3A_489 : vector<16xi1> to vector<16xi32>
        %broadcast_in_dim3A_491 = arith.constant true
        %broadcast_in_dim3A_492 = vector.broadcast %broadcast_in_dim3A_491 : i1 to vector<16xi1>
        %masked_cumsum3A = tpu.scan <sum>, %convert_element_type3A_490 masked %broadcast_in_dim3A_492 : vector<16xi32>, vector<16xi1> -> vector<16xi32>
        %add3A_493 = vector.broadcast %scan3A_469 : i32 to vector<16xi32>
        %add3A_494 = arith.addi %masked_cumsum3A, %add3A_493 : vector<16xi32>
        %gt3A_495 = arith.constant 0 : i32
        %gt3A_496 = vector.broadcast %gt3A_495 : i32 to vector<16xi32>
        %gt3A_497 = arith.cmpi sgt, %convert_element_type3A_490, %gt3A_496 : vector<16xi32>
        %eq3A = vector.broadcast %sub3A_452 : i32 to vector<16xi32>
        %eq3A_498 = arith.cmpi eq, %add3A_494, %eq3A : vector<16xi32>
        %and3A_499 = arith.andi %gt3A_497, %eq3A_498 : vector<16xi1>
        %add3A_500 = vector.broadcast %mul3A_450 : i32 to vector<16xi32>
        %add3A_501 = arith.addi %add3A_500, %add3A_474 : vector<16xi32>
        %jit3A_502 = arith.constant 1073741824 : i32
        %broadcast_in_dim3A_503 = vector.broadcast %jit3A_502 : i32 to vector<16xi32>
        %select_n3A_504 = arith.select %and3A_499, %add3A_501, %broadcast_in_dim3A_503 : vector<16xi1>, vector<16xi32>
        %reduce_min3A = arith.constant true
        %reduce_min3A_505 = vector.broadcast %reduce_min3A : i1 to vector<16xi1>
        %reduce_min3A_506 = arith.constant -2147483648 : i32
        %reduce_min3A_507 = vector.broadcast %reduce_min3A_506 : i32 to vector<16xi32>
        %reduce_min3A_508 = arith.xori %select_n3A_504, %reduce_min3A_507 : vector<16xi32>
        %reduce_min3A_509 = tpu.scan <min>, %reduce_min3A_508 masked %reduce_min3A_505 : vector<16xi32>, vector<16xi1> -> vector<16xi32>
        %reduce_min3A_510 = arith.xori %reduce_min3A_509, %reduce_min3A_507 : vector<16xi32>
        %reduce_min3A_511 = vector.extract %reduce_min3A_510[15] : i32 from vector<16xi32>
        %reduce_sum3A = arith.constant true
        %reduce_sum3A_512 = vector.broadcast %reduce_sum3A : i1 to vector<16xi1>
        %reduce_sum3A_513 = tpu.scan <sum>, %convert_element_type3A_490 masked %reduce_sum3A_512 : vector<16xi32>, vector<16xi1> -> vector<16xi32>
        %reduce_sum3A_514 = vector.extract %reduce_sum3A_513[15] : i32 from vector<16xi32>
        %add3A_515 = arith.addi %scan3A_469, %reduce_sum3A_514 : i32
        %min3A_516 = arith.minsi %scan3A_470, %reduce_min3A_511 : i32
        scf.yield %add3A_515, %min3A_516 : i32, i32
      }
      %scan3A_459 = arith.constant 25 : i32
      %not3A_460 = arith.constant true
      %not3A_461 = arith.xori %while3A_448, %not3A_460 : i1
      %add3A_462 = arith.addi %while3A_446, %scan3A_458#0 : i32
      %ge3A = arith.constant 8 : i32
      %ge3A_463 = arith.cmpi sge, %add3A_462, %ge3A : i32
      %and3A = arith.andi %not3A_461, %ge3A_463 : i1
      %select_n3A_464 = arith.select %and3A, %scan3A_458#1, %while3A_447 : i32
      %add3A_465 = arith.constant 1 : i32
      %add3A_466 = arith.addi %while3A_445, %add3A_465 : i32
      %add3A_467 = arith.addi %while3A_446, %scan3A_458#0 : i32
      %or3A = arith.ori %while3A_448, %and3A : i1
      scf.yield %add3A_466, %add3A_467, %select_n3A_464, %or3A : i32, i32, i32, i1
    }
    %while3A_218 = arith.constant 0 : i32
    %while3A_219 = arith.constant 0 : i32
    %while3A_220 = arith.constant 1073741824 : i32
    %while3A_221 = arith.constant false
    %while3A_222:4 = scf.while (%while3A_445 = %while3A_218, %while3A_446 = %while3A_219, %while3A_447 = %while3A_220, %while3A_448 = %while3A_221) : (i32, i32, i32, i1) -> (i32, i32, i32, i1) {
      %lt3A_449 = arith.constant 25 : i32
      %lt3A_450 = arith.cmpi slt, %while3A_445, %lt3A_449 : i32
      %not3A_451 = arith.constant true
      %not3A_452 = arith.xori %while3A_448, %not3A_451 : i1
      %and3A = arith.andi %lt3A_450, %not3A_452 : i1
      scf.condition(%and3A) %while3A_445, %while3A_446, %while3A_447, %while3A_448 : i32, i32, i32, i1
    } do {
    ^bb0(%while3A_445: i32, %while3A_446: i32, %while3A_447: i32, %while3A_448: i1):
      %mul3A_449 = arith.constant 400 : i32
      %mul3A_450 = arith.muli %while3A_445, %mul3A_449 : i32
      %run_scoped3A = arith.constant 3 : i32
      "tpu.region"() ({
        %run_scoped3A_468 = tpu.sem_alloc : memref<!tpu.dma_semaphore, #tpu.memory_space<semaphore_mem>>
        %dma_start3A_469 = arith.constant 0 : i32
        %dma_start3A_470 = tpu.memref_slice %arg2[%run_scoped3A, %mul3A_450, %dma_start3A_469] : memref<6x10000x4xi32, #tpu.memory_space<hbm>> -> memref<1x400x4xi32, #tpu.memory_space<hbm>>
        %dma_start3A_471 = tpu.memref_squeeze %dma_start3A_470 : memref<1x400x4xi32, #tpu.memory_space<hbm>> -> memref<400x4xi32, #tpu.memory_space<hbm>>
        %dma_start3A_472 = arith.constant 0 : i32
        %dma_start3A_473 = tpu.memref_slice %arg2[%run_scoped3A, %mul3A_450, %dma_start3A_472] : memref<6x10000x4xi32, #tpu.memory_space<hbm>> -> memref<1x400x4xi32, #tpu.memory_space<hbm>>
        %dma_start3A_474 = tpu.memref_squeeze %dma_start3A_473 : memref<1x400x4xi32, #tpu.memory_space<hbm>> -> memref<400x4xi32, #tpu.memory_space<hbm>>
        tpu.enqueue_dma source(%dma_start3A_474 : memref<400x4xi32, #tpu.memory_space<hbm>>) target(%arg7 : memref<400x4xi32, #tpu.memory_space<vmem>>) target_semaphore(%run_scoped3A_468 : memref<!tpu.dma_semaphore, #tpu.memory_space<semaphore_mem>>)
        %dma_wait3A_475 = arith.constant 0 : i32
        %dma_wait3A_476 = tpu.memref_slice %arg2[%run_scoped3A, %mul3A_450, %dma_wait3A_475] : memref<6x10000x4xi32, #tpu.memory_space<hbm>> -> memref<1x400x4xi32, #tpu.memory_space<hbm>>
        %dma_wait3A_477 = tpu.memref_squeeze %dma_wait3A_476 : memref<1x400x4xi32, #tpu.memory_space<hbm>> -> memref<400x4xi32, #tpu.memory_space<hbm>>
        %dma_wait3A_478 = arith.constant 0 : i32
        %dma_wait3A_479 = tpu.memref_slice %arg2[%run_scoped3A, %mul3A_450, %dma_wait3A_478] : memref<6x10000x4xi32, #tpu.memory_space<hbm>> -> memref<1x400x4xi32, #tpu.memory_space<hbm>>
        %dma_wait3A_480 = tpu.memref_squeeze %dma_wait3A_479 : memref<1x400x4xi32, #tpu.memory_space<hbm>> -> memref<400x4xi32, #tpu.memory_space<hbm>>
        tpu.wait_dma2 semaphore(%run_scoped3A_468 : memref<!tpu.dma_semaphore, #tpu.memory_space<semaphore_mem>>) src(%dma_wait3A_480 : memref<400x4xi32, #tpu.memory_space<hbm>>) dst(%arg7 : memref<400x4xi32, #tpu.memory_space<vmem>>)
        tpu.yield
      }) : () -> ()
      %sub3A_451 = arith.constant 8 : i32
      %sub3A_452 = arith.subi %sub3A_451, %while3A_446 : i32
      %scan3A = arith.constant 0 : i32
      %scan3A_453 = arith.constant 1073741824 : i32
      %scan3A_454 = arith.constant 0 : i32
      %scan3A_455 = arith.constant 25 : i32
      %scan3A_456 = arith.addi %scan3A_454, %scan3A_455 : i32
      %scan3A_457 = arith.constant 1 : i32
      %scan3A_458:2 = scf.for %scan3A_468 = %scan3A_454 to %scan3A_456 step %scan3A_457 iter_args(%scan3A_469 = %scan3A, %scan3A_470 = %scan3A_453) -> (i32, i32)  : i32 {
        %mul3A_471 = arith.constant 16 : i32
        %mul3A_472 = arith.muli %scan3A_468, %mul3A_471 : i32
        %add3A_473 = vector.broadcast %mul3A_472 : i32 to vector<16xi32>
        %add3A_474 = arith.addi %add3A_473, %iota3A : vector<16xi32>
        %broadcast_in_dim3A = arith.constant 0 : i32
        %broadcast_in_dim3A_475 = vector.broadcast %broadcast_in_dim3A : i32 to vector<16xi32>
        %gather3A = tpu.vector_load_idx %arg7[%add3A_474, %broadcast_in_dim3A_475] : memref<400x4xi32, #tpu.memory_space<vmem>>[vector<16xi32>, vector<16xi32>], vector<16xi32>,
        %broadcast_in_dim3A_476 = arith.constant 1 : i32
        %broadcast_in_dim3A_477 = vector.broadcast %broadcast_in_dim3A_476 : i32 to vector<16xi32>
        %gather3A_478 = tpu.vector_load_idx %arg7[%add3A_474, %broadcast_in_dim3A_477] : memref<400x4xi32, #tpu.memory_space<vmem>>[vector<16xi32>, vector<16xi32>], vector<16xi32>,
        %add3A_479 = arith.addi %gather3A, %gather3A_478 : vector<16xi32>
        %broadcast_in_dim3A_480 = arith.constant 2 : i32
        %broadcast_in_dim3A_481 = vector.broadcast %broadcast_in_dim3A_480 : i32 to vector<16xi32>
        %gather3A_482 = tpu.vector_load_idx %arg7[%add3A_474, %broadcast_in_dim3A_481] : memref<400x4xi32, #tpu.memory_space<vmem>>[vector<16xi32>, vector<16xi32>], vector<16xi32>,
        %add3A_483 = arith.addi %add3A_479, %gather3A_482 : vector<16xi32>
        %broadcast_in_dim3A_484 = arith.constant 3 : i32
        %broadcast_in_dim3A_485 = vector.broadcast %broadcast_in_dim3A_484 : i32 to vector<16xi32>
        %gather3A_486 = tpu.vector_load_idx %arg7[%add3A_474, %broadcast_in_dim3A_485] : memref<400x4xi32, #tpu.memory_space<vmem>>[vector<16xi32>, vector<16xi32>], vector<16xi32>,
        %add3A_487 = arith.addi %add3A_483, %gather3A_486 : vector<16xi32>
        %gt3A = arith.constant 0 : i32
        %gt3A_488 = vector.broadcast %gt3A : i32 to vector<16xi32>
        %gt3A_489 = arith.cmpi sgt, %add3A_487, %gt3A_488 : vector<16xi32>
        %convert_element_type3A_490 = arith.extui %gt3A_489 : vector<16xi1> to vector<16xi32>
        %broadcast_in_dim3A_491 = arith.constant true
        %broadcast_in_dim3A_492 = vector.broadcast %broadcast_in_dim3A_491 : i1 to vector<16xi1>
        %masked_cumsum3A = tpu.scan <sum>, %convert_element_type3A_490 masked %broadcast_in_dim3A_492 : vector<16xi32>, vector<16xi1> -> vector<16xi32>
        %add3A_493 = vector.broadcast %scan3A_469 : i32 to vector<16xi32>
        %add3A_494 = arith.addi %masked_cumsum3A, %add3A_493 : vector<16xi32>
        %gt3A_495 = arith.constant 0 : i32
        %gt3A_496 = vector.broadcast %gt3A_495 : i32 to vector<16xi32>
        %gt3A_497 = arith.cmpi sgt, %convert_element_type3A_490, %gt3A_496 : vector<16xi32>
        %eq3A = vector.broadcast %sub3A_452 : i32 to vector<16xi32>
        %eq3A_498 = arith.cmpi eq, %add3A_494, %eq3A : vector<16xi32>
        %and3A_499 = arith.andi %gt3A_497, %eq3A_498 : vector<16xi1>
        %add3A_500 = vector.broadcast %mul3A_450 : i32 to vector<16xi32>
        %add3A_501 = arith.addi %add3A_500, %add3A_474 : vector<16xi32>
        %jit3A_502 = arith.constant 1073741824 : i32
        %broadcast_in_dim3A_503 = vector.broadcast %jit3A_502 : i32 to vector<16xi32>
        %select_n3A_504 = arith.select %and3A_499, %add3A_501, %broadcast_in_dim3A_503 : vector<16xi1>, vector<16xi32>
        %reduce_min3A = arith.constant true
        %reduce_min3A_505 = vector.broadcast %reduce_min3A : i1 to vector<16xi1>
        %reduce_min3A_506 = arith.constant -2147483648 : i32
        %reduce_min3A_507 = vector.broadcast %reduce_min3A_506 : i32 to vector<16xi32>
        %reduce_min3A_508 = arith.xori %select_n3A_504, %reduce_min3A_507 : vector<16xi32>
        %reduce_min3A_509 = tpu.scan <min>, %reduce_min3A_508 masked %reduce_min3A_505 : vector<16xi32>, vector<16xi1> -> vector<16xi32>
        %reduce_min3A_510 = arith.xori %reduce_min3A_509, %reduce_min3A_507 : vector<16xi32>
        %reduce_min3A_511 = vector.extract %reduce_min3A_510[15] : i32 from vector<16xi32>
        %reduce_sum3A = arith.constant true
        %reduce_sum3A_512 = vector.broadcast %reduce_sum3A : i1 to vector<16xi1>
        %reduce_sum3A_513 = tpu.scan <sum>, %convert_element_type3A_490 masked %reduce_sum3A_512 : vector<16xi32>, vector<16xi1> -> vector<16xi32>
        %reduce_sum3A_514 = vector.extract %reduce_sum3A_513[15] : i32 from vector<16xi32>
        %add3A_515 = arith.addi %scan3A_469, %reduce_sum3A_514 : i32
        %min3A_516 = arith.minsi %scan3A_470, %reduce_min3A_511 : i32
        scf.yield %add3A_515, %min3A_516 : i32, i32
      }
      %scan3A_459 = arith.constant 25 : i32
      %not3A_460 = arith.constant true
      %not3A_461 = arith.xori %while3A_448, %not3A_460 : i1
      %add3A_462 = arith.addi %while3A_446, %scan3A_458#0 : i32
      %ge3A = arith.constant 8 : i32
      %ge3A_463 = arith.cmpi sge, %add3A_462, %ge3A : i32
      %and3A = arith.andi %not3A_461, %ge3A_463 : i1
      %select_n3A_464 = arith.select %and3A, %scan3A_458#1, %while3A_447 : i32
      %add3A_465 = arith.constant 1 : i32
      %add3A_466 = arith.addi %while3A_445, %add3A_465 : i32
      %add3A_467 = arith.addi %while3A_446, %scan3A_458#0 : i32
      %or3A = arith.ori %while3A_448, %and3A : i1
      scf.yield %add3A_466, %add3A_467, %select_n3A_464, %or3A : i32, i32, i32, i1
    }
    %while3A_223 = arith.constant 0 : i32
    %while3A_224 = arith.constant 0 : i32
    %while3A_225 = arith.constant 1073741824 : i32
    %while3A_226 = arith.constant false
    %while3A_227:4 = scf.while (%while3A_445 = %while3A_223, %while3A_446 = %while3A_224, %while3A_447 = %while3A_225, %while3A_448 = %while3A_226) : (i32, i32, i32, i1) -> (i32, i32, i32, i1) {
      %lt3A_449 = arith.constant 25 : i32
      %lt3A_450 = arith.cmpi slt, %while3A_445, %lt3A_449 : i32
      %not3A_451 = arith.constant true
      %not3A_452 = arith.xori %while3A_448, %not3A_451 : i1
      %and3A = arith.andi %lt3A_450, %not3A_452 : i1
      scf.condition(%and3A) %while3A_445, %while3A_446, %while3A_447, %while3A_448 : i32, i32, i32, i1
    } do {
    ^bb0(%while3A_445: i32, %while3A_446: i32, %while3A_447: i32, %while3A_448: i1):
      %mul3A_449 = arith.constant 400 : i32
      %mul3A_450 = arith.muli %while3A_445, %mul3A_449 : i32
      %run_scoped3A = arith.constant 4 : i32
      "tpu.region"() ({
        %run_scoped3A_468 = tpu.sem_alloc : memref<!tpu.dma_semaphore, #tpu.memory_space<semaphore_mem>>
        %dma_start3A_469 = arith.constant 0 : i32
        %dma_start3A_470 = tpu.memref_slice %arg2[%run_scoped3A, %mul3A_450, %dma_start3A_469] : memref<6x10000x4xi32, #tpu.memory_space<hbm>> -> memref<1x400x4xi32, #tpu.memory_space<hbm>>
        %dma_start3A_471 = tpu.memref_squeeze %dma_start3A_470 : memref<1x400x4xi32, #tpu.memory_space<hbm>> -> memref<400x4xi32, #tpu.memory_space<hbm>>
        %dma_start3A_472 = arith.constant 0 : i32
        %dma_start3A_473 = tpu.memref_slice %arg2[%run_scoped3A, %mul3A_450, %dma_start3A_472] : memref<6x10000x4xi32, #tpu.memory_space<hbm>> -> memref<1x400x4xi32, #tpu.memory_space<hbm>>
        %dma_start3A_474 = tpu.memref_squeeze %dma_start3A_473 : memref<1x400x4xi32, #tpu.memory_space<hbm>> -> memref<400x4xi32, #tpu.memory_space<hbm>>
        tpu.enqueue_dma source(%dma_start3A_474 : memref<400x4xi32, #tpu.memory_space<hbm>>) target(%arg7 : memref<400x4xi32, #tpu.memory_space<vmem>>) target_semaphore(%run_scoped3A_468 : memref<!tpu.dma_semaphore, #tpu.memory_space<semaphore_mem>>)
        %dma_wait3A_475 = arith.constant 0 : i32
        %dma_wait3A_476 = tpu.memref_slice %arg2[%run_scoped3A, %mul3A_450, %dma_wait3A_475] : memref<6x10000x4xi32, #tpu.memory_space<hbm>> -> memref<1x400x4xi32, #tpu.memory_space<hbm>>
        %dma_wait3A_477 = tpu.memref_squeeze %dma_wait3A_476 : memref<1x400x4xi32, #tpu.memory_space<hbm>> -> memref<400x4xi32, #tpu.memory_space<hbm>>
        %dma_wait3A_478 = arith.constant 0 : i32
        %dma_wait3A_479 = tpu.memref_slice %arg2[%run_scoped3A, %mul3A_450, %dma_wait3A_478] : memref<6x10000x4xi32, #tpu.memory_space<hbm>> -> memref<1x400x4xi32, #tpu.memory_space<hbm>>
        %dma_wait3A_480 = tpu.memref_squeeze %dma_wait3A_479 : memref<1x400x4xi32, #tpu.memory_space<hbm>> -> memref<400x4xi32, #tpu.memory_space<hbm>>
        tpu.wait_dma2 semaphore(%run_scoped3A_468 : memref<!tpu.dma_semaphore, #tpu.memory_space<semaphore_mem>>) src(%dma_wait3A_480 : memref<400x4xi32, #tpu.memory_space<hbm>>) dst(%arg7 : memref<400x4xi32, #tpu.memory_space<vmem>>)
        tpu.yield
      }) : () -> ()
      %sub3A_451 = arith.constant 8 : i32
      %sub3A_452 = arith.subi %sub3A_451, %while3A_446 : i32
      %scan3A = arith.constant 0 : i32
      %scan3A_453 = arith.constant 1073741824 : i32
      %scan3A_454 = arith.constant 0 : i32
      %scan3A_455 = arith.constant 25 : i32
      %scan3A_456 = arith.addi %scan3A_454, %scan3A_455 : i32
      %scan3A_457 = arith.constant 1 : i32
      %scan3A_458:2 = scf.for %scan3A_468 = %scan3A_454 to %scan3A_456 step %scan3A_457 iter_args(%scan3A_469 = %scan3A, %scan3A_470 = %scan3A_453) -> (i32, i32)  : i32 {
        %mul3A_471 = arith.constant 16 : i32
        %mul3A_472 = arith.muli %scan3A_468, %mul3A_471 : i32
        %add3A_473 = vector.broadcast %mul3A_472 : i32 to vector<16xi32>
        %add3A_474 = arith.addi %add3A_473, %iota3A : vector<16xi32>
        %broadcast_in_dim3A = arith.constant 0 : i32
        %broadcast_in_dim3A_475 = vector.broadcast %broadcast_in_dim3A : i32 to vector<16xi32>
        %gather3A = tpu.vector_load_idx %arg7[%add3A_474, %broadcast_in_dim3A_475] : memref<400x4xi32, #tpu.memory_space<vmem>>[vector<16xi32>, vector<16xi32>], vector<16xi32>,
        %broadcast_in_dim3A_476 = arith.constant 1 : i32
        %broadcast_in_dim3A_477 = vector.broadcast %broadcast_in_dim3A_476 : i32 to vector<16xi32>
        %gather3A_478 = tpu.vector_load_idx %arg7[%add3A_474, %broadcast_in_dim3A_477] : memref<400x4xi32, #tpu.memory_space<vmem>>[vector<16xi32>, vector<16xi32>], vector<16xi32>,
        %add3A_479 = arith.addi %gather3A, %gather3A_478 : vector<16xi32>
        %broadcast_in_dim3A_480 = arith.constant 2 : i32
        %broadcast_in_dim3A_481 = vector.broadcast %broadcast_in_dim3A_480 : i32 to vector<16xi32>
        %gather3A_482 = tpu.vector_load_idx %arg7[%add3A_474, %broadcast_in_dim3A_481] : memref<400x4xi32, #tpu.memory_space<vmem>>[vector<16xi32>, vector<16xi32>], vector<16xi32>,
        %add3A_483 = arith.addi %add3A_479, %gather3A_482 : vector<16xi32>
        %broadcast_in_dim3A_484 = arith.constant 3 : i32
        %broadcast_in_dim3A_485 = vector.broadcast %broadcast_in_dim3A_484 : i32 to vector<16xi32>
        %gather3A_486 = tpu.vector_load_idx %arg7[%add3A_474, %broadcast_in_dim3A_485] : memref<400x4xi32, #tpu.memory_space<vmem>>[vector<16xi32>, vector<16xi32>], vector<16xi32>,
        %add3A_487 = arith.addi %add3A_483, %gather3A_486 : vector<16xi32>
        %gt3A = arith.constant 0 : i32
        %gt3A_488 = vector.broadcast %gt3A : i32 to vector<16xi32>
        %gt3A_489 = arith.cmpi sgt, %add3A_487, %gt3A_488 : vector<16xi32>
        %convert_element_type3A_490 = arith.extui %gt3A_489 : vector<16xi1> to vector<16xi32>
        %broadcast_in_dim3A_491 = arith.constant true
        %broadcast_in_dim3A_492 = vector.broadcast %broadcast_in_dim3A_491 : i1 to vector<16xi1>
        %masked_cumsum3A = tpu.scan <sum>, %convert_element_type3A_490 masked %broadcast_in_dim3A_492 : vector<16xi32>, vector<16xi1> -> vector<16xi32>
        %add3A_493 = vector.broadcast %scan3A_469 : i32 to vector<16xi32>
        %add3A_494 = arith.addi %masked_cumsum3A, %add3A_493 : vector<16xi32>
        %gt3A_495 = arith.constant 0 : i32
        %gt3A_496 = vector.broadcast %gt3A_495 : i32 to vector<16xi32>
        %gt3A_497 = arith.cmpi sgt, %convert_element_type3A_490, %gt3A_496 : vector<16xi32>
        %eq3A = vector.broadcast %sub3A_452 : i32 to vector<16xi32>
        %eq3A_498 = arith.cmpi eq, %add3A_494, %eq3A : vector<16xi32>
        %and3A_499 = arith.andi %gt3A_497, %eq3A_498 : vector<16xi1>
        %add3A_500 = vector.broadcast %mul3A_450 : i32 to vector<16xi32>
        %add3A_501 = arith.addi %add3A_500, %add3A_474 : vector<16xi32>
        %jit3A_502 = arith.constant 1073741824 : i32
        %broadcast_in_dim3A_503 = vector.broadcast %jit3A_502 : i32 to vector<16xi32>
        %select_n3A_504 = arith.select %and3A_499, %add3A_501, %broadcast_in_dim3A_503 : vector<16xi1>, vector<16xi32>
        %reduce_min3A = arith.constant true
        %reduce_min3A_505 = vector.broadcast %reduce_min3A : i1 to vector<16xi1>
        %reduce_min3A_506 = arith.constant -2147483648 : i32
        %reduce_min3A_507 = vector.broadcast %reduce_min3A_506 : i32 to vector<16xi32>
        %reduce_min3A_508 = arith.xori %select_n3A_504, %reduce_min3A_507 : vector<16xi32>
        %reduce_min3A_509 = tpu.scan <min>, %reduce_min3A_508 masked %reduce_min3A_505 : vector<16xi32>, vector<16xi1> -> vector<16xi32>
        %reduce_min3A_510 = arith.xori %reduce_min3A_509, %reduce_min3A_507 : vector<16xi32>
        %reduce_min3A_511 = vector.extract %reduce_min3A_510[15] : i32 from vector<16xi32>
        %reduce_sum3A = arith.constant true
        %reduce_sum3A_512 = vector.broadcast %reduce_sum3A : i1 to vector<16xi1>
        %reduce_sum3A_513 = tpu.scan <sum>, %convert_element_type3A_490 masked %reduce_sum3A_512 : vector<16xi32>, vector<16xi1> -> vector<16xi32>
        %reduce_sum3A_514 = vector.extract %reduce_sum3A_513[15] : i32 from vector<16xi32>
        %add3A_515 = arith.addi %scan3A_469, %reduce_sum3A_514 : i32
        %min3A_516 = arith.minsi %scan3A_470, %reduce_min3A_511 : i32
        scf.yield %add3A_515, %min3A_516 : i32, i32
      }
      %scan3A_459 = arith.constant 25 : i32
      %not3A_460 = arith.constant true
      %not3A_461 = arith.xori %while3A_448, %not3A_460 : i1
      %add3A_462 = arith.addi %while3A_446, %scan3A_458#0 : i32
      %ge3A = arith.constant 8 : i32
      %ge3A_463 = arith.cmpi sge, %add3A_462, %ge3A : i32
      %and3A = arith.andi %not3A_461, %ge3A_463 : i1
      %select_n3A_464 = arith.select %and3A, %scan3A_458#1, %while3A_447 : i32
      %add3A_465 = arith.constant 1 : i32
      %add3A_466 = arith.addi %while3A_445, %add3A_465 : i32
      %add3A_467 = arith.addi %while3A_446, %scan3A_458#0 : i32
      %or3A = arith.ori %while3A_448, %and3A : i1
      scf.yield %add3A_466, %add3A_467, %select_n3A_464, %or3A : i32, i32, i32, i1
    }
    %while3A_228 = arith.constant 0 : i32
    %while3A_229 = arith.constant 0 : i32
    %while3A_230 = arith.constant 1073741824 : i32
    %while3A_231 = arith.constant false
    %while3A_232:4 = scf.while (%while3A_445 = %while3A_228, %while3A_446 = %while3A_229, %while3A_447 = %while3A_230, %while3A_448 = %while3A_231) : (i32, i32, i32, i1) -> (i32, i32, i32, i1) {
      %lt3A_449 = arith.constant 25 : i32
      %lt3A_450 = arith.cmpi slt, %while3A_445, %lt3A_449 : i32
      %not3A_451 = arith.constant true
      %not3A_452 = arith.xori %while3A_448, %not3A_451 : i1
      %and3A = arith.andi %lt3A_450, %not3A_452 : i1
      scf.condition(%and3A) %while3A_445, %while3A_446, %while3A_447, %while3A_448 : i32, i32, i32, i1
    } do {
    ^bb0(%while3A_445: i32, %while3A_446: i32, %while3A_447: i32, %while3A_448: i1):
      %mul3A_449 = arith.constant 400 : i32
      %mul3A_450 = arith.muli %while3A_445, %mul3A_449 : i32
      %run_scoped3A = arith.constant 5 : i32
      "tpu.region"() ({
        %run_scoped3A_468 = tpu.sem_alloc : memref<!tpu.dma_semaphore, #tpu.memory_space<semaphore_mem>>
        %dma_start3A_469 = arith.constant 0 : i32
        %dma_start3A_470 = tpu.memref_slice %arg2[%run_scoped3A, %mul3A_450, %dma_start3A_469] : memref<6x10000x4xi32, #tpu.memory_space<hbm>> -> memref<1x400x4xi32, #tpu.memory_space<hbm>>
        %dma_start3A_471 = tpu.memref_squeeze %dma_start3A_470 : memref<1x400x4xi32, #tpu.memory_space<hbm>> -> memref<400x4xi32, #tpu.memory_space<hbm>>
        %dma_start3A_472 = arith.constant 0 : i32
        %dma_start3A_473 = tpu.memref_slice %arg2[%run_scoped3A, %mul3A_450, %dma_start3A_472] : memref<6x10000x4xi32, #tpu.memory_space<hbm>> -> memref<1x400x4xi32, #tpu.memory_space<hbm>>
        %dma_start3A_474 = tpu.memref_squeeze %dma_start3A_473 : memref<1x400x4xi32, #tpu.memory_space<hbm>> -> memref<400x4xi32, #tpu.memory_space<hbm>>
        tpu.enqueue_dma source(%dma_start3A_474 : memref<400x4xi32, #tpu.memory_space<hbm>>) target(%arg7 : memref<400x4xi32, #tpu.memory_space<vmem>>) target_semaphore(%run_scoped3A_468 : memref<!tpu.dma_semaphore, #tpu.memory_space<semaphore_mem>>)
        %dma_wait3A_475 = arith.constant 0 : i32
        %dma_wait3A_476 = tpu.memref_slice %arg2[%run_scoped3A, %mul3A_450, %dma_wait3A_475] : memref<6x10000x4xi32, #tpu.memory_space<hbm>> -> memref<1x400x4xi32, #tpu.memory_space<hbm>>
        %dma_wait3A_477 = tpu.memref_squeeze %dma_wait3A_476 : memref<1x400x4xi32, #tpu.memory_space<hbm>> -> memref<400x4xi32, #tpu.memory_space<hbm>>
        %dma_wait3A_478 = arith.constant 0 : i32
        %dma_wait3A_479 = tpu.memref_slice %arg2[%run_scoped3A, %mul3A_450, %dma_wait3A_478] : memref<6x10000x4xi32, #tpu.memory_space<hbm>> -> memref<1x400x4xi32, #tpu.memory_space<hbm>>
        %dma_wait3A_480 = tpu.memref_squeeze %dma_wait3A_479 : memref<1x400x4xi32, #tpu.memory_space<hbm>> -> memref<400x4xi32, #tpu.memory_space<hbm>>
        tpu.wait_dma2 semaphore(%run_scoped3A_468 : memref<!tpu.dma_semaphore, #tpu.memory_space<semaphore_mem>>) src(%dma_wait3A_480 : memref<400x4xi32, #tpu.memory_space<hbm>>) dst(%arg7 : memref<400x4xi32, #tpu.memory_space<vmem>>)
        tpu.yield
      }) : () -> ()
      %sub3A_451 = arith.constant 8 : i32
      %sub3A_452 = arith.subi %sub3A_451, %while3A_446 : i32
      %scan3A = arith.constant 0 : i32
      %scan3A_453 = arith.constant 1073741824 : i32
      %scan3A_454 = arith.constant 0 : i32
      %scan3A_455 = arith.constant 25 : i32
      %scan3A_456 = arith.addi %scan3A_454, %scan3A_455 : i32
      %scan3A_457 = arith.constant 1 : i32
      %scan3A_458:2 = scf.for %scan3A_468 = %scan3A_454 to %scan3A_456 step %scan3A_457 iter_args(%scan3A_469 = %scan3A, %scan3A_470 = %scan3A_453) -> (i32, i32)  : i32 {
        %mul3A_471 = arith.constant 16 : i32
        %mul3A_472 = arith.muli %scan3A_468, %mul3A_471 : i32
        %add3A_473 = vector.broadcast %mul3A_472 : i32 to vector<16xi32>
        %add3A_474 = arith.addi %add3A_473, %iota3A : vector<16xi32>
        %broadcast_in_dim3A = arith.constant 0 : i32
        %broadcast_in_dim3A_475 = vector.broadcast %broadcast_in_dim3A : i32 to vector<16xi32>
        %gather3A = tpu.vector_load_idx %arg7[%add3A_474, %broadcast_in_dim3A_475] : memref<400x4xi32, #tpu.memory_space<vmem>>[vector<16xi32>, vector<16xi32>], vector<16xi32>,
        %broadcast_in_dim3A_476 = arith.constant 1 : i32
        %broadcast_in_dim3A_477 = vector.broadcast %broadcast_in_dim3A_476 : i32 to vector<16xi32>
        %gather3A_478 = tpu.vector_load_idx %arg7[%add3A_474, %broadcast_in_dim3A_477] : memref<400x4xi32, #tpu.memory_space<vmem>>[vector<16xi32>, vector<16xi32>], vector<16xi32>,
        %add3A_479 = arith.addi %gather3A, %gather3A_478 : vector<16xi32>
        %broadcast_in_dim3A_480 = arith.constant 2 : i32
        %broadcast_in_dim3A_481 = vector.broadcast %broadcast_in_dim3A_480 : i32 to vector<16xi32>
        %gather3A_482 = tpu.vector_load_idx %arg7[%add3A_474, %broadcast_in_dim3A_481] : memref<400x4xi32, #tpu.memory_space<vmem>>[vector<16xi32>, vector<16xi32>], vector<16xi32>,
        %add3A_483 = arith.addi %add3A_479, %gather3A_482 : vector<16xi32>
        %broadcast_in_dim3A_484 = arith.constant 3 : i32
        %broadcast_in_dim3A_485 = vector.broadcast %broadcast_in_dim3A_484 : i32 to vector<16xi32>
        %gather3A_486 = tpu.vector_load_idx %arg7[%add3A_474, %broadcast_in_dim3A_485] : memref<400x4xi32, #tpu.memory_space<vmem>>[vector<16xi32>, vector<16xi32>], vector<16xi32>,
        %add3A_487 = arith.addi %add3A_483, %gather3A_486 : vector<16xi32>
        %gt3A = arith.constant 0 : i32
        %gt3A_488 = vector.broadcast %gt3A : i32 to vector<16xi32>
        %gt3A_489 = arith.cmpi sgt, %add3A_487, %gt3A_488 : vector<16xi32>
        %convert_element_type3A_490 = arith.extui %gt3A_489 : vector<16xi1> to vector<16xi32>
        %broadcast_in_dim3A_491 = arith.constant true
        %broadcast_in_dim3A_492 = vector.broadcast %broadcast_in_dim3A_491 : i1 to vector<16xi1>
        %masked_cumsum3A = tpu.scan <sum>, %convert_element_type3A_490 masked %broadcast_in_dim3A_492 : vector<16xi32>, vector<16xi1> -> vector<16xi32>
        %add3A_493 = vector.broadcast %scan3A_469 : i32 to vector<16xi32>
        %add3A_494 = arith.addi %masked_cumsum3A, %add3A_493 : vector<16xi32>
        %gt3A_495 = arith.constant 0 : i32
        %gt3A_496 = vector.broadcast %gt3A_495 : i32 to vector<16xi32>
        %gt3A_497 = arith.cmpi sgt, %convert_element_type3A_490, %gt3A_496 : vector<16xi32>
        %eq3A = vector.broadcast %sub3A_452 : i32 to vector<16xi32>
        %eq3A_498 = arith.cmpi eq, %add3A_494, %eq3A : vector<16xi32>
        %and3A_499 = arith.andi %gt3A_497, %eq3A_498 : vector<16xi1>
        %add3A_500 = vector.broadcast %mul3A_450 : i32 to vector<16xi32>
        %add3A_501 = arith.addi %add3A_500, %add3A_474 : vector<16xi32>
        %jit3A_502 = arith.constant 1073741824 : i32
        %broadcast_in_dim3A_503 = vector.broadcast %jit3A_502 : i32 to vector<16xi32>
        %select_n3A_504 = arith.select %and3A_499, %add3A_501, %broadcast_in_dim3A_503 : vector<16xi1>, vector<16xi32>
        %reduce_min3A = arith.constant true
        %reduce_min3A_505 = vector.broadcast %reduce_min3A : i1 to vector<16xi1>
        %reduce_min3A_506 = arith.constant -2147483648 : i32
        %reduce_min3A_507 = vector.broadcast %reduce_min3A_506 : i32 to vector<16xi32>
        %reduce_min3A_508 = arith.xori %select_n3A_504, %reduce_min3A_507 : vector<16xi32>
        %reduce_min3A_509 = tpu.scan <min>, %reduce_min3A_508 masked %reduce_min3A_505 : vector<16xi32>, vector<16xi1> -> vector<16xi32>
        %reduce_min3A_510 = arith.xori %reduce_min3A_509, %reduce_min3A_507 : vector<16xi32>
        %reduce_min3A_511 = vector.extract %reduce_min3A_510[15] : i32 from vector<16xi32>
        %reduce_sum3A = arith.constant true
        %reduce_sum3A_512 = vector.broadcast %reduce_sum3A : i1 to vector<16xi1>
        %reduce_sum3A_513 = tpu.scan <sum>, %convert_element_type3A_490 masked %reduce_sum3A_512 : vector<16xi32>, vector<16xi1> -> vector<16xi32>
        %reduce_sum3A_514 = vector.extract %reduce_sum3A_513[15] : i32 from vector<16xi32>
        %add3A_515 = arith.addi %scan3A_469, %reduce_sum3A_514 : i32
        %min3A_516 = arith.minsi %scan3A_470, %reduce_min3A_511 : i32
        scf.yield %add3A_515, %min3A_516 : i32, i32
      }
      %scan3A_459 = arith.constant 25 : i32
      %not3A_460 = arith.constant true
      %not3A_461 = arith.xori %while3A_448, %not3A_460 : i1
      %add3A_462 = arith.addi %while3A_446, %scan3A_458#0 : i32
      %ge3A = arith.constant 8 : i32
      %ge3A_463 = arith.cmpi sge, %add3A_462, %ge3A : i32
      %and3A = arith.andi %not3A_461, %ge3A_463 : i1
      %select_n3A_464 = arith.select %and3A, %scan3A_458#1, %while3A_447 : i32
      %add3A_465 = arith.constant 1 : i32
      %add3A_466 = arith.addi %while3A_445, %add3A_465 : i32
      %add3A_467 = arith.addi %while3A_446, %scan3A_458#0 : i32
      %or3A = arith.ori %while3A_448, %and3A : i1
      scf.yield %add3A_466, %add3A_467, %select_n3A_464, %or3A : i32, i32, i32, i1
    }
    %max3A = arith.maxsi %while3A_207#2, %while3A_212#2 : i32
    %max3A_233 = arith.maxsi %max3A, %while3A_217#2 : i32
    %max3A_234 = arith.maxsi %max3A_233, %while3A_222#2 : i32
    %max3A_235 = arith.maxsi %max3A_234, %while3A_227#2 : i32
    %max3A_236 = arith.maxsi %max3A_235, %while3A_232#2 : i32
    %dma_wait3A = arith.constant 0 : i32
    %dma_wait3A_237 = arith.constant 0 : i32
    %dma_wait3A_238 = arith.constant 0 : i32
    %dma_wait3A_239 = arith.constant 0 : i32
    %dma_wait3A_240 = tpu.memref_slice %arg5[%dma_wait3A_237, %dma_wait3A_238, %dma_wait3A_239] : memref<6x320x4xi32, #tpu.memory_space<vmem>> -> memref<1x320x4xi32, #tpu.memory_space<vmem>>
    %dma_wait3A_241 = tpu.memref_squeeze %dma_wait3A_240 : memref<1x320x4xi32, #tpu.memory_space<vmem>> -> memref<320x4xi32, #tpu.memory_space<vmem>>
    %dma_wait3A_242 = arith.constant 0 : i32
    %dma_wait3A_243 = tpu.memref_slice %arg2[%dma_wait3A, %min3A_11, %dma_wait3A_242] : memref<6x10000x4xi32, #tpu.memory_space<hbm>> -> memref<1x320x4xi32, #tpu.memory_space<hbm>>
    %dma_wait3A_244 = tpu.memref_squeeze %dma_wait3A_243 : memref<1x320x4xi32, #tpu.memory_space<hbm>> -> memref<320x4xi32, #tpu.memory_space<hbm>>
    %dma_wait3A_245 = arith.constant 0 : i32
    %dma_wait3A_246 = arith.constant 0 : i32
    %dma_wait3A_247 = tpu.memref_slice %arg5[%dma_wait3A_237, %dma_wait3A_245, %dma_wait3A_246] : memref<6x320x4xi32, #tpu.memory_space<vmem>> -> memref<1x320x4xi32, #tpu.memory_space<vmem>>
    %dma_wait3A_248 = tpu.memref_squeeze %dma_wait3A_247 : memref<1x320x4xi32, #tpu.memory_space<vmem>> -> memref<320x4xi32, #tpu.memory_space<vmem>>
    %dma_wait3A_249 = arith.constant 0 : i32
    %dma_wait3A_250 = tpu.memref_slice %arg2[%dma_wait3A, %min3A_11, %dma_wait3A_249] : memref<6x10000x4xi32, #tpu.memory_space<hbm>> -> memref<1x320x4xi32, #tpu.memory_space<hbm>>
    %dma_wait3A_251 = tpu.memref_squeeze %dma_wait3A_250 : memref<1x320x4xi32, #tpu.memory_space<hbm>> -> memref<320x4xi32, #tpu.memory_space<hbm>>
    tpu.wait_dma2 semaphore(%arg9 : memref<!tpu.dma_semaphore, #tpu.memory_space<semaphore_mem>>) src(%dma_wait3A_251 : memref<320x4xi32, #tpu.memory_space<hbm>>) dst(%dma_wait3A_248 : memref<320x4xi32, #tpu.memory_space<vmem>>)
    %dma_wait3A_252 = arith.constant 0 : i32
    %dma_wait3A_253 = arith.constant 0 : i32
    %dma_wait3A_254 = arith.constant 0 : i32
    %dma_wait3A_255 = arith.constant 0 : i32
    %dma_wait3A_256 = tpu.memref_slice %arg6[%dma_wait3A_253, %dma_wait3A_254, %dma_wait3A_255] : memref<6x320x8xf32, #tpu.memory_space<vmem>> -> memref<1x320x8xf32, #tpu.memory_space<vmem>>
    %dma_wait3A_257 = tpu.memref_squeeze %dma_wait3A_256 : memref<1x320x8xf32, #tpu.memory_space<vmem>> -> memref<320x8xf32, #tpu.memory_space<vmem>>
    %dma_wait3A_258 = arith.constant 0 : i32
    %dma_wait3A_259 = tpu.memref_slice %arg3[%dma_wait3A_252, %min3A_11, %dma_wait3A_258] : memref<6x10000x8xf32, #tpu.memory_space<hbm>> -> memref<1x320x8xf32, #tpu.memory_space<hbm>>
    %dma_wait3A_260 = tpu.memref_squeeze %dma_wait3A_259 : memref<1x320x8xf32, #tpu.memory_space<hbm>> -> memref<320x8xf32, #tpu.memory_space<hbm>>
    %dma_wait3A_261 = arith.constant 0 : i32
    %dma_wait3A_262 = arith.constant 0 : i32
    %dma_wait3A_263 = tpu.memref_slice %arg6[%dma_wait3A_253, %dma_wait3A_261, %dma_wait3A_262] : memref<6x320x8xf32, #tpu.memory_space<vmem>> -> memref<1x320x8xf32, #tpu.memory_space<vmem>>
    %dma_wait3A_264 = tpu.memref_squeeze %dma_wait3A_263 : memref<1x320x8xf32, #tpu.memory_space<vmem>> -> memref<320x8xf32, #tpu.memory_space<vmem>>
    %dma_wait3A_265 = arith.constant 0 : i32
    %dma_wait3A_266 = tpu.memref_slice %arg3[%dma_wait3A_252, %min3A_11, %dma_wait3A_265] : memref<6x10000x8xf32, #tpu.memory_space<hbm>> -> memref<1x320x8xf32, #tpu.memory_space<hbm>>
    %dma_wait3A_267 = tpu.memref_squeeze %dma_wait3A_266 : memref<1x320x8xf32, #tpu.memory_space<hbm>> -> memref<320x8xf32, #tpu.memory_space<hbm>>
    tpu.wait_dma2 semaphore(%arg9 : memref<!tpu.dma_semaphore, #tpu.memory_space<semaphore_mem>>) src(%dma_wait3A_267 : memref<320x8xf32, #tpu.memory_space<hbm>>) dst(%dma_wait3A_264 : memref<320x8xf32, #tpu.memory_space<vmem>>)
    %dma_wait3A_268 = arith.constant 1 : i32
    %dma_wait3A_269 = arith.constant 1 : i32
    %dma_wait3A_270 = arith.constant 0 : i32
    %dma_wait3A_271 = arith.constant 0 : i32
    %dma_wait3A_272 = tpu.memref_slice %arg5[%dma_wait3A_269, %dma_wait3A_270, %dma_wait3A_271] : memref<6x320x4xi32, #tpu.memory_space<vmem>> -> memref<1x320x4xi32, #tpu.memory_space<vmem>>
    %dma_wait3A_273 = tpu.memref_squeeze %dma_wait3A_272 : memref<1x320x4xi32, #tpu.memory_space<vmem>> -> memref<320x4xi32, #tpu.memory_space<vmem>>
    %dma_wait3A_274 = arith.constant 0 : i32
    %dma_wait3A_275 = tpu.memref_slice %arg2[%dma_wait3A_268, %min3A_11, %dma_wait3A_274] : memref<6x10000x4xi32, #tpu.memory_space<hbm>> -> memref<1x320x4xi32, #tpu.memory_space<hbm>>
    %dma_wait3A_276 = tpu.memref_squeeze %dma_wait3A_275 : memref<1x320x4xi32, #tpu.memory_space<hbm>> -> memref<320x4xi32, #tpu.memory_space<hbm>>
    %dma_wait3A_277 = arith.constant 0 : i32
    %dma_wait3A_278 = arith.constant 0 : i32
    %dma_wait3A_279 = tpu.memref_slice %arg5[%dma_wait3A_269, %dma_wait3A_277, %dma_wait3A_278] : memref<6x320x4xi32, #tpu.memory_space<vmem>> -> memref<1x320x4xi32, #tpu.memory_space<vmem>>
    %dma_wait3A_280 = tpu.memref_squeeze %dma_wait3A_279 : memref<1x320x4xi32, #tpu.memory_space<vmem>> -> memref<320x4xi32, #tpu.memory_space<vmem>>
    %dma_wait3A_281 = arith.constant 0 : i32
    %dma_wait3A_282 = tpu.memref_slice %arg2[%dma_wait3A_268, %min3A_11, %dma_wait3A_281] : memref<6x10000x4xi32, #tpu.memory_space<hbm>> -> memref<1x320x4xi32, #tpu.memory_space<hbm>>
    %dma_wait3A_283 = tpu.memref_squeeze %dma_wait3A_282 : memref<1x320x4xi32, #tpu.memory_space<hbm>> -> memref<320x4xi32, #tpu.memory_space<hbm>>
    tpu.wait_dma2 semaphore(%arg9 : memref<!tpu.dma_semaphore, #tpu.memory_space<semaphore_mem>>) src(%dma_wait3A_283 : memref<320x4xi32, #tpu.memory_space<hbm>>) dst(%dma_wait3A_280 : memref<320x4xi32, #tpu.memory_space<vmem>>)
    %dma_wait3A_284 = arith.constant 1 : i32
    %dma_wait3A_285 = arith.constant 1 : i32
    %dma_wait3A_286 = arith.constant 0 : i32
    %dma_wait3A_287 = arith.constant 0 : i32
    %dma_wait3A_288 = tpu.memref_slice %arg6[%dma_wait3A_285, %dma_wait3A_286, %dma_wait3A_287] : memref<6x320x8xf32, #tpu.memory_space<vmem>> -> memref<1x320x8xf32, #tpu.memory_space<vmem>>
    %dma_wait3A_289 = tpu.memref_squeeze %dma_wait3A_288 : memref<1x320x8xf32, #tpu.memory_space<vmem>> -> memref<320x8xf32, #tpu.memory_space<vmem>>
    %dma_wait3A_290 = arith.constant 0 : i32
    %dma_wait3A_291 = tpu.memref_slice %arg3[%dma_wait3A_284, %min3A_11, %dma_wait3A_290] : memref<6x10000x8xf32, #tpu.memory_space<hbm>> -> memref<1x320x8xf32, #tpu.memory_space<hbm>>
    %dma_wait3A_292 = tpu.memref_squeeze %dma_wait3A_291 : memref<1x320x8xf32, #tpu.memory_space<hbm>> -> memref<320x8xf32, #tpu.memory_space<hbm>>
    %dma_wait3A_293 = arith.constant 0 : i32
    %dma_wait3A_294 = arith.constant 0 : i32
    %dma_wait3A_295 = tpu.memref_slice %arg6[%dma_wait3A_285, %dma_wait3A_293, %dma_wait3A_294] : memref<6x320x8xf32, #tpu.memory_space<vmem>> -> memref<1x320x8xf32, #tpu.memory_space<vmem>>
    %dma_wait3A_296 = tpu.memref_squeeze %dma_wait3A_295 : memref<1x320x8xf32, #tpu.memory_space<vmem>> -> memref<320x8xf32, #tpu.memory_space<vmem>>
    %dma_wait3A_297 = arith.constant 0 : i32
    %dma_wait3A_298 = tpu.memref_slice %arg3[%dma_wait3A_284, %min3A_11, %dma_wait3A_297] : memref<6x10000x8xf32, #tpu.memory_space<hbm>> -> memref<1x320x8xf32, #tpu.memory_space<hbm>>
    %dma_wait3A_299 = tpu.memref_squeeze %dma_wait3A_298 : memref<1x320x8xf32, #tpu.memory_space<hbm>> -> memref<320x8xf32, #tpu.memory_space<hbm>>
    tpu.wait_dma2 semaphore(%arg9 : memref<!tpu.dma_semaphore, #tpu.memory_space<semaphore_mem>>) src(%dma_wait3A_299 : memref<320x8xf32, #tpu.memory_space<hbm>>) dst(%dma_wait3A_296 : memref<320x8xf32, #tpu.memory_space<vmem>>)
    %dma_wait3A_300 = arith.constant 2 : i32
    %dma_wait3A_301 = arith.constant 2 : i32
    %dma_wait3A_302 = arith.constant 0 : i32
    %dma_wait3A_303 = arith.constant 0 : i32
    %dma_wait3A_304 = tpu.memref_slice %arg5[%dma_wait3A_301, %dma_wait3A_302, %dma_wait3A_303] : memref<6x320x4xi32, #tpu.memory_space<vmem>> -> memref<1x320x4xi32, #tpu.memory_space<vmem>>
    %dma_wait3A_305 = tpu.memref_squeeze %dma_wait3A_304 : memref<1x320x4xi32, #tpu.memory_space<vmem>> -> memref<320x4xi32, #tpu.memory_space<vmem>>
    %dma_wait3A_306 = arith.constant 0 : i32
    %dma_wait3A_307 = tpu.memref_slice %arg2[%dma_wait3A_300, %min3A_11, %dma_wait3A_306] : memref<6x10000x4xi32, #tpu.memory_space<hbm>> -> memref<1x320x4xi32, #tpu.memory_space<hbm>>
    %dma_wait3A_308 = tpu.memref_squeeze %dma_wait3A_307 : memref<1x320x4xi32, #tpu.memory_space<hbm>> -> memref<320x4xi32, #tpu.memory_space<hbm>>
    %dma_wait3A_309 = arith.constant 0 : i32
    %dma_wait3A_310 = arith.constant 0 : i32
    %dma_wait3A_311 = tpu.memref_slice %arg5[%dma_wait3A_301, %dma_wait3A_309, %dma_wait3A_310] : memref<6x320x4xi32, #tpu.memory_space<vmem>> -> memref<1x320x4xi32, #tpu.memory_space<vmem>>
    %dma_wait3A_312 = tpu.memref_squeeze %dma_wait3A_311 : memref<1x320x4xi32, #tpu.memory_space<vmem>> -> memref<320x4xi32, #tpu.memory_space<vmem>>
    %dma_wait3A_313 = arith.constant 0 : i32
    %dma_wait3A_314 = tpu.memref_slice %arg2[%dma_wait3A_300, %min3A_11, %dma_wait3A_313] : memref<6x10000x4xi32, #tpu.memory_space<hbm>> -> memref<1x320x4xi32, #tpu.memory_space<hbm>>
    %dma_wait3A_315 = tpu.memref_squeeze %dma_wait3A_314 : memref<1x320x4xi32, #tpu.memory_space<hbm>> -> memref<320x4xi32, #tpu.memory_space<hbm>>
    tpu.wait_dma2 semaphore(%arg9 : memref<!tpu.dma_semaphore, #tpu.memory_space<semaphore_mem>>) src(%dma_wait3A_315 : memref<320x4xi32, #tpu.memory_space<hbm>>) dst(%dma_wait3A_312 : memref<320x4xi32, #tpu.memory_space<vmem>>)
    %dma_wait3A_316 = arith.constant 2 : i32
    %dma_wait3A_317 = arith.constant 2 : i32
    %dma_wait3A_318 = arith.constant 0 : i32
    %dma_wait3A_319 = arith.constant 0 : i32
    %dma_wait3A_320 = tpu.memref_slice %arg6[%dma_wait3A_317, %dma_wait3A_318, %dma_wait3A_319] : memref<6x320x8xf32, #tpu.memory_space<vmem>> -> memref<1x320x8xf32, #tpu.memory_space<vmem>>
    %dma_wait3A_321 = tpu.memref_squeeze %dma_wait3A_320 : memref<1x320x8xf32, #tpu.memory_space<vmem>> -> memref<320x8xf32, #tpu.memory_space<vmem>>
    %dma_wait3A_322 = arith.constant 0 : i32
    %dma_wait3A_323 = tpu.memref_slice %arg3[%dma_wait3A_316, %min3A_11, %dma_wait3A_322] : memref<6x10000x8xf32, #tpu.memory_space<hbm>> -> memref<1x320x8xf32, #tpu.memory_space<hbm>>
    %dma_wait3A_324 = tpu.memref_squeeze %dma_wait3A_323 : memref<1x320x8xf32, #tpu.memory_space<hbm>> -> memref<320x8xf32, #tpu.memory_space<hbm>>
    %dma_wait3A_325 = arith.constant 0 : i32
    %dma_wait3A_326 = arith.constant 0 : i32
    %dma_wait3A_327 = tpu.memref_slice %arg6[%dma_wait3A_317, %dma_wait3A_325, %dma_wait3A_326] : memref<6x320x8xf32, #tpu.memory_space<vmem>> -> memref<1x320x8xf32, #tpu.memory_space<vmem>>
    %dma_wait3A_328 = tpu.memref_squeeze %dma_wait3A_327 : memref<1x320x8xf32, #tpu.memory_space<vmem>> -> memref<320x8xf32, #tpu.memory_space<vmem>>
    %dma_wait3A_329 = arith.constant 0 : i32
    %dma_wait3A_330 = tpu.memref_slice %arg3[%dma_wait3A_316, %min3A_11, %dma_wait3A_329] : memref<6x10000x8xf32, #tpu.memory_space<hbm>> -> memref<1x320x8xf32, #tpu.memory_space<hbm>>
    %dma_wait3A_331 = tpu.memref_squeeze %dma_wait3A_330 : memref<1x320x8xf32, #tpu.memory_space<hbm>> -> memref<320x8xf32, #tpu.memory_space<hbm>>
    tpu.wait_dma2 semaphore(%arg9 : memref<!tpu.dma_semaphore, #tpu.memory_space<semaphore_mem>>) src(%dma_wait3A_331 : memref<320x8xf32, #tpu.memory_space<hbm>>) dst(%dma_wait3A_328 : memref<320x8xf32, #tpu.memory_space<vmem>>)
    %dma_wait3A_332 = arith.constant 3 : i32
    %dma_wait3A_333 = arith.constant 3 : i32
    %dma_wait3A_334 = arith.constant 0 : i32
    %dma_wait3A_335 = arith.constant 0 : i32
    %dma_wait3A_336 = tpu.memref_slice %arg5[%dma_wait3A_333, %dma_wait3A_334, %dma_wait3A_335] : memref<6x320x4xi32, #tpu.memory_space<vmem>> -> memref<1x320x4xi32, #tpu.memory_space<vmem>>
    %dma_wait3A_337 = tpu.memref_squeeze %dma_wait3A_336 : memref<1x320x4xi32, #tpu.memory_space<vmem>> -> memref<320x4xi32, #tpu.memory_space<vmem>>
    %dma_wait3A_338 = arith.constant 0 : i32
    %dma_wait3A_339 = tpu.memref_slice %arg2[%dma_wait3A_332, %min3A_11, %dma_wait3A_338] : memref<6x10000x4xi32, #tpu.memory_space<hbm>> -> memref<1x320x4xi32, #tpu.memory_space<hbm>>
    %dma_wait3A_340 = tpu.memref_squeeze %dma_wait3A_339 : memref<1x320x4xi32, #tpu.memory_space<hbm>> -> memref<320x4xi32, #tpu.memory_space<hbm>>
    %dma_wait3A_341 = arith.constant 0 : i32
    %dma_wait3A_342 = arith.constant 0 : i32
    %dma_wait3A_343 = tpu.memref_slice %arg5[%dma_wait3A_333, %dma_wait3A_341, %dma_wait3A_342] : memref<6x320x4xi32, #tpu.memory_space<vmem>> -> memref<1x320x4xi32, #tpu.memory_space<vmem>>
    %dma_wait3A_344 = tpu.memref_squeeze %dma_wait3A_343 : memref<1x320x4xi32, #tpu.memory_space<vmem>> -> memref<320x4xi32, #tpu.memory_space<vmem>>
    %dma_wait3A_345 = arith.constant 0 : i32
    %dma_wait3A_346 = tpu.memref_slice %arg2[%dma_wait3A_332, %min3A_11, %dma_wait3A_345] : memref<6x10000x4xi32, #tpu.memory_space<hbm>> -> memref<1x320x4xi32, #tpu.memory_space<hbm>>
    %dma_wait3A_347 = tpu.memref_squeeze %dma_wait3A_346 : memref<1x320x4xi32, #tpu.memory_space<hbm>> -> memref<320x4xi32, #tpu.memory_space<hbm>>
    tpu.wait_dma2 semaphore(%arg9 : memref<!tpu.dma_semaphore, #tpu.memory_space<semaphore_mem>>) src(%dma_wait3A_347 : memref<320x4xi32, #tpu.memory_space<hbm>>) dst(%dma_wait3A_344 : memref<320x4xi32, #tpu.memory_space<vmem>>)
    %dma_wait3A_348 = arith.constant 3 : i32
    %dma_wait3A_349 = arith.constant 3 : i32
    %dma_wait3A_350 = arith.constant 0 : i32
    %dma_wait3A_351 = arith.constant 0 : i32
    %dma_wait3A_352 = tpu.memref_slice %arg6[%dma_wait3A_349, %dma_wait3A_350, %dma_wait3A_351] : memref<6x320x8xf32, #tpu.memory_space<vmem>> -> memref<1x320x8xf32, #tpu.memory_space<vmem>>
    %dma_wait3A_353 = tpu.memref_squeeze %dma_wait3A_352 : memref<1x320x8xf32, #tpu.memory_space<vmem>> -> memref<320x8xf32, #tpu.memory_space<vmem>>
    %dma_wait3A_354 = arith.constant 0 : i32
    %dma_wait3A_355 = tpu.memref_slice %arg3[%dma_wait3A_348, %min3A_11, %dma_wait3A_354] : memref<6x10000x8xf32, #tpu.memory_space<hbm>> -> memref<1x320x8xf32, #tpu.memory_space<hbm>>
    %dma_wait3A_356 = tpu.memref_squeeze %dma_wait3A_355 : memref<1x320x8xf32, #tpu.memory_space<hbm>> -> memref<320x8xf32, #tpu.memory_space<hbm>>
    %dma_wait3A_357 = arith.constant 0 : i32
    %dma_wait3A_358 = arith.constant 0 : i32
    %dma_wait3A_359 = tpu.memref_slice %arg6[%dma_wait3A_349, %dma_wait3A_357, %dma_wait3A_358] : memref<6x320x8xf32, #tpu.memory_space<vmem>> -> memref<1x320x8xf32, #tpu.memory_space<vmem>>
    %dma_wait3A_360 = tpu.memref_squeeze %dma_wait3A_359 : memref<1x320x8xf32, #tpu.memory_space<vmem>> -> memref<320x8xf32, #tpu.memory_space<vmem>>
    %dma_wait3A_361 = arith.constant 0 : i32
    %dma_wait3A_362 = tpu.memref_slice %arg3[%dma_wait3A_348, %min3A_11, %dma_wait3A_361] : memref<6x10000x8xf32, #tpu.memory_space<hbm>> -> memref<1x320x8xf32, #tpu.memory_space<hbm>>
    %dma_wait3A_363 = tpu.memref_squeeze %dma_wait3A_362 : memref<1x320x8xf32, #tpu.memory_space<hbm>> -> memref<320x8xf32, #tpu.memory_space<hbm>>
    tpu.wait_dma2 semaphore(%arg9 : memref<!tpu.dma_semaphore, #tpu.memory_space<semaphore_mem>>) src(%dma_wait3A_363 : memref<320x8xf32, #tpu.memory_space<hbm>>) dst(%dma_wait3A_360 : memref<320x8xf32, #tpu.memory_space<vmem>>)
    %dma_wait3A_364 = arith.constant 4 : i32
    %dma_wait3A_365 = arith.constant 4 : i32
    %dma_wait3A_366 = arith.constant 0 : i32
    %dma_wait3A_367 = arith.constant 0 : i32
    %dma_wait3A_368 = tpu.memref_slice %arg5[%dma_wait3A_365, %dma_wait3A_366, %dma_wait3A_367] : memref<6x320x4xi32, #tpu.memory_space<vmem>> -> memref<1x320x4xi32, #tpu.memory_space<vmem>>
    %dma_wait3A_369 = tpu.memref_squeeze %dma_wait3A_368 : memref<1x320x4xi32, #tpu.memory_space<vmem>> -> memref<320x4xi32, #tpu.memory_space<vmem>>
    %dma_wait3A_370 = arith.constant 0 : i32
    %dma_wait3A_371 = tpu.memref_slice %arg2[%dma_wait3A_364, %min3A_11, %dma_wait3A_370] : memref<6x10000x4xi32, #tpu.memory_space<hbm>> -> memref<1x320x4xi32, #tpu.memory_space<hbm>>
    %dma_wait3A_372 = tpu.memref_squeeze %dma_wait3A_371 : memref<1x320x4xi32, #tpu.memory_space<hbm>> -> memref<320x4xi32, #tpu.memory_space<hbm>>
    %dma_wait3A_373 = arith.constant 0 : i32
    %dma_wait3A_374 = arith.constant 0 : i32
    %dma_wait3A_375 = tpu.memref_slice %arg5[%dma_wait3A_365, %dma_wait3A_373, %dma_wait3A_374] : memref<6x320x4xi32, #tpu.memory_space<vmem>> -> memref<1x320x4xi32, #tpu.memory_space<vmem>>
    %dma_wait3A_376 = tpu.memref_squeeze %dma_wait3A_375 : memref<1x320x4xi32, #tpu.memory_space<vmem>> -> memref<320x4xi32, #tpu.memory_space<vmem>>
    %dma_wait3A_377 = arith.constant 0 : i32
    %dma_wait3A_378 = tpu.memref_slice %arg2[%dma_wait3A_364, %min3A_11, %dma_wait3A_377] : memref<6x10000x4xi32, #tpu.memory_space<hbm>> -> memref<1x320x4xi32, #tpu.memory_space<hbm>>
    %dma_wait3A_379 = tpu.memref_squeeze %dma_wait3A_378 : memref<1x320x4xi32, #tpu.memory_space<hbm>> -> memref<320x4xi32, #tpu.memory_space<hbm>>
    tpu.wait_dma2 semaphore(%arg9 : memref<!tpu.dma_semaphore, #tpu.memory_space<semaphore_mem>>) src(%dma_wait3A_379 : memref<320x4xi32, #tpu.memory_space<hbm>>) dst(%dma_wait3A_376 : memref<320x4xi32, #tpu.memory_space<vmem>>)
    %dma_wait3A_380 = arith.constant 4 : i32
    %dma_wait3A_381 = arith.constant 4 : i32
    %dma_wait3A_382 = arith.constant 0 : i32
    %dma_wait3A_383 = arith.constant 0 : i32
    %dma_wait3A_384 = tpu.memref_slice %arg6[%dma_wait3A_381, %dma_wait3A_382, %dma_wait3A_383] : memref<6x320x8xf32, #tpu.memory_space<vmem>> -> memref<1x320x8xf32, #tpu.memory_space<vmem>>
    %dma_wait3A_385 = tpu.memref_squeeze %dma_wait3A_384 : memref<1x320x8xf32, #tpu.memory_space<vmem>> -> memref<320x8xf32, #tpu.memory_space<vmem>>
    %dma_wait3A_386 = arith.constant 0 : i32
    %dma_wait3A_387 = tpu.memref_slice %arg3[%dma_wait3A_380, %min3A_11, %dma_wait3A_386] : memref<6x10000x8xf32, #tpu.memory_space<hbm>> -> memref<1x320x8xf32, #tpu.memory_space<hbm>>
    %dma_wait3A_388 = tpu.memref_squeeze %dma_wait3A_387 : memref<1x320x8xf32, #tpu.memory_space<hbm>> -> memref<320x8xf32, #tpu.memory_space<hbm>>
    %dma_wait3A_389 = arith.constant 0 : i32
    %dma_wait3A_390 = arith.constant 0 : i32
    %dma_wait3A_391 = tpu.memref_slice %arg6[%dma_wait3A_381, %dma_wait3A_389, %dma_wait3A_390] : memref<6x320x8xf32, #tpu.memory_space<vmem>> -> memref<1x320x8xf32, #tpu.memory_space<vmem>>
    %dma_wait3A_392 = tpu.memref_squeeze %dma_wait3A_391 : memref<1x320x8xf32, #tpu.memory_space<vmem>> -> memref<320x8xf32, #tpu.memory_space<vmem>>
    %dma_wait3A_393 = arith.constant 0 : i32
    %dma_wait3A_394 = tpu.memref_slice %arg3[%dma_wait3A_380, %min3A_11, %dma_wait3A_393] : memref<6x10000x8xf32, #tpu.memory_space<hbm>> -> memref<1x320x8xf32, #tpu.memory_space<hbm>>
    %dma_wait3A_395 = tpu.memref_squeeze %dma_wait3A_394 : memref<1x320x8xf32, #tpu.memory_space<hbm>> -> memref<320x8xf32, #tpu.memory_space<hbm>>
    tpu.wait_dma2 semaphore(%arg9 : memref<!tpu.dma_semaphore, #tpu.memory_space<semaphore_mem>>) src(%dma_wait3A_395 : memref<320x8xf32, #tpu.memory_space<hbm>>) dst(%dma_wait3A_392 : memref<320x8xf32, #tpu.memory_space<vmem>>)
    %dma_wait3A_396 = arith.constant 5 : i32
    %dma_wait3A_397 = arith.constant 5 : i32
    %dma_wait3A_398 = arith.constant 0 : i32
    %dma_wait3A_399 = arith.constant 0 : i32
    %dma_wait3A_400 = tpu.memref_slice %arg5[%dma_wait3A_397, %dma_wait3A_398, %dma_wait3A_399] : memref<6x320x4xi32, #tpu.memory_space<vmem>> -> memref<1x320x4xi32, #tpu.memory_space<vmem>>
    %dma_wait3A_401 = tpu.memref_squeeze %dma_wait3A_400 : memref<1x320x4xi32, #tpu.memory_space<vmem>> -> memref<320x4xi32, #tpu.memory_space<vmem>>
    %dma_wait3A_402 = arith.constant 0 : i32
    %dma_wait3A_403 = tpu.memref_slice %arg2[%dma_wait3A_396, %min3A_11, %dma_wait3A_402] : memref<6x10000x4xi32, #tpu.memory_space<hbm>> -> memref<1x320x4xi32, #tpu.memory_space<hbm>>
    %dma_wait3A_404 = tpu.memref_squeeze %dma_wait3A_403 : memref<1x320x4xi32, #tpu.memory_space<hbm>> -> memref<320x4xi32, #tpu.memory_space<hbm>>
    %dma_wait3A_405 = arith.constant 0 : i32
    %dma_wait3A_406 = arith.constant 0 : i32
    %dma_wait3A_407 = tpu.memref_slice %arg5[%dma_wait3A_397, %dma_wait3A_405, %dma_wait3A_406] : memref<6x320x4xi32, #tpu.memory_space<vmem>> -> memref<1x320x4xi32, #tpu.memory_space<vmem>>
    %dma_wait3A_408 = tpu.memref_squeeze %dma_wait3A_407 : memref<1x320x4xi32, #tpu.memory_space<vmem>> -> memref<320x4xi32, #tpu.memory_space<vmem>>
    %dma_wait3A_409 = arith.constant 0 : i32
    %dma_wait3A_410 = tpu.memref_slice %arg2[%dma_wait3A_396, %min3A_11, %dma_wait3A_409] : memref<6x10000x4xi32, #tpu.memory_space<hbm>> -> memref<1x320x4xi32, #tpu.memory_space<hbm>>
    %dma_wait3A_411 = tpu.memref_squeeze %dma_wait3A_410 : memref<1x320x4xi32, #tpu.memory_space<hbm>> -> memref<320x4xi32, #tpu.memory_space<hbm>>
    tpu.wait_dma2 semaphore(%arg9 : memref<!tpu.dma_semaphore, #tpu.memory_space<semaphore_mem>>) src(%dma_wait3A_411 : memref<320x4xi32, #tpu.memory_space<hbm>>) dst(%dma_wait3A_408 : memref<320x4xi32, #tpu.memory_space<vmem>>)
    %dma_wait3A_412 = arith.constant 5 : i32
    %dma_wait3A_413 = arith.constant 5 : i32
    %dma_wait3A_414 = arith.constant 0 : i32
    %dma_wait3A_415 = arith.constant 0 : i32
    %dma_wait3A_416 = tpu.memref_slice %arg6[%dma_wait3A_413, %dma_wait3A_414, %dma_wait3A_415] : memref<6x320x8xf32, #tpu.memory_space<vmem>> -> memref<1x320x8xf32, #tpu.memory_space<vmem>>
    %dma_wait3A_417 = tpu.memref_squeeze %dma_wait3A_416 : memref<1x320x8xf32, #tpu.memory_space<vmem>> -> memref<320x8xf32, #tpu.memory_space<vmem>>
    %dma_wait3A_418 = arith.constant 0 : i32
    %dma_wait3A_419 = tpu.memref_slice %arg3[%dma_wait3A_412, %min3A_11, %dma_wait3A_418] : memref<6x10000x8xf32, #tpu.memory_space<hbm>> -> memref<1x320x8xf32, #tpu.memory_space<hbm>>
    %dma_wait3A_420 = tpu.memref_squeeze %dma_wait3A_419 : memref<1x320x8xf32, #tpu.memory_space<hbm>> -> memref<320x8xf32, #tpu.memory_space<hbm>>
    %dma_wait3A_421 = arith.constant 0 : i32
    %dma_wait3A_422 = arith.constant 0 : i32
    %dma_wait3A_423 = tpu.memref_slice %arg6[%dma_wait3A_413, %dma_wait3A_421, %dma_wait3A_422] : memref<6x320x8xf32, #tpu.memory_space<vmem>> -> memref<1x320x8xf32, #tpu.memory_space<vmem>>
    %dma_wait3A_424 = tpu.memref_squeeze %dma_wait3A_423 : memref<1x320x8xf32, #tpu.memory_space<vmem>> -> memref<320x8xf32, #tpu.memory_space<vmem>>
    %dma_wait3A_425 = arith.constant 0 : i32
    %dma_wait3A_426 = tpu.memref_slice %arg3[%dma_wait3A_412, %min3A_11, %dma_wait3A_425] : memref<6x10000x8xf32, #tpu.memory_space<hbm>> -> memref<1x320x8xf32, #tpu.memory_space<hbm>>
    %dma_wait3A_427 = tpu.memref_squeeze %dma_wait3A_426 : memref<1x320x8xf32, #tpu.memory_space<hbm>> -> memref<320x8xf32, #tpu.memory_space<hbm>>
    tpu.wait_dma2 semaphore(%arg9 : memref<!tpu.dma_semaphore, #tpu.memory_space<semaphore_mem>>) src(%dma_wait3A_427 : memref<320x8xf32, #tpu.memory_space<hbm>>) dst(%dma_wait3A_424 : memref<320x8xf32, #tpu.memory_space<vmem>>)
    %while3A_428 = arith.constant 0 : i32
    %while3A_429 = arith.constant 0 : i32
    %while3A_430 = arith.subi %select_n3A, %while3A_428 : i32
    %while3A_431 = arith.addi %while3A_428, %while3A_430 : i32
    %while3A_432 = arith.constant 1 : i32
    %while3A_433 = arith.divsi %while3A_430, %while3A_432 : i32
    %while3A_434 = arith.muli %while3A_433, %while3A_432 : i32
    %while3A_435 = arith.addi %while3A_428, %while3A_434 : i32
    %while3A_436 = arith.constant 1 : i32
    %while3A_437 = scf.for %while3A_445 = %while3A_428 to %while3A_435 step %while3A_436 iter_args(%while3A_446 = %while3A_429) -> (i32)  : i32 {
      %broadcast_in_dim3A = arith.constant 0.000000e+00 : f32
      %broadcast_in_dim3A_447 = vector.broadcast %broadcast_in_dim3A : f32 to vector<16xf32>
      %mul3A_448 = arith.constant 16 : i32
      %mul3A_449 = arith.muli %while3A_445, %mul3A_448 : i32
      %add3A_450 = arith.addi %sub3A_12, %mul3A_449 : i32
      %swap3A = arith.index_cast %add3A_450 : i32 to index
      %swap3A_451 = tpu.vector_load %arg8[%swap3A] {strides = array<i32>} : memref<320xf32, #tpu.memory_space<vmem>>, vector<16xf32>,
      tpu.vector_store %arg8[%swap3A], %broadcast_in_dim3A_447 {strides = array<i32>} : memref<320xf32, #tpu.memory_space<vmem>>, vector<16xf32>,
      %mul3A_452 = arith.constant 16 : i32
      %mul3A_453 = arith.muli %while3A_445, %mul3A_452 : i32
      %add3A_454 = arith.addi %select_n3A_10, %mul3A_453 : i32
      %le3A = arith.cmpi sle, %add3A_454, %max3A_236 : i32
      %convert_element_type3A_455 = arith.extui %le3A : i1 to i32
      %cond3A_456 = arith.constant 0 : i32
      %cond3A_457 = arith.cmpi ne, %convert_element_type3A_455, %cond3A_456 : i32
      scf.if %cond3A_457 {
        %mul3A_459 = arith.constant 16 : i32
        %mul3A_460 = arith.muli %while3A_445, %mul3A_459 : i32
        %add3A_461 = arith.addi %sub3A_12, %mul3A_460 : i32
        %add3A_462 = vector.broadcast %add3A_461 : i32 to vector<16xi32>
        %add3A_463 = arith.addi %add3A_462, %iota3A : vector<16xi32>
        %mul3A_464 = arith.constant 16 : i32
        %mul3A_465 = arith.muli %while3A_445, %mul3A_464 : i32
        %add3A_466 = arith.addi %select_n3A_10, %mul3A_465 : i32
        %add3A_467 = vector.broadcast %add3A_466 : i32 to vector<16xi32>
        %add3A_468 = arith.addi %add3A_467, %iota3A : vector<16xi32>
        %broadcast_in_dim3A_469 = arith.constant 0.000000e+00 : f32
        %broadcast_in_dim3A_470 = vector.broadcast %broadcast_in_dim3A_469 : f32 to vector<16xf32>
        %broadcast_in_dim3A_471 = arith.constant 0.000000e+00 : f32
        %broadcast_in_dim3A_472 = vector.broadcast %broadcast_in_dim3A_471 : f32 to vector<16xf32>
        %broadcast_in_dim3A_473 = arith.constant 0 : i32
        %broadcast_in_dim3A_474 = vector.broadcast %broadcast_in_dim3A_473 : i32 to vector<16xi32>
        %broadcast_in_dim3A_475 = arith.constant 0 : i32
        %broadcast_in_dim3A_476 = vector.broadcast %broadcast_in_dim3A_475 : i32 to vector<16xi32>
        %gather3A = tpu.vector_load_idx %arg5[%broadcast_in_dim3A_474, %add3A_463, %broadcast_in_dim3A_476] : memref<6x320x4xi32, #tpu.memory_space<vmem>>[vector<16xi32>, vector<16xi32>, vector<16xi32>], vector<16xi32>,
        %broadcast_in_dim3A_477 = arith.constant 0 : i32
        %broadcast_in_dim3A_478 = vector.broadcast %broadcast_in_dim3A_477 : i32 to vector<16xi32>
        %broadcast_in_dim3A_479 = arith.constant 1 : i32
        %broadcast_in_dim3A_480 = vector.broadcast %broadcast_in_dim3A_479 : i32 to vector<16xi32>
        %gather3A_481 = tpu.vector_load_idx %arg5[%broadcast_in_dim3A_478, %add3A_463, %broadcast_in_dim3A_480] : memref<6x320x4xi32, #tpu.memory_space<vmem>>[vector<16xi32>, vector<16xi32>, vector<16xi32>], vector<16xi32>,
        %add3A_482 = arith.addi %gather3A, %gather3A_481 : vector<16xi32>
        %broadcast_in_dim3A_483 = arith.constant 0 : i32
        %broadcast_in_dim3A_484 = vector.broadcast %broadcast_in_dim3A_483 : i32 to vector<16xi32>
        %broadcast_in_dim3A_485 = arith.constant 2 : i32
        %broadcast_in_dim3A_486 = vector.broadcast %broadcast_in_dim3A_485 : i32 to vector<16xi32>
        %gather3A_487 = tpu.vector_load_idx %arg5[%broadcast_in_dim3A_484, %add3A_463, %broadcast_in_dim3A_486] : memref<6x320x4xi32, #tpu.memory_space<vmem>>[vector<16xi32>, vector<16xi32>, vector<16xi32>], vector<16xi32>,
        %add3A_488 = arith.addi %add3A_482, %gather3A_487 : vector<16xi32>
        %broadcast_in_dim3A_489 = arith.constant 0 : i32
        %broadcast_in_dim3A_490 = vector.broadcast %broadcast_in_dim3A_489 : i32 to vector<16xi32>
        %broadcast_in_dim3A_491 = arith.constant 3 : i32
        %broadcast_in_dim3A_492 = vector.broadcast %broadcast_in_dim3A_491 : i32 to vector<16xi32>
        %gather3A_493 = tpu.vector_load_idx %arg5[%broadcast_in_dim3A_490, %add3A_463, %broadcast_in_dim3A_492] : memref<6x320x4xi32, #tpu.memory_space<vmem>>[vector<16xi32>, vector<16xi32>, vector<16xi32>], vector<16xi32>,
        %add3A_494 = arith.addi %add3A_488, %gather3A_493 : vector<16xi32>
        %gt3A = arith.constant 0 : i32
        %gt3A_495 = vector.broadcast %gt3A : i32 to vector<16xi32>
        %gt3A_496 = arith.cmpi sgt, %add3A_494, %gt3A_495 : vector<16xi32>
        %jit3A_497 = arith.constant 1.000000e+00 : f32
        %jit3A_498 = arith.constant 0.000000e+00 : f32
        %broadcast_in_dim3A_499 = vector.broadcast %jit3A_497 : f32 to vector<16xf32>
        %broadcast_in_dim3A_500 = vector.broadcast %jit3A_498 : f32 to vector<16xf32>
        %select_n3A_501 = arith.select %gt3A_496, %broadcast_in_dim3A_499, %broadcast_in_dim3A_500 : vector<16xi1>, vector<16xf32>
        %add3A_502 = arith.addf %broadcast_in_dim3A_470, %select_n3A_501 : vector<16xf32>
        %broadcast_in_dim3A_503 = arith.constant 0 : i32
        %broadcast_in_dim3A_504 = vector.broadcast %broadcast_in_dim3A_503 : i32 to vector<16xi32>
        %broadcast_in_dim3A_505 = arith.constant 0 : i32
        %broadcast_in_dim3A_506 = vector.broadcast %broadcast_in_dim3A_505 : i32 to vector<16xi32>
        %gather3A_507 = tpu.vector_load_idx %arg6[%broadcast_in_dim3A_504, %add3A_463, %broadcast_in_dim3A_506] : memref<6x320x8xf32, #tpu.memory_space<vmem>>[vector<16xi32>, vector<16xi32>, vector<16xi32>], vector<16xf32>,
        %broadcast_in_dim3A_508 = arith.constant 0 : i32
        %broadcast_in_dim3A_509 = vector.broadcast %broadcast_in_dim3A_508 : i32 to vector<16xi32>
        %broadcast_in_dim3A_510 = arith.constant 1 : i32
        %broadcast_in_dim3A_511 = vector.broadcast %broadcast_in_dim3A_510 : i32 to vector<16xi32>
        %gather3A_512 = tpu.vector_load_idx %arg6[%broadcast_in_dim3A_509, %add3A_463, %broadcast_in_dim3A_511] : memref<6x320x8xf32, #tpu.memory_space<vmem>>[vector<16xi32>, vector<16xi32>, vector<16xi32>], vector<16xf32>,
        %add3A_513 = arith.addf %gather3A_507, %gather3A_512 : vector<16xf32>
        %broadcast_in_dim3A_514 = arith.constant 0 : i32
        %broadcast_in_dim3A_515 = vector.broadcast %broadcast_in_dim3A_514 : i32 to vector<16xi32>
        %broadcast_in_dim3A_516 = arith.constant 2 : i32
        %broadcast_in_dim3A_517 = vector.broadcast %broadcast_in_dim3A_516 : i32 to vector<16xi32>
        %gather3A_518 = tpu.vector_load_idx %arg6[%broadcast_in_dim3A_515, %add3A_463, %broadcast_in_dim3A_517] : memref<6x320x8xf32, #tpu.memory_space<vmem>>[vector<16xi32>, vector<16xi32>, vector<16xi32>], vector<16xf32>,
        %add3A_519 = arith.addf %add3A_513, %gather3A_518 : vector<16xf32>
        %broadcast_in_dim3A_520 = arith.constant 0 : i32
        %broadcast_in_dim3A_521 = vector.broadcast %broadcast_in_dim3A_520 : i32 to vector<16xi32>
        %broadcast_in_dim3A_522 = arith.constant 3 : i32
        %broadcast_in_dim3A_523 = vector.broadcast %broadcast_in_dim3A_522 : i32 to vector<16xi32>
        %gather3A_524 = tpu.vector_load_idx %arg6[%broadcast_in_dim3A_521, %add3A_463, %broadcast_in_dim3A_523] : memref<6x320x8xf32, #tpu.memory_space<vmem>>[vector<16xi32>, vector<16xi32>, vector<16xi32>], vector<16xf32>,
        %add3A_525 = arith.addf %add3A_519, %gather3A_524 : vector<16xf32>
        %broadcast_in_dim3A_526 = arith.constant 0 : i32
        %broadcast_in_dim3A_527 = vector.broadcast %broadcast_in_dim3A_526 : i32 to vector<16xi32>
        %broadcast_in_dim3A_528 = arith.constant 4 : i32
        %broadcast_in_dim3A_529 = vector.broadcast %broadcast_in_dim3A_528 : i32 to vector<16xi32>
        %gather3A_530 = tpu.vector_load_idx %arg6[%broadcast_in_dim3A_527, %add3A_463, %broadcast_in_dim3A_529] : memref<6x320x8xf32, #tpu.memory_space<vmem>>[vector<16xi32>, vector<16xi32>, vector<16xi32>], vector<16xf32>,
        %add3A_531 = arith.addf %add3A_525, %gather3A_530 : vector<16xf32>
        %broadcast_in_dim3A_532 = arith.constant 0 : i32
        %broadcast_in_dim3A_533 = vector.broadcast %broadcast_in_dim3A_532 : i32 to vector<16xi32>
        %broadcast_in_dim3A_534 = arith.constant 5 : i32
        %broadcast_in_dim3A_535 = vector.broadcast %broadcast_in_dim3A_534 : i32 to vector<16xi32>
        %gather3A_536 = tpu.vector_load_idx %arg6[%broadcast_in_dim3A_533, %add3A_463, %broadcast_in_dim3A_535] : memref<6x320x8xf32, #tpu.memory_space<vmem>>[vector<16xi32>, vector<16xi32>, vector<16xi32>], vector<16xf32>,
        %add3A_537 = arith.addf %add3A_531, %gather3A_536 : vector<16xf32>
        %broadcast_in_dim3A_538 = arith.constant 0 : i32
        %broadcast_in_dim3A_539 = vector.broadcast %broadcast_in_dim3A_538 : i32 to vector<16xi32>
        %broadcast_in_dim3A_540 = arith.constant 6 : i32
        %broadcast_in_dim3A_541 = vector.broadcast %broadcast_in_dim3A_540 : i32 to vector<16xi32>
        %gather3A_542 = tpu.vector_load_idx %arg6[%broadcast_in_dim3A_539, %add3A_463, %broadcast_in_dim3A_541] : memref<6x320x8xf32, #tpu.memory_space<vmem>>[vector<16xi32>, vector<16xi32>, vector<16xi32>], vector<16xf32>,
        %add3A_543 = arith.addf %add3A_537, %gather3A_542 : vector<16xf32>
        %broadcast_in_dim3A_544 = arith.constant 0 : i32
        %broadcast_in_dim3A_545 = vector.broadcast %broadcast_in_dim3A_544 : i32 to vector<16xi32>
        %broadcast_in_dim3A_546 = arith.constant 7 : i32
        %broadcast_in_dim3A_547 = vector.broadcast %broadcast_in_dim3A_546 : i32 to vector<16xi32>
        %gather3A_548 = tpu.vector_load_idx %arg6[%broadcast_in_dim3A_545, %add3A_463, %broadcast_in_dim3A_547] : memref<6x320x8xf32, #tpu.memory_space<vmem>>[vector<16xi32>, vector<16xi32>, vector<16xi32>], vector<16xf32>,
        %add3A_549 = arith.addf %add3A_543, %gather3A_548 : vector<16xf32>
        %mul3A_550 = arith.constant 2.500000e-01 : f32
        %mul3A_551 = vector.broadcast %mul3A_550 : f32 to vector<16xf32>
        %mul3A_552 = arith.mulf %add3A_549, %mul3A_551 : vector<16xf32>
        %exp3A = math.exp %mul3A_552 : vector<16xf32>
        %sub3A_553 = arith.constant 1.000000e+00 : f32
        %sub3A_554 = vector.broadcast %sub3A_553 : f32 to vector<16xf32>
        %sub3A_555 = arith.subf %exp3A, %sub3A_554 : vector<16xf32>
        %add3A_556 = arith.constant 1.000000e+00 : f32
        %add3A_557 = vector.broadcast %add3A_556 : f32 to vector<16xf32>
        %add3A_558 = arith.addf %exp3A, %add3A_557 : vector<16xf32>
        %div3A = arith.divf %sub3A_555, %add3A_558 : vector<16xf32>
        %le3A_559 = vector.broadcast %while3A_207#2 : i32 to vector<16xi32>
        %le3A_560 = arith.cmpi sle, %add3A_468, %le3A_559 : vector<16xi32>
        %and3A = arith.andi %gt3A_496, %le3A_560 : vector<16xi1>
        %add3A_561 = arith.constant 1.000000e+00 : f32
        %add3A_562 = vector.broadcast %add3A_561 : f32 to vector<16xf32>
        %add3A_563 = arith.addf %add3A_562, %div3A : vector<16xf32>
        %jit3A_564 = arith.constant 0.000000e+00 : f32
        %broadcast_in_dim3A_565 = vector.broadcast %jit3A_564 : f32 to vector<16xf32>
        %select_n3A_566 = arith.select %and3A, %add3A_563, %broadcast_in_dim3A_565 : vector<16xi1>, vector<16xf32>
        %add3A_567 = arith.addf %broadcast_in_dim3A_472, %select_n3A_566 : vector<16xf32>
        %broadcast_in_dim3A_568 = arith.constant 1 : i32
        %broadcast_in_dim3A_569 = vector.broadcast %broadcast_in_dim3A_568 : i32 to vector<16xi32>
        %broadcast_in_dim3A_570 = arith.constant 0 : i32
        %broadcast_in_dim3A_571 = vector.broadcast %broadcast_in_dim3A_570 : i32 to vector<16xi32>
        %gather3A_572 = tpu.vector_load_idx %arg5[%broadcast_in_dim3A_569, %add3A_463, %broadcast_in_dim3A_571] : memref<6x320x4xi32, #tpu.memory_space<vmem>>[vector<16xi32>, vector<16xi32>, vector<16xi32>], vector<16xi32>,
        %broadcast_in_dim3A_573 = arith.constant 1 : i32
        %broadcast_in_dim3A_574 = vector.broadcast %broadcast_in_dim3A_573 : i32 to vector<16xi32>
        %broadcast_in_dim3A_575 = arith.constant 1 : i32
        %broadcast_in_dim3A_576 = vector.broadcast %broadcast_in_dim3A_575 : i32 to vector<16xi32>
        %gather3A_577 = tpu.vector_load_idx %arg5[%broadcast_in_dim3A_574, %add3A_463, %broadcast_in_dim3A_576] : memref<6x320x4xi32, #tpu.memory_space<vmem>>[vector<16xi32>, vector<16xi32>, vector<16xi32>], vector<16xi32>,
        %add3A_578 = arith.addi %gather3A_572, %gather3A_577 : vector<16xi32>
        %broadcast_in_dim3A_579 = arith.constant 1 : i32
        %broadcast_in_dim3A_580 = vector.broadcast %broadcast_in_dim3A_579 : i32 to vector<16xi32>
        %broadcast_in_dim3A_581 = arith.constant 2 : i32
        %broadcast_in_dim3A_582 = vector.broadcast %broadcast_in_dim3A_581 : i32 to vector<16xi32>
        %gather3A_583 = tpu.vector_load_idx %arg5[%broadcast_in_dim3A_580, %add3A_463, %broadcast_in_dim3A_582] : memref<6x320x4xi32, #tpu.memory_space<vmem>>[vector<16xi32>, vector<16xi32>, vector<16xi32>], vector<16xi32>,
        %add3A_584 = arith.addi %add3A_578, %gather3A_583 : vector<16xi32>
        %broadcast_in_dim3A_585 = arith.constant 1 : i32
        %broadcast_in_dim3A_586 = vector.broadcast %broadcast_in_dim3A_585 : i32 to vector<16xi32>
        %broadcast_in_dim3A_587 = arith.constant 3 : i32
        %broadcast_in_dim3A_588 = vector.broadcast %broadcast_in_dim3A_587 : i32 to vector<16xi32>
        %gather3A_589 = tpu.vector_load_idx %arg5[%broadcast_in_dim3A_586, %add3A_463, %broadcast_in_dim3A_588] : memref<6x320x4xi32, #tpu.memory_space<vmem>>[vector<16xi32>, vector<16xi32>, vector<16xi32>], vector<16xi32>,
        %add3A_590 = arith.addi %add3A_584, %gather3A_589 : vector<16xi32>
        %gt3A_591 = arith.constant 0 : i32
        %gt3A_592 = vector.broadcast %gt3A_591 : i32 to vector<16xi32>
        %gt3A_593 = arith.cmpi sgt, %add3A_590, %gt3A_592 : vector<16xi32>
        %jit3A_594 = arith.constant 1.000000e+00 : f32
        %jit3A_595 = arith.constant 0.000000e+00 : f32
        %broadcast_in_dim3A_596 = vector.broadcast %jit3A_594 : f32 to vector<16xf32>
        %broadcast_in_dim3A_597 = vector.broadcast %jit3A_595 : f32 to vector<16xf32>
        %select_n3A_598 = arith.select %gt3A_593, %broadcast_in_dim3A_596, %broadcast_in_dim3A_597 : vector<16xi1>, vector<16xf32>
        %add3A_599 = arith.addf %add3A_502, %select_n3A_598 : vector<16xf32>
        %broadcast_in_dim3A_600 = arith.constant 1 : i32
        %broadcast_in_dim3A_601 = vector.broadcast %broadcast_in_dim3A_600 : i32 to vector<16xi32>
        %broadcast_in_dim3A_602 = arith.constant 0 : i32
        %broadcast_in_dim3A_603 = vector.broadcast %broadcast_in_dim3A_602 : i32 to vector<16xi32>
        %gather3A_604 = tpu.vector_load_idx %arg6[%broadcast_in_dim3A_601, %add3A_463, %broadcast_in_dim3A_603] : memref<6x320x8xf32, #tpu.memory_space<vmem>>[vector<16xi32>, vector<16xi32>, vector<16xi32>], vector<16xf32>,
        %broadcast_in_dim3A_605 = arith.constant 1 : i32
        %broadcast_in_dim3A_606 = vector.broadcast %broadcast_in_dim3A_605 : i32 to vector<16xi32>
        %broadcast_in_dim3A_607 = arith.constant 1 : i32
        %broadcast_in_dim3A_608 = vector.broadcast %broadcast_in_dim3A_607 : i32 to vector<16xi32>
        %gather3A_609 = tpu.vector_load_idx %arg6[%broadcast_in_dim3A_606, %add3A_463, %broadcast_in_dim3A_608] : memref<6x320x8xf32, #tpu.memory_space<vmem>>[vector<16xi32>, vector<16xi32>, vector<16xi32>], vector<16xf32>,
        %add3A_610 = arith.addf %gather3A_604, %gather3A_609 : vector<16xf32>
        %broadcast_in_dim3A_611 = arith.constant 1 : i32
        %broadcast_in_dim3A_612 = vector.broadcast %broadcast_in_dim3A_611 : i32 to vector<16xi32>
        %broadcast_in_dim3A_613 = arith.constant 2 : i32
        %broadcast_in_dim3A_614 = vector.broadcast %broadcast_in_dim3A_613 : i32 to vector<16xi32>
        %gather3A_615 = tpu.vector_load_idx %arg6[%broadcast_in_dim3A_612, %add3A_463, %broadcast_in_dim3A_614] : memref<6x320x8xf32, #tpu.memory_space<vmem>>[vector<16xi32>, vector<16xi32>, vector<16xi32>], vector<16xf32>,
        %add3A_616 = arith.addf %add3A_610, %gather3A_615 : vector<16xf32>
        %broadcast_in_dim3A_617 = arith.constant 1 : i32
        %broadcast_in_dim3A_618 = vector.broadcast %broadcast_in_dim3A_617 : i32 to vector<16xi32>
        %broadcast_in_dim3A_619 = arith.constant 3 : i32
        %broadcast_in_dim3A_620 = vector.broadcast %broadcast_in_dim3A_619 : i32 to vector<16xi32>
        %gather3A_621 = tpu.vector_load_idx %arg6[%broadcast_in_dim3A_618, %add3A_463, %broadcast_in_dim3A_620] : memref<6x320x8xf32, #tpu.memory_space<vmem>>[vector<16xi32>, vector<16xi32>, vector<16xi32>], vector<16xf32>,
        %add3A_622 = arith.addf %add3A_616, %gather3A_621 : vector<16xf32>
        %broadcast_in_dim3A_623 = arith.constant 1 : i32
        %broadcast_in_dim3A_624 = vector.broadcast %broadcast_in_dim3A_623 : i32 to vector<16xi32>
        %broadcast_in_dim3A_625 = arith.constant 4 : i32
        %broadcast_in_dim3A_626 = vector.broadcast %broadcast_in_dim3A_625 : i32 to vector<16xi32>
        %gather3A_627 = tpu.vector_load_idx %arg6[%broadcast_in_dim3A_624, %add3A_463, %broadcast_in_dim3A_626] : memref<6x320x8xf32, #tpu.memory_space<vmem>>[vector<16xi32>, vector<16xi32>, vector<16xi32>], vector<16xf32>,
        %add3A_628 = arith.addf %add3A_622, %gather3A_627 : vector<16xf32>
        %broadcast_in_dim3A_629 = arith.constant 1 : i32
        %broadcast_in_dim3A_630 = vector.broadcast %broadcast_in_dim3A_629 : i32 to vector<16xi32>
        %broadcast_in_dim3A_631 = arith.constant 5 : i32
        %broadcast_in_dim3A_632 = vector.broadcast %broadcast_in_dim3A_631 : i32 to vector<16xi32>
        %gather3A_633 = tpu.vector_load_idx %arg6[%broadcast_in_dim3A_630, %add3A_463, %broadcast_in_dim3A_632] : memref<6x320x8xf32, #tpu.memory_space<vmem>>[vector<16xi32>, vector<16xi32>, vector<16xi32>], vector<16xf32>,
        %add3A_634 = arith.addf %add3A_628, %gather3A_633 : vector<16xf32>
        %broadcast_in_dim3A_635 = arith.constant 1 : i32
        %broadcast_in_dim3A_636 = vector.broadcast %broadcast_in_dim3A_635 : i32 to vector<16xi32>
        %broadcast_in_dim3A_637 = arith.constant 6 : i32
        %broadcast_in_dim3A_638 = vector.broadcast %broadcast_in_dim3A_637 : i32 to vector<16xi32>
        %gather3A_639 = tpu.vector_load_idx %arg6[%broadcast_in_dim3A_636, %add3A_463, %broadcast_in_dim3A_638] : memref<6x320x8xf32, #tpu.memory_space<vmem>>[vector<16xi32>, vector<16xi32>, vector<16xi32>], vector<16xf32>,
        %add3A_640 = arith.addf %add3A_634, %gather3A_639 : vector<16xf32>
        %broadcast_in_dim3A_641 = arith.constant 1 : i32
        %broadcast_in_dim3A_642 = vector.broadcast %broadcast_in_dim3A_641 : i32 to vector<16xi32>
        %broadcast_in_dim3A_643 = arith.constant 7 : i32
        %broadcast_in_dim3A_644 = vector.broadcast %broadcast_in_dim3A_643 : i32 to vector<16xi32>
        %gather3A_645 = tpu.vector_load_idx %arg6[%broadcast_in_dim3A_642, %add3A_463, %broadcast_in_dim3A_644] : memref<6x320x8xf32, #tpu.memory_space<vmem>>[vector<16xi32>, vector<16xi32>, vector<16xi32>], vector<16xf32>,
        %add3A_646 = arith.addf %add3A_640, %gather3A_645 : vector<16xf32>
        %mul3A_647 = arith.constant 2.500000e-01 : f32
        %mul3A_648 = vector.broadcast %mul3A_647 : f32 to vector<16xf32>
        %mul3A_649 = arith.mulf %add3A_646, %mul3A_648 : vector<16xf32>
        %exp3A_650 = math.exp %mul3A_649 : vector<16xf32>
        %sub3A_651 = arith.constant 1.000000e+00 : f32
        %sub3A_652 = vector.broadcast %sub3A_651 : f32 to vector<16xf32>
        %sub3A_653 = arith.subf %exp3A_650, %sub3A_652 : vector<16xf32>
        %add3A_654 = arith.constant 1.000000e+00 : f32
        %add3A_655 = vector.broadcast %add3A_654 : f32 to vector<16xf32>
        %add3A_656 = arith.addf %exp3A_650, %add3A_655 : vector<16xf32>
        %div3A_657 = arith.divf %sub3A_653, %add3A_656 : vector<16xf32>
        %le3A_658 = vector.broadcast %while3A_212#2 : i32 to vector<16xi32>
        %le3A_659 = arith.cmpi sle, %add3A_468, %le3A_658 : vector<16xi32>
        %and3A_660 = arith.andi %gt3A_593, %le3A_659 : vector<16xi1>
        %add3A_661 = arith.constant 1.000000e+00 : f32
        %add3A_662 = vector.broadcast %add3A_661 : f32 to vector<16xf32>
        %add3A_663 = arith.addf %add3A_662, %div3A_657 : vector<16xf32>
        %jit3A_664 = arith.constant 0.000000e+00 : f32
        %broadcast_in_dim3A_665 = vector.broadcast %jit3A_664 : f32 to vector<16xf32>
        %select_n3A_666 = arith.select %and3A_660, %add3A_663, %broadcast_in_dim3A_665 : vector<16xi1>, vector<16xf32>
        %add3A_667 = arith.addf %add3A_567, %select_n3A_666 : vector<16xf32>
        %broadcast_in_dim3A_668 = arith.constant 2 : i32
        %broadcast_in_dim3A_669 = vector.broadcast %broadcast_in_dim3A_668 : i32 to vector<16xi32>
        %broadcast_in_dim3A_670 = arith.constant 0 : i32
        %broadcast_in_dim3A_671 = vector.broadcast %broadcast_in_dim3A_670 : i32 to vector<16xi32>
        %gather3A_672 = tpu.vector_load_idx %arg5[%broadcast_in_dim3A_669, %add3A_463, %broadcast_in_dim3A_671] : memref<6x320x4xi32, #tpu.memory_space<vmem>>[vector<16xi32>, vector<16xi32>, vector<16xi32>], vector<16xi32>,
        %broadcast_in_dim3A_673 = arith.constant 2 : i32
        %broadcast_in_dim3A_674 = vector.broadcast %broadcast_in_dim3A_673 : i32 to vector<16xi32>
        %broadcast_in_dim3A_675 = arith.constant 1 : i32
        %broadcast_in_dim3A_676 = vector.broadcast %broadcast_in_dim3A_675 : i32 to vector<16xi32>
        %gather3A_677 = tpu.vector_load_idx %arg5[%broadcast_in_dim3A_674, %add3A_463, %broadcast_in_dim3A_676] : memref<6x320x4xi32, #tpu.memory_space<vmem>>[vector<16xi32>, vector<16xi32>, vector<16xi32>], vector<16xi32>,
        %add3A_678 = arith.addi %gather3A_672, %gather3A_677 : vector<16xi32>
        %broadcast_in_dim3A_679 = arith.constant 2 : i32
        %broadcast_in_dim3A_680 = vector.broadcast %broadcast_in_dim3A_679 : i32 to vector<16xi32>
        %broadcast_in_dim3A_681 = arith.constant 2 : i32
        %broadcast_in_dim3A_682 = vector.broadcast %broadcast_in_dim3A_681 : i32 to vector<16xi32>
        %gather3A_683 = tpu.vector_load_idx %arg5[%broadcast_in_dim3A_680, %add3A_463, %broadcast_in_dim3A_682] : memref<6x320x4xi32, #tpu.memory_space<vmem>>[vector<16xi32>, vector<16xi32>, vector<16xi32>], vector<16xi32>,
        %add3A_684 = arith.addi %add3A_678, %gather3A_683 : vector<16xi32>
        %broadcast_in_dim3A_685 = arith.constant 2 : i32
        %broadcast_in_dim3A_686 = vector.broadcast %broadcast_in_dim3A_685 : i32 to vector<16xi32>
        %broadcast_in_dim3A_687 = arith.constant 3 : i32
        %broadcast_in_dim3A_688 = vector.broadcast %broadcast_in_dim3A_687 : i32 to vector<16xi32>
        %gather3A_689 = tpu.vector_load_idx %arg5[%broadcast_in_dim3A_686, %add3A_463, %broadcast_in_dim3A_688] : memref<6x320x4xi32, #tpu.memory_space<vmem>>[vector<16xi32>, vector<16xi32>, vector<16xi32>], vector<16xi32>,
        %add3A_690 = arith.addi %add3A_684, %gather3A_689 : vector<16xi32>
        %gt3A_691 = arith.constant 0 : i32
        %gt3A_692 = vector.broadcast %gt3A_691 : i32 to vector<16xi32>
        %gt3A_693 = arith.cmpi sgt, %add3A_690, %gt3A_692 : vector<16xi32>
        %jit3A_694 = arith.constant 1.000000e+00 : f32
        %jit3A_695 = arith.constant 0.000000e+00 : f32
        %broadcast_in_dim3A_696 = vector.broadcast %jit3A_694 : f32 to vector<16xf32>
        %broadcast_in_dim3A_697 = vector.broadcast %jit3A_695 : f32 to vector<16xf32>
        %select_n3A_698 = arith.select %gt3A_693, %broadcast_in_dim3A_696, %broadcast_in_dim3A_697 : vector<16xi1>, vector<16xf32>
        %add3A_699 = arith.addf %add3A_599, %select_n3A_698 : vector<16xf32>
        %broadcast_in_dim3A_700 = arith.constant 2 : i32
        %broadcast_in_dim3A_701 = vector.broadcast %broadcast_in_dim3A_700 : i32 to vector<16xi32>
        %broadcast_in_dim3A_702 = arith.constant 0 : i32
        %broadcast_in_dim3A_703 = vector.broadcast %broadcast_in_dim3A_702 : i32 to vector<16xi32>
        %gather3A_704 = tpu.vector_load_idx %arg6[%broadcast_in_dim3A_701, %add3A_463, %broadcast_in_dim3A_703] : memref<6x320x8xf32, #tpu.memory_space<vmem>>[vector<16xi32>, vector<16xi32>, vector<16xi32>], vector<16xf32>,
        %broadcast_in_dim3A_705 = arith.constant 2 : i32
        %broadcast_in_dim3A_706 = vector.broadcast %broadcast_in_dim3A_705 : i32 to vector<16xi32>
        %broadcast_in_dim3A_707 = arith.constant 1 : i32
        %broadcast_in_dim3A_708 = vector.broadcast %broadcast_in_dim3A_707 : i32 to vector<16xi32>
        %gather3A_709 = tpu.vector_load_idx %arg6[%broadcast_in_dim3A_706, %add3A_463, %broadcast_in_dim3A_708] : memref<6x320x8xf32, #tpu.memory_space<vmem>>[vector<16xi32>, vector<16xi32>, vector<16xi32>], vector<16xf32>,
        %add3A_710 = arith.addf %gather3A_704, %gather3A_709 : vector<16xf32>
        %broadcast_in_dim3A_711 = arith.constant 2 : i32
        %broadcast_in_dim3A_712 = vector.broadcast %broadcast_in_dim3A_711 : i32 to vector<16xi32>
        %broadcast_in_dim3A_713 = arith.constant 2 : i32
        %broadcast_in_dim3A_714 = vector.broadcast %broadcast_in_dim3A_713 : i32 to vector<16xi32>
        %gather3A_715 = tpu.vector_load_idx %arg6[%broadcast_in_dim3A_712, %add3A_463, %broadcast_in_dim3A_714] : memref<6x320x8xf32, #tpu.memory_space<vmem>>[vector<16xi32>, vector<16xi32>, vector<16xi32>], vector<16xf32>,
        %add3A_716 = arith.addf %add3A_710, %gather3A_715 : vector<16xf32>
        %broadcast_in_dim3A_717 = arith.constant 2 : i32
        %broadcast_in_dim3A_718 = vector.broadcast %broadcast_in_dim3A_717 : i32 to vector<16xi32>
        %broadcast_in_dim3A_719 = arith.constant 3 : i32
        %broadcast_in_dim3A_720 = vector.broadcast %broadcast_in_dim3A_719 : i32 to vector<16xi32>
        %gather3A_721 = tpu.vector_load_idx %arg6[%broadcast_in_dim3A_718, %add3A_463, %broadcast_in_dim3A_720] : memref<6x320x8xf32, #tpu.memory_space<vmem>>[vector<16xi32>, vector<16xi32>, vector<16xi32>], vector<16xf32>,
        %add3A_722 = arith.addf %add3A_716, %gather3A_721 : vector<16xf32>
        %broadcast_in_dim3A_723 = arith.constant 2 : i32
        %broadcast_in_dim3A_724 = vector.broadcast %broadcast_in_dim3A_723 : i32 to vector<16xi32>
        %broadcast_in_dim3A_725 = arith.constant 4 : i32
        %broadcast_in_dim3A_726 = vector.broadcast %broadcast_in_dim3A_725 : i32 to vector<16xi32>
        %gather3A_727 = tpu.vector_load_idx %arg6[%broadcast_in_dim3A_724, %add3A_463, %broadcast_in_dim3A_726] : memref<6x320x8xf32, #tpu.memory_space<vmem>>[vector<16xi32>, vector<16xi32>, vector<16xi32>], vector<16xf32>,
        %add3A_728 = arith.addf %add3A_722, %gather3A_727 : vector<16xf32>
        %broadcast_in_dim3A_729 = arith.constant 2 : i32
        %broadcast_in_dim3A_730 = vector.broadcast %broadcast_in_dim3A_729 : i32 to vector<16xi32>
        %broadcast_in_dim3A_731 = arith.constant 5 : i32
        %broadcast_in_dim3A_732 = vector.broadcast %broadcast_in_dim3A_731 : i32 to vector<16xi32>
        %gather3A_733 = tpu.vector_load_idx %arg6[%broadcast_in_dim3A_730, %add3A_463, %broadcast_in_dim3A_732] : memref<6x320x8xf32, #tpu.memory_space<vmem>>[vector<16xi32>, vector<16xi32>, vector<16xi32>], vector<16xf32>,
        %add3A_734 = arith.addf %add3A_728, %gather3A_733 : vector<16xf32>
        %broadcast_in_dim3A_735 = arith.constant 2 : i32
        %broadcast_in_dim3A_736 = vector.broadcast %broadcast_in_dim3A_735 : i32 to vector<16xi32>
        %broadcast_in_dim3A_737 = arith.constant 6 : i32
        %broadcast_in_dim3A_738 = vector.broadcast %broadcast_in_dim3A_737 : i32 to vector<16xi32>
        %gather3A_739 = tpu.vector_load_idx %arg6[%broadcast_in_dim3A_736, %add3A_463, %broadcast_in_dim3A_738] : memref<6x320x8xf32, #tpu.memory_space<vmem>>[vector<16xi32>, vector<16xi32>, vector<16xi32>], vector<16xf32>,
        %add3A_740 = arith.addf %add3A_734, %gather3A_739 : vector<16xf32>
        %broadcast_in_dim3A_741 = arith.constant 2 : i32
        %broadcast_in_dim3A_742 = vector.broadcast %broadcast_in_dim3A_741 : i32 to vector<16xi32>
        %broadcast_in_dim3A_743 = arith.constant 7 : i32
        %broadcast_in_dim3A_744 = vector.broadcast %broadcast_in_dim3A_743 : i32 to vector<16xi32>
        %gather3A_745 = tpu.vector_load_idx %arg6[%broadcast_in_dim3A_742, %add3A_463, %broadcast_in_dim3A_744] : memref<6x320x8xf32, #tpu.memory_space<vmem>>[vector<16xi32>, vector<16xi32>, vector<16xi32>], vector<16xf32>,
        %add3A_746 = arith.addf %add3A_740, %gather3A_745 : vector<16xf32>
        %mul3A_747 = arith.constant 2.500000e-01 : f32
        %mul3A_748 = vector.broadcast %mul3A_747 : f32 to vector<16xf32>
        %mul3A_749 = arith.mulf %add3A_746, %mul3A_748 : vector<16xf32>
        %exp3A_750 = math.exp %mul3A_749 : vector<16xf32>
        %sub3A_751 = arith.constant 1.000000e+00 : f32
        %sub3A_752 = vector.broadcast %sub3A_751 : f32 to vector<16xf32>
        %sub3A_753 = arith.subf %exp3A_750, %sub3A_752 : vector<16xf32>
        %add3A_754 = arith.constant 1.000000e+00 : f32
        %add3A_755 = vector.broadcast %add3A_754 : f32 to vector<16xf32>
        %add3A_756 = arith.addf %exp3A_750, %add3A_755 : vector<16xf32>
        %div3A_757 = arith.divf %sub3A_753, %add3A_756 : vector<16xf32>
        %le3A_758 = vector.broadcast %while3A_217#2 : i32 to vector<16xi32>
        %le3A_759 = arith.cmpi sle, %add3A_468, %le3A_758 : vector<16xi32>
        %and3A_760 = arith.andi %gt3A_693, %le3A_759 : vector<16xi1>
        %add3A_761 = arith.constant 1.000000e+00 : f32
        %add3A_762 = vector.broadcast %add3A_761 : f32 to vector<16xf32>
        %add3A_763 = arith.addf %add3A_762, %div3A_757 : vector<16xf32>
        %jit3A_764 = arith.constant 0.000000e+00 : f32
        %broadcast_in_dim3A_765 = vector.broadcast %jit3A_764 : f32 to vector<16xf32>
        %select_n3A_766 = arith.select %and3A_760, %add3A_763, %broadcast_in_dim3A_765 : vector<16xi1>, vector<16xf32>
        %add3A_767 = arith.addf %add3A_667, %select_n3A_766 : vector<16xf32>
        %broadcast_in_dim3A_768 = arith.constant 3 : i32
        %broadcast_in_dim3A_769 = vector.broadcast %broadcast_in_dim3A_768 : i32 to vector<16xi32>
        %broadcast_in_dim3A_770 = arith.constant 0 : i32
        %broadcast_in_dim3A_771 = vector.broadcast %broadcast_in_dim3A_770 : i32 to vector<16xi32>
        %gather3A_772 = tpu.vector_load_idx %arg5[%broadcast_in_dim3A_769, %add3A_463, %broadcast_in_dim3A_771] : memref<6x320x4xi32, #tpu.memory_space<vmem>>[vector<16xi32>, vector<16xi32>, vector<16xi32>], vector<16xi32>,
        %broadcast_in_dim3A_773 = arith.constant 3 : i32
        %broadcast_in_dim3A_774 = vector.broadcast %broadcast_in_dim3A_773 : i32 to vector<16xi32>
        %broadcast_in_dim3A_775 = arith.constant 1 : i32
        %broadcast_in_dim3A_776 = vector.broadcast %broadcast_in_dim3A_775 : i32 to vector<16xi32>
        %gather3A_777 = tpu.vector_load_idx %arg5[%broadcast_in_dim3A_774, %add3A_463, %broadcast_in_dim3A_776] : memref<6x320x4xi32, #tpu.memory_space<vmem>>[vector<16xi32>, vector<16xi32>, vector<16xi32>], vector<16xi32>,
        %add3A_778 = arith.addi %gather3A_772, %gather3A_777 : vector<16xi32>
        %broadcast_in_dim3A_779 = arith.constant 3 : i32
        %broadcast_in_dim3A_780 = vector.broadcast %broadcast_in_dim3A_779 : i32 to vector<16xi32>
        %broadcast_in_dim3A_781 = arith.constant 2 : i32
        %broadcast_in_dim3A_782 = vector.broadcast %broadcast_in_dim3A_781 : i32 to vector<16xi32>
        %gather3A_783 = tpu.vector_load_idx %arg5[%broadcast_in_dim3A_780, %add3A_463, %broadcast_in_dim3A_782] : memref<6x320x4xi32, #tpu.memory_space<vmem>>[vector<16xi32>, vector<16xi32>, vector<16xi32>], vector<16xi32>,
        %add3A_784 = arith.addi %add3A_778, %gather3A_783 : vector<16xi32>
        %broadcast_in_dim3A_785 = arith.constant 3 : i32
        %broadcast_in_dim3A_786 = vector.broadcast %broadcast_in_dim3A_785 : i32 to vector<16xi32>
        %broadcast_in_dim3A_787 = arith.constant 3 : i32
        %broadcast_in_dim3A_788 = vector.broadcast %broadcast_in_dim3A_787 : i32 to vector<16xi32>
        %gather3A_789 = tpu.vector_load_idx %arg5[%broadcast_in_dim3A_786, %add3A_463, %broadcast_in_dim3A_788] : memref<6x320x4xi32, #tpu.memory_space<vmem>>[vector<16xi32>, vector<16xi32>, vector<16xi32>], vector<16xi32>,
        %add3A_790 = arith.addi %add3A_784, %gather3A_789 : vector<16xi32>
        %gt3A_791 = arith.constant 0 : i32
        %gt3A_792 = vector.broadcast %gt3A_791 : i32 to vector<16xi32>
        %gt3A_793 = arith.cmpi sgt, %add3A_790, %gt3A_792 : vector<16xi32>
        %jit3A_794 = arith.constant 1.000000e+00 : f32
        %jit3A_795 = arith.constant 0.000000e+00 : f32
        %broadcast_in_dim3A_796 = vector.broadcast %jit3A_794 : f32 to vector<16xf32>
        %broadcast_in_dim3A_797 = vector.broadcast %jit3A_795 : f32 to vector<16xf32>
        %select_n3A_798 = arith.select %gt3A_793, %broadcast_in_dim3A_796, %broadcast_in_dim3A_797 : vector<16xi1>, vector<16xf32>
        %add3A_799 = arith.addf %add3A_699, %select_n3A_798 : vector<16xf32>
        %broadcast_in_dim3A_800 = arith.constant 3 : i32
        %broadcast_in_dim3A_801 = vector.broadcast %broadcast_in_dim3A_800 : i32 to vector<16xi32>
        %broadcast_in_dim3A_802 = arith.constant 0 : i32
        %broadcast_in_dim3A_803 = vector.broadcast %broadcast_in_dim3A_802 : i32 to vector<16xi32>
        %gather3A_804 = tpu.vector_load_idx %arg6[%broadcast_in_dim3A_801, %add3A_463, %broadcast_in_dim3A_803] : memref<6x320x8xf32, #tpu.memory_space<vmem>>[vector<16xi32>, vector<16xi32>, vector<16xi32>], vector<16xf32>,
        %broadcast_in_dim3A_805 = arith.constant 3 : i32
        %broadcast_in_dim3A_806 = vector.broadcast %broadcast_in_dim3A_805 : i32 to vector<16xi32>
        %broadcast_in_dim3A_807 = arith.constant 1 : i32
        %broadcast_in_dim3A_808 = vector.broadcast %broadcast_in_dim3A_807 : i32 to vector<16xi32>
        %gather3A_809 = tpu.vector_load_idx %arg6[%broadcast_in_dim3A_806, %add3A_463, %broadcast_in_dim3A_808] : memref<6x320x8xf32, #tpu.memory_space<vmem>>[vector<16xi32>, vector<16xi32>, vector<16xi32>], vector<16xf32>,
        %add3A_810 = arith.addf %gather3A_804, %gather3A_809 : vector<16xf32>
        %broadcast_in_dim3A_811 = arith.constant 3 : i32
        %broadcast_in_dim3A_812 = vector.broadcast %broadcast_in_dim3A_811 : i32 to vector<16xi32>
        %broadcast_in_dim3A_813 = arith.constant 2 : i32
        %broadcast_in_dim3A_814 = vector.broadcast %broadcast_in_dim3A_813 : i32 to vector<16xi32>
        %gather3A_815 = tpu.vector_load_idx %arg6[%broadcast_in_dim3A_812, %add3A_463, %broadcast_in_dim3A_814] : memref<6x320x8xf32, #tpu.memory_space<vmem>>[vector<16xi32>, vector<16xi32>, vector<16xi32>], vector<16xf32>,
        %add3A_816 = arith.addf %add3A_810, %gather3A_815 : vector<16xf32>
        %broadcast_in_dim3A_817 = arith.constant 3 : i32
        %broadcast_in_dim3A_818 = vector.broadcast %broadcast_in_dim3A_817 : i32 to vector<16xi32>
        %broadcast_in_dim3A_819 = arith.constant 3 : i32
        %broadcast_in_dim3A_820 = vector.broadcast %broadcast_in_dim3A_819 : i32 to vector<16xi32>
        %gather3A_821 = tpu.vector_load_idx %arg6[%broadcast_in_dim3A_818, %add3A_463, %broadcast_in_dim3A_820] : memref<6x320x8xf32, #tpu.memory_space<vmem>>[vector<16xi32>, vector<16xi32>, vector<16xi32>], vector<16xf32>,
        %add3A_822 = arith.addf %add3A_816, %gather3A_821 : vector<16xf32>
        %broadcast_in_dim3A_823 = arith.constant 3 : i32
        %broadcast_in_dim3A_824 = vector.broadcast %broadcast_in_dim3A_823 : i32 to vector<16xi32>
        %broadcast_in_dim3A_825 = arith.constant 4 : i32
        %broadcast_in_dim3A_826 = vector.broadcast %broadcast_in_dim3A_825 : i32 to vector<16xi32>
        %gather3A_827 = tpu.vector_load_idx %arg6[%broadcast_in_dim3A_824, %add3A_463, %broadcast_in_dim3A_826] : memref<6x320x8xf32, #tpu.memory_space<vmem>>[vector<16xi32>, vector<16xi32>, vector<16xi32>], vector<16xf32>,
        %add3A_828 = arith.addf %add3A_822, %gather3A_827 : vector<16xf32>
        %broadcast_in_dim3A_829 = arith.constant 3 : i32
        %broadcast_in_dim3A_830 = vector.broadcast %broadcast_in_dim3A_829 : i32 to vector<16xi32>
        %broadcast_in_dim3A_831 = arith.constant 5 : i32
        %broadcast_in_dim3A_832 = vector.broadcast %broadcast_in_dim3A_831 : i32 to vector<16xi32>
        %gather3A_833 = tpu.vector_load_idx %arg6[%broadcast_in_dim3A_830, %add3A_463, %broadcast_in_dim3A_832] : memref<6x320x8xf32, #tpu.memory_space<vmem>>[vector<16xi32>, vector<16xi32>, vector<16xi32>], vector<16xf32>,
        %add3A_834 = arith.addf %add3A_828, %gather3A_833 : vector<16xf32>
        %broadcast_in_dim3A_835 = arith.constant 3 : i32
        %broadcast_in_dim3A_836 = vector.broadcast %broadcast_in_dim3A_835 : i32 to vector<16xi32>
        %broadcast_in_dim3A_837 = arith.constant 6 : i32
        %broadcast_in_dim3A_838 = vector.broadcast %broadcast_in_dim3A_837 : i32 to vector<16xi32>
        %gather3A_839 = tpu.vector_load_idx %arg6[%broadcast_in_dim3A_836, %add3A_463, %broadcast_in_dim3A_838] : memref<6x320x8xf32, #tpu.memory_space<vmem>>[vector<16xi32>, vector<16xi32>, vector<16xi32>], vector<16xf32>,
        %add3A_840 = arith.addf %add3A_834, %gather3A_839 : vector<16xf32>
        %broadcast_in_dim3A_841 = arith.constant 3 : i32
        %broadcast_in_dim3A_842 = vector.broadcast %broadcast_in_dim3A_841 : i32 to vector<16xi32>
        %broadcast_in_dim3A_843 = arith.constant 7 : i32
        %broadcast_in_dim3A_844 = vector.broadcast %broadcast_in_dim3A_843 : i32 to vector<16xi32>
        %gather3A_845 = tpu.vector_load_idx %arg6[%broadcast_in_dim3A_842, %add3A_463, %broadcast_in_dim3A_844] : memref<6x320x8xf32, #tpu.memory_space<vmem>>[vector<16xi32>, vector<16xi32>, vector<16xi32>], vector<16xf32>,
        %add3A_846 = arith.addf %add3A_840, %gather3A_845 : vector<16xf32>
        %mul3A_847 = arith.constant 2.500000e-01 : f32
        %mul3A_848 = vector.broadcast %mul3A_847 : f32 to vector<16xf32>
        %mul3A_849 = arith.mulf %add3A_846, %mul3A_848 : vector<16xf32>
        %exp3A_850 = math.exp %mul3A_849 : vector<16xf32>
        %sub3A_851 = arith.constant 1.000000e+00 : f32
        %sub3A_852 = vector.broadcast %sub3A_851 : f32 to vector<16xf32>
        %sub3A_853 = arith.subf %exp3A_850, %sub3A_852 : vector<16xf32>
        %add3A_854 = arith.constant 1.000000e+00 : f32
        %add3A_855 = vector.broadcast %add3A_854 : f32 to vector<16xf32>
        %add3A_856 = arith.addf %exp3A_850, %add3A_855 : vector<16xf32>
        %div3A_857 = arith.divf %sub3A_853, %add3A_856 : vector<16xf32>
        %le3A_858 = vector.broadcast %while3A_222#2 : i32 to vector<16xi32>
        %le3A_859 = arith.cmpi sle, %add3A_468, %le3A_858 : vector<16xi32>
        %and3A_860 = arith.andi %gt3A_793, %le3A_859 : vector<16xi1>
        %add3A_861 = arith.constant 1.000000e+00 : f32
        %add3A_862 = vector.broadcast %add3A_861 : f32 to vector<16xf32>
        %add3A_863 = arith.addf %add3A_862, %div3A_857 : vector<16xf32>
        %jit3A_864 = arith.constant 0.000000e+00 : f32
        %broadcast_in_dim3A_865 = vector.broadcast %jit3A_864 : f32 to vector<16xf32>
        %select_n3A_866 = arith.select %and3A_860, %add3A_863, %broadcast_in_dim3A_865 : vector<16xi1>, vector<16xf32>
        %add3A_867 = arith.addf %add3A_767, %select_n3A_866 : vector<16xf32>
        %broadcast_in_dim3A_868 = arith.constant 4 : i32
        %broadcast_in_dim3A_869 = vector.broadcast %broadcast_in_dim3A_868 : i32 to vector<16xi32>
        %broadcast_in_dim3A_870 = arith.constant 0 : i32
        %broadcast_in_dim3A_871 = vector.broadcast %broadcast_in_dim3A_870 : i32 to vector<16xi32>
        %gather3A_872 = tpu.vector_load_idx %arg5[%broadcast_in_dim3A_869, %add3A_463, %broadcast_in_dim3A_871] : memref<6x320x4xi32, #tpu.memory_space<vmem>>[vector<16xi32>, vector<16xi32>, vector<16xi32>], vector<16xi32>,
        %broadcast_in_dim3A_873 = arith.constant 4 : i32
        %broadcast_in_dim3A_874 = vector.broadcast %broadcast_in_dim3A_873 : i32 to vector<16xi32>
        %broadcast_in_dim3A_875 = arith.constant 1 : i32
        %broadcast_in_dim3A_876 = vector.broadcast %broadcast_in_dim3A_875 : i32 to vector<16xi32>
        %gather3A_877 = tpu.vector_load_idx %arg5[%broadcast_in_dim3A_874, %add3A_463, %broadcast_in_dim3A_876] : memref<6x320x4xi32, #tpu.memory_space<vmem>>[vector<16xi32>, vector<16xi32>, vector<16xi32>], vector<16xi32>,
        %add3A_878 = arith.addi %gather3A_872, %gather3A_877 : vector<16xi32>
        %broadcast_in_dim3A_879 = arith.constant 4 : i32
        %broadcast_in_dim3A_880 = vector.broadcast %broadcast_in_dim3A_879 : i32 to vector<16xi32>
        %broadcast_in_dim3A_881 = arith.constant 2 : i32
        %broadcast_in_dim3A_882 = vector.broadcast %broadcast_in_dim3A_881 : i32 to vector<16xi32>
        %gather3A_883 = tpu.vector_load_idx %arg5[%broadcast_in_dim3A_880, %add3A_463, %broadcast_in_dim3A_882] : memref<6x320x4xi32, #tpu.memory_space<vmem>>[vector<16xi32>, vector<16xi32>, vector<16xi32>], vector<16xi32>,
        %add3A_884 = arith.addi %add3A_878, %gather3A_883 : vector<16xi32>
        %broadcast_in_dim3A_885 = arith.constant 4 : i32
        %broadcast_in_dim3A_886 = vector.broadcast %broadcast_in_dim3A_885 : i32 to vector<16xi32>
        %broadcast_in_dim3A_887 = arith.constant 3 : i32
        %broadcast_in_dim3A_888 = vector.broadcast %broadcast_in_dim3A_887 : i32 to vector<16xi32>
        %gather3A_889 = tpu.vector_load_idx %arg5[%broadcast_in_dim3A_886, %add3A_463, %broadcast_in_dim3A_888] : memref<6x320x4xi32, #tpu.memory_space<vmem>>[vector<16xi32>, vector<16xi32>, vector<16xi32>], vector<16xi32>,
        %add3A_890 = arith.addi %add3A_884, %gather3A_889 : vector<16xi32>
        %gt3A_891 = arith.constant 0 : i32
        %gt3A_892 = vector.broadcast %gt3A_891 : i32 to vector<16xi32>
        %gt3A_893 = arith.cmpi sgt, %add3A_890, %gt3A_892 : vector<16xi32>
        %jit3A_894 = arith.constant 1.000000e+00 : f32
        %jit3A_895 = arith.constant 0.000000e+00 : f32
        %broadcast_in_dim3A_896 = vector.broadcast %jit3A_894 : f32 to vector<16xf32>
        %broadcast_in_dim3A_897 = vector.broadcast %jit3A_895 : f32 to vector<16xf32>
        %select_n3A_898 = arith.select %gt3A_893, %broadcast_in_dim3A_896, %broadcast_in_dim3A_897 : vector<16xi1>, vector<16xf32>
        %add3A_899 = arith.addf %add3A_799, %select_n3A_898 : vector<16xf32>
        %broadcast_in_dim3A_900 = arith.constant 4 : i32
        %broadcast_in_dim3A_901 = vector.broadcast %broadcast_in_dim3A_900 : i32 to vector<16xi32>
        %broadcast_in_dim3A_902 = arith.constant 0 : i32
        %broadcast_in_dim3A_903 = vector.broadcast %broadcast_in_dim3A_902 : i32 to vector<16xi32>
        %gather3A_904 = tpu.vector_load_idx %arg6[%broadcast_in_dim3A_901, %add3A_463, %broadcast_in_dim3A_903] : memref<6x320x8xf32, #tpu.memory_space<vmem>>[vector<16xi32>, vector<16xi32>, vector<16xi32>], vector<16xf32>,
        %broadcast_in_dim3A_905 = arith.constant 4 : i32
        %broadcast_in_dim3A_906 = vector.broadcast %broadcast_in_dim3A_905 : i32 to vector<16xi32>
        %broadcast_in_dim3A_907 = arith.constant 1 : i32
        %broadcast_in_dim3A_908 = vector.broadcast %broadcast_in_dim3A_907 : i32 to vector<16xi32>
        %gather3A_909 = tpu.vector_load_idx %arg6[%broadcast_in_dim3A_906, %add3A_463, %broadcast_in_dim3A_908] : memref<6x320x8xf32, #tpu.memory_space<vmem>>[vector<16xi32>, vector<16xi32>, vector<16xi32>], vector<16xf32>,
        %add3A_910 = arith.addf %gather3A_904, %gather3A_909 : vector<16xf32>
        %broadcast_in_dim3A_911 = arith.constant 4 : i32
        %broadcast_in_dim3A_912 = vector.broadcast %broadcast_in_dim3A_911 : i32 to vector<16xi32>
        %broadcast_in_dim3A_913 = arith.constant 2 : i32
        %broadcast_in_dim3A_914 = vector.broadcast %broadcast_in_dim3A_913 : i32 to vector<16xi32>
        %gather3A_915 = tpu.vector_load_idx %arg6[%broadcast_in_dim3A_912, %add3A_463, %broadcast_in_dim3A_914] : memref<6x320x8xf32, #tpu.memory_space<vmem>>[vector<16xi32>, vector<16xi32>, vector<16xi32>], vector<16xf32>,
        %add3A_916 = arith.addf %add3A_910, %gather3A_915 : vector<16xf32>
        %broadcast_in_dim3A_917 = arith.constant 4 : i32
        %broadcast_in_dim3A_918 = vector.broadcast %broadcast_in_dim3A_917 : i32 to vector<16xi32>
        %broadcast_in_dim3A_919 = arith.constant 3 : i32
        %broadcast_in_dim3A_920 = vector.broadcast %broadcast_in_dim3A_919 : i32 to vector<16xi32>
        %gather3A_921 = tpu.vector_load_idx %arg6[%broadcast_in_dim3A_918, %add3A_463, %broadcast_in_dim3A_920] : memref<6x320x8xf32, #tpu.memory_space<vmem>>[vector<16xi32>, vector<16xi32>, vector<16xi32>], vector<16xf32>,
        %add3A_922 = arith.addf %add3A_916, %gather3A_921 : vector<16xf32>
        %broadcast_in_dim3A_923 = arith.constant 4 : i32
        %broadcast_in_dim3A_924 = vector.broadcast %broadcast_in_dim3A_923 : i32 to vector<16xi32>
        %broadcast_in_dim3A_925 = arith.constant 4 : i32
        %broadcast_in_dim3A_926 = vector.broadcast %broadcast_in_dim3A_925 : i32 to vector<16xi32>
        %gather3A_927 = tpu.vector_load_idx %arg6[%broadcast_in_dim3A_924, %add3A_463, %broadcast_in_dim3A_926] : memref<6x320x8xf32, #tpu.memory_space<vmem>>[vector<16xi32>, vector<16xi32>, vector<16xi32>], vector<16xf32>,
        %add3A_928 = arith.addf %add3A_922, %gather3A_927 : vector<16xf32>
        %broadcast_in_dim3A_929 = arith.constant 4 : i32
        %broadcast_in_dim3A_930 = vector.broadcast %broadcast_in_dim3A_929 : i32 to vector<16xi32>
        %broadcast_in_dim3A_931 = arith.constant 5 : i32
        %broadcast_in_dim3A_932 = vector.broadcast %broadcast_in_dim3A_931 : i32 to vector<16xi32>
        %gather3A_933 = tpu.vector_load_idx %arg6[%broadcast_in_dim3A_930, %add3A_463, %broadcast_in_dim3A_932] : memref<6x320x8xf32, #tpu.memory_space<vmem>>[vector<16xi32>, vector<16xi32>, vector<16xi32>], vector<16xf32>,
        %add3A_934 = arith.addf %add3A_928, %gather3A_933 : vector<16xf32>
        %broadcast_in_dim3A_935 = arith.constant 4 : i32
        %broadcast_in_dim3A_936 = vector.broadcast %broadcast_in_dim3A_935 : i32 to vector<16xi32>
        %broadcast_in_dim3A_937 = arith.constant 6 : i32
        %broadcast_in_dim3A_938 = vector.broadcast %broadcast_in_dim3A_937 : i32 to vector<16xi32>
        %gather3A_939 = tpu.vector_load_idx %arg6[%broadcast_in_dim3A_936, %add3A_463, %broadcast_in_dim3A_938] : memref<6x320x8xf32, #tpu.memory_space<vmem>>[vector<16xi32>, vector<16xi32>, vector<16xi32>], vector<16xf32>,
        %add3A_940 = arith.addf %add3A_934, %gather3A_939 : vector<16xf32>
        %broadcast_in_dim3A_941 = arith.constant 4 : i32
        %broadcast_in_dim3A_942 = vector.broadcast %broadcast_in_dim3A_941 : i32 to vector<16xi32>
        %broadcast_in_dim3A_943 = arith.constant 7 : i32
        %broadcast_in_dim3A_944 = vector.broadcast %broadcast_in_dim3A_943 : i32 to vector<16xi32>
        %gather3A_945 = tpu.vector_load_idx %arg6[%broadcast_in_dim3A_942, %add3A_463, %broadcast_in_dim3A_944] : memref<6x320x8xf32, #tpu.memory_space<vmem>>[vector<16xi32>, vector<16xi32>, vector<16xi32>], vector<16xf32>,
        %add3A_946 = arith.addf %add3A_940, %gather3A_945 : vector<16xf32>
        %mul3A_947 = arith.constant 2.500000e-01 : f32
        %mul3A_948 = vector.broadcast %mul3A_947 : f32 to vector<16xf32>
        %mul3A_949 = arith.mulf %add3A_946, %mul3A_948 : vector<16xf32>
        %exp3A_950 = math.exp %mul3A_949 : vector<16xf32>
        %sub3A_951 = arith.constant 1.000000e+00 : f32
        %sub3A_952 = vector.broadcast %sub3A_951 : f32 to vector<16xf32>
        %sub3A_953 = arith.subf %exp3A_950, %sub3A_952 : vector<16xf32>
        %add3A_954 = arith.constant 1.000000e+00 : f32
        %add3A_955 = vector.broadcast %add3A_954 : f32 to vector<16xf32>
        %add3A_956 = arith.addf %exp3A_950, %add3A_955 : vector<16xf32>
        %div3A_957 = arith.divf %sub3A_953, %add3A_956 : vector<16xf32>
        %le3A_958 = vector.broadcast %while3A_227#2 : i32 to vector<16xi32>
        %le3A_959 = arith.cmpi sle, %add3A_468, %le3A_958 : vector<16xi32>
        %and3A_960 = arith.andi %gt3A_893, %le3A_959 : vector<16xi1>
        %add3A_961 = arith.constant 1.000000e+00 : f32
        %add3A_962 = vector.broadcast %add3A_961 : f32 to vector<16xf32>
        %add3A_963 = arith.addf %add3A_962, %div3A_957 : vector<16xf32>
        %jit3A_964 = arith.constant 0.000000e+00 : f32
        %broadcast_in_dim3A_965 = vector.broadcast %jit3A_964 : f32 to vector<16xf32>
        %select_n3A_966 = arith.select %and3A_960, %add3A_963, %broadcast_in_dim3A_965 : vector<16xi1>, vector<16xf32>
        %add3A_967 = arith.addf %add3A_867, %select_n3A_966 : vector<16xf32>
        %broadcast_in_dim3A_968 = arith.constant 5 : i32
        %broadcast_in_dim3A_969 = vector.broadcast %broadcast_in_dim3A_968 : i32 to vector<16xi32>
        %broadcast_in_dim3A_970 = arith.constant 0 : i32
        %broadcast_in_dim3A_971 = vector.broadcast %broadcast_in_dim3A_970 : i32 to vector<16xi32>
        %gather3A_972 = tpu.vector_load_idx %arg5[%broadcast_in_dim3A_969, %add3A_463, %broadcast_in_dim3A_971] : memref<6x320x4xi32, #tpu.memory_space<vmem>>[vector<16xi32>, vector<16xi32>, vector<16xi32>], vector<16xi32>,
        %broadcast_in_dim3A_973 = arith.constant 5 : i32
        %broadcast_in_dim3A_974 = vector.broadcast %broadcast_in_dim3A_973 : i32 to vector<16xi32>
        %broadcast_in_dim3A_975 = arith.constant 1 : i32
        %broadcast_in_dim3A_976 = vector.broadcast %broadcast_in_dim3A_975 : i32 to vector<16xi32>
        %gather3A_977 = tpu.vector_load_idx %arg5[%broadcast_in_dim3A_974, %add3A_463, %broadcast_in_dim3A_976] : memref<6x320x4xi32, #tpu.memory_space<vmem>>[vector<16xi32>, vector<16xi32>, vector<16xi32>], vector<16xi32>,
        %add3A_978 = arith.addi %gather3A_972, %gather3A_977 : vector<16xi32>
        %broadcast_in_dim3A_979 = arith.constant 5 : i32
        %broadcast_in_dim3A_980 = vector.broadcast %broadcast_in_dim3A_979 : i32 to vector<16xi32>
        %broadcast_in_dim3A_981 = arith.constant 2 : i32
        %broadcast_in_dim3A_982 = vector.broadcast %broadcast_in_dim3A_981 : i32 to vector<16xi32>
        %gather3A_983 = tpu.vector_load_idx %arg5[%broadcast_in_dim3A_980, %add3A_463, %broadcast_in_dim3A_982] : memref<6x320x4xi32, #tpu.memory_space<vmem>>[vector<16xi32>, vector<16xi32>, vector<16xi32>], vector<16xi32>,
        %add3A_984 = arith.addi %add3A_978, %gather3A_983 : vector<16xi32>
        %broadcast_in_dim3A_985 = arith.constant 5 : i32
        %broadcast_in_dim3A_986 = vector.broadcast %broadcast_in_dim3A_985 : i32 to vector<16xi32>
        %broadcast_in_dim3A_987 = arith.constant 3 : i32
        %broadcast_in_dim3A_988 = vector.broadcast %broadcast_in_dim3A_987 : i32 to vector<16xi32>
        %gather3A_989 = tpu.vector_load_idx %arg5[%broadcast_in_dim3A_986, %add3A_463, %broadcast_in_dim3A_988] : memref<6x320x4xi32, #tpu.memory_space<vmem>>[vector<16xi32>, vector<16xi32>, vector<16xi32>], vector<16xi32>,
        %add3A_990 = arith.addi %add3A_984, %gather3A_989 : vector<16xi32>
        %gt3A_991 = arith.constant 0 : i32
        %gt3A_992 = vector.broadcast %gt3A_991 : i32 to vector<16xi32>
        %gt3A_993 = arith.cmpi sgt, %add3A_990, %gt3A_992 : vector<16xi32>
        %jit3A_994 = arith.constant 1.000000e+00 : f32
        %jit3A_995 = arith.constant 0.000000e+00 : f32
        %broadcast_in_dim3A_996 = vector.broadcast %jit3A_994 : f32 to vector<16xf32>
        %broadcast_in_dim3A_997 = vector.broadcast %jit3A_995 : f32 to vector<16xf32>
        %select_n3A_998 = arith.select %gt3A_993, %broadcast_in_dim3A_996, %broadcast_in_dim3A_997 : vector<16xi1>, vector<16xf32>
        %add3A_999 = arith.addf %add3A_899, %select_n3A_998 : vector<16xf32>
        %broadcast_in_dim3A_1000 = arith.constant 5 : i32
        %broadcast_in_dim3A_1001 = vector.broadcast %broadcast_in_dim3A_1000 : i32 to vector<16xi32>
        %broadcast_in_dim3A_1002 = arith.constant 0 : i32
        %broadcast_in_dim3A_1003 = vector.broadcast %broadcast_in_dim3A_1002 : i32 to vector<16xi32>
        %gather3A_1004 = tpu.vector_load_idx %arg6[%broadcast_in_dim3A_1001, %add3A_463, %broadcast_in_dim3A_1003] : memref<6x320x8xf32, #tpu.memory_space<vmem>>[vector<16xi32>, vector<16xi32>, vector<16xi32>], vector<16xf32>,
        %broadcast_in_dim3A_1005 = arith.constant 5 : i32
        %broadcast_in_dim3A_1006 = vector.broadcast %broadcast_in_dim3A_1005 : i32 to vector<16xi32>
        %broadcast_in_dim3A_1007 = arith.constant 1 : i32
        %broadcast_in_dim3A_1008 = vector.broadcast %broadcast_in_dim3A_1007 : i32 to vector<16xi32>
        %gather3A_1009 = tpu.vector_load_idx %arg6[%broadcast_in_dim3A_1006, %add3A_463, %broadcast_in_dim3A_1008] : memref<6x320x8xf32, #tpu.memory_space<vmem>>[vector<16xi32>, vector<16xi32>, vector<16xi32>], vector<16xf32>,
        %add3A_1010 = arith.addf %gather3A_1004, %gather3A_1009 : vector<16xf32>
        %broadcast_in_dim3A_1011 = arith.constant 5 : i32
        %broadcast_in_dim3A_1012 = vector.broadcast %broadcast_in_dim3A_1011 : i32 to vector<16xi32>
        %broadcast_in_dim3A_1013 = arith.constant 2 : i32
        %broadcast_in_dim3A_1014 = vector.broadcast %broadcast_in_dim3A_1013 : i32 to vector<16xi32>
        %gather3A_1015 = tpu.vector_load_idx %arg6[%broadcast_in_dim3A_1012, %add3A_463, %broadcast_in_dim3A_1014] : memref<6x320x8xf32, #tpu.memory_space<vmem>>[vector<16xi32>, vector<16xi32>, vector<16xi32>], vector<16xf32>,
        %add3A_1016 = arith.addf %add3A_1010, %gather3A_1015 : vector<16xf32>
        %broadcast_in_dim3A_1017 = arith.constant 5 : i32
        %broadcast_in_dim3A_1018 = vector.broadcast %broadcast_in_dim3A_1017 : i32 to vector<16xi32>
        %broadcast_in_dim3A_1019 = arith.constant 3 : i32
        %broadcast_in_dim3A_1020 = vector.broadcast %broadcast_in_dim3A_1019 : i32 to vector<16xi32>
        %gather3A_1021 = tpu.vector_load_idx %arg6[%broadcast_in_dim3A_1018, %add3A_463, %broadcast_in_dim3A_1020] : memref<6x320x8xf32, #tpu.memory_space<vmem>>[vector<16xi32>, vector<16xi32>, vector<16xi32>], vector<16xf32>,
        %add3A_1022 = arith.addf %add3A_1016, %gather3A_1021 : vector<16xf32>
        %broadcast_in_dim3A_1023 = arith.constant 5 : i32
        %broadcast_in_dim3A_1024 = vector.broadcast %broadcast_in_dim3A_1023 : i32 to vector<16xi32>
        %broadcast_in_dim3A_1025 = arith.constant 4 : i32
        %broadcast_in_dim3A_1026 = vector.broadcast %broadcast_in_dim3A_1025 : i32 to vector<16xi32>
        %gather3A_1027 = tpu.vector_load_idx %arg6[%broadcast_in_dim3A_1024, %add3A_463, %broadcast_in_dim3A_1026] : memref<6x320x8xf32, #tpu.memory_space<vmem>>[vector<16xi32>, vector<16xi32>, vector<16xi32>], vector<16xf32>,
        %add3A_1028 = arith.addf %add3A_1022, %gather3A_1027 : vector<16xf32>
        %broadcast_in_dim3A_1029 = arith.constant 5 : i32
        %broadcast_in_dim3A_1030 = vector.broadcast %broadcast_in_dim3A_1029 : i32 to vector<16xi32>
        %broadcast_in_dim3A_1031 = arith.constant 5 : i32
        %broadcast_in_dim3A_1032 = vector.broadcast %broadcast_in_dim3A_1031 : i32 to vector<16xi32>
        %gather3A_1033 = tpu.vector_load_idx %arg6[%broadcast_in_dim3A_1030, %add3A_463, %broadcast_in_dim3A_1032] : memref<6x320x8xf32, #tpu.memory_space<vmem>>[vector<16xi32>, vector<16xi32>, vector<16xi32>], vector<16xf32>,
        %add3A_1034 = arith.addf %add3A_1028, %gather3A_1033 : vector<16xf32>
        %broadcast_in_dim3A_1035 = arith.constant 5 : i32
        %broadcast_in_dim3A_1036 = vector.broadcast %broadcast_in_dim3A_1035 : i32 to vector<16xi32>
        %broadcast_in_dim3A_1037 = arith.constant 6 : i32
        %broadcast_in_dim3A_1038 = vector.broadcast %broadcast_in_dim3A_1037 : i32 to vector<16xi32>
        %gather3A_1039 = tpu.vector_load_idx %arg6[%broadcast_in_dim3A_1036, %add3A_463, %broadcast_in_dim3A_1038] : memref<6x320x8xf32, #tpu.memory_space<vmem>>[vector<16xi32>, vector<16xi32>, vector<16xi32>], vector<16xf32>,
        %add3A_1040 = arith.addf %add3A_1034, %gather3A_1039 : vector<16xf32>
        %broadcast_in_dim3A_1041 = arith.constant 5 : i32
        %broadcast_in_dim3A_1042 = vector.broadcast %broadcast_in_dim3A_1041 : i32 to vector<16xi32>
        %broadcast_in_dim3A_1043 = arith.constant 7 : i32
        %broadcast_in_dim3A_1044 = vector.broadcast %broadcast_in_dim3A_1043 : i32 to vector<16xi32>
        %gather3A_1045 = tpu.vector_load_idx %arg6[%broadcast_in_dim3A_1042, %add3A_463, %broadcast_in_dim3A_1044] : memref<6x320x8xf32, #tpu.memory_space<vmem>>[vector<16xi32>, vector<16xi32>, vector<16xi32>], vector<16xf32>,
        %add3A_1046 = arith.addf %add3A_1040, %gather3A_1045 : vector<16xf32>
        %mul3A_1047 = arith.constant 2.500000e-01 : f32
        %mul3A_1048 = vector.broadcast %mul3A_1047 : f32 to vector<16xf32>
        %mul3A_1049 = arith.mulf %add3A_1046, %mul3A_1048 : vector<16xf32>
        %exp3A_1050 = math.exp %mul3A_1049 : vector<16xf32>
        %sub3A_1051 = arith.constant 1.000000e+00 : f32
        %sub3A_1052 = vector.broadcast %sub3A_1051 : f32 to vector<16xf32>
        %sub3A_1053 = arith.subf %exp3A_1050, %sub3A_1052 : vector<16xf32>
        %add3A_1054 = arith.constant 1.000000e+00 : f32
        %add3A_1055 = vector.broadcast %add3A_1054 : f32 to vector<16xf32>
        %add3A_1056 = arith.addf %exp3A_1050, %add3A_1055 : vector<16xf32>
        %div3A_1057 = arith.divf %sub3A_1053, %add3A_1056 : vector<16xf32>
        %le3A_1058 = vector.broadcast %while3A_232#2 : i32 to vector<16xi32>
        %le3A_1059 = arith.cmpi sle, %add3A_468, %le3A_1058 : vector<16xi32>
        %and3A_1060 = arith.andi %gt3A_993, %le3A_1059 : vector<16xi1>
        %add3A_1061 = arith.constant 1.000000e+00 : f32
        %add3A_1062 = vector.broadcast %add3A_1061 : f32 to vector<16xf32>
        %add3A_1063 = arith.addf %add3A_1062, %div3A_1057 : vector<16xf32>
        %jit3A_1064 = arith.constant 0.000000e+00 : f32
        %broadcast_in_dim3A_1065 = vector.broadcast %jit3A_1064 : f32 to vector<16xf32>
        %select_n3A_1066 = arith.select %and3A_1060, %add3A_1063, %broadcast_in_dim3A_1065 : vector<16xi1>, vector<16xf32>
        %add3A_1067 = arith.addf %add3A_967, %select_n3A_1066 : vector<16xf32>
        %max3A_1068 = arith.constant 1.000000e+00 : f32
        %max3A_1069 = vector.broadcast %max3A_1068 : f32 to vector<16xf32>
        %max3A_1070 = arith.maximumf %add3A_999, %max3A_1069 : vector<16xf32>
        %div3A_1071 = arith.divf %add3A_1067, %max3A_1070 : vector<16xf32>
        %mul3A_1072 = arith.constant 16 : i32
        %mul3A_1073 = arith.muli %while3A_445, %mul3A_1072 : i32
        %add3A_1074 = arith.addi %sub3A_12, %mul3A_1073 : i32
        %swap3A_1075 = arith.index_cast %add3A_1074 : i32 to index
        %swap3A_1076 = tpu.vector_load %arg8[%swap3A_1075] {strides = array<i32>} : memref<320xf32, #tpu.memory_space<vmem>>, vector<16xf32>,
        tpu.vector_store %arg8[%swap3A_1075], %div3A_1071 {strides = array<i32>} : memref<320xf32, #tpu.memory_space<vmem>>, vector<16xf32>,
      } else {
      }
      %while3A_458 = arith.constant 0 : i32
      scf.yield %while3A_458 : i32
    }
    %while3A_438 = arith.constant 1 : i32
    %while3A_439 = scf.for %while3A_445 = %while3A_435 to %while3A_431 step %while3A_438 iter_args(%while3A_446 = %while3A_437) -> (i32)  : i32 {
      %broadcast_in_dim3A = arith.constant 0.000000e+00 : f32
      %broadcast_in_dim3A_447 = vector.broadcast %broadcast_in_dim3A : f32 to vector<16xf32>
      %mul3A_448 = arith.constant 16 : i32
      %mul3A_449 = arith.muli %while3A_445, %mul3A_448 : i32
      %add3A_450 = arith.addi %sub3A_12, %mul3A_449 : i32
      %swap3A = arith.index_cast %add3A_450 : i32 to index
      %swap3A_451 = tpu.vector_load %arg8[%swap3A] {strides = array<i32>} : memref<320xf32, #tpu.memory_space<vmem>>, vector<16xf32>,
      tpu.vector_store %arg8[%swap3A], %broadcast_in_dim3A_447 {strides = array<i32>} : memref<320xf32, #tpu.memory_space<vmem>>, vector<16xf32>,
      %mul3A_452 = arith.constant 16 : i32
      %mul3A_453 = arith.muli %while3A_445, %mul3A_452 : i32
      %add3A_454 = arith.addi %select_n3A_10, %mul3A_453 : i32
      %le3A = arith.cmpi sle, %add3A_454, %max3A_236 : i32
      %convert_element_type3A_455 = arith.extui %le3A : i1 to i32
      %cond3A_456 = arith.constant 0 : i32
      %cond3A_457 = arith.cmpi ne, %convert_element_type3A_455, %cond3A_456 : i32
      scf.if %cond3A_457 {
        %mul3A_459 = arith.constant 16 : i32
        %mul3A_460 = arith.muli %while3A_445, %mul3A_459 : i32
        %add3A_461 = arith.addi %sub3A_12, %mul3A_460 : i32
        %add3A_462 = vector.broadcast %add3A_461 : i32 to vector<16xi32>
        %add3A_463 = arith.addi %add3A_462, %iota3A : vector<16xi32>
        %mul3A_464 = arith.constant 16 : i32
        %mul3A_465 = arith.muli %while3A_445, %mul3A_464 : i32
        %add3A_466 = arith.addi %select_n3A_10, %mul3A_465 : i32
        %add3A_467 = vector.broadcast %add3A_466 : i32 to vector<16xi32>
        %add3A_468 = arith.addi %add3A_467, %iota3A : vector<16xi32>
        %broadcast_in_dim3A_469 = arith.constant 0.000000e+00 : f32
        %broadcast_in_dim3A_470 = vector.broadcast %broadcast_in_dim3A_469 : f32 to vector<16xf32>
        %broadcast_in_dim3A_471 = arith.constant 0.000000e+00 : f32
        %broadcast_in_dim3A_472 = vector.broadcast %broadcast_in_dim3A_471 : f32 to vector<16xf32>
        %broadcast_in_dim3A_473 = arith.constant 0 : i32
        %broadcast_in_dim3A_474 = vector.broadcast %broadcast_in_dim3A_473 : i32 to vector<16xi32>
        %broadcast_in_dim3A_475 = arith.constant 0 : i32
        %broadcast_in_dim3A_476 = vector.broadcast %broadcast_in_dim3A_475 : i32 to vector<16xi32>
        %gather3A = tpu.vector_load_idx %arg5[%broadcast_in_dim3A_474, %add3A_463, %broadcast_in_dim3A_476] : memref<6x320x4xi32, #tpu.memory_space<vmem>>[vector<16xi32>, vector<16xi32>, vector<16xi32>], vector<16xi32>,
        %broadcast_in_dim3A_477 = arith.constant 0 : i32
        %broadcast_in_dim3A_478 = vector.broadcast %broadcast_in_dim3A_477 : i32 to vector<16xi32>
        %broadcast_in_dim3A_479 = arith.constant 1 : i32
        %broadcast_in_dim3A_480 = vector.broadcast %broadcast_in_dim3A_479 : i32 to vector<16xi32>
        %gather3A_481 = tpu.vector_load_idx %arg5[%broadcast_in_dim3A_478, %add3A_463, %broadcast_in_dim3A_480] : memref<6x320x4xi32, #tpu.memory_space<vmem>>[vector<16xi32>, vector<16xi32>, vector<16xi32>], vector<16xi32>,
        %add3A_482 = arith.addi %gather3A, %gather3A_481 : vector<16xi32>
        %broadcast_in_dim3A_483 = arith.constant 0 : i32
        %broadcast_in_dim3A_484 = vector.broadcast %broadcast_in_dim3A_483 : i32 to vector<16xi32>
        %broadcast_in_dim3A_485 = arith.constant 2 : i32
        %broadcast_in_dim3A_486 = vector.broadcast %broadcast_in_dim3A_485 : i32 to vector<16xi32>
        %gather3A_487 = tpu.vector_load_idx %arg5[%broadcast_in_dim3A_484, %add3A_463, %broadcast_in_dim3A_486] : memref<6x320x4xi32, #tpu.memory_space<vmem>>[vector<16xi32>, vector<16xi32>, vector<16xi32>], vector<16xi32>,
        %add3A_488 = arith.addi %add3A_482, %gather3A_487 : vector<16xi32>
        %broadcast_in_dim3A_489 = arith.constant 0 : i32
        %broadcast_in_dim3A_490 = vector.broadcast %broadcast_in_dim3A_489 : i32 to vector<16xi32>
        %broadcast_in_dim3A_491 = arith.constant 3 : i32
        %broadcast_in_dim3A_492 = vector.broadcast %broadcast_in_dim3A_491 : i32 to vector<16xi32>
        %gather3A_493 = tpu.vector_load_idx %arg5[%broadcast_in_dim3A_490, %add3A_463, %broadcast_in_dim3A_492] : memref<6x320x4xi32, #tpu.memory_space<vmem>>[vector<16xi32>, vector<16xi32>, vector<16xi32>], vector<16xi32>,
        %add3A_494 = arith.addi %add3A_488, %gather3A_493 : vector<16xi32>
        %gt3A = arith.constant 0 : i32
        %gt3A_495 = vector.broadcast %gt3A : i32 to vector<16xi32>
        %gt3A_496 = arith.cmpi sgt, %add3A_494, %gt3A_495 : vector<16xi32>
        %jit3A_497 = arith.constant 1.000000e+00 : f32
        %jit3A_498 = arith.constant 0.000000e+00 : f32
        %broadcast_in_dim3A_499 = vector.broadcast %jit3A_497 : f32 to vector<16xf32>
        %broadcast_in_dim3A_500 = vector.broadcast %jit3A_498 : f32 to vector<16xf32>
        %select_n3A_501 = arith.select %gt3A_496, %broadcast_in_dim3A_499, %broadcast_in_dim3A_500 : vector<16xi1>, vector<16xf32>
        %add3A_502 = arith.addf %broadcast_in_dim3A_470, %select_n3A_501 : vector<16xf32>
        %broadcast_in_dim3A_503 = arith.constant 0 : i32
        %broadcast_in_dim3A_504 = vector.broadcast %broadcast_in_dim3A_503 : i32 to vector<16xi32>
        %broadcast_in_dim3A_505 = arith.constant 0 : i32
        %broadcast_in_dim3A_506 = vector.broadcast %broadcast_in_dim3A_505 : i32 to vector<16xi32>
        %gather3A_507 = tpu.vector_load_idx %arg6[%broadcast_in_dim3A_504, %add3A_463, %broadcast_in_dim3A_506] : memref<6x320x8xf32, #tpu.memory_space<vmem>>[vector<16xi32>, vector<16xi32>, vector<16xi32>], vector<16xf32>,
        %broadcast_in_dim3A_508 = arith.constant 0 : i32
        %broadcast_in_dim3A_509 = vector.broadcast %broadcast_in_dim3A_508 : i32 to vector<16xi32>
        %broadcast_in_dim3A_510 = arith.constant 1 : i32
        %broadcast_in_dim3A_511 = vector.broadcast %broadcast_in_dim3A_510 : i32 to vector<16xi32>
        %gather3A_512 = tpu.vector_load_idx %arg6[%broadcast_in_dim3A_509, %add3A_463, %broadcast_in_dim3A_511] : memref<6x320x8xf32, #tpu.memory_space<vmem>>[vector<16xi32>, vector<16xi32>, vector<16xi32>], vector<16xf32>,
        %add3A_513 = arith.addf %gather3A_507, %gather3A_512 : vector<16xf32>
        %broadcast_in_dim3A_514 = arith.constant 0 : i32
        %broadcast_in_dim3A_515 = vector.broadcast %broadcast_in_dim3A_514 : i32 to vector<16xi32>
        %broadcast_in_dim3A_516 = arith.constant 2 : i32
        %broadcast_in_dim3A_517 = vector.broadcast %broadcast_in_dim3A_516 : i32 to vector<16xi32>
        %gather3A_518 = tpu.vector_load_idx %arg6[%broadcast_in_dim3A_515, %add3A_463, %broadcast_in_dim3A_517] : memref<6x320x8xf32, #tpu.memory_space<vmem>>[vector<16xi32>, vector<16xi32>, vector<16xi32>], vector<16xf32>,
        %add3A_519 = arith.addf %add3A_513, %gather3A_518 : vector<16xf32>
        %broadcast_in_dim3A_520 = arith.constant 0 : i32
        %broadcast_in_dim3A_521 = vector.broadcast %broadcast_in_dim3A_520 : i32 to vector<16xi32>
        %broadcast_in_dim3A_522 = arith.constant 3 : i32
        %broadcast_in_dim3A_523 = vector.broadcast %broadcast_in_dim3A_522 : i32 to vector<16xi32>
        %gather3A_524 = tpu.vector_load_idx %arg6[%broadcast_in_dim3A_521, %add3A_463, %broadcast_in_dim3A_523] : memref<6x320x8xf32, #tpu.memory_space<vmem>>[vector<16xi32>, vector<16xi32>, vector<16xi32>], vector<16xf32>,
        %add3A_525 = arith.addf %add3A_519, %gather3A_524 : vector<16xf32>
        %broadcast_in_dim3A_526 = arith.constant 0 : i32
        %broadcast_in_dim3A_527 = vector.broadcast %broadcast_in_dim3A_526 : i32 to vector<16xi32>
        %broadcast_in_dim3A_528 = arith.constant 4 : i32
        %broadcast_in_dim3A_529 = vector.broadcast %broadcast_in_dim3A_528 : i32 to vector<16xi32>
        %gather3A_530 = tpu.vector_load_idx %arg6[%broadcast_in_dim3A_527, %add3A_463, %broadcast_in_dim3A_529] : memref<6x320x8xf32, #tpu.memory_space<vmem>>[vector<16xi32>, vector<16xi32>, vector<16xi32>], vector<16xf32>,
        %add3A_531 = arith.addf %add3A_525, %gather3A_530 : vector<16xf32>
        %broadcast_in_dim3A_532 = arith.constant 0 : i32
        %broadcast_in_dim3A_533 = vector.broadcast %broadcast_in_dim3A_532 : i32 to vector<16xi32>
        %broadcast_in_dim3A_534 = arith.constant 5 : i32
        %broadcast_in_dim3A_535 = vector.broadcast %broadcast_in_dim3A_534 : i32 to vector<16xi32>
        %gather3A_536 = tpu.vector_load_idx %arg6[%broadcast_in_dim3A_533, %add3A_463, %broadcast_in_dim3A_535] : memref<6x320x8xf32, #tpu.memory_space<vmem>>[vector<16xi32>, vector<16xi32>, vector<16xi32>], vector<16xf32>,
        %add3A_537 = arith.addf %add3A_531, %gather3A_536 : vector<16xf32>
        %broadcast_in_dim3A_538 = arith.constant 0 : i32
        %broadcast_in_dim3A_539 = vector.broadcast %broadcast_in_dim3A_538 : i32 to vector<16xi32>
        %broadcast_in_dim3A_540 = arith.constant 6 : i32
        %broadcast_in_dim3A_541 = vector.broadcast %broadcast_in_dim3A_540 : i32 to vector<16xi32>
        %gather3A_542 = tpu.vector_load_idx %arg6[%broadcast_in_dim3A_539, %add3A_463, %broadcast_in_dim3A_541] : memref<6x320x8xf32, #tpu.memory_space<vmem>>[vector<16xi32>, vector<16xi32>, vector<16xi32>], vector<16xf32>,
        %add3A_543 = arith.addf %add3A_537, %gather3A_542 : vector<16xf32>
        %broadcast_in_dim3A_544 = arith.constant 0 : i32
        %broadcast_in_dim3A_545 = vector.broadcast %broadcast_in_dim3A_544 : i32 to vector<16xi32>
        %broadcast_in_dim3A_546 = arith.constant 7 : i32
        %broadcast_in_dim3A_547 = vector.broadcast %broadcast_in_dim3A_546 : i32 to vector<16xi32>
        %gather3A_548 = tpu.vector_load_idx %arg6[%broadcast_in_dim3A_545, %add3A_463, %broadcast_in_dim3A_547] : memref<6x320x8xf32, #tpu.memory_space<vmem>>[vector<16xi32>, vector<16xi32>, vector<16xi32>], vector<16xf32>,
        %add3A_549 = arith.addf %add3A_543, %gather3A_548 : vector<16xf32>
        %mul3A_550 = arith.constant 2.500000e-01 : f32
        %mul3A_551 = vector.broadcast %mul3A_550 : f32 to vector<16xf32>
        %mul3A_552 = arith.mulf %add3A_549, %mul3A_551 : vector<16xf32>
        %exp3A = math.exp %mul3A_552 : vector<16xf32>
        %sub3A_553 = arith.constant 1.000000e+00 : f32
        %sub3A_554 = vector.broadcast %sub3A_553 : f32 to vector<16xf32>
        %sub3A_555 = arith.subf %exp3A, %sub3A_554 : vector<16xf32>
        %add3A_556 = arith.constant 1.000000e+00 : f32
        %add3A_557 = vector.broadcast %add3A_556 : f32 to vector<16xf32>
        %add3A_558 = arith.addf %exp3A, %add3A_557 : vector<16xf32>
        %div3A = arith.divf %sub3A_555, %add3A_558 : vector<16xf32>
        %le3A_559 = vector.broadcast %while3A_207#2 : i32 to vector<16xi32>
        %le3A_560 = arith.cmpi sle, %add3A_468, %le3A_559 : vector<16xi32>
        %and3A = arith.andi %gt3A_496, %le3A_560 : vector<16xi1>
        %add3A_561 = arith.constant 1.000000e+00 : f32
        %add3A_562 = vector.broadcast %add3A_561 : f32 to vector<16xf32>
        %add3A_563 = arith.addf %add3A_562, %div3A : vector<16xf32>
        %jit3A_564 = arith.constant 0.000000e+00 : f32
        %broadcast_in_dim3A_565 = vector.broadcast %jit3A_564 : f32 to vector<16xf32>
        %select_n3A_566 = arith.select %and3A, %add3A_563, %broadcast_in_dim3A_565 : vector<16xi1>, vector<16xf32>
        %add3A_567 = arith.addf %broadcast_in_dim3A_472, %select_n3A_566 : vector<16xf32>
        %broadcast_in_dim3A_568 = arith.constant 1 : i32
        %broadcast_in_dim3A_569 = vector.broadcast %broadcast_in_dim3A_568 : i32 to vector<16xi32>
        %broadcast_in_dim3A_570 = arith.constant 0 : i32
        %broadcast_in_dim3A_571 = vector.broadcast %broadcast_in_dim3A_570 : i32 to vector<16xi32>
        %gather3A_572 = tpu.vector_load_idx %arg5[%broadcast_in_dim3A_569, %add3A_463, %broadcast_in_dim3A_571] : memref<6x320x4xi32, #tpu.memory_space<vmem>>[vector<16xi32>, vector<16xi32>, vector<16xi32>], vector<16xi32>,
        %broadcast_in_dim3A_573 = arith.constant 1 : i32
        %broadcast_in_dim3A_574 = vector.broadcast %broadcast_in_dim3A_573 : i32 to vector<16xi32>
        %broadcast_in_dim3A_575 = arith.constant 1 : i32
        %broadcast_in_dim3A_576 = vector.broadcast %broadcast_in_dim3A_575 : i32 to vector<16xi32>
        %gather3A_577 = tpu.vector_load_idx %arg5[%broadcast_in_dim3A_574, %add3A_463, %broadcast_in_dim3A_576] : memref<6x320x4xi32, #tpu.memory_space<vmem>>[vector<16xi32>, vector<16xi32>, vector<16xi32>], vector<16xi32>,
        %add3A_578 = arith.addi %gather3A_572, %gather3A_577 : vector<16xi32>
        %broadcast_in_dim3A_579 = arith.constant 1 : i32
        %broadcast_in_dim3A_580 = vector.broadcast %broadcast_in_dim3A_579 : i32 to vector<16xi32>
        %broadcast_in_dim3A_581 = arith.constant 2 : i32
        %broadcast_in_dim3A_582 = vector.broadcast %broadcast_in_dim3A_581 : i32 to vector<16xi32>
        %gather3A_583 = tpu.vector_load_idx %arg5[%broadcast_in_dim3A_580, %add3A_463, %broadcast_in_dim3A_582] : memref<6x320x4xi32, #tpu.memory_space<vmem>>[vector<16xi32>, vector<16xi32>, vector<16xi32>], vector<16xi32>,
        %add3A_584 = arith.addi %add3A_578, %gather3A_583 : vector<16xi32>
        %broadcast_in_dim3A_585 = arith.constant 1 : i32
        %broadcast_in_dim3A_586 = vector.broadcast %broadcast_in_dim3A_585 : i32 to vector<16xi32>
        %broadcast_in_dim3A_587 = arith.constant 3 : i32
        %broadcast_in_dim3A_588 = vector.broadcast %broadcast_in_dim3A_587 : i32 to vector<16xi32>
        %gather3A_589 = tpu.vector_load_idx %arg5[%broadcast_in_dim3A_586, %add3A_463, %broadcast_in_dim3A_588] : memref<6x320x4xi32, #tpu.memory_space<vmem>>[vector<16xi32>, vector<16xi32>, vector<16xi32>], vector<16xi32>,
        %add3A_590 = arith.addi %add3A_584, %gather3A_589 : vector<16xi32>
        %gt3A_591 = arith.constant 0 : i32
        %gt3A_592 = vector.broadcast %gt3A_591 : i32 to vector<16xi32>
        %gt3A_593 = arith.cmpi sgt, %add3A_590, %gt3A_592 : vector<16xi32>
        %jit3A_594 = arith.constant 1.000000e+00 : f32
        %jit3A_595 = arith.constant 0.000000e+00 : f32
        %broadcast_in_dim3A_596 = vector.broadcast %jit3A_594 : f32 to vector<16xf32>
        %broadcast_in_dim3A_597 = vector.broadcast %jit3A_595 : f32 to vector<16xf32>
        %select_n3A_598 = arith.select %gt3A_593, %broadcast_in_dim3A_596, %broadcast_in_dim3A_597 : vector<16xi1>, vector<16xf32>
        %add3A_599 = arith.addf %add3A_502, %select_n3A_598 : vector<16xf32>
        %broadcast_in_dim3A_600 = arith.constant 1 : i32
        %broadcast_in_dim3A_601 = vector.broadcast %broadcast_in_dim3A_600 : i32 to vector<16xi32>
        %broadcast_in_dim3A_602 = arith.constant 0 : i32
        %broadcast_in_dim3A_603 = vector.broadcast %broadcast_in_dim3A_602 : i32 to vector<16xi32>
        %gather3A_604 = tpu.vector_load_idx %arg6[%broadcast_in_dim3A_601, %add3A_463, %broadcast_in_dim3A_603] : memref<6x320x8xf32, #tpu.memory_space<vmem>>[vector<16xi32>, vector<16xi32>, vector<16xi32>], vector<16xf32>,
        %broadcast_in_dim3A_605 = arith.constant 1 : i32
        %broadcast_in_dim3A_606 = vector.broadcast %broadcast_in_dim3A_605 : i32 to vector<16xi32>
        %broadcast_in_dim3A_607 = arith.constant 1 : i32
        %broadcast_in_dim3A_608 = vector.broadcast %broadcast_in_dim3A_607 : i32 to vector<16xi32>
        %gather3A_609 = tpu.vector_load_idx %arg6[%broadcast_in_dim3A_606, %add3A_463, %broadcast_in_dim3A_608] : memref<6x320x8xf32, #tpu.memory_space<vmem>>[vector<16xi32>, vector<16xi32>, vector<16xi32>], vector<16xf32>,
        %add3A_610 = arith.addf %gather3A_604, %gather3A_609 : vector<16xf32>
        %broadcast_in_dim3A_611 = arith.constant 1 : i32
        %broadcast_in_dim3A_612 = vector.broadcast %broadcast_in_dim3A_611 : i32 to vector<16xi32>
        %broadcast_in_dim3A_613 = arith.constant 2 : i32
        %broadcast_in_dim3A_614 = vector.broadcast %broadcast_in_dim3A_613 : i32 to vector<16xi32>
        %gather3A_615 = tpu.vector_load_idx %arg6[%broadcast_in_dim3A_612, %add3A_463, %broadcast_in_dim3A_614] : memref<6x320x8xf32, #tpu.memory_space<vmem>>[vector<16xi32>, vector<16xi32>, vector<16xi32>], vector<16xf32>,
        %add3A_616 = arith.addf %add3A_610, %gather3A_615 : vector<16xf32>
        %broadcast_in_dim3A_617 = arith.constant 1 : i32
        %broadcast_in_dim3A_618 = vector.broadcast %broadcast_in_dim3A_617 : i32 to vector<16xi32>
        %broadcast_in_dim3A_619 = arith.constant 3 : i32
        %broadcast_in_dim3A_620 = vector.broadcast %broadcast_in_dim3A_619 : i32 to vector<16xi32>
        %gather3A_621 = tpu.vector_load_idx %arg6[%broadcast_in_dim3A_618, %add3A_463, %broadcast_in_dim3A_620] : memref<6x320x8xf32, #tpu.memory_space<vmem>>[vector<16xi32>, vector<16xi32>, vector<16xi32>], vector<16xf32>,
        %add3A_622 = arith.addf %add3A_616, %gather3A_621 : vector<16xf32>
        %broadcast_in_dim3A_623 = arith.constant 1 : i32
        %broadcast_in_dim3A_624 = vector.broadcast %broadcast_in_dim3A_623 : i32 to vector<16xi32>
        %broadcast_in_dim3A_625 = arith.constant 4 : i32
        %broadcast_in_dim3A_626 = vector.broadcast %broadcast_in_dim3A_625 : i32 to vector<16xi32>
        %gather3A_627 = tpu.vector_load_idx %arg6[%broadcast_in_dim3A_624, %add3A_463, %broadcast_in_dim3A_626] : memref<6x320x8xf32, #tpu.memory_space<vmem>>[vector<16xi32>, vector<16xi32>, vector<16xi32>], vector<16xf32>,
        %add3A_628 = arith.addf %add3A_622, %gather3A_627 : vector<16xf32>
        %broadcast_in_dim3A_629 = arith.constant 1 : i32
        %broadcast_in_dim3A_630 = vector.broadcast %broadcast_in_dim3A_629 : i32 to vector<16xi32>
        %broadcast_in_dim3A_631 = arith.constant 5 : i32
        %broadcast_in_dim3A_632 = vector.broadcast %broadcast_in_dim3A_631 : i32 to vector<16xi32>
        %gather3A_633 = tpu.vector_load_idx %arg6[%broadcast_in_dim3A_630, %add3A_463, %broadcast_in_dim3A_632] : memref<6x320x8xf32, #tpu.memory_space<vmem>>[vector<16xi32>, vector<16xi32>, vector<16xi32>], vector<16xf32>,
        %add3A_634 = arith.addf %add3A_628, %gather3A_633 : vector<16xf32>
        %broadcast_in_dim3A_635 = arith.constant 1 : i32
        %broadcast_in_dim3A_636 = vector.broadcast %broadcast_in_dim3A_635 : i32 to vector<16xi32>
        %broadcast_in_dim3A_637 = arith.constant 6 : i32
        %broadcast_in_dim3A_638 = vector.broadcast %broadcast_in_dim3A_637 : i32 to vector<16xi32>
        %gather3A_639 = tpu.vector_load_idx %arg6[%broadcast_in_dim3A_636, %add3A_463, %broadcast_in_dim3A_638] : memref<6x320x8xf32, #tpu.memory_space<vmem>>[vector<16xi32>, vector<16xi32>, vector<16xi32>], vector<16xf32>,
        %add3A_640 = arith.addf %add3A_634, %gather3A_639 : vector<16xf32>
        %broadcast_in_dim3A_641 = arith.constant 1 : i32
        %broadcast_in_dim3A_642 = vector.broadcast %broadcast_in_dim3A_641 : i32 to vector<16xi32>
        %broadcast_in_dim3A_643 = arith.constant 7 : i32
        %broadcast_in_dim3A_644 = vector.broadcast %broadcast_in_dim3A_643 : i32 to vector<16xi32>
        %gather3A_645 = tpu.vector_load_idx %arg6[%broadcast_in_dim3A_642, %add3A_463, %broadcast_in_dim3A_644] : memref<6x320x8xf32, #tpu.memory_space<vmem>>[vector<16xi32>, vector<16xi32>, vector<16xi32>], vector<16xf32>,
        %add3A_646 = arith.addf %add3A_640, %gather3A_645 : vector<16xf32>
        %mul3A_647 = arith.constant 2.500000e-01 : f32
        %mul3A_648 = vector.broadcast %mul3A_647 : f32 to vector<16xf32>
        %mul3A_649 = arith.mulf %add3A_646, %mul3A_648 : vector<16xf32>
        %exp3A_650 = math.exp %mul3A_649 : vector<16xf32>
        %sub3A_651 = arith.constant 1.000000e+00 : f32
        %sub3A_652 = vector.broadcast %sub3A_651 : f32 to vector<16xf32>
        %sub3A_653 = arith.subf %exp3A_650, %sub3A_652 : vector<16xf32>
        %add3A_654 = arith.constant 1.000000e+00 : f32
        %add3A_655 = vector.broadcast %add3A_654 : f32 to vector<16xf32>
        %add3A_656 = arith.addf %exp3A_650, %add3A_655 : vector<16xf32>
        %div3A_657 = arith.divf %sub3A_653, %add3A_656 : vector<16xf32>
        %le3A_658 = vector.broadcast %while3A_212#2 : i32 to vector<16xi32>
        %le3A_659 = arith.cmpi sle, %add3A_468, %le3A_658 : vector<16xi32>
        %and3A_660 = arith.andi %gt3A_593, %le3A_659 : vector<16xi1>
        %add3A_661 = arith.constant 1.000000e+00 : f32
        %add3A_662 = vector.broadcast %add3A_661 : f32 to vector<16xf32>
        %add3A_663 = arith.addf %add3A_662, %div3A_657 : vector<16xf32>
        %jit3A_664 = arith.constant 0.000000e+00 : f32
        %broadcast_in_dim3A_665 = vector.broadcast %jit3A_664 : f32 to vector<16xf32>
        %select_n3A_666 = arith.select %and3A_660, %add3A_663, %broadcast_in_dim3A_665 : vector<16xi1>, vector<16xf32>
        %add3A_667 = arith.addf %add3A_567, %select_n3A_666 : vector<16xf32>
        %broadcast_in_dim3A_668 = arith.constant 2 : i32
        %broadcast_in_dim3A_669 = vector.broadcast %broadcast_in_dim3A_668 : i32 to vector<16xi32>
        %broadcast_in_dim3A_670 = arith.constant 0 : i32
        %broadcast_in_dim3A_671 = vector.broadcast %broadcast_in_dim3A_670 : i32 to vector<16xi32>
        %gather3A_672 = tpu.vector_load_idx %arg5[%broadcast_in_dim3A_669, %add3A_463, %broadcast_in_dim3A_671] : memref<6x320x4xi32, #tpu.memory_space<vmem>>[vector<16xi32>, vector<16xi32>, vector<16xi32>], vector<16xi32>,
        %broadcast_in_dim3A_673 = arith.constant 2 : i32
        %broadcast_in_dim3A_674 = vector.broadcast %broadcast_in_dim3A_673 : i32 to vector<16xi32>
        %broadcast_in_dim3A_675 = arith.constant 1 : i32
        %broadcast_in_dim3A_676 = vector.broadcast %broadcast_in_dim3A_675 : i32 to vector<16xi32>
        %gather3A_677 = tpu.vector_load_idx %arg5[%broadcast_in_dim3A_674, %add3A_463, %broadcast_in_dim3A_676] : memref<6x320x4xi32, #tpu.memory_space<vmem>>[vector<16xi32>, vector<16xi32>, vector<16xi32>], vector<16xi32>,
        %add3A_678 = arith.addi %gather3A_672, %gather3A_677 : vector<16xi32>
        %broadcast_in_dim3A_679 = arith.constant 2 : i32
        %broadcast_in_dim3A_680 = vector.broadcast %broadcast_in_dim3A_679 : i32 to vector<16xi32>
        %broadcast_in_dim3A_681 = arith.constant 2 : i32
        %broadcast_in_dim3A_682 = vector.broadcast %broadcast_in_dim3A_681 : i32 to vector<16xi32>
        %gather3A_683 = tpu.vector_load_idx %arg5[%broadcast_in_dim3A_680, %add3A_463, %broadcast_in_dim3A_682] : memref<6x320x4xi32, #tpu.memory_space<vmem>>[vector<16xi32>, vector<16xi32>, vector<16xi32>], vector<16xi32>,
        %add3A_684 = arith.addi %add3A_678, %gather3A_683 : vector<16xi32>
        %broadcast_in_dim3A_685 = arith.constant 2 : i32
        %broadcast_in_dim3A_686 = vector.broadcast %broadcast_in_dim3A_685 : i32 to vector<16xi32>
        %broadcast_in_dim3A_687 = arith.constant 3 : i32
        %broadcast_in_dim3A_688 = vector.broadcast %broadcast_in_dim3A_687 : i32 to vector<16xi32>
        %gather3A_689 = tpu.vector_load_idx %arg5[%broadcast_in_dim3A_686, %add3A_463, %broadcast_in_dim3A_688] : memref<6x320x4xi32, #tpu.memory_space<vmem>>[vector<16xi32>, vector<16xi32>, vector<16xi32>], vector<16xi32>,
        %add3A_690 = arith.addi %add3A_684, %gather3A_689 : vector<16xi32>
        %gt3A_691 = arith.constant 0 : i32
        %gt3A_692 = vector.broadcast %gt3A_691 : i32 to vector<16xi32>
        %gt3A_693 = arith.cmpi sgt, %add3A_690, %gt3A_692 : vector<16xi32>
        %jit3A_694 = arith.constant 1.000000e+00 : f32
        %jit3A_695 = arith.constant 0.000000e+00 : f32
        %broadcast_in_dim3A_696 = vector.broadcast %jit3A_694 : f32 to vector<16xf32>
        %broadcast_in_dim3A_697 = vector.broadcast %jit3A_695 : f32 to vector<16xf32>
        %select_n3A_698 = arith.select %gt3A_693, %broadcast_in_dim3A_696, %broadcast_in_dim3A_697 : vector<16xi1>, vector<16xf32>
        %add3A_699 = arith.addf %add3A_599, %select_n3A_698 : vector<16xf32>
        %broadcast_in_dim3A_700 = arith.constant 2 : i32
        %broadcast_in_dim3A_701 = vector.broadcast %broadcast_in_dim3A_700 : i32 to vector<16xi32>
        %broadcast_in_dim3A_702 = arith.constant 0 : i32
        %broadcast_in_dim3A_703 = vector.broadcast %broadcast_in_dim3A_702 : i32 to vector<16xi32>
        %gather3A_704 = tpu.vector_load_idx %arg6[%broadcast_in_dim3A_701, %add3A_463, %broadcast_in_dim3A_703] : memref<6x320x8xf32, #tpu.memory_space<vmem>>[vector<16xi32>, vector<16xi32>, vector<16xi32>], vector<16xf32>,
        %broadcast_in_dim3A_705 = arith.constant 2 : i32
        %broadcast_in_dim3A_706 = vector.broadcast %broadcast_in_dim3A_705 : i32 to vector<16xi32>
        %broadcast_in_dim3A_707 = arith.constant 1 : i32
        %broadcast_in_dim3A_708 = vector.broadcast %broadcast_in_dim3A_707 : i32 to vector<16xi32>
        %gather3A_709 = tpu.vector_load_idx %arg6[%broadcast_in_dim3A_706, %add3A_463, %broadcast_in_dim3A_708] : memref<6x320x8xf32, #tpu.memory_space<vmem>>[vector<16xi32>, vector<16xi32>, vector<16xi32>], vector<16xf32>,
        %add3A_710 = arith.addf %gather3A_704, %gather3A_709 : vector<16xf32>
        %broadcast_in_dim3A_711 = arith.constant 2 : i32
        %broadcast_in_dim3A_712 = vector.broadcast %broadcast_in_dim3A_711 : i32 to vector<16xi32>
        %broadcast_in_dim3A_713 = arith.constant 2 : i32
        %broadcast_in_dim3A_714 = vector.broadcast %broadcast_in_dim3A_713 : i32 to vector<16xi32>
        %gather3A_715 = tpu.vector_load_idx %arg6[%broadcast_in_dim3A_712, %add3A_463, %broadcast_in_dim3A_714] : memref<6x320x8xf32, #tpu.memory_space<vmem>>[vector<16xi32>, vector<16xi32>, vector<16xi32>], vector<16xf32>,
        %add3A_716 = arith.addf %add3A_710, %gather3A_715 : vector<16xf32>
        %broadcast_in_dim3A_717 = arith.constant 2 : i32
        %broadcast_in_dim3A_718 = vector.broadcast %broadcast_in_dim3A_717 : i32 to vector<16xi32>
        %broadcast_in_dim3A_719 = arith.constant 3 : i32
        %broadcast_in_dim3A_720 = vector.broadcast %broadcast_in_dim3A_719 : i32 to vector<16xi32>
        %gather3A_721 = tpu.vector_load_idx %arg6[%broadcast_in_dim3A_718, %add3A_463, %broadcast_in_dim3A_720] : memref<6x320x8xf32, #tpu.memory_space<vmem>>[vector<16xi32>, vector<16xi32>, vector<16xi32>], vector<16xf32>,
        %add3A_722 = arith.addf %add3A_716, %gather3A_721 : vector<16xf32>
        %broadcast_in_dim3A_723 = arith.constant 2 : i32
        %broadcast_in_dim3A_724 = vector.broadcast %broadcast_in_dim3A_723 : i32 to vector<16xi32>
        %broadcast_in_dim3A_725 = arith.constant 4 : i32
        %broadcast_in_dim3A_726 = vector.broadcast %broadcast_in_dim3A_725 : i32 to vector<16xi32>
        %gather3A_727 = tpu.vector_load_idx %arg6[%broadcast_in_dim3A_724, %add3A_463, %broadcast_in_dim3A_726] : memref<6x320x8xf32, #tpu.memory_space<vmem>>[vector<16xi32>, vector<16xi32>, vector<16xi32>], vector<16xf32>,
        %add3A_728 = arith.addf %add3A_722, %gather3A_727 : vector<16xf32>
        %broadcast_in_dim3A_729 = arith.constant 2 : i32
        %broadcast_in_dim3A_730 = vector.broadcast %broadcast_in_dim3A_729 : i32 to vector<16xi32>
        %broadcast_in_dim3A_731 = arith.constant 5 : i32
        %broadcast_in_dim3A_732 = vector.broadcast %broadcast_in_dim3A_731 : i32 to vector<16xi32>
        %gather3A_733 = tpu.vector_load_idx %arg6[%broadcast_in_dim3A_730, %add3A_463, %broadcast_in_dim3A_732] : memref<6x320x8xf32, #tpu.memory_space<vmem>>[vector<16xi32>, vector<16xi32>, vector<16xi32>], vector<16xf32>,
        %add3A_734 = arith.addf %add3A_728, %gather3A_733 : vector<16xf32>
        %broadcast_in_dim3A_735 = arith.constant 2 : i32
        %broadcast_in_dim3A_736 = vector.broadcast %broadcast_in_dim3A_735 : i32 to vector<16xi32>
        %broadcast_in_dim3A_737 = arith.constant 6 : i32
        %broadcast_in_dim3A_738 = vector.broadcast %broadcast_in_dim3A_737 : i32 to vector<16xi32>
        %gather3A_739 = tpu.vector_load_idx %arg6[%broadcast_in_dim3A_736, %add3A_463, %broadcast_in_dim3A_738] : memref<6x320x8xf32, #tpu.memory_space<vmem>>[vector<16xi32>, vector<16xi32>, vector<16xi32>], vector<16xf32>,
        %add3A_740 = arith.addf %add3A_734, %gather3A_739 : vector<16xf32>
        %broadcast_in_dim3A_741 = arith.constant 2 : i32
        %broadcast_in_dim3A_742 = vector.broadcast %broadcast_in_dim3A_741 : i32 to vector<16xi32>
        %broadcast_in_dim3A_743 = arith.constant 7 : i32
        %broadcast_in_dim3A_744 = vector.broadcast %broadcast_in_dim3A_743 : i32 to vector<16xi32>
        %gather3A_745 = tpu.vector_load_idx %arg6[%broadcast_in_dim3A_742, %add3A_463, %broadcast_in_dim3A_744] : memref<6x320x8xf32, #tpu.memory_space<vmem>>[vector<16xi32>, vector<16xi32>, vector<16xi32>], vector<16xf32>,
        %add3A_746 = arith.addf %add3A_740, %gather3A_745 : vector<16xf32>
        %mul3A_747 = arith.constant 2.500000e-01 : f32
        %mul3A_748 = vector.broadcast %mul3A_747 : f32 to vector<16xf32>
        %mul3A_749 = arith.mulf %add3A_746, %mul3A_748 : vector<16xf32>
        %exp3A_750 = math.exp %mul3A_749 : vector<16xf32>
        %sub3A_751 = arith.constant 1.000000e+00 : f32
        %sub3A_752 = vector.broadcast %sub3A_751 : f32 to vector<16xf32>
        %sub3A_753 = arith.subf %exp3A_750, %sub3A_752 : vector<16xf32>
        %add3A_754 = arith.constant 1.000000e+00 : f32
        %add3A_755 = vector.broadcast %add3A_754 : f32 to vector<16xf32>
        %add3A_756 = arith.addf %exp3A_750, %add3A_755 : vector<16xf32>
        %div3A_757 = arith.divf %sub3A_753, %add3A_756 : vector<16xf32>
        %le3A_758 = vector.broadcast %while3A_217#2 : i32 to vector<16xi32>
        %le3A_759 = arith.cmpi sle, %add3A_468, %le3A_758 : vector<16xi32>
        %and3A_760 = arith.andi %gt3A_693, %le3A_759 : vector<16xi1>
        %add3A_761 = arith.constant 1.000000e+00 : f32
        %add3A_762 = vector.broadcast %add3A_761 : f32 to vector<16xf32>
        %add3A_763 = arith.addf %add3A_762, %div3A_757 : vector<16xf32>
        %jit3A_764 = arith.constant 0.000000e+00 : f32
        %broadcast_in_dim3A_765 = vector.broadcast %jit3A_764 : f32 to vector<16xf32>
        %select_n3A_766 = arith.select %and3A_760, %add3A_763, %broadcast_in_dim3A_765 : vector<16xi1>, vector<16xf32>
        %add3A_767 = arith.addf %add3A_667, %select_n3A_766 : vector<16xf32>
        %broadcast_in_dim3A_768 = arith.constant 3 : i32
        %broadcast_in_dim3A_769 = vector.broadcast %broadcast_in_dim3A_768 : i32 to vector<16xi32>
        %broadcast_in_dim3A_770 = arith.constant 0 : i32
        %broadcast_in_dim3A_771 = vector.broadcast %broadcast_in_dim3A_770 : i32 to vector<16xi32>
        %gather3A_772 = tpu.vector_load_idx %arg5[%broadcast_in_dim3A_769, %add3A_463, %broadcast_in_dim3A_771] : memref<6x320x4xi32, #tpu.memory_space<vmem>>[vector<16xi32>, vector<16xi32>, vector<16xi32>], vector<16xi32>,
        %broadcast_in_dim3A_773 = arith.constant 3 : i32
        %broadcast_in_dim3A_774 = vector.broadcast %broadcast_in_dim3A_773 : i32 to vector<16xi32>
        %broadcast_in_dim3A_775 = arith.constant 1 : i32
        %broadcast_in_dim3A_776 = vector.broadcast %broadcast_in_dim3A_775 : i32 to vector<16xi32>
        %gather3A_777 = tpu.vector_load_idx %arg5[%broadcast_in_dim3A_774, %add3A_463, %broadcast_in_dim3A_776] : memref<6x320x4xi32, #tpu.memory_space<vmem>>[vector<16xi32>, vector<16xi32>, vector<16xi32>], vector<16xi32>,
        %add3A_778 = arith.addi %gather3A_772, %gather3A_777 : vector<16xi32>
        %broadcast_in_dim3A_779 = arith.constant 3 : i32
        %broadcast_in_dim3A_780 = vector.broadcast %broadcast_in_dim3A_779 : i32 to vector<16xi32>
        %broadcast_in_dim3A_781 = arith.constant 2 : i32
        %broadcast_in_dim3A_782 = vector.broadcast %broadcast_in_dim3A_781 : i32 to vector<16xi32>
        %gather3A_783 = tpu.vector_load_idx %arg5[%broadcast_in_dim3A_780, %add3A_463, %broadcast_in_dim3A_782] : memref<6x320x4xi32, #tpu.memory_space<vmem>>[vector<16xi32>, vector<16xi32>, vector<16xi32>], vector<16xi32>,
        %add3A_784 = arith.addi %add3A_778, %gather3A_783 : vector<16xi32>
        %broadcast_in_dim3A_785 = arith.constant 3 : i32
        %broadcast_in_dim3A_786 = vector.broadcast %broadcast_in_dim3A_785 : i32 to vector<16xi32>
        %broadcast_in_dim3A_787 = arith.constant 3 : i32
        %broadcast_in_dim3A_788 = vector.broadcast %broadcast_in_dim3A_787 : i32 to vector<16xi32>
        %gather3A_789 = tpu.vector_load_idx %arg5[%broadcast_in_dim3A_786, %add3A_463, %broadcast_in_dim3A_788] : memref<6x320x4xi32, #tpu.memory_space<vmem>>[vector<16xi32>, vector<16xi32>, vector<16xi32>], vector<16xi32>,
        %add3A_790 = arith.addi %add3A_784, %gather3A_789 : vector<16xi32>
        %gt3A_791 = arith.constant 0 : i32
        %gt3A_792 = vector.broadcast %gt3A_791 : i32 to vector<16xi32>
        %gt3A_793 = arith.cmpi sgt, %add3A_790, %gt3A_792 : vector<16xi32>
        %jit3A_794 = arith.constant 1.000000e+00 : f32
        %jit3A_795 = arith.constant 0.000000e+00 : f32
        %broadcast_in_dim3A_796 = vector.broadcast %jit3A_794 : f32 to vector<16xf32>
        %broadcast_in_dim3A_797 = vector.broadcast %jit3A_795 : f32 to vector<16xf32>
        %select_n3A_798 = arith.select %gt3A_793, %broadcast_in_dim3A_796, %broadcast_in_dim3A_797 : vector<16xi1>, vector<16xf32>
        %add3A_799 = arith.addf %add3A_699, %select_n3A_798 : vector<16xf32>
        %broadcast_in_dim3A_800 = arith.constant 3 : i32
        %broadcast_in_dim3A_801 = vector.broadcast %broadcast_in_dim3A_800 : i32 to vector<16xi32>
        %broadcast_in_dim3A_802 = arith.constant 0 : i32
        %broadcast_in_dim3A_803 = vector.broadcast %broadcast_in_dim3A_802 : i32 to vector<16xi32>
        %gather3A_804 = tpu.vector_load_idx %arg6[%broadcast_in_dim3A_801, %add3A_463, %broadcast_in_dim3A_803] : memref<6x320x8xf32, #tpu.memory_space<vmem>>[vector<16xi32>, vector<16xi32>, vector<16xi32>], vector<16xf32>,
        %broadcast_in_dim3A_805 = arith.constant 3 : i32
        %broadcast_in_dim3A_806 = vector.broadcast %broadcast_in_dim3A_805 : i32 to vector<16xi32>
        %broadcast_in_dim3A_807 = arith.constant 1 : i32
        %broadcast_in_dim3A_808 = vector.broadcast %broadcast_in_dim3A_807 : i32 to vector<16xi32>
        %gather3A_809 = tpu.vector_load_idx %arg6[%broadcast_in_dim3A_806, %add3A_463, %broadcast_in_dim3A_808] : memref<6x320x8xf32, #tpu.memory_space<vmem>>[vector<16xi32>, vector<16xi32>, vector<16xi32>], vector<16xf32>,
        %add3A_810 = arith.addf %gather3A_804, %gather3A_809 : vector<16xf32>
        %broadcast_in_dim3A_811 = arith.constant 3 : i32
        %broadcast_in_dim3A_812 = vector.broadcast %broadcast_in_dim3A_811 : i32 to vector<16xi32>
        %broadcast_in_dim3A_813 = arith.constant 2 : i32
        %broadcast_in_dim3A_814 = vector.broadcast %broadcast_in_dim3A_813 : i32 to vector<16xi32>
        %gather3A_815 = tpu.vector_load_idx %arg6[%broadcast_in_dim3A_812, %add3A_463, %broadcast_in_dim3A_814] : memref<6x320x8xf32, #tpu.memory_space<vmem>>[vector<16xi32>, vector<16xi32>, vector<16xi32>], vector<16xf32>,
        %add3A_816 = arith.addf %add3A_810, %gather3A_815 : vector<16xf32>
        %broadcast_in_dim3A_817 = arith.constant 3 : i32
        %broadcast_in_dim3A_818 = vector.broadcast %broadcast_in_dim3A_817 : i32 to vector<16xi32>
        %broadcast_in_dim3A_819 = arith.constant 3 : i32
        %broadcast_in_dim3A_820 = vector.broadcast %broadcast_in_dim3A_819 : i32 to vector<16xi32>
        %gather3A_821 = tpu.vector_load_idx %arg6[%broadcast_in_dim3A_818, %add3A_463, %broadcast_in_dim3A_820] : memref<6x320x8xf32, #tpu.memory_space<vmem>>[vector<16xi32>, vector<16xi32>, vector<16xi32>], vector<16xf32>,
        %add3A_822 = arith.addf %add3A_816, %gather3A_821 : vector<16xf32>
        %broadcast_in_dim3A_823 = arith.constant 3 : i32
        %broadcast_in_dim3A_824 = vector.broadcast %broadcast_in_dim3A_823 : i32 to vector<16xi32>
        %broadcast_in_dim3A_825 = arith.constant 4 : i32
        %broadcast_in_dim3A_826 = vector.broadcast %broadcast_in_dim3A_825 : i32 to vector<16xi32>
        %gather3A_827 = tpu.vector_load_idx %arg6[%broadcast_in_dim3A_824, %add3A_463, %broadcast_in_dim3A_826] : memref<6x320x8xf32, #tpu.memory_space<vmem>>[vector<16xi32>, vector<16xi32>, vector<16xi32>], vector<16xf32>,
        %add3A_828 = arith.addf %add3A_822, %gather3A_827 : vector<16xf32>
        %broadcast_in_dim3A_829 = arith.constant 3 : i32
        %broadcast_in_dim3A_830 = vector.broadcast %broadcast_in_dim3A_829 : i32 to vector<16xi32>
        %broadcast_in_dim3A_831 = arith.constant 5 : i32
        %broadcast_in_dim3A_832 = vector.broadcast %broadcast_in_dim3A_831 : i32 to vector<16xi32>
        %gather3A_833 = tpu.vector_load_idx %arg6[%broadcast_in_dim3A_830, %add3A_463, %broadcast_in_dim3A_832] : memref<6x320x8xf32, #tpu.memory_space<vmem>>[vector<16xi32>, vector<16xi32>, vector<16xi32>], vector<16xf32>,
        %add3A_834 = arith.addf %add3A_828, %gather3A_833 : vector<16xf32>
        %broadcast_in_dim3A_835 = arith.constant 3 : i32
        %broadcast_in_dim3A_836 = vector.broadcast %broadcast_in_dim3A_835 : i32 to vector<16xi32>
        %broadcast_in_dim3A_837 = arith.constant 6 : i32
        %broadcast_in_dim3A_838 = vector.broadcast %broadcast_in_dim3A_837 : i32 to vector<16xi32>
        %gather3A_839 = tpu.vector_load_idx %arg6[%broadcast_in_dim3A_836, %add3A_463, %broadcast_in_dim3A_838] : memref<6x320x8xf32, #tpu.memory_space<vmem>>[vector<16xi32>, vector<16xi32>, vector<16xi32>], vector<16xf32>,
        %add3A_840 = arith.addf %add3A_834, %gather3A_839 : vector<16xf32>
        %broadcast_in_dim3A_841 = arith.constant 3 : i32
        %broadcast_in_dim3A_842 = vector.broadcast %broadcast_in_dim3A_841 : i32 to vector<16xi32>
        %broadcast_in_dim3A_843 = arith.constant 7 : i32
        %broadcast_in_dim3A_844 = vector.broadcast %broadcast_in_dim3A_843 : i32 to vector<16xi32>
        %gather3A_845 = tpu.vector_load_idx %arg6[%broadcast_in_dim3A_842, %add3A_463, %broadcast_in_dim3A_844] : memref<6x320x8xf32, #tpu.memory_space<vmem>>[vector<16xi32>, vector<16xi32>, vector<16xi32>], vector<16xf32>,
        %add3A_846 = arith.addf %add3A_840, %gather3A_845 : vector<16xf32>
        %mul3A_847 = arith.constant 2.500000e-01 : f32
        %mul3A_848 = vector.broadcast %mul3A_847 : f32 to vector<16xf32>
        %mul3A_849 = arith.mulf %add3A_846, %mul3A_848 : vector<16xf32>
        %exp3A_850 = math.exp %mul3A_849 : vector<16xf32>
        %sub3A_851 = arith.constant 1.000000e+00 : f32
        %sub3A_852 = vector.broadcast %sub3A_851 : f32 to vector<16xf32>
        %sub3A_853 = arith.subf %exp3A_850, %sub3A_852 : vector<16xf32>
        %add3A_854 = arith.constant 1.000000e+00 : f32
        %add3A_855 = vector.broadcast %add3A_854 : f32 to vector<16xf32>
        %add3A_856 = arith.addf %exp3A_850, %add3A_855 : vector<16xf32>
        %div3A_857 = arith.divf %sub3A_853, %add3A_856 : vector<16xf32>
        %le3A_858 = vector.broadcast %while3A_222#2 : i32 to vector<16xi32>
        %le3A_859 = arith.cmpi sle, %add3A_468, %le3A_858 : vector<16xi32>
        %and3A_860 = arith.andi %gt3A_793, %le3A_859 : vector<16xi1>
        %add3A_861 = arith.constant 1.000000e+00 : f32
        %add3A_862 = vector.broadcast %add3A_861 : f32 to vector<16xf32>
        %add3A_863 = arith.addf %add3A_862, %div3A_857 : vector<16xf32>
        %jit3A_864 = arith.constant 0.000000e+00 : f32
        %broadcast_in_dim3A_865 = vector.broadcast %jit3A_864 : f32 to vector<16xf32>
        %select_n3A_866 = arith.select %and3A_860, %add3A_863, %broadcast_in_dim3A_865 : vector<16xi1>, vector<16xf32>
        %add3A_867 = arith.addf %add3A_767, %select_n3A_866 : vector<16xf32>
        %broadcast_in_dim3A_868 = arith.constant 4 : i32
        %broadcast_in_dim3A_869 = vector.broadcast %broadcast_in_dim3A_868 : i32 to vector<16xi32>
        %broadcast_in_dim3A_870 = arith.constant 0 : i32
        %broadcast_in_dim3A_871 = vector.broadcast %broadcast_in_dim3A_870 : i32 to vector<16xi32>
        %gather3A_872 = tpu.vector_load_idx %arg5[%broadcast_in_dim3A_869, %add3A_463, %broadcast_in_dim3A_871] : memref<6x320x4xi32, #tpu.memory_space<vmem>>[vector<16xi32>, vector<16xi32>, vector<16xi32>], vector<16xi32>,
        %broadcast_in_dim3A_873 = arith.constant 4 : i32
        %broadcast_in_dim3A_874 = vector.broadcast %broadcast_in_dim3A_873 : i32 to vector<16xi32>
        %broadcast_in_dim3A_875 = arith.constant 1 : i32
        %broadcast_in_dim3A_876 = vector.broadcast %broadcast_in_dim3A_875 : i32 to vector<16xi32>
        %gather3A_877 = tpu.vector_load_idx %arg5[%broadcast_in_dim3A_874, %add3A_463, %broadcast_in_dim3A_876] : memref<6x320x4xi32, #tpu.memory_space<vmem>>[vector<16xi32>, vector<16xi32>, vector<16xi32>], vector<16xi32>,
        %add3A_878 = arith.addi %gather3A_872, %gather3A_877 : vector<16xi32>
        %broadcast_in_dim3A_879 = arith.constant 4 : i32
        %broadcast_in_dim3A_880 = vector.broadcast %broadcast_in_dim3A_879 : i32 to vector<16xi32>
        %broadcast_in_dim3A_881 = arith.constant 2 : i32
        %broadcast_in_dim3A_882 = vector.broadcast %broadcast_in_dim3A_881 : i32 to vector<16xi32>
        %gather3A_883 = tpu.vector_load_idx %arg5[%broadcast_in_dim3A_880, %add3A_463, %broadcast_in_dim3A_882] : memref<6x320x4xi32, #tpu.memory_space<vmem>>[vector<16xi32>, vector<16xi32>, vector<16xi32>], vector<16xi32>,
        %add3A_884 = arith.addi %add3A_878, %gather3A_883 : vector<16xi32>
        %broadcast_in_dim3A_885 = arith.constant 4 : i32
        %broadcast_in_dim3A_886 = vector.broadcast %broadcast_in_dim3A_885 : i32 to vector<16xi32>
        %broadcast_in_dim3A_887 = arith.constant 3 : i32
        %broadcast_in_dim3A_888 = vector.broadcast %broadcast_in_dim3A_887 : i32 to vector<16xi32>
        %gather3A_889 = tpu.vector_load_idx %arg5[%broadcast_in_dim3A_886, %add3A_463, %broadcast_in_dim3A_888] : memref<6x320x4xi32, #tpu.memory_space<vmem>>[vector<16xi32>, vector<16xi32>, vector<16xi32>], vector<16xi32>,
        %add3A_890 = arith.addi %add3A_884, %gather3A_889 : vector<16xi32>
        %gt3A_891 = arith.constant 0 : i32
        %gt3A_892 = vector.broadcast %gt3A_891 : i32 to vector<16xi32>
        %gt3A_893 = arith.cmpi sgt, %add3A_890, %gt3A_892 : vector<16xi32>
        %jit3A_894 = arith.constant 1.000000e+00 : f32
        %jit3A_895 = arith.constant 0.000000e+00 : f32
        %broadcast_in_dim3A_896 = vector.broadcast %jit3A_894 : f32 to vector<16xf32>
        %broadcast_in_dim3A_897 = vector.broadcast %jit3A_895 : f32 to vector<16xf32>
        %select_n3A_898 = arith.select %gt3A_893, %broadcast_in_dim3A_896, %broadcast_in_dim3A_897 : vector<16xi1>, vector<16xf32>
        %add3A_899 = arith.addf %add3A_799, %select_n3A_898 : vector<16xf32>
        %broadcast_in_dim3A_900 = arith.constant 4 : i32
        %broadcast_in_dim3A_901 = vector.broadcast %broadcast_in_dim3A_900 : i32 to vector<16xi32>
        %broadcast_in_dim3A_902 = arith.constant 0 : i32
        %broadcast_in_dim3A_903 = vector.broadcast %broadcast_in_dim3A_902 : i32 to vector<16xi32>
        %gather3A_904 = tpu.vector_load_idx %arg6[%broadcast_in_dim3A_901, %add3A_463, %broadcast_in_dim3A_903] : memref<6x320x8xf32, #tpu.memory_space<vmem>>[vector<16xi32>, vector<16xi32>, vector<16xi32>], vector<16xf32>,
        %broadcast_in_dim3A_905 = arith.constant 4 : i32
        %broadcast_in_dim3A_906 = vector.broadcast %broadcast_in_dim3A_905 : i32 to vector<16xi32>
        %broadcast_in_dim3A_907 = arith.constant 1 : i32
        %broadcast_in_dim3A_908 = vector.broadcast %broadcast_in_dim3A_907 : i32 to vector<16xi32>
        %gather3A_909 = tpu.vector_load_idx %arg6[%broadcast_in_dim3A_906, %add3A_463, %broadcast_in_dim3A_908] : memref<6x320x8xf32, #tpu.memory_space<vmem>>[vector<16xi32>, vector<16xi32>, vector<16xi32>], vector<16xf32>,
        %add3A_910 = arith.addf %gather3A_904, %gather3A_909 : vector<16xf32>
        %broadcast_in_dim3A_911 = arith.constant 4 : i32
        %broadcast_in_dim3A_912 = vector.broadcast %broadcast_in_dim3A_911 : i32 to vector<16xi32>
        %broadcast_in_dim3A_913 = arith.constant 2 : i32
        %broadcast_in_dim3A_914 = vector.broadcast %broadcast_in_dim3A_913 : i32 to vector<16xi32>
        %gather3A_915 = tpu.vector_load_idx %arg6[%broadcast_in_dim3A_912, %add3A_463, %broadcast_in_dim3A_914] : memref<6x320x8xf32, #tpu.memory_space<vmem>>[vector<16xi32>, vector<16xi32>, vector<16xi32>], vector<16xf32>,
        %add3A_916 = arith.addf %add3A_910, %gather3A_915 : vector<16xf32>
        %broadcast_in_dim3A_917 = arith.constant 4 : i32
        %broadcast_in_dim3A_918 = vector.broadcast %broadcast_in_dim3A_917 : i32 to vector<16xi32>
        %broadcast_in_dim3A_919 = arith.constant 3 : i32
        %broadcast_in_dim3A_920 = vector.broadcast %broadcast_in_dim3A_919 : i32 to vector<16xi32>
        %gather3A_921 = tpu.vector_load_idx %arg6[%broadcast_in_dim3A_918, %add3A_463, %broadcast_in_dim3A_920] : memref<6x320x8xf32, #tpu.memory_space<vmem>>[vector<16xi32>, vector<16xi32>, vector<16xi32>], vector<16xf32>,
        %add3A_922 = arith.addf %add3A_916, %gather3A_921 : vector<16xf32>
        %broadcast_in_dim3A_923 = arith.constant 4 : i32
        %broadcast_in_dim3A_924 = vector.broadcast %broadcast_in_dim3A_923 : i32 to vector<16xi32>
        %broadcast_in_dim3A_925 = arith.constant 4 : i32
        %broadcast_in_dim3A_926 = vector.broadcast %broadcast_in_dim3A_925 : i32 to vector<16xi32>
        %gather3A_927 = tpu.vector_load_idx %arg6[%broadcast_in_dim3A_924, %add3A_463, %broadcast_in_dim3A_926] : memref<6x320x8xf32, #tpu.memory_space<vmem>>[vector<16xi32>, vector<16xi32>, vector<16xi32>], vector<16xf32>,
        %add3A_928 = arith.addf %add3A_922, %gather3A_927 : vector<16xf32>
        %broadcast_in_dim3A_929 = arith.constant 4 : i32
        %broadcast_in_dim3A_930 = vector.broadcast %broadcast_in_dim3A_929 : i32 to vector<16xi32>
        %broadcast_in_dim3A_931 = arith.constant 5 : i32
        %broadcast_in_dim3A_932 = vector.broadcast %broadcast_in_dim3A_931 : i32 to vector<16xi32>
        %gather3A_933 = tpu.vector_load_idx %arg6[%broadcast_in_dim3A_930, %add3A_463, %broadcast_in_dim3A_932] : memref<6x320x8xf32, #tpu.memory_space<vmem>>[vector<16xi32>, vector<16xi32>, vector<16xi32>], vector<16xf32>,
        %add3A_934 = arith.addf %add3A_928, %gather3A_933 : vector<16xf32>
        %broadcast_in_dim3A_935 = arith.constant 4 : i32
        %broadcast_in_dim3A_936 = vector.broadcast %broadcast_in_dim3A_935 : i32 to vector<16xi32>
        %broadcast_in_dim3A_937 = arith.constant 6 : i32
        %broadcast_in_dim3A_938 = vector.broadcast %broadcast_in_dim3A_937 : i32 to vector<16xi32>
        %gather3A_939 = tpu.vector_load_idx %arg6[%broadcast_in_dim3A_936, %add3A_463, %broadcast_in_dim3A_938] : memref<6x320x8xf32, #tpu.memory_space<vmem>>[vector<16xi32>, vector<16xi32>, vector<16xi32>], vector<16xf32>,
        %add3A_940 = arith.addf %add3A_934, %gather3A_939 : vector<16xf32>
        %broadcast_in_dim3A_941 = arith.constant 4 : i32
        %broadcast_in_dim3A_942 = vector.broadcast %broadcast_in_dim3A_941 : i32 to vector<16xi32>
        %broadcast_in_dim3A_943 = arith.constant 7 : i32
        %broadcast_in_dim3A_944 = vector.broadcast %broadcast_in_dim3A_943 : i32 to vector<16xi32>
        %gather3A_945 = tpu.vector_load_idx %arg6[%broadcast_in_dim3A_942, %add3A_463, %broadcast_in_dim3A_944] : memref<6x320x8xf32, #tpu.memory_space<vmem>>[vector<16xi32>, vector<16xi32>, vector<16xi32>], vector<16xf32>,
        %add3A_946 = arith.addf %add3A_940, %gather3A_945 : vector<16xf32>
        %mul3A_947 = arith.constant 2.500000e-01 : f32
        %mul3A_948 = vector.broadcast %mul3A_947 : f32 to vector<16xf32>
        %mul3A_949 = arith.mulf %add3A_946, %mul3A_948 : vector<16xf32>
        %exp3A_950 = math.exp %mul3A_949 : vector<16xf32>
        %sub3A_951 = arith.constant 1.000000e+00 : f32
        %sub3A_952 = vector.broadcast %sub3A_951 : f32 to vector<16xf32>
        %sub3A_953 = arith.subf %exp3A_950, %sub3A_952 : vector<16xf32>
        %add3A_954 = arith.constant 1.000000e+00 : f32
        %add3A_955 = vector.broadcast %add3A_954 : f32 to vector<16xf32>
        %add3A_956 = arith.addf %exp3A_950, %add3A_955 : vector<16xf32>
        %div3A_957 = arith.divf %sub3A_953, %add3A_956 : vector<16xf32>
        %le3A_958 = vector.broadcast %while3A_227#2 : i32 to vector<16xi32>
        %le3A_959 = arith.cmpi sle, %add3A_468, %le3A_958 : vector<16xi32>
        %and3A_960 = arith.andi %gt3A_893, %le3A_959 : vector<16xi1>
        %add3A_961 = arith.constant 1.000000e+00 : f32
        %add3A_962 = vector.broadcast %add3A_961 : f32 to vector<16xf32>
        %add3A_963 = arith.addf %add3A_962, %div3A_957 : vector<16xf32>
        %jit3A_964 = arith.constant 0.000000e+00 : f32
        %broadcast_in_dim3A_965 = vector.broadcast %jit3A_964 : f32 to vector<16xf32>
        %select_n3A_966 = arith.select %and3A_960, %add3A_963, %broadcast_in_dim3A_965 : vector<16xi1>, vector<16xf32>
        %add3A_967 = arith.addf %add3A_867, %select_n3A_966 : vector<16xf32>
        %broadcast_in_dim3A_968 = arith.constant 5 : i32
        %broadcast_in_dim3A_969 = vector.broadcast %broadcast_in_dim3A_968 : i32 to vector<16xi32>
        %broadcast_in_dim3A_970 = arith.constant 0 : i32
        %broadcast_in_dim3A_971 = vector.broadcast %broadcast_in_dim3A_970 : i32 to vector<16xi32>
        %gather3A_972 = tpu.vector_load_idx %arg5[%broadcast_in_dim3A_969, %add3A_463, %broadcast_in_dim3A_971] : memref<6x320x4xi32, #tpu.memory_space<vmem>>[vector<16xi32>, vector<16xi32>, vector<16xi32>], vector<16xi32>,
        %broadcast_in_dim3A_973 = arith.constant 5 : i32
        %broadcast_in_dim3A_974 = vector.broadcast %broadcast_in_dim3A_973 : i32 to vector<16xi32>
        %broadcast_in_dim3A_975 = arith.constant 1 : i32
        %broadcast_in_dim3A_976 = vector.broadcast %broadcast_in_dim3A_975 : i32 to vector<16xi32>
        %gather3A_977 = tpu.vector_load_idx %arg5[%broadcast_in_dim3A_974, %add3A_463, %broadcast_in_dim3A_976] : memref<6x320x4xi32, #tpu.memory_space<vmem>>[vector<16xi32>, vector<16xi32>, vector<16xi32>], vector<16xi32>,
        %add3A_978 = arith.addi %gather3A_972, %gather3A_977 : vector<16xi32>
        %broadcast_in_dim3A_979 = arith.constant 5 : i32
        %broadcast_in_dim3A_980 = vector.broadcast %broadcast_in_dim3A_979 : i32 to vector<16xi32>
        %broadcast_in_dim3A_981 = arith.constant 2 : i32
        %broadcast_in_dim3A_982 = vector.broadcast %broadcast_in_dim3A_981 : i32 to vector<16xi32>
        %gather3A_983 = tpu.vector_load_idx %arg5[%broadcast_in_dim3A_980, %add3A_463, %broadcast_in_dim3A_982] : memref<6x320x4xi32, #tpu.memory_space<vmem>>[vector<16xi32>, vector<16xi32>, vector<16xi32>], vector<16xi32>,
        %add3A_984 = arith.addi %add3A_978, %gather3A_983 : vector<16xi32>
        %broadcast_in_dim3A_985 = arith.constant 5 : i32
        %broadcast_in_dim3A_986 = vector.broadcast %broadcast_in_dim3A_985 : i32 to vector<16xi32>
        %broadcast_in_dim3A_987 = arith.constant 3 : i32
        %broadcast_in_dim3A_988 = vector.broadcast %broadcast_in_dim3A_987 : i32 to vector<16xi32>
        %gather3A_989 = tpu.vector_load_idx %arg5[%broadcast_in_dim3A_986, %add3A_463, %broadcast_in_dim3A_988] : memref<6x320x4xi32, #tpu.memory_space<vmem>>[vector<16xi32>, vector<16xi32>, vector<16xi32>], vector<16xi32>,
        %add3A_990 = arith.addi %add3A_984, %gather3A_989 : vector<16xi32>
        %gt3A_991 = arith.constant 0 : i32
        %gt3A_992 = vector.broadcast %gt3A_991 : i32 to vector<16xi32>
        %gt3A_993 = arith.cmpi sgt, %add3A_990, %gt3A_992 : vector<16xi32>
        %jit3A_994 = arith.constant 1.000000e+00 : f32
        %jit3A_995 = arith.constant 0.000000e+00 : f32
        %broadcast_in_dim3A_996 = vector.broadcast %jit3A_994 : f32 to vector<16xf32>
        %broadcast_in_dim3A_997 = vector.broadcast %jit3A_995 : f32 to vector<16xf32>
        %select_n3A_998 = arith.select %gt3A_993, %broadcast_in_dim3A_996, %broadcast_in_dim3A_997 : vector<16xi1>, vector<16xf32>
        %add3A_999 = arith.addf %add3A_899, %select_n3A_998 : vector<16xf32>
        %broadcast_in_dim3A_1000 = arith.constant 5 : i32
        %broadcast_in_dim3A_1001 = vector.broadcast %broadcast_in_dim3A_1000 : i32 to vector<16xi32>
        %broadcast_in_dim3A_1002 = arith.constant 0 : i32
        %broadcast_in_dim3A_1003 = vector.broadcast %broadcast_in_dim3A_1002 : i32 to vector<16xi32>
        %gather3A_1004 = tpu.vector_load_idx %arg6[%broadcast_in_dim3A_1001, %add3A_463, %broadcast_in_dim3A_1003] : memref<6x320x8xf32, #tpu.memory_space<vmem>>[vector<16xi32>, vector<16xi32>, vector<16xi32>], vector<16xf32>,
        %broadcast_in_dim3A_1005 = arith.constant 5 : i32
        %broadcast_in_dim3A_1006 = vector.broadcast %broadcast_in_dim3A_1005 : i32 to vector<16xi32>
        %broadcast_in_dim3A_1007 = arith.constant 1 : i32
        %broadcast_in_dim3A_1008 = vector.broadcast %broadcast_in_dim3A_1007 : i32 to vector<16xi32>
        %gather3A_1009 = tpu.vector_load_idx %arg6[%broadcast_in_dim3A_1006, %add3A_463, %broadcast_in_dim3A_1008] : memref<6x320x8xf32, #tpu.memory_space<vmem>>[vector<16xi32>, vector<16xi32>, vector<16xi32>], vector<16xf32>,
        %add3A_1010 = arith.addf %gather3A_1004, %gather3A_1009 : vector<16xf32>
        %broadcast_in_dim3A_1011 = arith.constant 5 : i32
        %broadcast_in_dim3A_1012 = vector.broadcast %broadcast_in_dim3A_1011 : i32 to vector<16xi32>
        %broadcast_in_dim3A_1013 = arith.constant 2 : i32
        %broadcast_in_dim3A_1014 = vector.broadcast %broadcast_in_dim3A_1013 : i32 to vector<16xi32>
        %gather3A_1015 = tpu.vector_load_idx %arg6[%broadcast_in_dim3A_1012, %add3A_463, %broadcast_in_dim3A_1014] : memref<6x320x8xf32, #tpu.memory_space<vmem>>[vector<16xi32>, vector<16xi32>, vector<16xi32>], vector<16xf32>,
        %add3A_1016 = arith.addf %add3A_1010, %gather3A_1015 : vector<16xf32>
        %broadcast_in_dim3A_1017 = arith.constant 5 : i32
        %broadcast_in_dim3A_1018 = vector.broadcast %broadcast_in_dim3A_1017 : i32 to vector<16xi32>
        %broadcast_in_dim3A_1019 = arith.constant 3 : i32
        %broadcast_in_dim3A_1020 = vector.broadcast %broadcast_in_dim3A_1019 : i32 to vector<16xi32>
        %gather3A_1021 = tpu.vector_load_idx %arg6[%broadcast_in_dim3A_1018, %add3A_463, %broadcast_in_dim3A_1020] : memref<6x320x8xf32, #tpu.memory_space<vmem>>[vector<16xi32>, vector<16xi32>, vector<16xi32>], vector<16xf32>,
        %add3A_1022 = arith.addf %add3A_1016, %gather3A_1021 : vector<16xf32>
        %broadcast_in_dim3A_1023 = arith.constant 5 : i32
        %broadcast_in_dim3A_1024 = vector.broadcast %broadcast_in_dim3A_1023 : i32 to vector<16xi32>
        %broadcast_in_dim3A_1025 = arith.constant 4 : i32
        %broadcast_in_dim3A_1026 = vector.broadcast %broadcast_in_dim3A_1025 : i32 to vector<16xi32>
        %gather3A_1027 = tpu.vector_load_idx %arg6[%broadcast_in_dim3A_1024, %add3A_463, %broadcast_in_dim3A_1026] : memref<6x320x8xf32, #tpu.memory_space<vmem>>[vector<16xi32>, vector<16xi32>, vector<16xi32>], vector<16xf32>,
        %add3A_1028 = arith.addf %add3A_1022, %gather3A_1027 : vector<16xf32>
        %broadcast_in_dim3A_1029 = arith.constant 5 : i32
        %broadcast_in_dim3A_1030 = vector.broadcast %broadcast_in_dim3A_1029 : i32 to vector<16xi32>
        %broadcast_in_dim3A_1031 = arith.constant 5 : i32
        %broadcast_in_dim3A_1032 = vector.broadcast %broadcast_in_dim3A_1031 : i32 to vector<16xi32>
        %gather3A_1033 = tpu.vector_load_idx %arg6[%broadcast_in_dim3A_1030, %add3A_463, %broadcast_in_dim3A_1032] : memref<6x320x8xf32, #tpu.memory_space<vmem>>[vector<16xi32>, vector<16xi32>, vector<16xi32>], vector<16xf32>,
        %add3A_1034 = arith.addf %add3A_1028, %gather3A_1033 : vector<16xf32>
        %broadcast_in_dim3A_1035 = arith.constant 5 : i32
        %broadcast_in_dim3A_1036 = vector.broadcast %broadcast_in_dim3A_1035 : i32 to vector<16xi32>
        %broadcast_in_dim3A_1037 = arith.constant 6 : i32
        %broadcast_in_dim3A_1038 = vector.broadcast %broadcast_in_dim3A_1037 : i32 to vector<16xi32>
        %gather3A_1039 = tpu.vector_load_idx %arg6[%broadcast_in_dim3A_1036, %add3A_463, %broadcast_in_dim3A_1038] : memref<6x320x8xf32, #tpu.memory_space<vmem>>[vector<16xi32>, vector<16xi32>, vector<16xi32>], vector<16xf32>,
        %add3A_1040 = arith.addf %add3A_1034, %gather3A_1039 : vector<16xf32>
        %broadcast_in_dim3A_1041 = arith.constant 5 : i32
        %broadcast_in_dim3A_1042 = vector.broadcast %broadcast_in_dim3A_1041 : i32 to vector<16xi32>
        %broadcast_in_dim3A_1043 = arith.constant 7 : i32
        %broadcast_in_dim3A_1044 = vector.broadcast %broadcast_in_dim3A_1043 : i32 to vector<16xi32>
        %gather3A_1045 = tpu.vector_load_idx %arg6[%broadcast_in_dim3A_1042, %add3A_463, %broadcast_in_dim3A_1044] : memref<6x320x8xf32, #tpu.memory_space<vmem>>[vector<16xi32>, vector<16xi32>, vector<16xi32>], vector<16xf32>,
        %add3A_1046 = arith.addf %add3A_1040, %gather3A_1045 : vector<16xf32>
        %mul3A_1047 = arith.constant 2.500000e-01 : f32
        %mul3A_1048 = vector.broadcast %mul3A_1047 : f32 to vector<16xf32>
        %mul3A_1049 = arith.mulf %add3A_1046, %mul3A_1048 : vector<16xf32>
        %exp3A_1050 = math.exp %mul3A_1049 : vector<16xf32>
        %sub3A_1051 = arith.constant 1.000000e+00 : f32
        %sub3A_1052 = vector.broadcast %sub3A_1051 : f32 to vector<16xf32>
        %sub3A_1053 = arith.subf %exp3A_1050, %sub3A_1052 : vector<16xf32>
        %add3A_1054 = arith.constant 1.000000e+00 : f32
        %add3A_1055 = vector.broadcast %add3A_1054 : f32 to vector<16xf32>
        %add3A_1056 = arith.addf %exp3A_1050, %add3A_1055 : vector<16xf32>
        %div3A_1057 = arith.divf %sub3A_1053, %add3A_1056 : vector<16xf32>
        %le3A_1058 = vector.broadcast %while3A_232#2 : i32 to vector<16xi32>
        %le3A_1059 = arith.cmpi sle, %add3A_468, %le3A_1058 : vector<16xi32>
        %and3A_1060 = arith.andi %gt3A_993, %le3A_1059 : vector<16xi1>
        %add3A_1061 = arith.constant 1.000000e+00 : f32
        %add3A_1062 = vector.broadcast %add3A_1061 : f32 to vector<16xf32>
        %add3A_1063 = arith.addf %add3A_1062, %div3A_1057 : vector<16xf32>
        %jit3A_1064 = arith.constant 0.000000e+00 : f32
        %broadcast_in_dim3A_1065 = vector.broadcast %jit3A_1064 : f32 to vector<16xf32>
        %select_n3A_1066 = arith.select %and3A_1060, %add3A_1063, %broadcast_in_dim3A_1065 : vector<16xi1>, vector<16xf32>
        %add3A_1067 = arith.addf %add3A_967, %select_n3A_1066 : vector<16xf32>
        %max3A_1068 = arith.constant 1.000000e+00 : f32
        %max3A_1069 = vector.broadcast %max3A_1068 : f32 to vector<16xf32>
        %max3A_1070 = arith.maximumf %add3A_999, %max3A_1069 : vector<16xf32>
        %div3A_1071 = arith.divf %add3A_1067, %max3A_1070 : vector<16xf32>
        %mul3A_1072 = arith.constant 16 : i32
        %mul3A_1073 = arith.muli %while3A_445, %mul3A_1072 : i32
        %add3A_1074 = arith.addi %sub3A_12, %mul3A_1073 : i32
        %swap3A_1075 = arith.index_cast %add3A_1074 : i32 to index
        %swap3A_1076 = tpu.vector_load %arg8[%swap3A_1075] {strides = array<i32>} : memref<320xf32, #tpu.memory_space<vmem>>, vector<16xf32>,
        tpu.vector_store %arg8[%swap3A_1075], %div3A_1071 {strides = array<i32>} : memref<320xf32, #tpu.memory_space<vmem>>, vector<16xf32>,
      } else {
      }
      %while3A_458 = arith.constant 0 : i32
      scf.yield %while3A_458 : i32
    }
    %convert_element_type3A = arith.extui %lt3A_1 : i1 to i32
    %cond3A = arith.constant 0 : i32
    %cond3A_440 = arith.cmpi ne, %convert_element_type3A, %cond3A : i32
    scf.if %cond3A_440 {
      "tpu.region"() ({
        %run_scoped3A = tpu.sem_alloc : memref<!tpu.dma_semaphore, #tpu.memory_space<semaphore_mem>>
        %dma_start3A_445 = arith.constant 0 : i32
        %dma_start3A_446 = tpu.memref_slice %arg8[%dma_start3A_445] : memref<320xf32, #tpu.memory_space<vmem>> -> memref<320xf32, #tpu.memory_space<vmem>>
        %dma_start3A_447 = tpu.memref_slice %arg4[%select_n3A_10] : memref<10000xf32, #tpu.memory_space<hbm>> -> memref<320xf32, #tpu.memory_space<hbm>>
        %dma_start3A_448 = tpu.memref_slice %arg4[%select_n3A_10] : memref<10000xf32, #tpu.memory_space<hbm>> -> memref<320xf32, #tpu.memory_space<hbm>>
        %dma_start3A_449 = arith.constant 0 : i32
        %dma_start3A_450 = tpu.memref_slice %arg8[%dma_start3A_449] : memref<320xf32, #tpu.memory_space<vmem>> -> memref<320xf32, #tpu.memory_space<vmem>>
        tpu.enqueue_dma source(%dma_start3A_450 : memref<320xf32, #tpu.memory_space<vmem>>) target(%dma_start3A_448 : memref<320xf32, #tpu.memory_space<hbm>>) target_semaphore(%run_scoped3A : memref<!tpu.dma_semaphore, #tpu.memory_space<semaphore_mem>>)
        %dma_wait3A_451 = arith.constant 0 : i32
        %dma_wait3A_452 = tpu.memref_slice %arg8[%dma_wait3A_451] : memref<320xf32, #tpu.memory_space<vmem>> -> memref<320xf32, #tpu.memory_space<vmem>>
        %dma_wait3A_453 = tpu.memref_slice %arg4[%select_n3A_10] : memref<10000xf32, #tpu.memory_space<hbm>> -> memref<320xf32, #tpu.memory_space<hbm>>
        %dma_wait3A_454 = tpu.memref_slice %arg4[%select_n3A_10] : memref<10000xf32, #tpu.memory_space<hbm>> -> memref<320xf32, #tpu.memory_space<hbm>>
        %dma_wait3A_455 = arith.constant 0 : i32
        %dma_wait3A_456 = tpu.memref_slice %arg8[%dma_wait3A_455] : memref<320xf32, #tpu.memory_space<vmem>> -> memref<320xf32, #tpu.memory_space<vmem>>
        tpu.wait_dma2 semaphore(%run_scoped3A : memref<!tpu.dma_semaphore, #tpu.memory_space<semaphore_mem>>) src(%dma_wait3A_456 : memref<320xf32, #tpu.memory_space<vmem>>) dst(%dma_wait3A_454 : memref<320xf32, #tpu.memory_space<hbm>>)
        tpu.yield
      }) : () -> ()
    } else {
    }
    %not3A = arith.constant true
    %not3A_441 = arith.xori %lt3A_1, %not3A : i1
    %convert_element_type3A_442 = arith.extui %not3A_441 : i1 to i32
    %cond3A_443 = arith.constant 0 : i32
    %cond3A_444 = arith.cmpi ne, %convert_element_type3A_442, %cond3A_443 : i32
    scf.if %cond3A_444 {
      "tpu.region"() ({
        %run_scoped3A = tpu.sem_alloc : memref<!tpu.dma_semaphore, #tpu.memory_space<semaphore_mem>>
        %dma_start3A_445 = tpu.memref_slice %arg8[%sub3A_12] : memref<320xf32, #tpu.memory_space<vmem>> -> memref<304xf32, #tpu.memory_space<vmem>>
        %dma_start3A_446 = tpu.memref_slice %arg4[%select_n3A_10] : memref<10000xf32, #tpu.memory_space<hbm>> -> memref<304xf32, #tpu.memory_space<hbm>>
        %dma_start3A_447 = tpu.memref_slice %arg4[%select_n3A_10] : memref<10000xf32, #tpu.memory_space<hbm>> -> memref<304xf32, #tpu.memory_space<hbm>>
        %dma_start3A_448 = tpu.memref_slice %arg8[%sub3A_12] : memref<320xf32, #tpu.memory_space<vmem>> -> memref<304xf32, #tpu.memory_space<vmem>>
        tpu.enqueue_dma source(%dma_start3A_448 : memref<304xf32, #tpu.memory_space<vmem>>) target(%dma_start3A_447 : memref<304xf32, #tpu.memory_space<hbm>>) target_semaphore(%run_scoped3A : memref<!tpu.dma_semaphore, #tpu.memory_space<semaphore_mem>>)
        %dma_wait3A_449 = tpu.memref_slice %arg8[%sub3A_12] : memref<320xf32, #tpu.memory_space<vmem>> -> memref<304xf32, #tpu.memory_space<vmem>>
        %dma_wait3A_450 = tpu.memref_slice %arg4[%select_n3A_10] : memref<10000xf32, #tpu.memory_space<hbm>> -> memref<304xf32, #tpu.memory_space<hbm>>
        %dma_wait3A_451 = tpu.memref_slice %arg4[%select_n3A_10] : memref<10000xf32, #tpu.memory_space<hbm>> -> memref<304xf32, #tpu.memory_space<hbm>>
        %dma_wait3A_452 = tpu.memref_slice %arg8[%sub3A_12] : memref<320xf32, #tpu.memory_space<vmem>> -> memref<304xf32, #tpu.memory_space<vmem>>
        tpu.wait_dma2 semaphore(%run_scoped3A : memref<!tpu.dma_semaphore, #tpu.memory_space<semaphore_mem>>) src(%dma_wait3A_452 : memref<304xf32, #tpu.memory_space<vmem>>) dst(%dma_wait3A_451 : memref<304xf32, #tpu.memory_space<hbm>>)
        tpu.yield
      }) : () -> ()
    } else {
    }
    return
  }
}

module attributes {stable_mosaic.version = 14 : i64} {
  func.func @_tc_body(%arg0: memref<10000x256xf32, #tpu.memory_space<vmem>>, %arg1: memref<1x10000xf32, #tpu.memory_space<vmem>>, %arg2: memref<10000x256xf32, #tpu.memory_space<vmem>>) attributes {dimension_semantics = [], scalar_prefetch = 0 : i64, scratch_operands = 0 : i64, tpu.core_type = #tpu.core_type<tc>} {
    %get3A = arith.constant 0 : index
    %get3A_0 = arith.constant 0 : index
    %get3A_1 = vector.load %arg0[%get3A, %get3A_0] : memref<10000x256xf32, #tpu.memory_space<vmem>>, vector<10000x256xf32>
    %get3A_2 = arith.constant 0 : index
    %get3A_3 = arith.constant 0 : index
    %get3A_4 = vector.load %arg1[%get3A_2, %get3A_3] : memref<1x10000xf32, #tpu.memory_space<vmem>>, vector<1x10000xf32>
    %transpose3A = tpu.transpose %get3A_4, [1, 0] : vector<1x10000xf32> -> vector<10000x1xf32>
    %mul3A = vector.broadcast %transpose3A : vector<10000x1xf32> to vector<10000x256xf32>
    %mul3A_5 = arith.mulf %get3A_1, %mul3A : vector<10000x256xf32>
    %swap3A = arith.constant 0 : index
    %swap3A_6 = arith.constant 0 : index
    %swap3A_7 = vector.load %arg2[%swap3A, %swap3A_6] : memref<10000x256xf32, #tpu.memory_space<vmem>>, vector<10000x256xf32>
    tpu.vector_store %arg2[%swap3A, %swap3A_6], %mul3A_5 {strides = array<i32>} : memref<10000x256xf32, #tpu.memory_space<vmem>>, vector<10000x256xf32>,
    return
  }
}

</mosaic_0001>

<sc_bundles>
// kernel: kernel.4.cloned.1.call-start
scs
__scs_entry_jumppad:
0x0: {  	(pc) =	sbr.rel $0x88, $3  }
0x1: {  	(tag) =	ssettag $0x0;
	lr =	simm.s32 $0x1  }
0x2: {  	[smem:$0x3F9E] =	sst lr;
	_ =	strace $0xD0000000  }
0x3: {  	_ = 	snop  }
0x4: {  	_ = 	snop  }
0x5: {  	_ = 	snop  }
0x6: {  	_ = 	snop  }
0x7: {  	_ = 	snop  }
__scs_overlays_trampoline_lowered:
0x8: {  	[smem:$0x3FAD] =	sst s0  }
0x9: {  	[smem:$0x3FAE] =	sst s1  }
0xa: {  	[smem:$0x3FAF] =	sst s2  }
0xb: {  	[smem:$0x3FB0] =	sst s3  }
0xc: {  	[smem:$0x3FB1] =	sst s4  }
0xd: {  	[smem:$0x3FB2] =	sst s5  }
0xe: {  	[smem:$0x3FB3] =	sst s6  }
0xf: {  	[smem:$0x3FB4] =	sst s7  }
0x10: {  	[smem:$0x3FB5] =	sst s8  }
0x11: {  	[smem:$0x3FB6] =	sst s9;
	s0 =	simm.s32 @!p0 $0x0  }
0x12: {  	s1 =	sld [smem:$0x3F9C];
	s0 =	simm.s32 @p0 $0x1  }
0x13: {  	[smem:$0x3FB7] =	sst s0;
	s0 =	simm.s32 @!p1 $0x0  }
0x14: {  	s2 =	sld [smem:$0x3F9B];
	s0 =	simm.s32 @p1 $0x1  }
0x15: {  	[smem:$0x3FB8] =	sst s0;
	s0 =	simm.s32 @!p2 $0x0  }
0x16: {  	s3 =	sld [smem:$0x3FDB];
	s0 =	simm.s32 @p2 $0x1  }
0x17: {  	s4 =	simm.s32 $0x1BF5;
	[smem:$0x3FBA] =	sst s0  }
0x18: {  	s0 =	sld [smem:$0x3F9D];
	_ =	swait.ge [sflag:s4], $0x0  }
0x19: {  	s7 =	sld [smem:$0x3F9E]  }
0x1a: {  	s8 =	sadd.s32 $0xFFFFE003, lr  }
0x1b: {  	s9 =	sadd.s32 $0xFFFFFEF7, lr;
	s5 =	simm.s32 $0xFFFFFFFF;
	p2 =	slt.u32 s8, $0xFFFFF086  }
0x1c: {  	p1 =	slt.u32 s9, $0xF7A;
	s5 =	simm.s32 @!p2 $0x0  }
0x1d: {  	s5 =	simm.s32 @p1 $0x1;
	p0 =	seq.s32 s7, s2  }
0x1e: {  	s7 =	smul.u32 @!p0 $0xF7A, s2;
	p2 =	seq.s32 @!p0 s5, $0x0  }
0x1f: {  	s9 =	smul.u32 $0xF7A, s1;
	s8 =	simm.s32 @!p0 $0x1BF5;
	p2 =	por !p2, p0  }
0x20: {  	[sflag:s8] =	ssyncset.s32 @!p0 $0xFFFFF086;
	s6 =	sadd.s32 @!p0 s3, s7;
	s7 =	simm.s32 @!p0 $0x108  }
0x21: {  	s3 =	sadd.s32 s3, s9;
	s6 =	sadd.s32 @!p0 $0x88, s6;
	s7 =	simm.s32 @p2 $0x1082  }
0x22: {  	[simem:s7], [sflag:s8] =	dma.local @!p0 [hbm:s6], $0xF7A  }
0x23: {  	s9 =	sor.u32 $0xD0000000, s2;
	s6 =	simm.s32 $0x108;
	_ =	swait.ge @!p0 [sflag:s8], $0x0  }
0x24: {  	s3 =	sadd.s32 $0x88, s3;
	s6 =	simm.s32 @!p1 $0x1082;
	[sflag:s4] =	ssyncset.s32 $0xFFFFF086  }
0x25: {  	[simem:s6], [sflag:s4] =	dma.local [hbm:s3], $0xF7A  }
0x26: {  	[smem:$0x3F9E] =	sst s1;
	(tag) =	ssettag s2;
	_ =	strace s9  }
0x27: {  	s1 =	sld [smem:$0x3FAE]  }
0x28: {  	s2 =	sld [smem:$0x3FAF]  }
0x29: {  	s4 =	sld [smem:$0x3FB1]  }
0x2a: {  	p0 =	seq.s32 s5, $0x0;
	s5 =	sld [smem:$0x3FB2]  }
0x2b: {  	s6 =	sld [smem:$0x3FB3]  }
0x2c: {  	s7 =	sld [smem:$0x3FB4]  }
0x2d: {  	s3 =	simm.s32 $0x108;
	s8 =	sld [smem:$0x3FB5]  }
0x2e: {  	s3 =	simm.s32 @!p0 $0x1082;
	s9 =	sld [smem:$0x3FB6]  }
0x2f: {  	lr =	sadd.s32 s0, s3;
	s0 =	sld [smem:$0x3FAD]  }
0x30: {  	s3 =	sld [smem:$0x3FB0]  }
0x31: {  	[smem:$0x3FB9] =	sst s10  }
0x32: {  	s10 =	sld [smem:$0x3FB7];
	_ =	sdelay $0x3  }
0x33: {  	p0 =	seq.s32 s10, $0x1;
	s10 =	sld [smem:$0x3FB9];
	_ =	sdelay $0x3  }
0x34: {  	[smem:$0x3FB9] =	sst s10  }
0x35: {  	s10 =	sld [smem:$0x3FB8];
	_ =	sdelay $0x3  }
0x36: {  	p1 =	seq.s32 s10, $0x1;
	s10 =	sld [smem:$0x3FB9];
	_ =	sdelay $0x3  }
0x37: {  	[smem:$0x3FB9] =	sst s10  }
0x38: {  	s10 =	sld [smem:$0x3FBA]  }
0x39: {  	_ = 	snop;
	(pc) =	sbr.ind lr, $3  }
0x3a: {  	_ = 	snop  }
0x3b: {  	_ = 	snop  }
0x3c: {  	p2 =	seq.s32 s10, $0x1;
	s10 =	sld [smem:$0x3FB9]  }
0x3d: {  	_ =	shalt  }
0x3e: {  	_ =	shalt  }
0x3f: {  	_ =	shalt  }
0x40: {  	_ =	shalt  }
0x41: {  	_ =	shalt  }
0x42: {  	_ =	shalt  }
0x43: {  	_ =	shalt  }
0x44: {  	_ =	shalt  }
0x45: {  	_ =	shalt  }
0x46: {  	_ =	shalt  }
0x47: {  	_ =	shalt  }
0x48: {  	_ =	shalt  }
0x49: {  	_ =	shalt  }
0x4a: {  	_ =	shalt  }
0x4b: {  	_ =	shalt  }
0x4c: {  	_ =	shalt  }
0x4d: {  	_ =	shalt  }
0x4e: {  	_ =	shalt  }
0x4f: {  	_ =	shalt  }
0x50: {  	_ =	shalt  }
0x51: {  	_ =	shalt  }
0x52: {  	_ =	shalt  }
0x53: {  	_ =	shalt  }
0x54: {  	_ =	shalt  }
0x55: {  	_ =	shalt  }
0x56: {  	_ =	shalt  }
0x57: {  	_ =	shalt  }
0x58: {  	_ =	shalt  }
0x59: {  	_ =	shalt  }
0x5a: {  	_ =	shalt  }
0x5b: {  	_ =	shalt  }
0x5c: {  	_ =	shalt  }
0x5d: {  	_ =	shalt  }
0x5e: {  	_ =	shalt  }
0x5f: {  	_ =	shalt  }
0x60: {  	_ =	shalt  }
0x61: {  	_ =	shalt  }
0x62: {  	_ =	shalt  }
0x63: {  	_ =	shalt  }
0x64: {  	_ =	shalt  }
0x65: {  	_ =	shalt  }
0x66: {  	_ =	shalt  }
0x67: {  	_ =	shalt  }
0x68: {  	_ =	shalt  }
0x69: {  	_ =	shalt  }
0x6a: {  	_ =	shalt  }
0x6b: {  	_ =	shalt  }
0x6c: {  	_ =	shalt  }
0x6d: {  	_ =	shalt  }
0x6e: {  	_ =	shalt  }
0x6f: {  	_ =	shalt  }
0x70: {  	_ =	shalt  }
0x71: {  	_ =	shalt  }
0x72: {  	_ =	shalt  }
0x73: {  	_ =	shalt  }
0x74: {  	_ =	shalt  }
0x75: {  	_ =	shalt  }
0x76: {  	_ =	shalt  }
0x77: {  	_ =	shalt  }
0x78: {  	_ =	shalt  }
0x79: {  	_ =	shalt  }
0x7a: {  	_ =	shalt  }
0x7b: {  	_ =	shalt  }
0x7c: {  	_ =	shalt  }
0x7d: {  	_ =	shalt  }
0x7e: {  	_ =	shalt  }
0x7f: {  	_ =	shalt  }
0x80: {  	_ =	shalt  }
0x81: {  	_ =	shalt  }
0x82: {  	_ =	shalt  }
0x83: {  	_ =	shalt  }
0x84: {  	_ =	shalt  }
0x85: {  	_ =	shalt  }
0x86: {  	_ =	shalt  }
0x87: {  	_ =	shalt  }
.Lfunc_end0:
.L_simem_size_0:
called_computation_lowered:
.L_overlay_start_0:
0x88: {  	s2 =	sld [smem:$0x3FD9]  }
0x89: {  	s3 =	sld [smem:$0x3FFE];
	_ =	sdelay $0x1  }
0x8a: {  	s1 =	srdreg.scid  }
0x8b: {  	s0 =	sand.u32 $0x1, s1  }
0x8c: {  	s17 =	sshll.u32 s0, $0xA;
	s2 =	sadd.s32 s3, s2  }
0x8d: {  	s2 =	sadd.s32 s2, s17  }
0x8e: {  	[smem:$0x3FC5] =	sst s2  }
0x8f: {  	_ = 	snop  }
0x90: {  	s2 =	sld [smem:$0x3FD0];
	(tm) =	ssettm $0x1  }
0x91: {  	s18 =	sld [smem:$0x3FFB];
	_ =	sdelay $0x3  }
0x92: {  	_ =	strace s18  }
0x93: {  	s3 =	sld [smem:$0x3FFC];
	_ =	sdelay $0x3  }
0x94: {  	_ =	strace s3  }
0x95: {  	s3 =	sld [smem:$0x3FFD];
	_ =	sdelay $0x3  }
0x96: {  	_ =	strace s3  }
0x97: {  	_ =	strace $0x8FFFFFFF  }
0x98: {  	s19 =	sld [smem:$0x3FDB];
	_ =	sdelay $0x1  }
0x99: {  	s4 =	simm.s32 $_scs_section_size  }
0x9a: {  	s5 =	simm.s32 $_size__tile_overlayer_lowered;
	s6 =	simm.s32 $_tile_overlayer_lowered  }
0x9b: {  	s22 =	simm.s32 $0x1BFF;
	s21 =	sshll.u32 s6, $0x1;
	s3 =	sadd.s32 s4, s19  }
0x9c: {  	s7 =	simm.s32 $0x0;
	s20 =	sshll.u32 s5, $0x1;
	s5 =	sadd.s32 s21, s3  }
0x9d: {  	[timem:s7], [sflag:s22] =	dma.local [hbm:s5], s20  }
0x9e: {  	_ =	swait.ge [sflag:s22], s20  }
0x9f: {  	s4 =	ssub.s32 $0x0, s20;
	[sflag:s22] =	ssyncset.done $0x0  }
0xa0: {  	[sflag:s22] =	ssyncadd.s32 s4;
	_ =	sdelay $0x1  }
0xa1: {  	s23 =	simm.s32 $0x1B8B  }
0xa2: {  	_ =	swait.ge [sflag:s23], $0x1  }
0xa3: {  	[sflag:s23] =	ssyncset.done $0x0  }
0xa4: {  	s25 =	simm.s32 $0x1B8E;
	s24 =	sld [smem:$0x3FFE];
	[sflag:s23] =	ssyncadd.s32 $0xFFFFFFFF  }
0xa5: {  	s26 =	simm.s32 $execute0_lowered;
	[smem:$0x3FD2] =	sst s25  }
0xa6: {  	s5 =	sshll.u32 s26, $0x1;
	_ =	strace $0x80000046;
	[dreg:$0x1] =	wrdreg $0xFFFFFFFF  }
0xa7: {  	s28 =	simm.s32 $_size_execute0_lowered;
	s3 =	sadd.s32 s3, s5;
	[dreg:$0x0] =	wrdreg $0x0  }
0xa8: {  	s5 =	sshll.u32 s28, $0x1;
	[dreg:$0x2] =	wrdreg s3  }
0xa9: {  	[dreg:$0x3] =	wrdreg s5  }
0xaa: {  	[dreg:$0x4] =	wrdreg $0xC0  }
0xab: {  	_ =	task [dreg:s7], $0x5FFFF  }
0xac: {  	[dreg:$0x1] =	wrdreg $0xFFFFFFFF  }
0xad: {  	[dreg:$0x0] =	wrdreg $0x60  }
0xae: {  	[dreg:$0x2] =	wrdreg s2  }
0xaf: {  	[dreg:$0x3] =	wrdreg s24  }
0xb0: {  	[dreg:$0x4] =	wrdreg $0x9  }
0xb1: {  	_ =	task.clear_ibuf [dreg:s7], $0x5FFFF;
	_ =	strace $0x90000046  }
0xb2: {  	s29 =	simm.s32 $0x9;
	_ =	strace $0x80000048  }
0xb3: {  	_ =	swait.ge [sflag:s29], $0x1  }
0xb4: {  	[sflag:s29] =	ssyncadd.s32 $0xFFFFFFFF  }
0xb5: {  	_ =	strace $0x90000048  }
0xb6: {  	_ =	sfence  }
0xb7: {  	s30 =	sld [smem:$0x0];
	_ =	sdelay $0x2  }
0xb8: {  	s31 =	sshll.u32 s1, $0xD;
	s1 =	sshrl.u32 s1, $0x2  }
0xb9: {  	s3 =	sand.u32 $0x4000, s31;
	s1 =	sadd.s32 s1, s30  }
0xba: {  	s0 =	sor.u32 s3, s0;
	s1 =	sshll.u32 s1, $0x11  }
0xbb: {  	s0 =	sor.u32 s1, s0  }
0xbc: {  	s0 =	sadd.s32 $0x8F2B, s0  }
0xbd: {  	[sflag:s0] =	ssyncadd.remote.s32 $0x1  }
0xbe: {  	_ =	sfence.sel $0xFFFF  }
0xbf: {  	[dreg:$0x0] =	wrdreg $0xFFFFFFFF;
	(pc) =	sbr.abs _section_cstart, $3  }
0xc0: {  	[dreg:$0x1] =	wrdreg $0xFFFFFFFF  }
0xc1: {  	_ =	task.clear_ibuf [dreg:s7], $0x2FFFF;
	_ =	strace $0x9FFFFFFF  }
0xc2: {  	(tm) =	ssettm $0x7FFFFFFF  }
0xc3: {  	_ =	shalt  }
tec
execute0_lowered:
.L_overlay_start_1:
0x0: {  	(tag) =	ssettag $0x1  }
0x1: {  	s0 =	srdreg.scid  }
0x2: {  	s1 =	stileid.u32;
	s2 =	rddreg [dreg:$0x0]  }
0x3: {  	s5 =	rddreg [dreg:$0x1];
	s3 =	simm.s32 $0x0;
	s28 =	simm.s32 $0x7800  }
0x4: {  	s29 =	simm.s32 $0x2;
	s0 =	sand.u32 $0x1, s0;
	s1 =	sshll.u32 s1, $0x1  }
0x5: {  	s30 =	simm.s32 $0x1;
	s31 =	simm.s32 $0x0;
	s1 =	sor.u32 s0, s1  }
0x6: {  	[smem:$0x7FF] =	sst s3;
	s8 =	sadd.s32 $0xEB800, s5;
	s4 =	smul.u32 $0x130, s1  }
0x7: {  	s9 =	sadd.s32 $0x1200, s5;
	s5 =	simm.s32 $0x14;
	_ =	strace $0x80000047  }
0x8: {  	s0 =	ssub.s32 $0x2, s0;
	s6 =	smul.u32 $0x140, s1;
	s7 =	sadd.s32 $0x110, s4  }
0x9: {  	p0 =	slt.u32 s1, $0x11;
	s10 =	sshrl.u32 s0, $0x1;
	s4 =	smov.u32 s7  }
0xa: {  	s0 =	ssub.s32 s0, s10;
	s5 =	simm.s32 @!p0 $0x13;
	s4 =	smov.u32 @p0 s6  }
0xb: {  	s7 =	sshrl.u32 s7, $0x3;
	s6 =	sshrl.u32 s6, $0x3;
	s11 =	smin.u32 s4, $0x25D0  }
0xc: {  	p0 =	sgt.u32 s1, $0x10;
	s23 =	sshll.u32 s4, $0x2;
	s12 =	sadd.s32 s2, s11  }
0xd: {  	s15 =	sadd.s32 s8, s11;
	s16 =	sadd.s32 $0x2710, s11;
	[dreg:$0x3] =	wrdreg s12  }
0xe: {  	s14 =	ssub.s32 s4, s11;
	[dreg:$0x4] =	wrdreg s15;
	s13 =	sadd.s32 s2, s16  }
0xf: {  	s17 =	sadd.s32 $0x4E20, s11;
	s12 =	sadd.s32 s8, s16;
	[dreg:$0x5] =	wrdreg s13  }
0x10: {  	s19 =	sadd.s32 $0x7530, s11;
	s18 =	sadd.s32 s2, s17;
	[dreg:$0x6] =	wrdreg s12  }
0x11: {  	s21 =	sadd.s32 $0x9C40, s11;
	s20 =	sadd.s32 s2, s19;
	[dreg:$0x7] =	wrdreg s18  }
0x12: {  	s25 =	sadd.s32 $0xC350, s11;
	s22 =	sadd.s32 s2, s21;
	[dreg:$0x9] =	wrdreg s20  }
0x13: {  	s16 =	sshll.u32 s11, $0x2;
	s12 =	sadd.s32 s8, s17;
	[dreg:$0xb] =	wrdreg s22  }
0x14: {  	s24 =	ssub.s32 s23, s16;
	s17 =	sadd.s32 s2, s25;
	s18 =	sadd.s32 s9, s7  }
.Ltmp0:
0x15: {  	s20 =	sadd.s32 s9, s6;
	s23 =	ssub.s32 $0x0, s11;
	(pc) =	sbr.rel .LBB2_1-.Ltmp0, $4  }
0x16: {  	[dreg:$0x8] =	wrdreg s12;
	s12 =	sadd.s32 s8, s19;
	s19 =	sadd.s32 $0x8480, s14  }
0x17: {  	s26 =	sshra.s32 s24, $0x2;
	[dreg:$0xa] =	wrdreg s12;
	s12 =	sadd.s32 s8, s21  }
0x18: {  	v0 =	vlaneseq.u32;
	s24 =	simm.s32 $0x3C00;
	s8 =	sadd.s32 s8, s25;
	[dreg:$0xc] =	wrdreg s12  }
0x19: {  	v1 =	vimm.s32 $0x0;
	v2 =	vimm.f32 $0.0e+00;
	v3 =	vmul.u32 $0x8, v0;
	s21 =	smax.u32 s0, $0x1;
	s22 =	sadd.s32 $0x8480, s26;
	[dreg:$0xd] =	wrdreg s8  }
.LBB2_29:
0x1a: {  	s0 =	simm.s32 @p0 $0x0  }
0x1b: {  	[hbm4b:s18+s0] =	stream.linear.scatter @p0 [tilespmem:s19], [sflag:$0x2], $0x130, $0x38;
	[tilespmem:$0x85C0] =	vst v63  }
0x1c: {  	s0 =	simm.s32 @p0 $0x2  }
0x1d: {  	_ =	swait.ge @p0 [sflag:s0], $0x130  }
0x1e: {  	s1 =	simm.s32 @!p0 $0x8480;
	s31 =	sadd.s32 $0x1, s31;
	[sflag:s0] =	ssyncset.done @p0 $0x0  }
0x1f: {  	p1 =	sne.s32 s31, s21;
	[sflag:s0] =	ssyncadd.s32 @p0 $0xFFFFFED0;
	s0 =	simm.s32 @!p0 $0x0  }
0x20: {  	[hbm4b:s20+s0] =	stream.linear.scatter @!p0 [tilespmem:s1], [sflag:$0x2], $0x140, $0x38;
	[tilespmem:$0x85C0] =	vst v63  }
.Ltmp1:
0x21: {  	_ = 	snop;
	(pc) =	sbr.rel @!p1 .LBB2_30-.Ltmp1, $4  }
0x22: {  	s0 =	simm.s32 @!p0 $0x2  }
0x23: {  	_ =	swait.ge @!p0 [sflag:s0], $0x140  }
0x24: {  	[sflag:s0] =	ssyncset.done @!p0 $0x0  }
0x25: {  	[sflag:s0] =	ssyncadd.s32 @!p0 $0xFFFFFEC0  }
.LBB2_1:
0x26: {  	s0 =	rddreg [dreg:$0x3]  }
0x27: {  	[tilespmem:s3], [sflag:$0x1] =	stream.linear.gather [hbm4b:s0+s3], $0xA00, $0x38;
	[tilespmem:$0x85C0] =	vst v63  }
0x28: {  	s13 =	rddreg [dreg:$0x4]  }
0x29: {  	[tilespmem:s24], [sflag:$0x1] =	stream.linear.gather [hbm4b:s13+s3], $0xA00, $0x38;
	[tilespmem:$0x85C0] =	vst v63  }
0x2a: {  	s14 =	rddreg [dreg:$0x5];
	s1 =	simm.s32 $0xA00  }
0x2b: {  	[tilespmem:s1], [sflag:$0x1] =	stream.linear.gather [hbm4b:s14+s3], $0xA00, $0x38;
	[tilespmem:$0x85C0] =	vst v63  }
0x2c: {  	s15 =	rddreg [dreg:$0x6];
	s16 =	simm.s32 $0x4600  }
0x2d: {  	[tilespmem:s16], [sflag:$0x1] =	stream.linear.gather [hbm4b:s15+s3], $0xA00, $0x38;
	[tilespmem:$0x85C0] =	vst v63  }
0x2e: {  	s25 =	rddreg [dreg:$0x7];
	s26 =	simm.s32 $0x1400  }
0x2f: {  	[tilespmem:s26], [sflag:$0x1] =	stream.linear.gather [hbm4b:s25+s3], $0xA00, $0x38;
	[tilespmem:$0x85C0] =	vst v63  }
0x30: {  	s6 =	rddreg [dreg:$0x8];
	s7 =	simm.s32 $0x5000  }
0x31: {  	[tilespmem:s7], [sflag:$0x1] =	stream.linear.gather [hbm4b:s6+s3], $0xA00, $0x38;
	[tilespmem:$0x85C0] =	vst v63  }
0x32: {  	s8 =	rddreg [dreg:$0x9];
	s9 =	simm.s32 $0x1E00  }
0x33: {  	[tilespmem:s9], [sflag:$0x1] =	stream.linear.gather [hbm4b:s8+s3], $0xA00, $0x38;
	[tilespmem:$0x85C0] =	vst v63  }
0x34: {  	s10 =	rddreg [dreg:$0xa];
	s11 =	simm.s32 $0x5A00  }
0x35: {  	[tilespmem:s11], [sflag:$0x1] =	stream.linear.gather [hbm4b:s10+s3], $0xA00, $0x38;
	[tilespmem:$0x85C0] =	vst v63  }
0x36: {  	s12 =	rddreg [dreg:$0xb];
	s13 =	simm.s32 $0x2800  }
0x37: {  	[tilespmem:s13], [sflag:$0x1] =	stream.linear.gather [hbm4b:s12+s3], $0xA00, $0x38;
	[tilespmem:$0x85C0] =	vst v63  }
0x38: {  	s14 =	rddreg [dreg:$0xc];
	s15 =	simm.s32 $0x6400  }
0x39: {  	[tilespmem:s15], [sflag:$0x1] =	stream.linear.gather [hbm4b:s14+s3], $0xA00, $0x38;
	[tilespmem:$0x85C0] =	vst v63  }
0x3a: {  	s0 =	simm.s32 $0x0;
	s1 =	simm.s32 $0x40000000;
	s16 =	simm.s32 $0x3200  }
0x3b: {  	[tilespmem:s16], [sflag:$0x1] =	stream.linear.gather [hbm4b:s17+s3], $0xA00, $0x38;
	[tilespmem:$0x85C0] =	vst v63  }
0x3c: {  	s25 =	rddreg [dreg:$0xd];
	s26 =	simm.s32 $0x6E00;
	s6 =	simm.s32 $0x0  }
0x3d: {  	[tilespmem:s26], [sflag:$0x1] =	stream.linear.gather [hbm4b:s25+s3], $0xA00, $0x38;
	[tilespmem:$0x85C0] =	vst v63  }
.LBB2_2:
0x3e: {  	s8 =	smul.u32 $0x190, s6;
	s7 =	simm.s32 $0x0  }
0x3f: {  	v7 =	vor.u32 s7, v0  }
0x40: {  	s9 =	sadd.s32 s2, s8;
	v4 =	vshll.u32 v7, $0x3  }
0x41: {  	[tilespmem:s28], [sflag:$0x2] =	stream.linear.gather [hbm4b:s9+s7], $0xC80, $0x38;
	v5 =	vor.u32 $0x1, v4;
	[tilespmem:$0x85C0] =	vst v63  }
0x42: {  	v6 =	vor.u32 $0x2, v4;
	_ =	swait.ge [sflag:s29], $0xC80  }
0x43: {  	v8 =	vor.u32 $0x3, v4;
	[sflag:s29] =	ssyncset.done $0x0  }
0x44: {  	s16 =	simm.s32 $0x10;
	[sflag:s29] =	ssyncadd.s32 $0xFFFFF380  }
0x45: {  	v9 =	vor.u32 s16, v0;
	v4 =	vld.idx.msk [tilespmem:v4+s28+$0x0], $0xffff  }
0x46: {  	v10 =	vshll.u32 v9, $0x3;
	v5 =	vld.idx.msk [tilespmem:v5+s28+$0x0], $0xffff  }
0x47: {  	v11 =	vor.u32 $0x1, v10;
	v6 =	vld.idx.msk [tilespmem:v6+s28+$0x0], $0xffff  }
0x48: {  	v12 =	vor.u32 $0x2, v10;
	v8 =	vld.idx.msk [tilespmem:v8+s28+$0x0], $0xffff  }
0x49: {  	v13 =	vor.u32 $0x3, v10;
	_ =	sdelay $0x1  }
0x4a: {  	v4 =	vadd.s32 v4, v5;
	v5 =	vld.idx.msk [tilespmem:v10+s28+$0x0], $0xffff  }
0x4b: {  	v4 =	vadd.s32 v6, v4;
	v6 =	vld.idx.msk [tilespmem:v11+s28+$0x0], $0xffff  }
0x4c: {  	s25 =	simm.s32 $0x20;
	v4 =	vadd.s32 v8, v4;
	v8 =	vld.idx.msk [tilespmem:v12+s28+$0x0], $0xffff  }
0x4d: {  	v10 =	vor.u32 s25, v0;
	v11 =	vld.idx.msk [tilespmem:v13+s28+$0x0], $0xffff;
	vm2 =	vgt.s32 v4, $0x0  }
0x4e: {  	v4 =	vshll.u32 v10, $0x3;
	v12 =	vsel vm2, $0x1, v1  }
0x4f: {  	v13 =	vor.u32 $0x1, v4;
	(xrf0) =	vadd.scan.msk.s32 $0xffff, v12  }
0x50: {  	v14 =	vor.u32 $0x2, v4;
	v5 =	vadd.s32 v5, v6  }
0x51: {  	v12 =	vor.u32 $0x3, v4;
	v5 =	vadd.s32 v8, v5  }
0x52: {  	v5 =	vadd.s32 v11, v5  }
0x53: {  	v4 =	vld.idx.msk [tilespmem:v4+s28+$0x0], $0xffff;
	vm1 =	vgt.s32 v5, $0x0  }
0x54: {  	v6 =	vld.idx.msk [tilespmem:v13+s28+$0x0], $0xffff;
	v8 =	vsel vm1, $0x1, v1  }
0x55: {  	s26 =	simm.s32 $0x30;
	v5 =	vld.idx.msk [tilespmem:v14+s28+$0x0], $0xffff;
	v11, _, _ =	vpop (xrf0);
	(xrf0) =	vadd.scan.msk.s32 $0xffff, v8  }
0x56: {  	v13 =	vor.u32 s26, v0;
	v12 =	vld.idx.msk [tilespmem:v12+s28+$0x0], $0xffff;
	(v2sf) =	vpush v11, $0xF  }
0x57: {  	v8 =	vshll.u32 v13, $0x3  }
0x58: {  	v14 =	vor.u32 $0x1, v8  }
0x59: {  	v15 =	vor.u32 $0x2, v8;
	v4 =	vadd.s32 v4, v6  }
0x5a: {  	v16 =	vor.u32 $0x3, v8;
	v4 =	vadd.s32 v5, v4  }
0x5b: {  	vm2 =	vmmov vm2;
	v11 =	vadd.s32 s7, v11;
	v6 =	vadd.s32 v12, v4;
	v12, _, _ =	vpop (xrf0)  }
0x5c: {  	s11 =	simm.s32 $0x40;
	v5 =	vmov s8;
	v8 =	vld.idx.msk [tilespmem:v8+s28+$0x0], $0xffff;
	vm0 =	vgt.s32 v6, $0x0;
	(v2sf) =	vpush v12, $0xF  }
0x5d: {  	s10 =	ssub.s32 $0x8, s0;
	v5 =	vadd.s32 $0x80000000, v5;
	v14 =	vld.idx.msk [tilespmem:v14+s28+$0x0], $0xffff;
	v6 =	vor.u32 s11, v0;
	v17 =	vsel vm0, $0x1, v1  }
0x5e: {  	v4 =	vmov s10;
	v5 =	vbroadcast v5, $0x0;
	v15 =	vld.idx.msk [tilespmem:v15+s28+$0x0], $0xffff;
	(xrf0) =	vadd.scan.msk.s32 $0xffff, v17;
	v17 =	vshll.u32 v6, $0x3  }
0x5f: {  	vm2 =	vmmov vm2;
	vm3 =	veq.s32 v11, v4;
	v11 =	vld.idx.msk [tilespmem:v16+s28+$0x0], $0xffff;
	v16 =	vor.u32 $0x1, v17  }
0x60: {  	vm2 =	vmand vm2, vm3;
	v7 =	vadd.s32 v5, v7;
	v18 =	vor.u32 $0x2, v17  }
0x61: {  	v7 =	vnsel vm2, $0xC0000000, v7;
	v19 =	vor.u32 $0x3, v17  }
0x62: {  	(xrf0) =	vmin.scan.msk.u32 $0xffff, v7  }
0x63: {  	v7 =	vadd.s32 v8, v14;
	v8 =	vld.idx.msk [tilespmem:v17+s28+$0x0], $0xffff  }
0x64: {  	s12 =	simm.s32 $0x50;
	v9 =	vadd.s32 v5, v9;
	vm2 =	vmmov vm1;
	v7 =	vadd.s32 v15, v7;
	v15 =	vld.idx.msk [tilespmem:v16+s28+$0x0], $0xffff  }
0x65: {  	vm2 =	vmmov vm2;
	v11 =	vadd.s32 v11, v7;
	v7 =	vor.u32 s12, v0;
	v14, _, _ =	vpop (xrf0);
	v16 =	vld.idx.msk [tilespmem:v18+s28+$0x0], $0xffff;
	s13 =	spop (v2sf)  }
0x66: {  	vm1 =	vgt.s32 v11, $0x0;
	v11 =	vshll.u32 v7, $0x3;
	v17 =	vld.idx.msk [tilespmem:v19+s28+$0x0], $0xffff;
	(v2sf) =	vpush v14, $0xF;
	s7 =	sadd.s32 $0x0, s13  }
0x67: {  	v18 =	vsel vm1, $0x1, v1;
	v19 =	vor.u32 $0x1, v11;
	v12 =	vadd.s32 s7, v12  }
0x68: {  	v20 =	vor.u32 $0x2, v11;
	v61 =	vor.u32 $0x3, v11;
	v21, _, _ =	vpop (xrf0);
	vm3 =	veq.s32 v12, v4  }
0x69: {  	(v2sf) =	vpush v21, $0xF;
	v8 =	vadd.s32 v8, v15;
	vm2 =	vmand vm2, vm3  }
0x6a: {  	(xrf0) =	vadd.scan.msk.s32 $0xffff, v18;
	v8 =	vadd.s32 v16, v8;
	v9 =	vnsel vm2, $0xC0000000, v9  }
0x6b: {  	v11 =	vld.idx.msk [tilespmem:v11+s28+$0x0], $0xffff;
	(xrf0) =	vmin.scan.msk.u32 $0xffff, v9;
	v9 =	vadd.s32 v17, v8;
	s15 =	spop (v2sf)  }
0x6c: {  	v12 =	vld.idx.msk [tilespmem:v19+s28+$0x0], $0xffff;
	vm2 =	vgt.s32 v9, $0x0;
	s7 =	sadd.s32 s7, s15  }
0x6d: {  	vm0 =	vmmov vm0;
	v9 =	vld.idx.msk [tilespmem:v20+s28+$0x0], $0xffff;
	v16 =	vsel vm2, $0x1, v1;
	v14 =	vadd.s32 s7, v14  }
0x6e: {  	vm0 =	vmmov vm0;
	v17 =	vld.idx.msk [tilespmem:v61+s28+$0x0], $0xffff;
	vm3 =	veq.s32 v14, v4  }
0x6f: {  	v10 =	vadd.s32 v5, v10;
	vm0 =	vmand vm0, vm3  }
0x70: {  	s14 =	simm.s32 $0x60;
	(xrf0) =	vadd.scan.msk.s32 $0xffff, v16;
	v16, _, _ =	vpop (xrf0);
	v10 =	vnsel vm0, $0xC0000000, v10  }
0x71: {  	v8 =	vor.u32 s14, v0;
	v11 =	vadd.s32 v11, v12;
	v19, _, _ =	vpop (xrf0);
	(xrf0) =	vmin.scan.msk.u32 $0xffff, v10  }
0x72: {  	v15 =	vshll.u32 v8, $0x3;
	(v2sf) =	vpush v16, $0xF;
	v9 =	vadd.s32 v9, v11  }
0x73: {  	v18 =	vor.u32 $0x1, v15;
	v10 =	vadd.s32 v17, v9  }
0x74: {  	v14 =	vor.u32 $0x2, v15  }
0x75: {  	v62 =	vor.u32 $0x3, v15;
	vm0 =	vmmov vm1;
	s25 =	spop (v2sf)  }
0x76: {  	vm1 =	vmmov vm2;
	(v2sf) =	vpush v19, $0xF;
	vm2 =	vgt.s32 v10, $0x0;
	s9 =	sadd.s32 s7, s25;
	v10, _, _ =	vpop (xrf0)  }
0x77: {  	s16 =	simm.s32 $0x70;
	v19 =	vld.idx.msk [tilespmem:v15+s28+$0x0], $0xffff;
	v12 =	vadd.s32 s9, v16;
	(v2sf) =	vpush v10, $0xF;
	v16, _, _ =	vpop (xrf0)  }
0x78: {  	v18 =	vld.idx.msk [tilespmem:v18+s28+$0x0], $0xffff;
	v9 =	vor.u32 s16, v0;
	s26 =	spop (v2sf);
	(v2sf) =	vpush v16, $0xF  }
0x79: {  	v17 =	vld.idx.msk [tilespmem:v14+s28+$0x0], $0xffff;
	v63 =	vshll.u32 v9, $0x3  }
0x7a: {  	v15 =	vsel vm2, $0x1, v1  }
0x7b: {  	vm0 =	vmmov vm0;
	v14 =	vor.u32 $0x1, v63;
	(xrf0) =	vadd.scan.msk.s32 $0xffff, v15;
	v15 =	vld.idx.msk [tilespmem:v62+s28+$0x0], $0xffff;
	vm3 =	veq.s32 v12, v4  }
0x7c: {  	v13 =	vadd.s32 v5, v13;
	v11 =	vor.u32 $0x2, v63;
	vm0 =	vmand vm0, vm3  }
0x7d: {  	v12 =	vor.u32 $0x3, v63;
	s8 =	sxor.u32 $0x80000000, s26;
	v18 =	vadd.s32 v19, v18;
	v19 =	vnsel vm0, $0xC0000000, v13  }
0x7e: {  	s10 =	simm.s32 $0x80;
	vm1 =	vmmov vm1;
	s7 =	simm.s32 $0x40000000;
	p1 =	sgt.s32 s8, $0x40000000;
	v13 =	vld.idx.msk [tilespmem:v63+s28+$0x0], $0xffff;
	v16 =	vadd.s32 v17, v18;
	vm0 =	vmmov vm2;
	(xrf0) =	vmin.scan.msk.u32 $0xffff, v19  }
.LBB2_3:
0x7f: {  	s11 =	smov.u32 s7;
	p2 =	sne.s32 s10, $0x180;
	s7 =	smov.u32 s8  }
0x80: {  	s8 =	smov.u32 s10;
	s10 =	sadd.s32 $0x10, s10;
	v17 =	vld.idx.msk [tilespmem:v14+s28+$0x0], $0xffff;
	v14 =	vadd.s32 v15, v16;
	s7 =	smov.u32 @p1 s11  }
0x81: {  	v18 =	vor.u32 s8, v0;
	v16 =	vld.idx.msk [tilespmem:v11+s28+$0x0], $0xffff;
	vm2 =	vgt.s32 v14, $0x0;
	v19, _, _ =	vpop (xrf0);
	s8 =	spop (v2sf)  }
0x82: {  	v20 =	vshll.u32 v18, $0x3;
	v15 =	vld.idx.msk [tilespmem:v12+s28+$0x0], $0xffff;
	v12 =	vsel vm2, $0x1, v1;
	(v2sf) =	vpush v19, $0xF;
	s9 =	sadd.s32 s9, s8  }
.Ltmp2:
0x83: {  	v14 =	vor.u32 $0x1, v20;
	v11 =	vor.u32 $0x2, v20;
	(xrf0) =	vadd.scan.msk.s32 $0xffff, v12;
	v22 =	vadd.s32 s9, v10;
	v10 =	vmovc v19;
	(pc) =	sbr.rel @p2 .LBB2_3-.Ltmp2, $4  }
0x84: {  	v12 =	vor.u32 $0x3, v20;
	vm3 =	veq.s32 v22, v4  }
0x85: {  	v19 =	vadd.s32 v5, v6;
	v6 =	vmov v7;
	vm1 =	vmand vm1, vm3;
	v21, _, _ =	vpop (xrf0);
	s8 =	spop (v2sf)  }
0x86: {  	v7 =	vmovc v8;
	v8 =	vmovc v9;
	v17 =	vadd.s32 v13, v17;
	v19 =	vnsel vm1, $0xC0000000, v19;
	(v2sf) =	vpush v21, $0xF;
	s8 =	sxor.u32 $0x80000000, s8  }
0x87: {  	v9 =	vmovc v18;
	v16 =	vadd.s32 v16, v17;
	vm1 =	vmmov vm0;
	vm0 =	vmmov vm2;
	v13 =	vld.idx.msk [tilespmem:v20+s28+$0x0], $0xffff;
	(xrf0) =	vmin.scan.msk.u32 $0xffff, v19;
	p1 =	slt.s32 s7, s8  }
0x88: {  	v15 =	vadd.s32 v15, v16  }
0x89: {  	vm2 =	vgt.s32 v15, $0x0  }
0x8a: {  	v15 =	vsel vm2, $0x1, v1  }
0x8b: {  	(xrf0) =	vadd.scan.msk.s32 $0xffff, v15;
	_ =	sdelay $0x3  }
0x8c: {  	v52, _, _ =	vpop (xrf0)  }
0x8d: {  	(v2sf) =	vpush v52, $0xF;
	v53, _, _ =	vpop (xrf0)  }
0x8e: {  	(v2sf) =	vpush v53, $0xF;
	v54, _, _ =	vpop (xrf0)  }
0x8f: {  	v14 =	vld.idx.msk [tilespmem:v14+s28+$0x0], $0xffff;
	(v2sf) =	vpush v54, $0xF  }
0x90: {  	v11 =	vld.idx.msk [tilespmem:v11+s28+$0x0], $0xffff  }
0x91: {  	v12 =	vld.idx.msk [tilespmem:v12+s28+$0x0], $0xffff  }
0x92: {  	s10 =	spop (v2sf)  }
0x93: {  	s9 =	sadd.s32 s9, s10  }
0x94: {  	v10 =	vadd.s32 s9, v10;
	v13 =	vadd.s32 v13, v14  }
0x95: {  	vm3 =	veq.s32 v10, v4;
	v55 =	vadd.s32 v11, v13  }
0x96: {  	v6 =	vadd.s32 v5, v6;
	vm1 =	vmand vm1, vm3;
	v10 =	vadd.s32 v12, v55  }
0x97: {  	v6 =	vnsel vm1, $0xC0000000, v6;
	vm10 =	vgt.s32 v10, $0x0  }
0x98: {  	(xrf0) =	vmin.scan.msk.u32 $0xffff, v6;
	v56 =	vsel vm10, $0x1, v1  }
0x99: {  	s16 =	spop (v2sf);
	(xrf0) =	vadd.scan.msk.s32 $0xffff, v56  }
0x9a: {  	s11 =	spop (v2sf)  }
0x9b: {  	s9 =	sadd.s32 s9, s11;
	s25 =	spop (v2sf)  }
0x9c: {  	vm0 =	vmmov vm0;
	v57 =	vadd.s32 s9, v52;
	s12 =	spop (v2sf)  }
0x9d: {  	v58 =	vadd.s32 v5, v7;
	v62 =	vadd.s32 v5, v8;
	vm11 =	veq.s32 v57, v4;
	s9 =	sadd.s32 s9, s12;
	s26 =	spop (v2sf)  }
0x9e: {  	vm2 =	vmmov vm2;
	v59, _, _ =	vpop (xrf0);
	vm0 =	vmand vm0, vm11;
	v60 =	vadd.s32 s9, v54;
	s13 =	spop (v2sf)  }
0x9f: {  	vm12 =	vmmov vm2;
	v6 =	vnsel vm0, $0xC0000000, v58;
	v61, _, _ =	vpop (xrf0);
	vm13 =	veq.s32 v60, v4;
	s9 =	sadd.s32 s9, s13  }
0xa0: {  	vm1 =	vmmov vm10;
	(xrf0) =	vmin.scan.msk.u32 $0xffff, v6;
	vm0 =	vmand vm12, vm13;
	v63 =	vadd.s32 s9, v61  }
0xa1: {  	vm14 =	vmmov vm1;
	v6 =	vnsel vm0, $0xC0000000, v62;
	vm15 =	veq.s32 v63, v4  }
0xa2: {  	(xrf0) =	vmin.scan.msk.u32 $0xffff, v6;
	v4 =	vadd.s32 v5, v9;
	vm0 =	vmand vm14, vm15  }
0xa3: {  	v4 =	vnsel vm0, $0xC0000000, v4  }
0xa4: {  	(xrf0) =	vmin.scan.msk.u32 $0xffff, v4  }
0xa5: {  	(v2sf) =	vpush v59, $0xF  }
0xa6: {  	(v2sf) =	vpush v61, $0xF;
	v4, _, _ =	vpop (xrf0)  }
0xa7: {  	(v2sf) =	vpush v4, $0xF  }
0xa8: {  	v4, _, _ =	vpop (xrf0)  }
0xa9: {  	(v2sf) =	vpush v4, $0xF  }
0xaa: {  	v4, _, _ =	vpop (xrf0)  }
0xab: {  	(v2sf) =	vpush v4, $0xF;
	_ =	sdelay $0x3  }
0xac: {  	s8 =	smov.u32 @p1 s7;
	s7 =	sxor.u32 $0x80000000, s16  }
0xad: {  	p1 =	slt.s32 s8, s7  }
0xae: {  	s7 =	smov.u32 @p1 s8;
	s8 =	sxor.u32 $0x80000000, s25  }
0xaf: {  	p1 =	slt.s32 s7, s8  }
0xb0: {  	s8 =	smov.u32 @p1 s7;
	s7 =	sxor.u32 $0x80000000, s26  }
0xb1: {  	p1 =	slt.s32 s8, s7;
	s14 =	spop (v2sf)  }
0xb2: {  	s7 =	smov.u32 @p1 s8;
	s8 =	sxor.u32 $0x80000000, s14;
	s15 =	spop (v2sf)  }
0xb3: {  	p1 =	slt.s32 s7, s8;
	s16 =	spop (v2sf)  }
0xb4: {  	s8 =	smov.u32 @p1 s7;
	s7 =	sxor.u32 $0x80000000, s16  }
0xb5: {  	s25 =	spop (v2sf);
	p1 =	slt.s32 s8, s7  }
0xb6: {  	s7 =	smov.u32 @p1 s8;
	s8 =	sxor.u32 $0x80000000, s25  }
0xb7: {  	p1 =	slt.s32 s7, s8;
	s26 =	spop (v2sf)  }
0xb8: {  	s9 =	sadd.s32 s9, s15;
	s8 =	smov.u32 @p1 s7;
	s7 =	sxor.u32 $0x80000000, s26  }
0xb9: {  	s0 =	sadd.s32 s0, s9;
	p1 =	sgt.u32 s6, $0x17;
	p2 =	slt.s32 s8, s7  }
0xba: {  	s7 =	smov.u32 @p2 s8;
	p2 =	slt.s32 @!p1 s0, $0x8  }
0xbb: {  	p2 =	por p1, !p2  }
.Ltmp3:
0xbc: {  	_ = 	snop;
	(pc) =	sbr.rel @!p2 .LBB2_2-.Ltmp3, $3  }
0xbd: {  	_ =	sdelay $0x1  }
0xbe: {  	p3 =	sgt.s32 s0, $0x7  }
0xbf: {  	s6 =	sadd.s32 $0x1, s6;
	s1 =	smov.u32 @p3 s7  }
0xc0: {  	s0 =	simm.s32 $0x40000000;
	s6 =	simm.s32 $0x0;
	s7 =	simm.s32 $0x0  }
0xc1: {  	s0 =	simm.s32 @p1 $0x40000000;
	s6 =	simm.s32 @p1 $0x0;
	s7 =	simm.s32 @p1 $0x0  }
.LBB2_6:
0xc2: {  	s8 =	smul.u32 $0xC80, s7;
	_ =	sdelay $0x1  }
0xc3: {  	s14 =	simm.s32 $0x0;
	s9 =	sshrl.u32 s8, $0x3  }
0xc4: {  	v7 =	vor.u32 s14, v0;
	s9 =	sadd.s32 s2, s9  }
0xc5: {  	v4 =	vshll.u32 v7, $0x3;
	s9 =	sadd.s32 $0x2710, s9  }
0xc6: {  	v5 =	vor.u32 $0x1, v4;
	[tilespmem:s28], [sflag:$0x2] =	stream.linear.gather [hbm4b:s9+s14], $0xC80, $0x38;
	[tilespmem:$0x85C0] =	vst v63  }
0xc7: {  	v6 =	vor.u32 $0x2, v4;
	_ =	swait.ge [sflag:s29], $0xC80  }
0xc8: {  	v8 =	vor.u32 $0x3, v4;
	[sflag:s29] =	ssyncset.done $0x0  }
0xc9: {  	s15 =	simm.s32 $0x10;
	[sflag:s29] =	ssyncadd.s32 $0xFFFFF380  }
0xca: {  	v9 =	vor.u32 s15, v0;
	v4 =	vld.idx.msk [tilespmem:v4+s28+$0x0], $0xffff  }
0xcb: {  	v10 =	vshll.u32 v9, $0x3;
	v5 =	vld.idx.msk [tilespmem:v5+s28+$0x0], $0xffff  }
0xcc: {  	v11 =	vor.u32 $0x1, v10;
	v6 =	vld.idx.msk [tilespmem:v6+s28+$0x0], $0xffff  }
0xcd: {  	v12 =	vor.u32 $0x2, v10;
	v8 =	vld.idx.msk [tilespmem:v8+s28+$0x0], $0xffff  }
0xce: {  	v13 =	vor.u32 $0x3, v10;
	_ =	sdelay $0x1  }
0xcf: {  	v4 =	vadd.s32 v4, v5;
	v5 =	vld.idx.msk [tilespmem:v10+s28+$0x0], $0xffff  }
0xd0: {  	v4 =	vadd.s32 v6, v4;
	v6 =	vld.idx.msk [tilespmem:v11+s28+$0x0], $0xffff  }
0xd1: {  	s16 =	simm.s32 $0x20;
	v4 =	vadd.s32 v8, v4;
	v8 =	vld.idx.msk [tilespmem:v12+s28+$0x0], $0xffff  }
0xd2: {  	v10 =	vor.u32 s16, v0;
	v11 =	vld.idx.msk [tilespmem:v13+s28+$0x0], $0xffff;
	vm2 =	vgt.s32 v4, $0x0  }
0xd3: {  	v4 =	vshll.u32 v10, $0x3;
	v12 =	vsel vm2, $0x1, v1  }
0xd4: {  	v13 =	vor.u32 $0x1, v4;
	(xrf0) =	vadd.scan.msk.s32 $0xffff, v12  }
0xd5: {  	v14 =	vor.u32 $0x2, v4;
	v5 =	vadd.s32 v5, v6  }
0xd6: {  	v12 =	vor.u32 $0x3, v4;
	v5 =	vadd.s32 v8, v5  }
0xd7: {  	v5 =	vadd.s32 v11, v5  }
0xd8: {  	v4 =	vld.idx.msk [tilespmem:v4+s28+$0x0], $0xffff;
	vm1 =	vgt.s32 v5, $0x0  }
0xd9: {  	v6 =	vld.idx.msk [tilespmem:v13+s28+$0x0], $0xffff;
	v8 =	vsel vm1, $0x1, v1  }
0xda: {  	s25 =	simm.s32 $0x30;
	v5 =	vld.idx.msk [tilespmem:v14+s28+$0x0], $0xffff;
	v11, _, _ =	vpop (xrf0);
	(xrf0) =	vadd.scan.msk.s32 $0xffff, v8  }
0xdb: {  	v13 =	vor.u32 s25, v0;
	v12 =	vld.idx.msk [tilespmem:v12+s28+$0x0], $0xffff;
	(v2sf) =	vpush v11, $0xF  }
0xdc: {  	v8 =	vshll.u32 v13, $0x3  }
0xdd: {  	v14 =	vor.u32 $0x1, v8  }
0xde: {  	v15 =	vor.u32 $0x2, v8;
	v4 =	vadd.s32 v4, v6  }
0xdf: {  	s26 =	smul.u32 $0x190, s7;
	v16 =	vor.u32 $0x3, v8;
	v4 =	vadd.s32 v5, v4  }
0xe0: {  	vm2 =	vmmov vm2;
	v11 =	vadd.s32 s14, v11;
	v6 =	vadd.s32 v12, v4;
	v12, _, _ =	vpop (xrf0)  }
0xe1: {  	s11 =	simm.s32 $0x40;
	v5 =	vmov s26;
	v8 =	vld.idx.msk [tilespmem:v8+s28+$0x0], $0xffff;
	vm0 =	vgt.s32 v6, $0x0;
	(v2sf) =	vpush v12, $0xF  }
0xe2: {  	s10 =	ssub.s32 $0x8, s6;
	v5 =	vadd.s32 $0x80000000, v5;
	v14 =	vld.idx.msk [tilespmem:v14+s28+$0x0], $0xffff;
	v6 =	vor.u32 s11, v0;
	v17 =	vsel vm0, $0x1, v1  }
0xe3: {  	v4 =	vmov s10;
	v5 =	vbroadcast v5, $0x0;
	v15 =	vld.idx.msk [tilespmem:v15+s28+$0x0], $0xffff;
	(xrf0) =	vadd.scan.msk.s32 $0xffff, v17;
	v17 =	vshll.u32 v6, $0x3  }
0xe4: {  	vm2 =	vmmov vm2;
	vm3 =	veq.s32 v11, v4;
	v11 =	vld.idx.msk [tilespmem:v16+s28+$0x0], $0xffff;
	v16 =	vor.u32 $0x1, v17  }
0xe5: {  	vm2 =	vmand vm2, vm3;
	v7 =	vadd.s32 v5, v7;
	v18 =	vor.u32 $0x2, v17  }
0xe6: {  	v7 =	vnsel vm2, $0xC0000000, v7;
	v19 =	vor.u32 $0x3, v17  }
0xe7: {  	(xrf0) =	vmin.scan.msk.u32 $0xffff, v7  }
0xe8: {  	v7 =	vadd.s32 v8, v14;
	v8 =	vld.idx.msk [tilespmem:v17+s28+$0x0], $0xffff  }
0xe9: {  	s12 =	simm.s32 $0x50;
	v9 =	vadd.s32 v5, v9;
	vm2 =	vmmov vm1;
	v7 =	vadd.s32 v15, v7;
	v15 =	vld.idx.msk [tilespmem:v16+s28+$0x0], $0xffff  }
0xea: {  	vm2 =	vmmov vm2;
	v11 =	vadd.s32 v11, v7;
	v7 =	vor.u32 s12, v0;
	v14, _, _ =	vpop (xrf0);
	v16 =	vld.idx.msk [tilespmem:v18+s28+$0x0], $0xffff;
	s13 =	spop (v2sf)  }
0xeb: {  	vm1 =	vgt.s32 v11, $0x0;
	v11 =	vshll.u32 v7, $0x3;
	v17 =	vld.idx.msk [tilespmem:v19+s28+$0x0], $0xffff;
	(v2sf) =	vpush v14, $0xF;
	s8 =	sadd.s32 $0x0, s13  }
0xec: {  	v18 =	vsel vm1, $0x1, v1;
	v19 =	vor.u32 $0x1, v11;
	v12 =	vadd.s32 s8, v12  }
0xed: {  	v20 =	vor.u32 $0x2, v11;
	v61 =	vor.u32 $0x3, v11;
	v21, _, _ =	vpop (xrf0);
	vm3 =	veq.s32 v12, v4  }
0xee: {  	(v2sf) =	vpush v21, $0xF;
	v8 =	vadd.s32 v8, v15;
	vm2 =	vmand vm2, vm3  }
0xef: {  	(xrf0) =	vadd.scan.msk.s32 $0xffff, v18;
	v8 =	vadd.s32 v16, v8;
	v9 =	vnsel vm2, $0xC0000000, v9  }
0xf0: {  	v11 =	vld.idx.msk [tilespmem:v11+s28+$0x0], $0xffff;
	(xrf0) =	vmin.scan.msk.u32 $0xffff, v9;
	v9 =	vadd.s32 v17, v8;
	s15 =	spop (v2sf)  }
0xf1: {  	v12 =	vld.idx.msk [tilespmem:v19+s28+$0x0], $0xffff;
	vm2 =	vgt.s32 v9, $0x0;
	s8 =	sadd.s32 s8, s15  }
0xf2: {  	vm0 =	vmmov vm0;
	v9 =	vld.idx.msk [tilespmem:v20+s28+$0x0], $0xffff;
	v16 =	vsel vm2, $0x1, v1;
	v14 =	vadd.s32 s8, v14  }
0xf3: {  	vm0 =	vmmov vm0;
	v17 =	vld.idx.msk [tilespmem:v61+s28+$0x0], $0xffff;
	vm3 =	veq.s32 v14, v4  }
0xf4: {  	v10 =	vadd.s32 v5, v10;
	vm0 =	vmand vm0, vm3  }
0xf5: {  	s14 =	simm.s32 $0x60;
	(xrf0) =	vadd.scan.msk.s32 $0xffff, v16;
	v16, _, _ =	vpop (xrf0);
	v10 =	vnsel vm0, $0xC0000000, v10  }
0xf6: {  	v8 =	vor.u32 s14, v0;
	v11 =	vadd.s32 v11, v12;
	v19, _, _ =	vpop (xrf0);
	(xrf0) =	vmin.scan.msk.u32 $0xffff, v10  }
0xf7: {  	v15 =	vshll.u32 v8, $0x3;
	(v2sf) =	vpush v16, $0xF;
	v9 =	vadd.s32 v9, v11  }
0xf8: {  	v18 =	vor.u32 $0x1, v15;
	v10 =	vadd.s32 v17, v9  }
0xf9: {  	v14 =	vor.u32 $0x2, v15  }
0xfa: {  	v62 =	vor.u32 $0x3, v15;
	vm0 =	vmmov vm1;
	s25 =	spop (v2sf)  }
0xfb: {  	vm1 =	vmmov vm2;
	(v2sf) =	vpush v19, $0xF;
	vm2 =	vgt.s32 v10, $0x0;
	s10 =	sadd.s32 s8, s25;
	v10, _, _ =	vpop (xrf0)  }
0xfc: {  	s16 =	simm.s32 $0x70;
	v19 =	vld.idx.msk [tilespmem:v15+s28+$0x0], $0xffff;
	v12 =	vadd.s32 s10, v16;
	(v2sf) =	vpush v10, $0xF;
	v16, _, _ =	vpop (xrf0)  }
0xfd: {  	v18 =	vld.idx.msk [tilespmem:v18+s28+$0x0], $0xffff;
	v9 =	vor.u32 s16, v0;
	s26 =	spop (v2sf);
	(v2sf) =	vpush v16, $0xF  }
0xfe: {  	v17 =	vld.idx.msk [tilespmem:v14+s28+$0x0], $0xffff;
	v63 =	vshll.u32 v9, $0x3  }
0xff: {  	v15 =	vsel vm2, $0x1, v1  }
0x100: {  	vm0 =	vmmov vm0;
	v14 =	vor.u32 $0x1, v63;
	(xrf0) =	vadd.scan.msk.s32 $0xffff, v15;
	v15 =	vld.idx.msk [tilespmem:v62+s28+$0x0], $0xffff;
	vm3 =	veq.s32 v12, v4  }
0x101: {  	v13 =	vadd.s32 v5, v13;
	v11 =	vor.u32 $0x2, v63;
	vm0 =	vmand vm0, vm3  }
0x102: {  	v12 =	vor.u32 $0x3, v63;
	s9 =	sxor.u32 $0x80000000, s26;
	v18 =	vadd.s32 v19, v18;
	v19 =	vnsel vm0, $0xC0000000, v13  }
0x103: {  	s11 =	simm.s32 $0x80;
	vm1 =	vmmov vm1;
	s8 =	simm.s32 $0x40000000;
	p1 =	sgt.s32 s9, $0x40000000;
	v13 =	vld.idx.msk [tilespmem:v63+s28+$0x0], $0xffff;
	v16 =	vadd.s32 v17, v18;
	vm0 =	vmmov vm2;
	(xrf0) =	vmin.scan.msk.u32 $0xffff, v19  }
.LBB2_7:
0x104: {  	s12 =	smov.u32 s8;
	p2 =	sne.s32 s11, $0x180;
	s8 =	smov.u32 s9  }
0x105: {  	s9 =	smov.u32 s11;
	s11 =	sadd.s32 $0x10, s11;
	v17 =	vld.idx.msk [tilespmem:v14+s28+$0x0], $0xffff;
	v14 =	vadd.s32 v15, v16;
	s8 =	smov.u32 @p1 s12  }
0x106: {  	v18 =	vor.u32 s9, v0;
	v16 =	vld.idx.msk [tilespmem:v11+s28+$0x0], $0xffff;
	vm2 =	vgt.s32 v14, $0x0;
	v19, _, _ =	vpop (xrf0);
	s9 =	spop (v2sf)  }
0x107: {  	v20 =	vshll.u32 v18, $0x3;
	v15 =	vld.idx.msk [tilespmem:v12+s28+$0x0], $0xffff;
	v12 =	vsel vm2, $0x1, v1;
	(v2sf) =	vpush v19, $0xF;
	s10 =	sadd.s32 s10, s9  }
.Ltmp4:
0x108: {  	v14 =	vor.u32 $0x1, v20;
	v11 =	vor.u32 $0x2, v20;
	(xrf0) =	vadd.scan.msk.s32 $0xffff, v12;
	v22 =	vadd.s32 s10, v10;
	v10 =	vmovc v19;
	(pc) =	sbr.rel @p2 .LBB2_7-.Ltmp4, $4  }
0x109: {  	v12 =	vor.u32 $0x3, v20;
	vm3 =	veq.s32 v22, v4  }
0x10a: {  	v19 =	vadd.s32 v5, v6;
	v6 =	vmov v7;
	vm1 =	vmand vm1, vm3;
	v21, _, _ =	vpop (xrf0);
	s9 =	spop (v2sf)  }
0x10b: {  	v7 =	vmovc v8;
	v8 =	vmovc v9;
	v17 =	vadd.s32 v13, v17;
	v19 =	vnsel vm1, $0xC0000000, v19;
	(v2sf) =	vpush v21, $0xF;
	s9 =	sxor.u32 $0x80000000, s9  }
0x10c: {  	v9 =	vmovc v18;
	v16 =	vadd.s32 v16, v17;
	vm1 =	vmmov vm0;
	vm0 =	vmmov vm2;
	v13 =	vld.idx.msk [tilespmem:v20+s28+$0x0], $0xffff;
	(xrf0) =	vmin.scan.msk.u32 $0xffff, v19;
	p1 =	slt.s32 s8, s9  }
0x10d: {  	v15 =	vadd.s32 v15, v16  }
0x10e: {  	vm2 =	vgt.s32 v15, $0x0  }
0x10f: {  	v15 =	vsel vm2, $0x1, v1  }
0x110: {  	(xrf0) =	vadd.scan.msk.s32 $0xffff, v15;
	_ =	sdelay $0x3  }
0x111: {  	v52, _, _ =	vpop (xrf0)  }
0x112: {  	(v2sf) =	vpush v52, $0xF;
	v53, _, _ =	vpop (xrf0)  }
0x113: {  	(v2sf) =	vpush v53, $0xF;
	v54, _, _ =	vpop (xrf0)  }
0x114: {  	v14 =	vld.idx.msk [tilespmem:v14+s28+$0x0], $0xffff;
	(v2sf) =	vpush v54, $0xF  }
0x115: {  	v11 =	vld.idx.msk [tilespmem:v11+s28+$0x0], $0xffff  }
0x116: {  	v12 =	vld.idx.msk [tilespmem:v12+s28+$0x0], $0xffff  }
0x117: {  	s11 =	spop (v2sf)  }
0x118: {  	s10 =	sadd.s32 s10, s11  }
0x119: {  	v10 =	vadd.s32 s10, v10;
	v13 =	vadd.s32 v13, v14  }
0x11a: {  	vm3 =	veq.s32 v10, v4;
	v55 =	vadd.s32 v11, v13  }
0x11b: {  	v6 =	vadd.s32 v5, v6;
	vm1 =	vmand vm1, vm3;
	v10 =	vadd.s32 v12, v55  }
0x11c: {  	v6 =	vnsel vm1, $0xC0000000, v6;
	vm10 =	vgt.s32 v10, $0x0  }
0x11d: {  	(xrf0) =	vmin.scan.msk.u32 $0xffff, v6;
	v56 =	vsel vm10, $0x1, v1  }
0x11e: {  	s15 =	spop (v2sf);
	(xrf0) =	vadd.scan.msk.s32 $0xffff, v56  }
0x11f: {  	s12 =	spop (v2sf)  }
0x120: {  	s10 =	sadd.s32 s10, s12;
	s16 =	spop (v2sf)  }
0x121: {  	vm0 =	vmmov vm0;
	v57 =	vadd.s32 s10, v52;
	s13 =	spop (v2sf)  }
0x122: {  	v58 =	vadd.s32 v5, v7;
	v62 =	vadd.s32 v5, v8;
	vm11 =	veq.s32 v57, v4;
	s10 =	sadd.s32 s10, s13;
	s26 =	spop (v2sf)  }
0x123: {  	vm2 =	vmmov vm2;
	v59, _, _ =	vpop (xrf0);
	vm0 =	vmand vm0, vm11;
	v60 =	vadd.s32 s10, v54;
	s25 =	spop (v2sf)  }
0x124: {  	vm12 =	vmmov vm2;
	v6 =	vnsel vm0, $0xC0000000, v58;
	v61, _, _ =	vpop (xrf0);
	vm13 =	veq.s32 v60, v4;
	s10 =	sadd.s32 s10, s25  }
0x125: {  	vm1 =	vmmov vm10;
	(xrf0) =	vmin.scan.msk.u32 $0xffff, v6;
	vm0 =	vmand vm12, vm13;
	v63 =	vadd.s32 s10, v61  }
0x126: {  	vm14 =	vmmov vm1;
	v6 =	vnsel vm0, $0xC0000000, v62;
	vm15 =	veq.s32 v63, v4  }
0x127: {  	(xrf0) =	vmin.scan.msk.u32 $0xffff, v6;
	v4 =	vadd.s32 v5, v9;
	vm0 =	vmand vm14, vm15  }
0x128: {  	v4 =	vnsel vm0, $0xC0000000, v4  }
0x129: {  	(xrf0) =	vmin.scan.msk.u32 $0xffff, v4  }
0x12a: {  	(v2sf) =	vpush v59, $0xF  }
0x12b: {  	(v2sf) =	vpush v61, $0xF;
	v4, _, _ =	vpop (xrf0)  }
0x12c: {  	(v2sf) =	vpush v4, $0xF  }
0x12d: {  	v4, _, _ =	vpop (xrf0)  }
0x12e: {  	(v2sf) =	vpush v4, $0xF  }
0x12f: {  	v4, _, _ =	vpop (xrf0)  }
0x130: {  	(v2sf) =	vpush v4, $0xF;
	_ =	sdelay $0x3  }
0x131: {  	s9 =	smov.u32 @p1 s8;
	s8 =	sxor.u32 $0x80000000, s15  }
0x132: {  	p1 =	slt.s32 s9, s8  }
0x133: {  	s8 =	smov.u32 @p1 s9;
	s9 =	sxor.u32 $0x80000000, s16  }
0x134: {  	p1 =	slt.s32 s8, s9  }
0x135: {  	s9 =	smov.u32 @p1 s8;
	s8 =	sxor.u32 $0x80000000, s26  }
0x136: {  	p1 =	slt.s32 s9, s8;
	s14 =	spop (v2sf)  }
0x137: {  	s8 =	smov.u32 @p1 s9;
	s9 =	sxor.u32 $0x80000000, s14;
	s15 =	spop (v2sf)  }
0x138: {  	p1 =	slt.s32 s8, s9;
	s16 =	spop (v2sf)  }
0x139: {  	s9 =	smov.u32 @p1 s8;
	s8 =	sxor.u32 $0x80000000, s16  }
0x13a: {  	s25 =	spop (v2sf);
	p1 =	slt.s32 s9, s8  }
0x13b: {  	s8 =	smov.u32 @p1 s9;
	s9 =	sxor.u32 $0x80000000, s25  }
0x13c: {  	p1 =	slt.s32 s8, s9;
	s26 =	spop (v2sf)  }
0x13d: {  	s10 =	sadd.s32 s10, s15;
	s9 =	smov.u32 @p1 s8;
	s8 =	sxor.u32 $0x80000000, s26  }
0x13e: {  	s6 =	sadd.s32 s6, s10;
	p1 =	sgt.u32 s7, $0x17;
	p2 =	slt.s32 s9, s8  }
0x13f: {  	s8 =	smov.u32 @p2 s9;
	p2 =	slt.s32 @!p1 s6, $0x8  }
0x140: {  	p2 =	por p1, !p2  }
.Ltmp5:
0x141: {  	_ = 	snop;
	(pc) =	sbr.rel @!p2 .LBB2_6-.Ltmp5, $3  }
0x142: {  	_ =	sdelay $0x1  }
0x143: {  	p3 =	sgt.s32 s6, $0x7  }
0x144: {  	s7 =	sadd.s32 $0x1, s7;
	s0 =	smov.u32 @p3 s8  }
0x145: {  	s25 =	simm.s32 $0x40000000;
	s6 =	simm.s32 $0x0;
	s7 =	simm.s32 $0x0  }
0x146: {  	s25 =	simm.s32 @p1 $0x40000000;
	s6 =	simm.s32 @p1 $0x0;
	s7 =	simm.s32 @p1 $0x0  }
.LBB2_10:
0x147: {  	s8 =	smul.u32 $0xC80, s7;
	_ =	sdelay $0x1  }
0x148: {  	s13 =	simm.s32 $0x0;
	s9 =	sshrl.u32 s8, $0x3  }
0x149: {  	v7 =	vor.u32 s13, v0;
	s9 =	sadd.s32 s2, s9  }
0x14a: {  	v4 =	vshll.u32 v7, $0x3;
	s9 =	sadd.s32 $0x4E20, s9  }
0x14b: {  	v5 =	vor.u32 $0x1, v4;
	[tilespmem:s28], [sflag:$0x2] =	stream.linear.gather [hbm4b:s9+s13], $0xC80, $0x38;
	[tilespmem:$0x85C0] =	vst v63  }
0x14c: {  	v6 =	vor.u32 $0x2, v4;
	_ =	swait.ge [sflag:s29], $0xC80  }
0x14d: {  	v8 =	vor.u32 $0x3, v4;
	[sflag:s29] =	ssyncset.done $0x0  }
0x14e: {  	s14 =	simm.s32 $0x10;
	[sflag:s29] =	ssyncadd.s32 $0xFFFFF380  }
0x14f: {  	v9 =	vor.u32 s14, v0;
	v4 =	vld.idx.msk [tilespmem:v4+s28+$0x0], $0xffff  }
0x150: {  	v10 =	vshll.u32 v9, $0x3;
	v5 =	vld.idx.msk [tilespmem:v5+s28+$0x0], $0xffff  }
0x151: {  	v11 =	vor.u32 $0x1, v10;
	v6 =	vld.idx.msk [tilespmem:v6+s28+$0x0], $0xffff  }
0x152: {  	v12 =	vor.u32 $0x2, v10;
	v8 =	vld.idx.msk [tilespmem:v8+s28+$0x0], $0xffff  }
0x153: {  	v13 =	vor.u32 $0x3, v10;
	_ =	sdelay $0x1  }
0x154: {  	v4 =	vadd.s32 v4, v5;
	v5 =	vld.idx.msk [tilespmem:v10+s28+$0x0], $0xffff  }
0x155: {  	v4 =	vadd.s32 v6, v4;
	v6 =	vld.idx.msk [tilespmem:v11+s28+$0x0], $0xffff  }
0x156: {  	s15 =	simm.s32 $0x20;
	v4 =	vadd.s32 v8, v4;
	v8 =	vld.idx.msk [tilespmem:v12+s28+$0x0], $0xffff  }
0x157: {  	v10 =	vor.u32 s15, v0;
	v11 =	vld.idx.msk [tilespmem:v13+s28+$0x0], $0xffff;
	vm2 =	vgt.s32 v4, $0x0  }
0x158: {  	v4 =	vshll.u32 v10, $0x3;
	v12 =	vsel vm2, $0x1, v1  }
0x159: {  	v13 =	vor.u32 $0x1, v4;
	(xrf0) =	vadd.scan.msk.s32 $0xffff, v12  }
0x15a: {  	v14 =	vor.u32 $0x2, v4;
	v5 =	vadd.s32 v5, v6  }
0x15b: {  	v12 =	vor.u32 $0x3, v4;
	v5 =	vadd.s32 v8, v5  }
0x15c: {  	v5 =	vadd.s32 v11, v5  }
0x15d: {  	v4 =	vld.idx.msk [tilespmem:v4+s28+$0x0], $0xffff;
	vm1 =	vgt.s32 v5, $0x0  }
0x15e: {  	v6 =	vld.idx.msk [tilespmem:v13+s28+$0x0], $0xffff;
	v8 =	vsel vm1, $0x1, v1  }
0x15f: {  	s16 =	simm.s32 $0x30;
	v5 =	vld.idx.msk [tilespmem:v14+s28+$0x0], $0xffff;
	v11, _, _ =	vpop (xrf0);
	(xrf0) =	vadd.scan.msk.s32 $0xffff, v8  }
0x160: {  	v13 =	vor.u32 s16, v0;
	v12 =	vld.idx.msk [tilespmem:v12+s28+$0x0], $0xffff;
	(v2sf) =	vpush v11, $0xF  }
0x161: {  	v8 =	vshll.u32 v13, $0x3  }
0x162: {  	v14 =	vor.u32 $0x1, v8  }
0x163: {  	s26 =	smul.u32 $0x190, s7;
	v15 =	vor.u32 $0x2, v8;
	v4 =	vadd.s32 v4, v6  }
0x164: {  	v16 =	vor.u32 $0x3, v8;
	v4 =	vadd.s32 v5, v4  }
0x165: {  	s10 =	ssub.s32 $0x8, s6;
	vm2 =	vmmov vm2;
	v5 =	vmov s26;
	v6 =	vadd.s32 v12, v4;
	v12, _, _ =	vpop (xrf0)  }
0x166: {  	v4 =	vmov s10;
	s10 =	simm.s32 $0x40;
	v8 =	vld.idx.msk [tilespmem:v8+s28+$0x0], $0xffff;
	vm0 =	vgt.s32 v6, $0x0;
	(v2sf) =	vpush v12, $0xF  }
0x167: {  	v5 =	vadd.s32 $0x80000000, v5;
	v14 =	vld.idx.msk [tilespmem:v14+s28+$0x0], $0xffff;
	v6 =	vor.u32 s10, v0;
	v17 =	vsel vm0, $0x1, v1  }
0x168: {  	v11 =	vadd.s32 s13, v11;
	v5 =	vbroadcast v5, $0x0;
	v15 =	vld.idx.msk [tilespmem:v15+s28+$0x0], $0xffff;
	(xrf0) =	vadd.scan.msk.s32 $0xffff, v17;
	v17 =	vshll.u32 v6, $0x3  }
0x169: {  	vm2 =	vmmov vm2;
	vm3 =	veq.s32 v11, v4;
	v11 =	vld.idx.msk [tilespmem:v16+s28+$0x0], $0xffff;
	v16 =	vor.u32 $0x1, v17  }
0x16a: {  	vm2 =	vmand vm2, vm3;
	v7 =	vadd.s32 v5, v7;
	v18 =	vor.u32 $0x2, v17  }
0x16b: {  	v7 =	vnsel vm2, $0xC0000000, v7;
	v19 =	vor.u32 $0x3, v17  }
0x16c: {  	(xrf0) =	vmin.scan.msk.u32 $0xffff, v7  }
0x16d: {  	v7 =	vadd.s32 v8, v14;
	v8 =	vld.idx.msk [tilespmem:v17+s28+$0x0], $0xffff  }
0x16e: {  	s11 =	simm.s32 $0x50;
	v9 =	vadd.s32 v5, v9;
	vm2 =	vmmov vm1;
	v7 =	vadd.s32 v15, v7;
	v15 =	vld.idx.msk [tilespmem:v16+s28+$0x0], $0xffff  }
0x16f: {  	vm2 =	vmmov vm2;
	v11 =	vadd.s32 v11, v7;
	v7 =	vor.u32 s11, v0;
	v14, _, _ =	vpop (xrf0);
	v16 =	vld.idx.msk [tilespmem:v18+s28+$0x0], $0xffff;
	s12 =	spop (v2sf)  }
0x170: {  	vm1 =	vgt.s32 v11, $0x0;
	v11 =	vshll.u32 v7, $0x3;
	v17 =	vld.idx.msk [tilespmem:v19+s28+$0x0], $0xffff;
	(v2sf) =	vpush v14, $0xF;
	s8 =	sadd.s32 $0x0, s12  }
0x171: {  	v18 =	vsel vm1, $0x1, v1;
	v19 =	vor.u32 $0x1, v11;
	v12 =	vadd.s32 s8, v12  }
0x172: {  	v20 =	vor.u32 $0x2, v11;
	v61 =	vor.u32 $0x3, v11;
	v21, _, _ =	vpop (xrf0);
	vm3 =	veq.s32 v12, v4  }
0x173: {  	(v2sf) =	vpush v21, $0xF;
	v8 =	vadd.s32 v8, v15;
	vm2 =	vmand vm2, vm3  }
0x174: {  	(xrf0) =	vadd.scan.msk.s32 $0xffff, v18;
	v8 =	vadd.s32 v16, v8;
	v9 =	vnsel vm2, $0xC0000000, v9  }
0x175: {  	v11 =	vld.idx.msk [tilespmem:v11+s28+$0x0], $0xffff;
	(xrf0) =	vmin.scan.msk.u32 $0xffff, v9;
	v9 =	vadd.s32 v17, v8;
	s14 =	spop (v2sf)  }
0x176: {  	v12 =	vld.idx.msk [tilespmem:v19+s28+$0x0], $0xffff;
	vm2 =	vgt.s32 v9, $0x0;
	s8 =	sadd.s32 s8, s14  }
0x177: {  	vm0 =	vmmov vm0;
	v9 =	vld.idx.msk [tilespmem:v20+s28+$0x0], $0xffff;
	v16 =	vsel vm2, $0x1, v1;
	v14 =	vadd.s32 s8, v14  }
0x178: {  	vm0 =	vmmov vm0;
	v17 =	vld.idx.msk [tilespmem:v61+s28+$0x0], $0xffff;
	vm3 =	veq.s32 v14, v4  }
0x179: {  	v10 =	vadd.s32 v5, v10;
	vm0 =	vmand vm0, vm3  }
0x17a: {  	s13 =	simm.s32 $0x60;
	(xrf0) =	vadd.scan.msk.s32 $0xffff, v16;
	v16, _, _ =	vpop (xrf0);
	v10 =	vnsel vm0, $0xC0000000, v10  }
0x17b: {  	v8 =	vor.u32 s13, v0;
	v11 =	vadd.s32 v11, v12;
	v19, _, _ =	vpop (xrf0);
	(xrf0) =	vmin.scan.msk.u32 $0xffff, v10  }
0x17c: {  	v15 =	vshll.u32 v8, $0x3;
	(v2sf) =	vpush v16, $0xF;
	v9 =	vadd.s32 v9, v11  }
0x17d: {  	v18 =	vor.u32 $0x1, v15;
	v10 =	vadd.s32 v17, v9  }
0x17e: {  	v14 =	vor.u32 $0x2, v15  }
0x17f: {  	v62 =	vor.u32 $0x3, v15;
	vm0 =	vmmov vm1;
	s16 =	spop (v2sf)  }
0x180: {  	vm1 =	vmmov vm2;
	(v2sf) =	vpush v19, $0xF;
	vm2 =	vgt.s32 v10, $0x0;
	s10 =	sadd.s32 s8, s16;
	v10, _, _ =	vpop (xrf0)  }
0x181: {  	s15 =	simm.s32 $0x70;
	v19 =	vld.idx.msk [tilespmem:v15+s28+$0x0], $0xffff;
	v12 =	vadd.s32 s10, v16;
	(v2sf) =	vpush v10, $0xF;
	v16, _, _ =	vpop (xrf0)  }
0x182: {  	v18 =	vld.idx.msk [tilespmem:v18+s28+$0x0], $0xffff;
	v9 =	vor.u32 s15, v0;
	s26 =	spop (v2sf);
	(v2sf) =	vpush v16, $0xF  }
0x183: {  	v17 =	vld.idx.msk [tilespmem:v14+s28+$0x0], $0xffff;
	v63 =	vshll.u32 v9, $0x3  }
0x184: {  	v15 =	vsel vm2, $0x1, v1  }
0x185: {  	vm0 =	vmmov vm0;
	v14 =	vor.u32 $0x1, v63;
	(xrf0) =	vadd.scan.msk.s32 $0xffff, v15;
	v15 =	vld.idx.msk [tilespmem:v62+s28+$0x0], $0xffff;
	vm3 =	veq.s32 v12, v4  }
0x186: {  	v13 =	vadd.s32 v5, v13;
	v11 =	vor.u32 $0x2, v63;
	vm0 =	vmand vm0, vm3  }
0x187: {  	v12 =	vor.u32 $0x3, v63;
	s9 =	sxor.u32 $0x80000000, s26;
	v18 =	vadd.s32 v19, v18;
	v19 =	vnsel vm0, $0xC0000000, v13  }
0x188: {  	s11 =	simm.s32 $0x80;
	vm1 =	vmmov vm1;
	s8 =	simm.s32 $0x40000000;
	p1 =	sgt.s32 s9, $0x40000000;
	v13 =	vld.idx.msk [tilespmem:v63+s28+$0x0], $0xffff;
	v16 =	vadd.s32 v17, v18;
	vm0 =	vmmov vm2;
	(xrf0) =	vmin.scan.msk.u32 $0xffff, v19  }
.LBB2_11:
0x189: {  	s12 =	smov.u32 s8;
	p2 =	sne.s32 s11, $0x180;
	s8 =	smov.u32 s9  }
0x18a: {  	s9 =	smov.u32 s11;
	s11 =	sadd.s32 $0x10, s11;
	v17 =	vld.idx.msk [tilespmem:v14+s28+$0x0], $0xffff;
	v14 =	vadd.s32 v15, v16;
	s8 =	smov.u32 @p1 s12  }
0x18b: {  	v18 =	vor.u32 s9, v0;
	v16 =	vld.idx.msk [tilespmem:v11+s28+$0x0], $0xffff;
	vm2 =	vgt.s32 v14, $0x0;
	v19, _, _ =	vpop (xrf0);
	s9 =	spop (v2sf)  }
0x18c: {  	v20 =	vshll.u32 v18, $0x3;
	v15 =	vld.idx.msk [tilespmem:v12+s28+$0x0], $0xffff;
	v12 =	vsel vm2, $0x1, v1;
	(v2sf) =	vpush v19, $0xF;
	s10 =	sadd.s32 s10, s9  }
.Ltmp6:
0x18d: {  	v14 =	vor.u32 $0x1, v20;
	v11 =	vor.u32 $0x2, v20;
	(xrf0) =	vadd.scan.msk.s32 $0xffff, v12;
	v22 =	vadd.s32 s10, v10;
	v10 =	vmovc v19;
	(pc) =	sbr.rel @p2 .LBB2_11-.Ltmp6, $4  }
0x18e: {  	v12 =	vor.u32 $0x3, v20;
	vm3 =	veq.s32 v22, v4  }
0x18f: {  	v19 =	vadd.s32 v5, v6;
	v6 =	vmov v7;
	vm1 =	vmand vm1, vm3;
	v21, _, _ =	vpop (xrf0);
	s9 =	spop (v2sf)  }
0x190: {  	v7 =	vmovc v8;
	v8 =	vmovc v9;
	v17 =	vadd.s32 v13, v17;
	v19 =	vnsel vm1, $0xC0000000, v19;
	(v2sf) =	vpush v21, $0xF;
	s9 =	sxor.u32 $0x80000000, s9  }
0x191: {  	v9 =	vmovc v18;
	v16 =	vadd.s32 v16, v17;
	vm1 =	vmmov vm0;
	vm0 =	vmmov vm2;
	v13 =	vld.idx.msk [tilespmem:v20+s28+$0x0], $0xffff;
	(xrf0) =	vmin.scan.msk.u32 $0xffff, v19;
	p1 =	slt.s32 s8, s9  }
0x192: {  	v15 =	vadd.s32 v15, v16  }
0x193: {  	vm2 =	vgt.s32 v15, $0x0  }
0x194: {  	v15 =	vsel vm2, $0x1, v1  }
0x195: {  	(xrf0) =	vadd.scan.msk.s32 $0xffff, v15;
	_ =	sdelay $0x3  }
0x196: {  	v52, _, _ =	vpop (xrf0)  }
0x197: {  	(v2sf) =	vpush v52, $0xF;
	v53, _, _ =	vpop (xrf0)  }
0x198: {  	(v2sf) =	vpush v53, $0xF;
	v54, _, _ =	vpop (xrf0)  }
0x199: {  	v14 =	vld.idx.msk [tilespmem:v14+s28+$0x0], $0xffff;
	(v2sf) =	vpush v54, $0xF  }
0x19a: {  	v11 =	vld.idx.msk [tilespmem:v11+s28+$0x0], $0xffff  }
0x19b: {  	v12 =	vld.idx.msk [tilespmem:v12+s28+$0x0], $0xffff  }
0x19c: {  	s11 =	spop (v2sf)  }
0x19d: {  	s10 =	sadd.s32 s10, s11  }
0x19e: {  	v10 =	vadd.s32 s10, v10;
	v13 =	vadd.s32 v13, v14  }
0x19f: {  	vm3 =	veq.s32 v10, v4;
	v55 =	vadd.s32 v11, v13  }
0x1a0: {  	v6 =	vadd.s32 v5, v6;
	vm1 =	vmand vm1, vm3;
	v10 =	vadd.s32 v12, v55  }
0x1a1: {  	v6 =	vnsel vm1, $0xC0000000, v6;
	vm10 =	vgt.s32 v10, $0x0  }
0x1a2: {  	(xrf0) =	vmin.scan.msk.u32 $0xffff, v6;
	v56 =	vsel vm10, $0x1, v1  }
0x1a3: {  	s14 =	spop (v2sf);
	(xrf0) =	vadd.scan.msk.s32 $0xffff, v56  }
0x1a4: {  	s12 =	spop (v2sf)  }
0x1a5: {  	s10 =	sadd.s32 s10, s12;
	s15 =	spop (v2sf)  }
0x1a6: {  	vm0 =	vmmov vm0;
	v57 =	vadd.s32 s10, v52;
	s13 =	spop (v2sf)  }
0x1a7: {  	v58 =	vadd.s32 v5, v7;
	v62 =	vadd.s32 v5, v8;
	vm11 =	veq.s32 v57, v4;
	s10 =	sadd.s32 s10, s13;
	s16 =	spop (v2sf)  }
0x1a8: {  	vm2 =	vmmov vm2;
	v59, _, _ =	vpop (xrf0);
	vm0 =	vmand vm0, vm11;
	v60 =	vadd.s32 s10, v54;
	s26 =	spop (v2sf)  }
0x1a9: {  	vm12 =	vmmov vm2;
	v6 =	vnsel vm0, $0xC0000000, v58;
	v61, _, _ =	vpop (xrf0);
	vm13 =	veq.s32 v60, v4;
	s10 =	sadd.s32 s10, s26  }
0x1aa: {  	vm1 =	vmmov vm10;
	(xrf0) =	vmin.scan.msk.u32 $0xffff, v6;
	vm0 =	vmand vm12, vm13;
	v63 =	vadd.s32 s10, v61  }
0x1ab: {  	vm14 =	vmmov vm1;
	v6 =	vnsel vm0, $0xC0000000, v62;
	vm15 =	veq.s32 v63, v4  }
0x1ac: {  	(xrf0) =	vmin.scan.msk.u32 $0xffff, v6;
	v4 =	vadd.s32 v5, v9;
	vm0 =	vmand vm14, vm15  }
0x1ad: {  	v4 =	vnsel vm0, $0xC0000000, v4  }
0x1ae: {  	(xrf0) =	vmin.scan.msk.u32 $0xffff, v4  }
0x1af: {  	(v2sf) =	vpush v59, $0xF  }
0x1b0: {  	(v2sf) =	vpush v61, $0xF;
	v4, _, _ =	vpop (xrf0)  }
0x1b1: {  	(v2sf) =	vpush v4, $0xF  }
0x1b2: {  	v4, _, _ =	vpop (xrf0)  }
0x1b3: {  	(v2sf) =	vpush v4, $0xF  }
0x1b4: {  	v4, _, _ =	vpop (xrf0)  }
0x1b5: {  	(v2sf) =	vpush v4, $0xF;
	_ =	sdelay $0x3  }
0x1b6: {  	s9 =	smov.u32 @p1 s8;
	s8 =	sxor.u32 $0x80000000, s14  }
0x1b7: {  	p1 =	slt.s32 s9, s8  }
0x1b8: {  	s8 =	smov.u32 @p1 s9;
	s9 =	sxor.u32 $0x80000000, s15  }
0x1b9: {  	p1 =	slt.s32 s8, s9  }
0x1ba: {  	s9 =	smov.u32 @p1 s8;
	s8 =	sxor.u32 $0x80000000, s16  }
0x1bb: {  	p1 =	slt.s32 s9, s8;
	s13 =	spop (v2sf)  }
0x1bc: {  	s8 =	smov.u32 @p1 s9;
	s9 =	sxor.u32 $0x80000000, s13;
	s14 =	spop (v2sf)  }
0x1bd: {  	p1 =	slt.s32 s8, s9;
	s15 =	spop (v2sf)  }
0x1be: {  	s9 =	smov.u32 @p1 s8;
	s8 =	sxor.u32 $0x80000000, s15  }
0x1bf: {  	s16 =	spop (v2sf);
	p1 =	slt.s32 s9, s8  }
0x1c0: {  	s8 =	smov.u32 @p1 s9;
	s9 =	sxor.u32 $0x80000000, s16  }
0x1c1: {  	p1 =	slt.s32 s8, s9;
	s26 =	spop (v2sf)  }
0x1c2: {  	s10 =	sadd.s32 s10, s14;
	s9 =	smov.u32 @p1 s8;
	s8 =	sxor.u32 $0x80000000, s26  }
0x1c3: {  	s6 =	sadd.s32 s6, s10;
	p1 =	sgt.u32 s7, $0x17;
	p2 =	slt.s32 s9, s8  }
0x1c4: {  	s8 =	smov.u32 @p2 s9;
	p2 =	slt.s32 @!p1 s6, $0x8  }
0x1c5: {  	p2 =	por p1, !p2  }
.Ltmp7:
0x1c6: {  	_ = 	snop;
	(pc) =	sbr.rel @!p2 .LBB2_10-.Ltmp7, $3  }
0x1c7: {  	_ =	sdelay $0x1  }
0x1c8: {  	p3 =	sgt.s32 s6, $0x7  }
0x1c9: {  	s7 =	sadd.s32 $0x1, s7;
	s25 =	smov.u32 @p3 s8  }
0x1ca: {  	s26 =	simm.s32 $0x40000000;
	s6 =	simm.s32 $0x0;
	s7 =	simm.s32 $0x0  }
0x1cb: {  	s26 =	simm.s32 @p1 $0x40000000;
	s6 =	simm.s32 @p1 $0x0;
	s7 =	simm.s32 @p1 $0x0  }
.LBB2_14:
0x1cc: {  	s8 =	smul.u32 $0xC80, s7;
	_ =	sdelay $0x1  }
0x1cd: {  	s11 =	simm.s32 $0x0;
	s9 =	sshrl.u32 s8, $0x3  }
0x1ce: {  	v7 =	vor.u32 s11, v0;
	s9 =	sadd.s32 s2, s9  }
0x1cf: {  	v4 =	vshll.u32 v7, $0x3;
	s9 =	sadd.s32 $0x7530, s9  }
0x1d0: {  	v5 =	vor.u32 $0x1, v4;
	[tilespmem:s28], [sflag:$0x2] =	stream.linear.gather [hbm4b:s9+s11], $0xC80, $0x38;
	[tilespmem:$0x85C0] =	vst v63  }
0x1d1: {  	v6 =	vor.u32 $0x2, v4;
	_ =	swait.ge [sflag:s29], $0xC80  }
0x1d2: {  	v8 =	vor.u32 $0x3, v4;
	[sflag:s29] =	ssyncset.done $0x0  }
0x1d3: {  	s12 =	simm.s32 $0x10;
	[sflag:s29] =	ssyncadd.s32 $0xFFFFF380  }
0x1d4: {  	v9 =	vor.u32 s12, v0;
	v4 =	vld.idx.msk [tilespmem:v4+s28+$0x0], $0xffff  }
0x1d5: {  	v10 =	vshll.u32 v9, $0x3;
	v5 =	vld.idx.msk [tilespmem:v5+s28+$0x0], $0xffff  }
0x1d6: {  	v11 =	vor.u32 $0x1, v10;
	v6 =	vld.idx.msk [tilespmem:v6+s28+$0x0], $0xffff  }
0x1d7: {  	v12 =	vor.u32 $0x2, v10;
	v8 =	vld.idx.msk [tilespmem:v8+s28+$0x0], $0xffff  }
0x1d8: {  	v13 =	vor.u32 $0x3, v10;
	_ =	sdelay $0x1  }
0x1d9: {  	v4 =	vadd.s32 v4, v5;
	v5 =	vld.idx.msk [tilespmem:v10+s28+$0x0], $0xffff  }
0x1da: {  	v4 =	vadd.s32 v6, v4;
	v6 =	vld.idx.msk [tilespmem:v11+s28+$0x0], $0xffff  }
0x1db: {  	s13 =	simm.s32 $0x20;
	v4 =	vadd.s32 v8, v4;
	v8 =	vld.idx.msk [tilespmem:v12+s28+$0x0], $0xffff  }
0x1dc: {  	v10 =	vor.u32 s13, v0;
	v11 =	vld.idx.msk [tilespmem:v13+s28+$0x0], $0xffff;
	vm2 =	vgt.s32 v4, $0x0  }
0x1dd: {  	v4 =	vshll.u32 v10, $0x3;
	v12 =	vsel vm2, $0x1, v1  }
0x1de: {  	v13 =	vor.u32 $0x1, v4;
	(xrf0) =	vadd.scan.msk.s32 $0xffff, v12  }
0x1df: {  	v14 =	vor.u32 $0x2, v4;
	v5 =	vadd.s32 v5, v6  }
0x1e0: {  	v12 =	vor.u32 $0x3, v4;
	v5 =	vadd.s32 v8, v5  }
0x1e1: {  	v5 =	vadd.s32 v11, v5  }
0x1e2: {  	v4 =	vld.idx.msk [tilespmem:v4+s28+$0x0], $0xffff;
	vm1 =	vgt.s32 v5, $0x0  }
0x1e3: {  	v6 =	vld.idx.msk [tilespmem:v13+s28+$0x0], $0xffff;
	v8 =	vsel vm1, $0x1, v1  }
0x1e4: {  	s14 =	simm.s32 $0x30;
	v5 =	vld.idx.msk [tilespmem:v14+s28+$0x0], $0xffff;
	v11, _, _ =	vpop (xrf0);
	(xrf0) =	vadd.scan.msk.s32 $0xffff, v8  }
0x1e5: {  	v13 =	vor.u32 s14, v0;
	v12 =	vld.idx.msk [tilespmem:v12+s28+$0x0], $0xffff;
	(v2sf) =	vpush v11, $0xF  }
0x1e6: {  	v8 =	vshll.u32 v13, $0x3  }
0x1e7: {  	v14 =	vor.u32 $0x1, v8  }
0x1e8: {  	v15 =	vor.u32 $0x2, v8;
	v4 =	vadd.s32 v4, v6  }
0x1e9: {  	s15 =	smul.u32 $0x190, s7;
	v16 =	vor.u32 $0x3, v8;
	v4 =	vadd.s32 v5, v4  }
0x1ea: {  	vm2 =	vmmov vm2;
	v11 =	vadd.s32 s11, v11;
	v6 =	vadd.s32 v12, v4;
	v12, _, _ =	vpop (xrf0)  }
0x1eb: {  	s16 =	simm.s32 $0x40;
	v5 =	vmov s15;
	v8 =	vld.idx.msk [tilespmem:v8+s28+$0x0], $0xffff;
	vm0 =	vgt.s32 v6, $0x0;
	(v2sf) =	vpush v12, $0xF  }
0x1ec: {  	s10 =	ssub.s32 $0x8, s6;
	v5 =	vadd.s32 $0x80000000, v5;
	v14 =	vld.idx.msk [tilespmem:v14+s28+$0x0], $0xffff;
	v6 =	vor.u32 s16, v0;
	v17 =	vsel vm0, $0x1, v1  }
0x1ed: {  	v4 =	vmov s10;
	v5 =	vbroadcast v5, $0x0;
	v15 =	vld.idx.msk [tilespmem:v15+s28+$0x0], $0xffff;
	(xrf0) =	vadd.scan.msk.s32 $0xffff, v17;
	v17 =	vshll.u32 v6, $0x3  }
0x1ee: {  	vm2 =	vmmov vm2;
	vm3 =	veq.s32 v11, v4;
	v11 =	vld.idx.msk [tilespmem:v16+s28+$0x0], $0xffff;
	v16 =	vor.u32 $0x1, v17  }
0x1ef: {  	vm2 =	vmand vm2, vm3;
	v7 =	vadd.s32 v5, v7;
	v18 =	vor.u32 $0x2, v17  }
0x1f0: {  	v7 =	vnsel vm2, $0xC0000000, v7;
	v19 =	vor.u32 $0x3, v17  }
0x1f1: {  	(xrf0) =	vmin.scan.msk.u32 $0xffff, v7  }
0x1f2: {  	v7 =	vadd.s32 v8, v14;
	v8 =	vld.idx.msk [tilespmem:v17+s28+$0x0], $0xffff  }
0x1f3: {  	s10 =	simm.s32 $0x50;
	v9 =	vadd.s32 v5, v9;
	vm2 =	vmmov vm1;
	v7 =	vadd.s32 v15, v7;
	v15 =	vld.idx.msk [tilespmem:v16+s28+$0x0], $0xffff  }
0x1f4: {  	vm2 =	vmmov vm2;
	v11 =	vadd.s32 v11, v7;
	v7 =	vor.u32 s10, v0;
	v14, _, _ =	vpop (xrf0);
	v16 =	vld.idx.msk [tilespmem:v18+s28+$0x0], $0xffff;
	s11 =	spop (v2sf)  }
0x1f5: {  	vm1 =	vgt.s32 v11, $0x0;
	v11 =	vshll.u32 v7, $0x3;
	v17 =	vld.idx.msk [tilespmem:v19+s28+$0x0], $0xffff;
	(v2sf) =	vpush v14, $0xF;
	s8 =	sadd.s32 $0x0, s11  }
0x1f6: {  	v18 =	vsel vm1, $0x1, v1;
	v19 =	vor.u32 $0x1, v11;
	v12 =	vadd.s32 s8, v12  }
0x1f7: {  	v20 =	vor.u32 $0x2, v11;
	v61 =	vor.u32 $0x3, v11;
	v21, _, _ =	vpop (xrf0);
	vm3 =	veq.s32 v12, v4  }
0x1f8: {  	(v2sf) =	vpush v21, $0xF;
	v8 =	vadd.s32 v8, v15;
	vm2 =	vmand vm2, vm3  }
0x1f9: {  	(xrf0) =	vadd.scan.msk.s32 $0xffff, v18;
	v8 =	vadd.s32 v16, v8;
	v9 =	vnsel vm2, $0xC0000000, v9  }
0x1fa: {  	v11 =	vld.idx.msk [tilespmem:v11+s28+$0x0], $0xffff;
	(xrf0) =	vmin.scan.msk.u32 $0xffff, v9;
	v9 =	vadd.s32 v17, v8;
	s13 =	spop (v2sf)  }
0x1fb: {  	v12 =	vld.idx.msk [tilespmem:v19+s28+$0x0], $0xffff;
	vm2 =	vgt.s32 v9, $0x0;
	s8 =	sadd.s32 s8, s13  }
0x1fc: {  	vm0 =	vmmov vm0;
	v9 =	vld.idx.msk [tilespmem:v20+s28+$0x0], $0xffff;
	v16 =	vsel vm2, $0x1, v1;
	v14 =	vadd.s32 s8, v14  }
0x1fd: {  	vm0 =	vmmov vm0;
	v17 =	vld.idx.msk [tilespmem:v61+s28+$0x0], $0xffff;
	vm3 =	veq.s32 v14, v4  }
0x1fe: {  	v10 =	vadd.s32 v5, v10;
	vm0 =	vmand vm0, vm3  }
0x1ff: {  	s12 =	simm.s32 $0x60;
	(xrf0) =	vadd.scan.msk.s32 $0xffff, v16;
	v16, _, _ =	vpop (xrf0);
	v10 =	vnsel vm0, $0xC0000000, v10  }
0x200: {  	v8 =	vor.u32 s12, v0;
	v11 =	vadd.s32 v11, v12;
	v19, _, _ =	vpop (xrf0);
	(xrf0) =	vmin.scan.msk.u32 $0xffff, v10  }
0x201: {  	v15 =	vshll.u32 v8, $0x3;
	(v2sf) =	vpush v16, $0xF;
	v9 =	vadd.s32 v9, v11  }
0x202: {  	v18 =	vor.u32 $0x1, v15;
	v10 =	vadd.s32 v17, v9  }
0x203: {  	v14 =	vor.u32 $0x2, v15  }
0x204: {  	v62 =	vor.u32 $0x3, v15;
	vm0 =	vmmov vm1;
	s15 =	spop (v2sf)  }
0x205: {  	vm1 =	vmmov vm2;
	(v2sf) =	vpush v19, $0xF;
	vm2 =	vgt.s32 v10, $0x0;
	s10 =	sadd.s32 s8, s15;
	v10, _, _ =	vpop (xrf0)  }
0x206: {  	s14 =	simm.s32 $0x70;
	v19 =	vld.idx.msk [tilespmem:v15+s28+$0x0], $0xffff;
	v12 =	vadd.s32 s10, v16;
	(v2sf) =	vpush v10, $0xF;
	v16, _, _ =	vpop (xrf0)  }
0x207: {  	v18 =	vld.idx.msk [tilespmem:v18+s28+$0x0], $0xffff;
	v9 =	vor.u32 s14, v0;
	s16 =	spop (v2sf);
	(v2sf) =	vpush v16, $0xF  }
0x208: {  	v17 =	vld.idx.msk [tilespmem:v14+s28+$0x0], $0xffff;
	v63 =	vshll.u32 v9, $0x3  }
0x209: {  	v15 =	vsel vm2, $0x1, v1  }
0x20a: {  	vm0 =	vmmov vm0;
	v14 =	vor.u32 $0x1, v63;
	(xrf0) =	vadd.scan.msk.s32 $0xffff, v15;
	v15 =	vld.idx.msk [tilespmem:v62+s28+$0x0], $0xffff;
	vm3 =	veq.s32 v12, v4  }
0x20b: {  	v13 =	vadd.s32 v5, v13;
	v11 =	vor.u32 $0x2, v63;
	vm0 =	vmand vm0, vm3  }
0x20c: {  	v12 =	vor.u32 $0x3, v63;
	s9 =	sxor.u32 $0x80000000, s16;
	v18 =	vadd.s32 v19, v18;
	v19 =	vnsel vm0, $0xC0000000, v13  }
0x20d: {  	s11 =	simm.s32 $0x80;
	vm1 =	vmmov vm1;
	s8 =	simm.s32 $0x40000000;
	p1 =	sgt.s32 s9, $0x40000000;
	v13 =	vld.idx.msk [tilespmem:v63+s28+$0x0], $0xffff;
	v16 =	vadd.s32 v17, v18;
	vm0 =	vmmov vm2;
	(xrf0) =	vmin.scan.msk.u32 $0xffff, v19  }
.LBB2_15:
0x20e: {  	s12 =	smov.u32 s8;
	p2 =	sne.s32 s11, $0x180;
	s8 =	smov.u32 s9  }
0x20f: {  	s9 =	smov.u32 s11;
	s11 =	sadd.s32 $0x10, s11;
	v17 =	vld.idx.msk [tilespmem:v14+s28+$0x0], $0xffff;
	v14 =	vadd.s32 v15, v16;
	s8 =	smov.u32 @p1 s12  }
0x210: {  	v18 =	vor.u32 s9, v0;
	v16 =	vld.idx.msk [tilespmem:v11+s28+$0x0], $0xffff;
	vm2 =	vgt.s32 v14, $0x0;
	v19, _, _ =	vpop (xrf0);
	s9 =	spop (v2sf)  }
0x211: {  	v20 =	vshll.u32 v18, $0x3;
	v15 =	vld.idx.msk [tilespmem:v12+s28+$0x0], $0xffff;
	v12 =	vsel vm2, $0x1, v1;
	(v2sf) =	vpush v19, $0xF;
	s10 =	sadd.s32 s10, s9  }
.Ltmp8:
0x212: {  	v14 =	vor.u32 $0x1, v20;
	v11 =	vor.u32 $0x2, v20;
	(xrf0) =	vadd.scan.msk.s32 $0xffff, v12;
	v22 =	vadd.s32 s10, v10;
	v10 =	vmovc v19;
	(pc) =	sbr.rel @p2 .LBB2_15-.Ltmp8, $4  }
0x213: {  	v12 =	vor.u32 $0x3, v20;
	vm3 =	veq.s32 v22, v4  }
0x214: {  	v19 =	vadd.s32 v5, v6;
	v6 =	vmov v7;
	vm1 =	vmand vm1, vm3;
	v21, _, _ =	vpop (xrf0);
	s9 =	spop (v2sf)  }
0x215: {  	v7 =	vmovc v8;
	v8 =	vmovc v9;
	v17 =	vadd.s32 v13, v17;
	v19 =	vnsel vm1, $0xC0000000, v19;
	(v2sf) =	vpush v21, $0xF;
	s9 =	sxor.u32 $0x80000000, s9  }
0x216: {  	v9 =	vmovc v18;
	v16 =	vadd.s32 v16, v17;
	vm1 =	vmmov vm0;
	vm0 =	vmmov vm2;
	v13 =	vld.idx.msk [tilespmem:v20+s28+$0x0], $0xffff;
	(xrf0) =	vmin.scan.msk.u32 $0xffff, v19;
	p1 =	slt.s32 s8, s9  }
0x217: {  	v15 =	vadd.s32 v15, v16  }
0x218: {  	vm2 =	vgt.s32 v15, $0x0  }
0x219: {  	v15 =	vsel vm2, $0x1, v1  }
0x21a: {  	(xrf0) =	vadd.scan.msk.s32 $0xffff, v15;
	_ =	sdelay $0x3  }
0x21b: {  	v52, _, _ =	vpop (xrf0)  }
0x21c: {  	(v2sf) =	vpush v52, $0xF;
	v53, _, _ =	vpop (xrf0)  }
0x21d: {  	(v2sf) =	vpush v53, $0xF;
	v54, _, _ =	vpop (xrf0)  }
0x21e: {  	v14 =	vld.idx.msk [tilespmem:v14+s28+$0x0], $0xffff;
	(v2sf) =	vpush v54, $0xF  }
0x21f: {  	v11 =	vld.idx.msk [tilespmem:v11+s28+$0x0], $0xffff  }
0x220: {  	v12 =	vld.idx.msk [tilespmem:v12+s28+$0x0], $0xffff  }
0x221: {  	s11 =	spop (v2sf)  }
0x222: {  	s10 =	sadd.s32 s10, s11  }
0x223: {  	v10 =	vadd.s32 s10, v10;
	v13 =	vadd.s32 v13, v14  }
0x224: {  	vm3 =	veq.s32 v10, v4;
	v55 =	vadd.s32 v11, v13  }
0x225: {  	v6 =	vadd.s32 v5, v6;
	vm1 =	vmand vm1, vm3;
	v10 =	vadd.s32 v12, v55  }
0x226: {  	v6 =	vnsel vm1, $0xC0000000, v6;
	vm10 =	vgt.s32 v10, $0x0  }
0x227: {  	(xrf0) =	vmin.scan.msk.u32 $0xffff, v6;
	v56 =	vsel vm10, $0x1, v1  }
0x228: {  	s11 =	spop (v2sf);
	(xrf0) =	vadd.scan.msk.s32 $0xffff, v56  }
0x229: {  	s12 =	spop (v2sf)  }
0x22a: {  	s10 =	sadd.s32 s10, s12;
	s15 =	spop (v2sf)  }
0x22b: {  	vm0 =	vmmov vm0;
	v57 =	vadd.s32 s10, v52;
	s13 =	spop (v2sf)  }
0x22c: {  	v58 =	vadd.s32 v5, v7;
	v62 =	vadd.s32 v5, v8;
	vm11 =	veq.s32 v57, v4;
	s10 =	sadd.s32 s10, s13;
	s16 =	spop (v2sf)  }
0x22d: {  	vm2 =	vmmov vm2;
	v59, _, _ =	vpop (xrf0);
	vm0 =	vmand vm0, vm11;
	v60 =	vadd.s32 s10, v54;
	s14 =	spop (v2sf)  }
0x22e: {  	vm12 =	vmmov vm2;
	v6 =	vnsel vm0, $0xC0000000, v58;
	v61, _, _ =	vpop (xrf0);
	vm13 =	veq.s32 v60, v4;
	s10 =	sadd.s32 s10, s14  }
0x22f: {  	vm1 =	vmmov vm10;
	(xrf0) =	vmin.scan.msk.u32 $0xffff, v6;
	vm0 =	vmand vm12, vm13;
	v63 =	vadd.s32 s10, v61  }
0x230: {  	vm14 =	vmmov vm1;
	v6 =	vnsel vm0, $0xC0000000, v62;
	vm15 =	veq.s32 v63, v4  }
0x231: {  	(xrf0) =	vmin.scan.msk.u32 $0xffff, v6;
	v4 =	vadd.s32 v5, v9;
	vm0 =	vmand vm14, vm15  }
0x232: {  	v4 =	vnsel vm0, $0xC0000000, v4  }
0x233: {  	(xrf0) =	vmin.scan.msk.u32 $0xffff, v4  }
0x234: {  	(v2sf) =	vpush v59, $0xF  }
0x235: {  	(v2sf) =	vpush v61, $0xF;
	v4, _, _ =	vpop (xrf0)  }
0x236: {  	(v2sf) =	vpush v4, $0xF  }
0x237: {  	v4, _, _ =	vpop (xrf0)  }
0x238: {  	(v2sf) =	vpush v4, $0xF  }
0x239: {  	v4, _, _ =	vpop (xrf0)  }
0x23a: {  	(v2sf) =	vpush v4, $0xF;
	_ =	sdelay $0x3  }
0x23b: {  	s9 =	smov.u32 @p1 s8;
	s8 =	sxor.u32 $0x80000000, s11  }
0x23c: {  	p1 =	slt.s32 s9, s8  }
0x23d: {  	s8 =	smov.u32 @p1 s9;
	s9 =	sxor.u32 $0x80000000, s15  }
0x23e: {  	p1 =	slt.s32 s8, s9  }
0x23f: {  	s9 =	smov.u32 @p1 s8;
	s8 =	sxor.u32 $0x80000000, s16  }
0x240: {  	p1 =	slt.s32 s9, s8;
	s12 =	spop (v2sf)  }
0x241: {  	s8 =	smov.u32 @p1 s9;
	s9 =	sxor.u32 $0x80000000, s12;
	s13 =	spop (v2sf)  }
0x242: {  	p1 =	slt.s32 s8, s9;
	s14 =	spop (v2sf)  }
0x243: {  	s9 =	smov.u32 @p1 s8;
	s8 =	sxor.u32 $0x80000000, s14  }
0x244: {  	s15 =	spop (v2sf);
	p1 =	slt.s32 s9, s8  }
0x245: {  	s8 =	smov.u32 @p1 s9;
	s9 =	sxor.u32 $0x80000000, s15  }
0x246: {  	p1 =	slt.s32 s8, s9;
	s16 =	spop (v2sf)  }
0x247: {  	s10 =	sadd.s32 s10, s13;
	s9 =	smov.u32 @p1 s8;
	s8 =	sxor.u32 $0x80000000, s16  }
0x248: {  	s6 =	sadd.s32 s6, s10;
	p1 =	sgt.u32 s7, $0x17;
	p2 =	slt.s32 s9, s8  }
0x249: {  	s8 =	smov.u32 @p2 s9;
	p2 =	slt.s32 @!p1 s6, $0x8  }
0x24a: {  	p2 =	por p1, !p2  }
.Ltmp9:
0x24b: {  	_ = 	snop;
	(pc) =	sbr.rel @!p2 .LBB2_14-.Ltmp9, $3  }
0x24c: {  	_ =	sdelay $0x1  }
0x24d: {  	p3 =	sgt.s32 s6, $0x7  }
0x24e: {  	s7 =	sadd.s32 $0x1, s7;
	s26 =	smov.u32 @p3 s8  }
0x24f: {  	s6 =	simm.s32 $0x40000000;
	s7 =	simm.s32 $0x0;
	s8 =	simm.s32 $0x0  }
0x250: {  	s6 =	simm.s32 @p1 $0x40000000;
	s7 =	simm.s32 @p1 $0x0;
	s8 =	simm.s32 @p1 $0x0  }
.LBB2_18:
0x251: {  	s9 =	smul.u32 $0xC80, s8;
	_ =	sdelay $0x1  }
0x252: {  	s10 =	sshrl.u32 s9, $0x3;
	s9 =	simm.s32 $0x0  }
0x253: {  	s10 =	sadd.s32 s2, s10;
	v7 =	vor.u32 s9, v0  }
0x254: {  	s10 =	sadd.s32 $0x9C40, s10;
	v4 =	vshll.u32 v7, $0x3  }
0x255: {  	[tilespmem:s28], [sflag:$0x2] =	stream.linear.gather [hbm4b:s10+s9], $0xC80, $0x38;
	v5 =	vor.u32 $0x1, v4;
	[tilespmem:$0x85C0] =	vst v63  }
0x256: {  	v6 =	vor.u32 $0x2, v4;
	_ =	swait.ge [sflag:s29], $0xC80  }
0x257: {  	v8 =	vor.u32 $0x3, v4;
	[sflag:s29] =	ssyncset.done $0x0  }
0x258: {  	s12 =	simm.s32 $0x10;
	[sflag:s29] =	ssyncadd.s32 $0xFFFFF380  }
0x259: {  	v9 =	vor.u32 s12, v0;
	v4 =	vld.idx.msk [tilespmem:v4+s28+$0x0], $0xffff  }
0x25a: {  	v10 =	vshll.u32 v9, $0x3;
	v5 =	vld.idx.msk [tilespmem:v5+s28+$0x0], $0xffff  }
0x25b: {  	v11 =	vor.u32 $0x1, v10;
	v6 =	vld.idx.msk [tilespmem:v6+s28+$0x0], $0xffff  }
0x25c: {  	v12 =	vor.u32 $0x2, v10;
	v8 =	vld.idx.msk [tilespmem:v8+s28+$0x0], $0xffff  }
0x25d: {  	v13 =	vor.u32 $0x3, v10;
	_ =	sdelay $0x1  }
0x25e: {  	v4 =	vadd.s32 v4, v5;
	v5 =	vld.idx.msk [tilespmem:v10+s28+$0x0], $0xffff  }
0x25f: {  	v4 =	vadd.s32 v6, v4;
	v6 =	vld.idx.msk [tilespmem:v11+s28+$0x0], $0xffff  }
0x260: {  	s13 =	simm.s32 $0x20;
	v4 =	vadd.s32 v8, v4;
	v8 =	vld.idx.msk [tilespmem:v12+s28+$0x0], $0xffff  }
0x261: {  	v10 =	vor.u32 s13, v0;
	v11 =	vld.idx.msk [tilespmem:v13+s28+$0x0], $0xffff;
	vm2 =	vgt.s32 v4, $0x0  }
0x262: {  	v4 =	vshll.u32 v10, $0x3;
	v12 =	vsel vm2, $0x1, v1  }
0x263: {  	v13 =	vor.u32 $0x1, v4;
	(xrf0) =	vadd.scan.msk.s32 $0xffff, v12  }
0x264: {  	v14 =	vor.u32 $0x2, v4;
	v5 =	vadd.s32 v5, v6  }
0x265: {  	v12 =	vor.u32 $0x3, v4;
	v5 =	vadd.s32 v8, v5  }
0x266: {  	v5 =	vadd.s32 v11, v5  }
0x267: {  	v4 =	vld.idx.msk [tilespmem:v4+s28+$0x0], $0xffff;
	vm1 =	vgt.s32 v5, $0x0  }
0x268: {  	v6 =	vld.idx.msk [tilespmem:v13+s28+$0x0], $0xffff;
	v8 =	vsel vm1, $0x1, v1  }
0x269: {  	s14 =	simm.s32 $0x30;
	v5 =	vld.idx.msk [tilespmem:v14+s28+$0x0], $0xffff;
	v11, _, _ =	vpop (xrf0);
	(xrf0) =	vadd.scan.msk.s32 $0xffff, v8  }
0x26a: {  	v13 =	vor.u32 s14, v0;
	v12 =	vld.idx.msk [tilespmem:v12+s28+$0x0], $0xffff;
	(v2sf) =	vpush v11, $0xF  }
0x26b: {  	v8 =	vshll.u32 v13, $0x3  }
0x26c: {  	v14 =	vor.u32 $0x1, v8  }
0x26d: {  	v15 =	vor.u32 $0x2, v8;
	v4 =	vadd.s32 v4, v6  }
0x26e: {  	s15 =	smul.u32 $0x190, s8;
	v16 =	vor.u32 $0x3, v8;
	v4 =	vadd.s32 v5, v4  }
0x26f: {  	vm2 =	vmmov vm2;
	v11 =	vadd.s32 s9, v11;
	v6 =	vadd.s32 v12, v4;
	v12, _, _ =	vpop (xrf0)  }
0x270: {  	s16 =	simm.s32 $0x40;
	v5 =	vmov s15;
	v8 =	vld.idx.msk [tilespmem:v8+s28+$0x0], $0xffff;
	vm0 =	vgt.s32 v6, $0x0;
	(v2sf) =	vpush v12, $0xF  }
0x271: {  	s11 =	ssub.s32 $0x8, s7;
	v5 =	vadd.s32 $0x80000000, v5;
	v14 =	vld.idx.msk [tilespmem:v14+s28+$0x0], $0xffff;
	v6 =	vor.u32 s16, v0;
	v17 =	vsel vm0, $0x1, v1  }
0x272: {  	v4 =	vmov s11;
	v5 =	vbroadcast v5, $0x0;
	v15 =	vld.idx.msk [tilespmem:v15+s28+$0x0], $0xffff;
	(xrf0) =	vadd.scan.msk.s32 $0xffff, v17;
	v17 =	vshll.u32 v6, $0x3  }
0x273: {  	vm2 =	vmmov vm2;
	vm3 =	veq.s32 v11, v4;
	v11 =	vld.idx.msk [tilespmem:v16+s28+$0x0], $0xffff;
	v16 =	vor.u32 $0x1, v17  }
0x274: {  	vm2 =	vmand vm2, vm3;
	v7 =	vadd.s32 v5, v7;
	v18 =	vor.u32 $0x2, v17  }
0x275: {  	v7 =	vnsel vm2, $0xC0000000, v7;
	v19 =	vor.u32 $0x3, v17  }
0x276: {  	(xrf0) =	vmin.scan.msk.u32 $0xffff, v7  }
0x277: {  	v7 =	vadd.s32 v8, v14;
	v8 =	vld.idx.msk [tilespmem:v17+s28+$0x0], $0xffff  }
0x278: {  	s10 =	simm.s32 $0x50;
	v9 =	vadd.s32 v5, v9;
	vm2 =	vmmov vm1;
	v7 =	vadd.s32 v15, v7;
	v15 =	vld.idx.msk [tilespmem:v16+s28+$0x0], $0xffff  }
0x279: {  	vm2 =	vmmov vm2;
	v11 =	vadd.s32 v11, v7;
	v7 =	vor.u32 s10, v0;
	v14, _, _ =	vpop (xrf0);
	v16 =	vld.idx.msk [tilespmem:v18+s28+$0x0], $0xffff;
	s11 =	spop (v2sf)  }
0x27a: {  	vm1 =	vgt.s32 v11, $0x0;
	v11 =	vshll.u32 v7, $0x3;
	v17 =	vld.idx.msk [tilespmem:v19+s28+$0x0], $0xffff;
	(v2sf) =	vpush v14, $0xF;
	s9 =	sadd.s32 $0x0, s11  }
0x27b: {  	v18 =	vsel vm1, $0x1, v1;
	v19 =	vor.u32 $0x1, v11;
	v12 =	vadd.s32 s9, v12  }
0x27c: {  	v20 =	vor.u32 $0x2, v11;
	v61 =	vor.u32 $0x3, v11;
	v21, _, _ =	vpop (xrf0);
	vm3 =	veq.s32 v12, v4  }
0x27d: {  	(v2sf) =	vpush v21, $0xF;
	v8 =	vadd.s32 v8, v15;
	vm2 =	vmand vm2, vm3  }
0x27e: {  	(xrf0) =	vadd.scan.msk.s32 $0xffff, v18;
	v8 =	vadd.s32 v16, v8;
	v9 =	vnsel vm2, $0xC0000000, v9  }
0x27f: {  	v11 =	vld.idx.msk [tilespmem:v11+s28+$0x0], $0xffff;
	(xrf0) =	vmin.scan.msk.u32 $0xffff, v9;
	v9 =	vadd.s32 v17, v8;
	s13 =	spop (v2sf)  }
0x280: {  	v12 =	vld.idx.msk [tilespmem:v19+s28+$0x0], $0xffff;
	vm2 =	vgt.s32 v9, $0x0;
	s9 =	sadd.s32 s9, s13  }
0x281: {  	vm0 =	vmmov vm0;
	v9 =	vld.idx.msk [tilespmem:v20+s28+$0x0], $0xffff;
	v16 =	vsel vm2, $0x1, v1;
	v14 =	vadd.s32 s9, v14  }
0x282: {  	vm0 =	vmmov vm0;
	v17 =	vld.idx.msk [tilespmem:v61+s28+$0x0], $0xffff;
	vm3 =	veq.s32 v14, v4  }
0x283: {  	v10 =	vadd.s32 v5, v10;
	vm0 =	vmand vm0, vm3  }
0x284: {  	s12 =	simm.s32 $0x60;
	(xrf0) =	vadd.scan.msk.s32 $0xffff, v16;
	v16, _, _ =	vpop (xrf0);
	v10 =	vnsel vm0, $0xC0000000, v10  }
0x285: {  	v8 =	vor.u32 s12, v0;
	v11 =	vadd.s32 v11, v12;
	v19, _, _ =	vpop (xrf0);
	(xrf0) =	vmin.scan.msk.u32 $0xffff, v10  }
0x286: {  	v15 =	vshll.u32 v8, $0x3;
	(v2sf) =	vpush v16, $0xF;
	v9 =	vadd.s32 v9, v11  }
0x287: {  	v18 =	vor.u32 $0x1, v15;
	v10 =	vadd.s32 v17, v9  }
0x288: {  	v14 =	vor.u32 $0x2, v15  }
0x289: {  	v62 =	vor.u32 $0x3, v15;
	vm0 =	vmmov vm1;
	s15 =	spop (v2sf)  }
0x28a: {  	vm1 =	vmmov vm2;
	(v2sf) =	vpush v19, $0xF;
	vm2 =	vgt.s32 v10, $0x0;
	s11 =	sadd.s32 s9, s15;
	v10, _, _ =	vpop (xrf0)  }
0x28b: {  	s14 =	simm.s32 $0x70;
	v19 =	vld.idx.msk [tilespmem:v15+s28+$0x0], $0xffff;
	v12 =	vadd.s32 s11, v16;
	(v2sf) =	vpush v10, $0xF;
	v16, _, _ =	vpop (xrf0)  }
0x28c: {  	v18 =	vld.idx.msk [tilespmem:v18+s28+$0x0], $0xffff;
	v9 =	vor.u32 s14, v0;
	s16 =	spop (v2sf);
	(v2sf) =	vpush v16, $0xF  }
0x28d: {  	v17 =	vld.idx.msk [tilespmem:v14+s28+$0x0], $0xffff;
	v63 =	vshll.u32 v9, $0x3  }
0x28e: {  	v15 =	vsel vm2, $0x1, v1  }
0x28f: {  	vm0 =	vmmov vm0;
	v14 =	vor.u32 $0x1, v63;
	(xrf0) =	vadd.scan.msk.s32 $0xffff, v15;
	v15 =	vld.idx.msk [tilespmem:v62+s28+$0x0], $0xffff;
	vm3 =	veq.s32 v12, v4  }
0x290: {  	v13 =	vadd.s32 v5, v13;
	v11 =	vor.u32 $0x2, v63;
	vm0 =	vmand vm0, vm3  }
0x291: {  	v12 =	vor.u32 $0x3, v63;
	s10 =	sxor.u32 $0x80000000, s16;
	v18 =	vadd.s32 v19, v18;
	v19 =	vnsel vm0, $0xC0000000, v13  }
0x292: {  	s12 =	simm.s32 $0x80;
	vm1 =	vmmov vm1;
	s9 =	simm.s32 $0x40000000;
	p1 =	sgt.s32 s10, $0x40000000;
	v13 =	vld.idx.msk [tilespmem:v63+s28+$0x0], $0xffff;
	v16 =	vadd.s32 v17, v18;
	vm0 =	vmmov vm2;
	(xrf0) =	vmin.scan.msk.u32 $0xffff, v19  }
.LBB2_19:
0x293: {  	s13 =	smov.u32 s9;
	p2 =	sne.s32 s12, $0x180;
	s9 =	smov.u32 s10  }
0x294: {  	s10 =	smov.u32 s12;
	s12 =	sadd.s32 $0x10, s12;
	v17 =	vld.idx.msk [tilespmem:v14+s28+$0x0], $0xffff;
	v14 =	vadd.s32 v15, v16;
	s9 =	smov.u32 @p1 s13  }
0x295: {  	v18 =	vor.u32 s10, v0;
	v16 =	vld.idx.msk [tilespmem:v11+s28+$0x0], $0xffff;
	vm2 =	vgt.s32 v14, $0x0;
	v19, _, _ =	vpop (xrf0);
	s10 =	spop (v2sf)  }
0x296: {  	v20 =	vshll.u32 v18, $0x3;
	v15 =	vld.idx.msk [tilespmem:v12+s28+$0x0], $0xffff;
	v12 =	vsel vm2, $0x1, v1;
	(v2sf) =	vpush v19, $0xF;
	s11 =	sadd.s32 s11, s10  }
.Ltmp10:
0x297: {  	v14 =	vor.u32 $0x1, v20;
	v11 =	vor.u32 $0x2, v20;
	(xrf0) =	vadd.scan.msk.s32 $0xffff, v12;
	v22 =	vadd.s32 s11, v10;
	v10 =	vmovc v19;
	(pc) =	sbr.rel @p2 .LBB2_19-.Ltmp10, $4  }
0x298: {  	v12 =	vor.u32 $0x3, v20;
	vm3 =	veq.s32 v22, v4  }
0x299: {  	v19 =	vadd.s32 v5, v6;
	v6 =	vmov v7;
	vm1 =	vmand vm1, vm3;
	v21, _, _ =	vpop (xrf0);
	s10 =	spop (v2sf)  }
0x29a: {  	v7 =	vmovc v8;
	v8 =	vmovc v9;
	v17 =	vadd.s32 v13, v17;
	v19 =	vnsel vm1, $0xC0000000, v19;
	(v2sf) =	vpush v21, $0xF;
	s10 =	sxor.u32 $0x80000000, s10  }
0x29b: {  	v9 =	vmovc v18;
	v16 =	vadd.s32 v16, v17;
	vm1 =	vmmov vm0;
	vm0 =	vmmov vm2;
	v13 =	vld.idx.msk [tilespmem:v20+s28+$0x0], $0xffff;
	(xrf0) =	vmin.scan.msk.u32 $0xffff, v19;
	p1 =	slt.s32 s9, s10  }
0x29c: {  	v15 =	vadd.s32 v15, v16  }
0x29d: {  	vm2 =	vgt.s32 v15, $0x0  }
0x29e: {  	v15 =	vsel vm2, $0x1, v1  }
0x29f: {  	(xrf0) =	vadd.scan.msk.s32 $0xffff, v15;
	_ =	sdelay $0x3  }
0x2a0: {  	v52, _, _ =	vpop (xrf0)  }
0x2a1: {  	(v2sf) =	vpush v52, $0xF;
	v53, _, _ =	vpop (xrf0)  }
0x2a2: {  	(v2sf) =	vpush v53, $0xF;
	v54, _, _ =	vpop (xrf0)  }
0x2a3: {  	v14 =	vld.idx.msk [tilespmem:v14+s28+$0x0], $0xffff;
	(v2sf) =	vpush v54, $0xF  }
0x2a4: {  	v11 =	vld.idx.msk [tilespmem:v11+s28+$0x0], $0xffff  }
0x2a5: {  	v12 =	vld.idx.msk [tilespmem:v12+s28+$0x0], $0xffff  }
0x2a6: {  	s12 =	spop (v2sf)  }
0x2a7: {  	s11 =	sadd.s32 s11, s12  }
0x2a8: {  	v10 =	vadd.s32 s11, v10;
	v13 =	vadd.s32 v13, v14  }
0x2a9: {  	vm3 =	veq.s32 v10, v4;
	v55 =	vadd.s32 v11, v13  }
0x2aa: {  	v6 =	vadd.s32 v5, v6;
	vm1 =	vmand vm1, vm3;
	v10 =	vadd.s32 v12, v55  }
0x2ab: {  	v6 =	vnsel vm1, $0xC0000000, v6;
	vm10 =	vgt.s32 v10, $0x0  }
0x2ac: {  	(xrf0) =	vmin.scan.msk.u32 $0xffff, v6;
	v56 =	vsel vm10, $0x1, v1  }
0x2ad: {  	s12 =	spop (v2sf);
	(xrf0) =	vadd.scan.msk.s32 $0xffff, v56  }
0x2ae: {  	s13 =	spop (v2sf)  }
0x2af: {  	s11 =	sadd.s32 s11, s13;
	s13 =	spop (v2sf)  }
0x2b0: {  	vm0 =	vmmov vm0;
	v57 =	vadd.s32 s11, v52;
	s14 =	spop (v2sf)  }
0x2b1: {  	v58 =	vadd.s32 v5, v7;
	v62 =	vadd.s32 v5, v8;
	vm11 =	veq.s32 v57, v4;
	s11 =	sadd.s32 s11, s14;
	s16 =	spop (v2sf)  }
0x2b2: {  	vm2 =	vmmov vm2;
	v59, _, _ =	vpop (xrf0);
	vm0 =	vmand vm0, vm11;
	v60 =	vadd.s32 s11, v54;
	s15 =	spop (v2sf)  }
0x2b3: {  	vm12 =	vmmov vm2;
	v6 =	vnsel vm0, $0xC0000000, v58;
	v61, _, _ =	vpop (xrf0);
	vm13 =	veq.s32 v60, v4;
	s11 =	sadd.s32 s11, s15  }
0x2b4: {  	vm1 =	vmmov vm10;
	(xrf0) =	vmin.scan.msk.u32 $0xffff, v6;
	vm0 =	vmand vm12, vm13;
	v63 =	vadd.s32 s11, v61  }
0x2b5: {  	vm14 =	vmmov vm1;
	v6 =	vnsel vm0, $0xC0000000, v62;
	vm15 =	veq.s32 v63, v4  }
0x2b6: {  	(xrf0) =	vmin.scan.msk.u32 $0xffff, v6;
	v4 =	vadd.s32 v5, v9;
	vm0 =	vmand vm14, vm15  }
0x2b7: {  	v4 =	vnsel vm0, $0xC0000000, v4  }
0x2b8: {  	(xrf0) =	vmin.scan.msk.u32 $0xffff, v4  }
0x2b9: {  	(v2sf) =	vpush v59, $0xF  }
0x2ba: {  	(v2sf) =	vpush v61, $0xF;
	v4, _, _ =	vpop (xrf0)  }
0x2bb: {  	(v2sf) =	vpush v4, $0xF  }
0x2bc: {  	v4, _, _ =	vpop (xrf0)  }
0x2bd: {  	(v2sf) =	vpush v4, $0xF  }
0x2be: {  	v4, _, _ =	vpop (xrf0)  }
0x2bf: {  	(v2sf) =	vpush v4, $0xF;
	_ =	sdelay $0x3  }
0x2c0: {  	s10 =	smov.u32 @p1 s9;
	s9 =	sxor.u32 $0x80000000, s12  }
0x2c1: {  	p1 =	slt.s32 s10, s9  }
0x2c2: {  	s9 =	smov.u32 @p1 s10;
	s10 =	sxor.u32 $0x80000000, s13  }
0x2c3: {  	p1 =	slt.s32 s9, s10  }
0x2c4: {  	s10 =	smov.u32 @p1 s9;
	s9 =	sxor.u32 $0x80000000, s16  }
0x2c5: {  	p1 =	slt.s32 s10, s9;
	s13 =	spop (v2sf)  }
0x2c6: {  	s9 =	smov.u32 @p1 s10;
	s10 =	sxor.u32 $0x80000000, s13;
	s12 =	spop (v2sf)  }
0x2c7: {  	p1 =	slt.s32 s9, s10;
	s14 =	spop (v2sf)  }
0x2c8: {  	s10 =	smov.u32 @p1 s9;
	s9 =	sxor.u32 $0x80000000, s14  }
0x2c9: {  	s15 =	spop (v2sf);
	p1 =	slt.s32 s10, s9  }
0x2ca: {  	s9 =	smov.u32 @p1 s10;
	s10 =	sxor.u32 $0x80000000, s15  }
0x2cb: {  	p1 =	slt.s32 s9, s10;
	s16 =	spop (v2sf)  }
0x2cc: {  	s11 =	sadd.s32 s11, s12;
	s10 =	smov.u32 @p1 s9;
	s9 =	sxor.u32 $0x80000000, s16  }
0x2cd: {  	s7 =	sadd.s32 s7, s11;
	p1 =	sgt.u32 s8, $0x17;
	p2 =	slt.s32 s10, s9  }
0x2ce: {  	s9 =	smov.u32 @p2 s10;
	p2 =	slt.s32 @!p1 s7, $0x8  }
0x2cf: {  	p2 =	por p1, !p2  }
.Ltmp11:
0x2d0: {  	_ = 	snop;
	(pc) =	sbr.rel @!p2 .LBB2_18-.Ltmp11, $3  }
0x2d1: {  	_ =	sdelay $0x1  }
0x2d2: {  	p3 =	sgt.s32 s7, $0x7  }
0x2d3: {  	s8 =	sadd.s32 $0x1, s8;
	s6 =	smov.u32 @p3 s9  }
0x2d4: {  	s7 =	simm.s32 $0x40000000;
	s8 =	simm.s32 $0x0;
	s9 =	simm.s32 $0x0  }
0x2d5: {  	s7 =	simm.s32 @p1 $0x40000000;
	s8 =	simm.s32 @p1 $0x0;
	s9 =	simm.s32 @p1 $0x0  }
.LBB2_22:
0x2d6: {  	s10 =	smul.u32 $0xC80, s9;
	_ =	sdelay $0x1  }
0x2d7: {  	s11 =	sshrl.u32 s10, $0x3;
	s10 =	simm.s32 $0x0  }
0x2d8: {  	s11 =	sadd.s32 s2, s11;
	v7 =	vor.u32 s10, v0  }
0x2d9: {  	s11 =	sadd.s32 $0xC350, s11;
	v4 =	vshll.u32 v7, $0x3  }
0x2da: {  	[tilespmem:s28], [sflag:$0x2] =	stream.linear.gather [hbm4b:s11+s10], $0xC80, $0x38;
	v5 =	vor.u32 $0x1, v4;
	[tilespmem:$0x85C0] =	vst v63  }
0x2db: {  	v6 =	vor.u32 $0x2, v4;
	_ =	swait.ge [sflag:s29], $0xC80  }
0x2dc: {  	v8 =	vor.u32 $0x3, v4;
	[sflag:s29] =	ssyncset.done $0x0  }
0x2dd: {  	s16 =	simm.s32 $0x10;
	[sflag:s29] =	ssyncadd.s32 $0xFFFFF380  }
0x2de: {  	v9 =	vor.u32 s16, v0;
	v4 =	vld.idx.msk [tilespmem:v4+s28+$0x0], $0xffff  }
0x2df: {  	v10 =	vshll.u32 v9, $0x3;
	v5 =	vld.idx.msk [tilespmem:v5+s28+$0x0], $0xffff  }
0x2e0: {  	v11 =	vor.u32 $0x1, v10;
	v6 =	vld.idx.msk [tilespmem:v6+s28+$0x0], $0xffff  }
0x2e1: {  	v12 =	vor.u32 $0x2, v10;
	v8 =	vld.idx.msk [tilespmem:v8+s28+$0x0], $0xffff  }
0x2e2: {  	v13 =	vor.u32 $0x3, v10;
	_ =	sdelay $0x1  }
0x2e3: {  	v4 =	vadd.s32 v4, v5;
	v5 =	vld.idx.msk [tilespmem:v10+s28+$0x0], $0xffff  }
0x2e4: {  	v4 =	vadd.s32 v6, v4;
	v6 =	vld.idx.msk [tilespmem:v11+s28+$0x0], $0xffff  }
0x2e5: {  	s12 =	simm.s32 $0x20;
	v4 =	vadd.s32 v8, v4;
	v8 =	vld.idx.msk [tilespmem:v12+s28+$0x0], $0xffff  }
0x2e6: {  	v10 =	vor.u32 s12, v0;
	v11 =	vld.idx.msk [tilespmem:v13+s28+$0x0], $0xffff;
	vm2 =	vgt.s32 v4, $0x0  }
0x2e7: {  	v4 =	vshll.u32 v10, $0x3;
	v12 =	vsel vm2, $0x1, v1  }
0x2e8: {  	v13 =	vor.u32 $0x1, v4;
	(xrf0) =	vadd.scan.msk.s32 $0xffff, v12  }
0x2e9: {  	v14 =	vor.u32 $0x2, v4;
	v5 =	vadd.s32 v5, v6  }
0x2ea: {  	v12 =	vor.u32 $0x3, v4;
	v5 =	vadd.s32 v8, v5  }
0x2eb: {  	v5 =	vadd.s32 v11, v5  }
0x2ec: {  	v4 =	vld.idx.msk [tilespmem:v4+s28+$0x0], $0xffff;
	vm1 =	vgt.s32 v5, $0x0  }
0x2ed: {  	v6 =	vld.idx.msk [tilespmem:v13+s28+$0x0], $0xffff;
	v8 =	vsel vm1, $0x1, v1  }
0x2ee: {  	s13 =	simm.s32 $0x30;
	v5 =	vld.idx.msk [tilespmem:v14+s28+$0x0], $0xffff;
	v11, _, _ =	vpop (xrf0);
	(xrf0) =	vadd.scan.msk.s32 $0xffff, v8  }
0x2ef: {  	v13 =	vor.u32 s13, v0;
	v12 =	vld.idx.msk [tilespmem:v12+s28+$0x0], $0xffff;
	(v2sf) =	vpush v11, $0xF  }
0x2f0: {  	v8 =	vshll.u32 v13, $0x3  }
0x2f1: {  	v14 =	vor.u32 $0x1, v8  }
0x2f2: {  	v15 =	vor.u32 $0x2, v8;
	v4 =	vadd.s32 v4, v6  }
0x2f3: {  	s14 =	smul.u32 $0x190, s9;
	v16 =	vor.u32 $0x3, v8;
	v4 =	vadd.s32 v5, v4  }
0x2f4: {  	vm2 =	vmmov vm2;
	v11 =	vadd.s32 s10, v11;
	v6 =	vadd.s32 v12, v4;
	v12, _, _ =	vpop (xrf0)  }
0x2f5: {  	s15 =	simm.s32 $0x40;
	v5 =	vmov s14;
	v8 =	vld.idx.msk [tilespmem:v8+s28+$0x0], $0xffff;
	vm0 =	vgt.s32 v6, $0x0;
	(v2sf) =	vpush v12, $0xF  }
0x2f6: {  	s12 =	ssub.s32 $0x8, s8;
	v5 =	vadd.s32 $0x80000000, v5;
	v14 =	vld.idx.msk [tilespmem:v14+s28+$0x0], $0xffff;
	v6 =	vor.u32 s15, v0;
	v17 =	vsel vm0, $0x1, v1  }
0x2f7: {  	v4 =	vmov s12;
	v5 =	vbroadcast v5, $0x0;
	v15 =	vld.idx.msk [tilespmem:v15+s28+$0x0], $0xffff;
	(xrf0) =	vadd.scan.msk.s32 $0xffff, v17;
	v17 =	vshll.u32 v6, $0x3  }
0x2f8: {  	vm2 =	vmmov vm2;
	vm3 =	veq.s32 v11, v4;
	v11 =	vld.idx.msk [tilespmem:v16+s28+$0x0], $0xffff;
	v16 =	vor.u32 $0x1, v17  }
0x2f9: {  	vm2 =	vmand vm2, vm3;
	v7 =	vadd.s32 v5, v7;
	v18 =	vor.u32 $0x2, v17  }
0x2fa: {  	v7 =	vnsel vm2, $0xC0000000, v7;
	v19 =	vor.u32 $0x3, v17  }
0x2fb: {  	(xrf0) =	vmin.scan.msk.u32 $0xffff, v7  }
0x2fc: {  	v7 =	vadd.s32 v8, v14;
	v8 =	vld.idx.msk [tilespmem:v17+s28+$0x0], $0xffff  }
0x2fd: {  	s16 =	simm.s32 $0x50;
	v9 =	vadd.s32 v5, v9;
	vm2 =	vmmov vm1;
	v7 =	vadd.s32 v15, v7;
	v15 =	vld.idx.msk [tilespmem:v16+s28+$0x0], $0xffff  }
0x2fe: {  	vm2 =	vmmov vm2;
	v11 =	vadd.s32 v11, v7;
	v7 =	vor.u32 s16, v0;
	v14, _, _ =	vpop (xrf0);
	v16 =	vld.idx.msk [tilespmem:v18+s28+$0x0], $0xffff;
	s11 =	spop (v2sf)  }
0x2ff: {  	vm1 =	vgt.s32 v11, $0x0;
	v11 =	vshll.u32 v7, $0x3;
	v17 =	vld.idx.msk [tilespmem:v19+s28+$0x0], $0xffff;
	(v2sf) =	vpush v14, $0xF;
	s10 =	sadd.s32 $0x0, s11  }
0x300: {  	v18 =	vsel vm1, $0x1, v1;
	v19 =	vor.u32 $0x1, v11;
	v12 =	vadd.s32 s10, v12  }
0x301: {  	v20 =	vor.u32 $0x2, v11;
	v61 =	vor.u32 $0x3, v11;
	v21, _, _ =	vpop (xrf0);
	vm3 =	veq.s32 v12, v4  }
0x302: {  	(v2sf) =	vpush v21, $0xF;
	v8 =	vadd.s32 v8, v15;
	vm2 =	vmand vm2, vm3  }
0x303: {  	(xrf0) =	vadd.scan.msk.s32 $0xffff, v18;
	v8 =	vadd.s32 v16, v8;
	v9 =	vnsel vm2, $0xC0000000, v9  }
0x304: {  	v11 =	vld.idx.msk [tilespmem:v11+s28+$0x0], $0xffff;
	(xrf0) =	vmin.scan.msk.u32 $0xffff, v9;
	v9 =	vadd.s32 v17, v8;
	s13 =	spop (v2sf)  }
0x305: {  	v12 =	vld.idx.msk [tilespmem:v19+s28+$0x0], $0xffff;
	vm2 =	vgt.s32 v9, $0x0;
	s10 =	sadd.s32 s10, s13  }
0x306: {  	vm0 =	vmmov vm0;
	v9 =	vld.idx.msk [tilespmem:v20+s28+$0x0], $0xffff;
	v16 =	vsel vm2, $0x1, v1;
	v14 =	vadd.s32 s10, v14  }
0x307: {  	vm0 =	vmmov vm0;
	v17 =	vld.idx.msk [tilespmem:v61+s28+$0x0], $0xffff;
	vm3 =	veq.s32 v14, v4  }
0x308: {  	v10 =	vadd.s32 v5, v10;
	vm0 =	vmand vm0, vm3  }
0x309: {  	s12 =	simm.s32 $0x60;
	(xrf0) =	vadd.scan.msk.s32 $0xffff, v16;
	v16, _, _ =	vpop (xrf0);
	v10 =	vnsel vm0, $0xC0000000, v10  }
0x30a: {  	v8 =	vor.u32 s12, v0;
	v11 =	vadd.s32 v11, v12;
	v19, _, _ =	vpop (xrf0);
	(xrf0) =	vmin.scan.msk.u32 $0xffff, v10  }
0x30b: {  	v15 =	vshll.u32 v8, $0x3;
	(v2sf) =	vpush v16, $0xF;
	v9 =	vadd.s32 v9, v11  }
0x30c: {  	v18 =	vor.u32 $0x1, v15;
	v10 =	vadd.s32 v17, v9  }
0x30d: {  	v14 =	vor.u32 $0x2, v15  }
0x30e: {  	v62 =	vor.u32 $0x3, v15;
	vm0 =	vmmov vm1;
	s15 =	spop (v2sf)  }
0x30f: {  	vm1 =	vmmov vm2;
	(v2sf) =	vpush v19, $0xF;
	vm2 =	vgt.s32 v10, $0x0;
	s12 =	sadd.s32 s10, s15;
	v10, _, _ =	vpop (xrf0)  }
0x310: {  	s14 =	simm.s32 $0x70;
	v19 =	vld.idx.msk [tilespmem:v15+s28+$0x0], $0xffff;
	v12 =	vadd.s32 s12, v16;
	(v2sf) =	vpush v10, $0xF;
	v16, _, _ =	vpop (xrf0)  }
0x311: {  	v18 =	vld.idx.msk [tilespmem:v18+s28+$0x0], $0xffff;
	v9 =	vor.u32 s14, v0;
	s16 =	spop (v2sf);
	(v2sf) =	vpush v16, $0xF  }
0x312: {  	v17 =	vld.idx.msk [tilespmem:v14+s28+$0x0], $0xffff;
	v63 =	vshll.u32 v9, $0x3  }
0x313: {  	v15 =	vsel vm2, $0x1, v1  }
0x314: {  	vm0 =	vmmov vm0;
	v14 =	vor.u32 $0x1, v63;
	(xrf0) =	vadd.scan.msk.s32 $0xffff, v15;
	v15 =	vld.idx.msk [tilespmem:v62+s28+$0x0], $0xffff;
	vm3 =	veq.s32 v12, v4  }
0x315: {  	v13 =	vadd.s32 v5, v13;
	v11 =	vor.u32 $0x2, v63;
	vm0 =	vmand vm0, vm3  }
0x316: {  	v12 =	vor.u32 $0x3, v63;
	s11 =	sxor.u32 $0x80000000, s16;
	v18 =	vadd.s32 v19, v18;
	v19 =	vnsel vm0, $0xC0000000, v13  }
0x317: {  	s13 =	simm.s32 $0x80;
	vm1 =	vmmov vm1;
	s10 =	simm.s32 $0x40000000;
	p1 =	sgt.s32 s11, $0x40000000;
	v13 =	vld.idx.msk [tilespmem:v63+s28+$0x0], $0xffff;
	v16 =	vadd.s32 v17, v18;
	vm0 =	vmmov vm2;
	(xrf0) =	vmin.scan.msk.u32 $0xffff, v19  }
.LBB2_23:
0x318: {  	s14 =	smov.u32 s10;
	p2 =	sne.s32 s13, $0x180;
	s10 =	smov.u32 s11  }
0x319: {  	s11 =	smov.u32 s13;
	s13 =	sadd.s32 $0x10, s13;
	v17 =	vld.idx.msk [tilespmem:v14+s28+$0x0], $0xffff;
	v14 =	vadd.s32 v15, v16;
	s10 =	smov.u32 @p1 s14  }
0x31a: {  	v18 =	vor.u32 s11, v0;
	v16 =	vld.idx.msk [tilespmem:v11+s28+$0x0], $0xffff;
	vm2 =	vgt.s32 v14, $0x0;
	v19, _, _ =	vpop (xrf0);
	s11 =	spop (v2sf)  }
0x31b: {  	v20 =	vshll.u32 v18, $0x3;
	v15 =	vld.idx.msk [tilespmem:v12+s28+$0x0], $0xffff;
	v12 =	vsel vm2, $0x1, v1;
	(v2sf) =	vpush v19, $0xF;
	s12 =	sadd.s32 s12, s11  }
.Ltmp12:
0x31c: {  	v14 =	vor.u32 $0x1, v20;
	v11 =	vor.u32 $0x2, v20;
	(xrf0) =	vadd.scan.msk.s32 $0xffff, v12;
	v22 =	vadd.s32 s12, v10;
	v10 =	vmovc v19;
	(pc) =	sbr.rel @p2 .LBB2_23-.Ltmp12, $4  }
0x31d: {  	v12 =	vor.u32 $0x3, v20;
	vm3 =	veq.s32 v22, v4  }
0x31e: {  	v19 =	vadd.s32 v5, v6;
	v6 =	vmov v7;
	vm1 =	vmand vm1, vm3;
	v21, _, _ =	vpop (xrf0);
	s11 =	spop (v2sf)  }
0x31f: {  	v7 =	vmovc v8;
	v8 =	vmovc v9;
	v17 =	vadd.s32 v13, v17;
	v19 =	vnsel vm1, $0xC0000000, v19;
	(v2sf) =	vpush v21, $0xF;
	s11 =	sxor.u32 $0x80000000, s11  }
0x320: {  	v9 =	vmovc v18;
	v16 =	vadd.s32 v16, v17;
	vm1 =	vmmov vm0;
	vm0 =	vmmov vm2;
	v13 =	vld.idx.msk [tilespmem:v20+s28+$0x0], $0xffff;
	(xrf0) =	vmin.scan.msk.u32 $0xffff, v19;
	p1 =	slt.s32 s10, s11  }
0x321: {  	v15 =	vadd.s32 v15, v16  }
0x322: {  	vm2 =	vgt.s32 v15, $0x0  }
0x323: {  	v15 =	vsel vm2, $0x1, v1  }
0x324: {  	(xrf0) =	vadd.scan.msk.s32 $0xffff, v15;
	_ =	sdelay $0x3  }
0x325: {  	v52, _, _ =	vpop (xrf0)  }
0x326: {  	(v2sf) =	vpush v52, $0xF;
	v53, _, _ =	vpop (xrf0)  }
0x327: {  	(v2sf) =	vpush v53, $0xF;
	v54, _, _ =	vpop (xrf0)  }
0x328: {  	v14 =	vld.idx.msk [tilespmem:v14+s28+$0x0], $0xffff;
	(v2sf) =	vpush v54, $0xF  }
0x329: {  	v11 =	vld.idx.msk [tilespmem:v11+s28+$0x0], $0xffff  }
0x32a: {  	v12 =	vld.idx.msk [tilespmem:v12+s28+$0x0], $0xffff  }
0x32b: {  	s13 =	spop (v2sf)  }
0x32c: {  	s12 =	sadd.s32 s12, s13  }
0x32d: {  	v10 =	vadd.s32 s12, v10;
	v13 =	vadd.s32 v13, v14  }
0x32e: {  	vm3 =	veq.s32 v10, v4;
	v55 =	vadd.s32 v11, v13  }
0x32f: {  	v6 =	vadd.s32 v5, v6;
	vm1 =	vmand vm1, vm3;
	v10 =	vadd.s32 v12, v55  }
0x330: {  	v6 =	vnsel vm1, $0xC0000000, v6;
	vm10 =	vgt.s32 v10, $0x0  }
0x331: {  	(xrf0) =	vmin.scan.msk.u32 $0xffff, v6;
	v56 =	vsel vm10, $0x1, v1  }
0x332: {  	s13 =	spop (v2sf);
	(xrf0) =	vadd.scan.msk.s32 $0xffff, v56  }
0x333: {  	s14 =	spop (v2sf)  }
0x334: {  	s12 =	sadd.s32 s12, s14;
	s14 =	spop (v2sf)  }
0x335: {  	vm0 =	vmmov vm0;
	v57 =	vadd.s32 s12, v52;
	s15 =	spop (v2sf)  }
0x336: {  	v58 =	vadd.s32 v5, v7;
	v62 =	vadd.s32 v5, v8;
	vm11 =	veq.s32 v57, v4;
	s12 =	sadd.s32 s12, s15;
	s15 =	spop (v2sf)  }
0x337: {  	vm2 =	vmmov vm2;
	v59, _, _ =	vpop (xrf0);
	vm0 =	vmand vm0, vm11;
	v60 =	vadd.s32 s12, v54;
	s16 =	spop (v2sf)  }
0x338: {  	vm12 =	vmmov vm2;
	v6 =	vnsel vm0, $0xC0000000, v58;
	v61, _, _ =	vpop (xrf0);
	vm13 =	veq.s32 v60, v4;
	s12 =	sadd.s32 s12, s16  }
0x339: {  	vm1 =	vmmov vm10;
	(xrf0) =	vmin.scan.msk.u32 $0xffff, v6;
	vm0 =	vmand vm12, vm13;
	v63 =	vadd.s32 s12, v61  }
0x33a: {  	vm14 =	vmmov vm1;
	v6 =	vnsel vm0, $0xC0000000, v62;
	vm15 =	veq.s32 v63, v4  }
0x33b: {  	(xrf0) =	vmin.scan.msk.u32 $0xffff, v6;
	v4 =	vadd.s32 v5, v9;
	vm0 =	vmand vm14, vm15  }
0x33c: {  	v4 =	vnsel vm0, $0xC0000000, v4  }
0x33d: {  	(xrf0) =	vmin.scan.msk.u32 $0xffff, v4  }
0x33e: {  	(v2sf) =	vpush v59, $0xF  }
0x33f: {  	(v2sf) =	vpush v61, $0xF;
	v4, _, _ =	vpop (xrf0)  }
0x340: {  	(v2sf) =	vpush v4, $0xF  }
0x341: {  	v4, _, _ =	vpop (xrf0)  }
0x342: {  	(v2sf) =	vpush v4, $0xF  }
0x343: {  	v4, _, _ =	vpop (xrf0)  }
0x344: {  	(v2sf) =	vpush v4, $0xF;
	_ =	sdelay $0x3  }
0x345: {  	s11 =	smov.u32 @p1 s10;
	s10 =	sxor.u32 $0x80000000, s13  }
0x346: {  	p1 =	slt.s32 s11, s10  }
0x347: {  	s10 =	smov.u32 @p1 s11;
	s11 =	sxor.u32 $0x80000000, s14  }
0x348: {  	p1 =	slt.s32 s10, s11  }
0x349: {  	s11 =	smov.u32 @p1 s10;
	s10 =	sxor.u32 $0x80000000, s15  }
0x34a: {  	p1 =	slt.s32 s11, s10;
	s15 =	spop (v2sf)  }
0x34b: {  	s10 =	smov.u32 @p1 s11;
	s11 =	sxor.u32 $0x80000000, s15;
	s13 =	spop (v2sf)  }
0x34c: {  	p1 =	slt.s32 s10, s11;
	s16 =	spop (v2sf)  }
0x34d: {  	s11 =	smov.u32 @p1 s10;
	s10 =	sxor.u32 $0x80000000, s16  }
0x34e: {  	s15 =	spop (v2sf);
	p1 =	slt.s32 s11, s10  }
0x34f: {  	s10 =	smov.u32 @p1 s11;
	s11 =	sxor.u32 $0x80000000, s15  }
0x350: {  	p1 =	slt.s32 s10, s11;
	s16 =	spop (v2sf)  }
0x351: {  	s12 =	sadd.s32 s12, s13;
	s11 =	smov.u32 @p1 s10;
	s10 =	sxor.u32 $0x80000000, s16  }
0x352: {  	p2 =	sgt.u32 s9, $0x17;
	s8 =	sadd.s32 s8, s12;
	p1 =	slt.s32 s11, s10  }
0x353: {  	s10 =	smov.u32 @p1 s11;
	p1 =	slt.s32 @!p2 s8, $0x8  }
0x354: {  	p1 =	por p2, !p1  }
.Ltmp13:
0x355: {  	_ = 	snop;
	(pc) =	sbr.rel @!p1 .LBB2_22-.Ltmp13, $3  }
0x356: {  	_ =	sdelay $0x1  }
0x357: {  	p2 =	sgt.s32 s8, $0x7  }
0x358: {  	s9 =	sadd.s32 $0x1, s9;
	s7 =	smov.u32 @p2 s10  }
0x359: {  	_ =	swait.ge [sflag:s30], $0xA00  }
0x35a: {  	[sflag:s30] =	ssyncset.done $0x0  }
0x35b: {  	[sflag:s30] =	ssyncadd.s32 $0xFFFFF600  }
0x35c: {  	_ =	swait.ge [sflag:s30], $0xA00  }
0x35d: {  	[sflag:s30] =	ssyncset.done $0x0  }
0x35e: {  	[sflag:s30] =	ssyncadd.s32 $0xFFFFF600  }
0x35f: {  	_ =	swait.ge [sflag:s30], $0xA00  }
0x360: {  	[sflag:s30] =	ssyncset.done $0x0  }
0x361: {  	[sflag:s30] =	ssyncadd.s32 $0xFFFFF600  }
0x362: {  	_ =	swait.ge [sflag:s30], $0xA00  }
0x363: {  	[sflag:s30] =	ssyncset.done $0x0  }
0x364: {  	[sflag:s30] =	ssyncadd.s32 $0xFFFFF600  }
0x365: {  	_ =	swait.ge [sflag:s30], $0xA00  }
0x366: {  	[sflag:s30] =	ssyncset.done $0x0  }
0x367: {  	[sflag:s30] =	ssyncadd.s32 $0xFFFFF600  }
0x368: {  	_ =	swait.ge [sflag:s30], $0xA00  }
0x369: {  	[sflag:s30] =	ssyncset.done $0x0  }
0x36a: {  	[sflag:s30] =	ssyncadd.s32 $0xFFFFF600  }
0x36b: {  	_ =	swait.ge [sflag:s30], $0xA00  }
0x36c: {  	[sflag:s30] =	ssyncset.done $0x0  }
0x36d: {  	[sflag:s30] =	ssyncadd.s32 $0xFFFFF600  }
0x36e: {  	_ =	swait.ge [sflag:s30], $0xA00  }
0x36f: {  	[sflag:s30] =	ssyncset.done $0x0  }
0x370: {  	[sflag:s30] =	ssyncadd.s32 $0xFFFFF600  }
0x371: {  	_ =	swait.ge [sflag:s30], $0xA00  }
0x372: {  	[sflag:s30] =	ssyncset.done $0x0  }
0x373: {  	p1 =	sgt.s32 s1, s0;
	s8 =	smov.u32 s0;
	[sflag:s30] =	ssyncadd.s32 $0xFFFFF600  }
0x374: {  	s8 =	smov.u32 @p1 s1;
	_ =	swait.ge [sflag:s30], $0xA00  }
0x375: {  	s9 =	smov.u32 s25;
	p1 =	sgt.s32 s8, s25;
	[sflag:s30] =	ssyncset.done $0x0  }
0x376: {  	v5 =	vmov s0;
	s0 =	smov.u32 s4;
	s9 =	smov.u32 @p1 s8;
	[sflag:s30] =	ssyncadd.s32 $0xFFFFF600  }
0x377: {  	s8 =	smov.u32 s26;
	p1 =	sgt.s32 s9, s26;
	_ =	swait.ge [sflag:s30], $0xA00  }
.Ltmp14:
0x378: {  	s8 =	smov.u32 @p1 s9;
	[sflag:s30] =	ssyncset.done $0x0;
	(pc) =	sbr.rel .LBB2_26-.Ltmp14, $4  }
0x379: {  	s9 =	smov.u32 s6;
	p1 =	sgt.s32 s8, s6;
	[sflag:s30] =	ssyncadd.s32 $0xFFFFF600  }
0x37a: {  	v4 =	vmov s1;
	s1 =	smov.u32 s22;
	s9 =	smov.u32 @p1 s8;
	_ =	swait.ge [sflag:s30], $0xA00  }
0x37b: {  	v6 =	vmov s25;
	s8 =	smov.u32 s7;
	p1 =	sgt.s32 s9, s7;
	[sflag:s30] =	ssyncset.done $0x0  }
0x37c: {  	v7 =	vmov s26;
	v8 =	vmov s6;
	v9 =	vmov s7;
	s6 =	smov.u32 s5;
	s8 =	smov.u32 @p1 s9;
	[sflag:s30] =	ssyncadd.s32 $0xFFFFF600  }
.LBB2_28:
0x37d: {  	s6 =	sadd.s32 $0xFFFFFFFF, s6  }
0x37e: {  	p1 =	sne.s32 s6, $0x0  }
.Ltmp15:
0x37f: {  	_ = 	snop;
	(pc) =	sbr.rel @!p1 .LBB2_29-.Ltmp15, $2  }
0x380: {  	_ =	sdelay $0x2  }
0x381: {  	s1 =	sadd.s32 $0x10, s1;
	s0 =	sadd.s32 $0x10, s0  }
.LBB2_26:
0x382: {  	p1 =	sgt.s32 s0, s8  }
.Ltmp16:
0x383: {  	_ = 	snop;
	(pc) =	sbr.rel @p1 .LBB2_28-.Ltmp16, $2  }
0x384: {  	_ =	sdelay $0x2  }
0x385: {  	[tilespmem:s1+$0x0] =	vst v2  }
0x386: {  	s7 =	sadd.s32 s0, s23  }
0x387: {  	v10 =	vmov s7  }
0x388: {  	v10 =	vshll.u32 v10, $0x3  }
0x389: {  	v10 =	vadd.s32 v3, v10  }
0x38a: {  	v22 =	vor.u32 $0x1, v10;
	_ =	sdelay $0x1  }
0x38b: {  	v15 =	vor.u32 $0x2, v10;
	_ =	sdelay $0x1  }
0x38c: {  	v14 =	vor.u32 $0x3, v10;
	v11 =	vld.idx.msk [tilespmem:v10+s24+$0x0], $0xffff  }
0x38d: {  	v12 =	vld.idx.msk [tilespmem:v22+s24+$0x0], $0xffff  }
0x38e: {  	v13 =	vor.u32 $0x4, v10  }
0x38f: {  	v16 =	vld.idx.msk [tilespmem:v15+s24+$0x0], $0xffff  }
0x390: {  	v17 =	vor.u32 $0x5, v10  }
0x391: {  	v19 =	vld.idx.msk [tilespmem:v14+s24+$0x0], $0xffff  }
0x392: {  	v27 =	vor.u32 $0x6, v10;
	v11 =	vadd.f32 v12, v11  }
0x393: {  	v21 =	vor.u32 $0x7, v10;
	v20 =	vld.idx.msk [tilespmem:v13+s24+$0x0], $0xffff  }
0x394: {  	v18 =	vadd.s32 $0xA00, v10;
	v11 =	vadd.f32 v16, v11  }
0x395: {  	v17 =	vld.idx.msk [tilespmem:v17+s24+$0x0], $0xffff;
	v16 =	vadd.s32 $0xA01, v10  }
0x396: {  	v11 =	vadd.f32 v19, v11  }
0x397: {  	v28 =	vld.idx.msk [tilespmem:v27+s24+$0x0], $0xffff;
	v13 =	vadd.s32 $0xA02, v10  }
0x398: {  	v29 =	vld.idx.msk [tilespmem:v21+s24+$0x0], $0xffff;
	v11 =	vadd.f32 v20, v11  }
0x399: {  	v30 =	vld.idx.msk [tilespmem:v18+s24+$0x0], $0xffff;
	v12 =	vadd.s32 $0xA03, v10  }
0x39a: {  	v31 =	vld.idx.msk [tilespmem:v16+s24+$0x0], $0xffff;
	v11 =	vadd.f32 v17, v11  }
0x39b: {  	v23 =	vadd.s32 $0xA04, v10  }
0x39c: {  	v32 =	vld.idx.msk [tilespmem:v13+s24+$0x0], $0xffff;
	v11 =	vadd.f32 v28, v11  }
0x39d: {  	v24 =	vadd.s32 $0xA05, v10  }
0x39e: {  	v21 =	vadd.s32 $0x1401, v10;
	v25 =	vld.idx.msk [tilespmem:v12+s24+$0x0], $0xffff;
	v11 =	vadd.f32 v29, v11  }
0x39f: {  	v26 =	vadd.s32 $0xA06, v10;
	v17 =	vadd.f32 v31, v30  }
0x3a0: {  	v27 =	vld.idx.msk [tilespmem:v23+s24+$0x0], $0xffff;
	v20 =	vadd.s32 $0x1400, v10;
	v11 =	vmul.f32 $2.500000000e-01, v11  }
0x3a1: {  	v28 =	vadd.s32 $0xA07, v10;
	v17 =	vadd.f32 v32, v17  }
0x3a2: {  	v33 =	vld.idx.msk [tilespmem:v24+s24+$0x0], $0xffff;
	v11 =	vmul.f32 $1.442695020e+00, v11  }
0x3a3: {  	v23 =	vadd.s32 $0x1402, v10;
	v36 =	vld.idx.msk [tilespmem:v21+s24+$0x0], $0xffff;
	v17 =	vadd.f32 v25, v17  }
0x3a4: {  	(erf) = vpow2.f32 v11;
	v11 =	vld.idx.msk [tilespmem:v26+s24+$0x0], $0xffff  }
0x3a5: {  	v24 =	vadd.s32 $0x1403, v10;
	v35 =	vld.idx.msk [tilespmem:v20+s24+$0x0], $0xffff;
	v17 =	vadd.f32 v27, v17  }
0x3a6: {  	v34 =	vld.idx.msk [tilespmem:v28+s24+$0x0], $0xffff  }
0x3a7: {  	v37 =	vadd.s32 $0x1404, v10;
	v17 =	vadd.f32 v33, v17  }
0x3a8: {  	v38 =	vld.idx.msk [tilespmem:v23+s24+$0x0], $0xffff  }
0x3a9: {  	v39 =	vadd.s32 $0x1405, v10;
	v11 =	vadd.f32 v11, v17  }
0x3aa: {  	v29 =	vld.idx.msk [tilespmem:v24+s24+$0x0], $0xffff  }
0x3ab: {  	v40 =	vadd.s32 $0x1406, v10;
	v19 =	vadd.f32 v36, v35;
	v25 =	vadd.f32 v34, v11  }
0x3ac: {  	v27 =	vld.idx.msk [tilespmem:v37+s24+$0x0], $0xffff  }
0x3ad: {  	v30 =	vadd.s32 $0x1407, v10;
	v17 =	vadd.f32 v38, v19;
	v11 =	vpop (erf);
	v25 =	vmul.f32 $2.500000000e-01, v25  }
0x3ae: {  	v42 =	vld.idx.msk [tilespmem:v39+s24+$0x0], $0xffff;
	v32 =	vadd.s32 $0x1E00, v10;
	v31 =	vadd.f32 $1.000000000e+00, v11  }
0x3af: {  	v28 =	vadd.s32 $0x1E01, v10;
	v17 =	vadd.f32 v29, v17;
	v41 =	vmul.f32 $1.442695020e+00, v25  }
0x3b0: {  	v43 =	vld.idx.msk [tilespmem:v40+s24+$0x0], $0xffff;
	(erf) = vrcp.f32 v31  }
0x3b1: {  	v26 =	vadd.s32 $0x1E02, v10;
	v17 =	vadd.f32 v27, v17;
	(erf) = vpow2.f32 v41  }
0x3b2: {  	v44 =	vld.idx.msk [tilespmem:v30+s24+$0x0], $0xffff  }
0x3b3: {  	v45 =	vld.idx.msk [tilespmem:v32+s24+$0x0], $0xffff;
	v29 =	vadd.s32 $0x1E03, v10;
	v17 =	vadd.f32 v42, v17  }
0x3b4: {  	v46 =	vld.idx.msk [tilespmem:v28+s24+$0x0], $0xffff  }
0x3b5: {  	v47 =	vadd.s32 $0x1E04, v10;
	v17 =	vadd.f32 v43, v17  }
0x3b6: {  	v33 =	vld.idx.msk [tilespmem:v26+s24+$0x0], $0xffff  }
0x3b7: {  	v34 =	vadd.s32 $0x1E05, v10  }
0x3b8: {  	v35 =	vld.idx.msk [tilespmem:v29+s24+$0x0], $0xffff;
	v27 =	vadd.f32 v44, v17  }
0x3b9: {  	v48 =	vadd.s32 $0x1E06, v10;
	v25 =	vadd.f32 v46, v45;
	v17 =	vpop (erf)  }
0x3ba: {  	v36 =	vadd.s32 $0x1E07, v10;
	v31 =	vld.idx.msk [tilespmem:v47+s24+$0x0], $0xffff;
	v27 =	vmul.f32 $2.500000000e-01, v27;
	v19 =	vpop (erf)  }
0x3bb: {  	v38 =	vadd.s32 $0x2801, v10;
	v25 =	vadd.f32 v33, v25;
	v37 =	vadd.f32 $1.000000000e+00, v19  }
0x3bc: {  	v34 =	vld.idx.msk [tilespmem:v34+s24+$0x0], $0xffff;
	v33 =	vadd.s32 $0x2800, v10;
	v27 =	vmul.f32 $1.442695020e+00, v27  }
0x3bd: {  	v25 =	vadd.f32 v35, v25;
	(erf) = vrcp.f32 v37  }
0x3be: {  	v49 =	vld.idx.msk [tilespmem:v48+s24+$0x0], $0xffff;
	v30 =	vadd.s32 $0x2802, v10;
	(erf) = vpow2.f32 v27  }
0x3bf: {  	v50 =	vld.idx.msk [tilespmem:v36+s24+$0x0], $0xffff;
	v25 =	vadd.f32 v31, v25  }
0x3c0: {  	v52 =	vld.idx.msk [tilespmem:v38+s24+$0x0], $0xffff;
	v35 =	vadd.s32 $0x2803, v10  }
0x3c1: {  	v51 =	vld.idx.msk [tilespmem:v33+s24+$0x0], $0xffff;
	v25 =	vadd.f32 v34, v25  }
0x3c2: {  	v53 =	vadd.s32 $0x2804, v10  }
0x3c3: {  	v54 =	vld.idx.msk [tilespmem:v30+s24+$0x0], $0xffff;
	v25 =	vadd.f32 v49, v25  }
0x3c4: {  	v39 =	vadd.s32 $0x2805, v10  }
0x3c5: {  	v55 =	vld.idx.msk [tilespmem:v35+s24+$0x0], $0xffff;
	v25 =	vadd.f32 v50, v25  }
0x3c6: {  	v56 =	vadd.s32 $0x2806, v10;
	v34 =	vadd.f32 v52, v51;
	v40 =	vpop (erf)  }
0x3c7: {  	v42 =	vadd.s32 $0x2807, v10;
	v37 =	vld.idx.msk [tilespmem:v53+s24+$0x0], $0xffff;
	v25 =	vmul.f32 $2.500000000e-01, v25;
	v41 =	vpop (erf)  }
0x3c8: {  	v45 =	vadd.s32 $0x3201, v10;
	v27 =	vadd.f32 v54, v34;
	v44 =	vadd.f32 $1.000000000e+00, v41  }
0x3c9: {  	v39 =	vld.idx.msk [tilespmem:v39+s24+$0x0], $0xffff;
	v34 =	vadd.s32 $0x3200, v10;
	v25 =	vmul.f32 $1.442695020e+00, v25  }
0x3ca: {  	v27 =	vadd.f32 v55, v27;
	(erf) = vrcp.f32 v44  }
0x3cb: {  	v57 =	vld.idx.msk [tilespmem:v56+s24+$0x0], $0xffff;
	v31 =	vadd.s32 $0x3202, v10;
	(erf) = vpow2.f32 v25  }
0x3cc: {  	v58 =	vld.idx.msk [tilespmem:v42+s24+$0x0], $0xffff;
	v27 =	vadd.f32 v37, v27  }
0x3cd: {  	v60 =	vld.idx.msk [tilespmem:v45+s24+$0x0], $0xffff;
	v37 =	vadd.s32 $0x3203, v10  }
0x3ce: {  	v59 =	vld.idx.msk [tilespmem:v34+s24+$0x0], $0xffff;
	v27 =	vadd.f32 v39, v27  }
0x3cf: {  	v61 =	vadd.s32 $0x3204, v10  }
0x3d0: {  	v62 =	vld.idx.msk [tilespmem:v31+s24+$0x0], $0xffff;
	v25 =	vadd.f32 v57, v27  }
0x3d1: {  	v22 =	vld.idx.msk [tilespmem:v22+s3+$0x0], $0xffff;
	v46 =	vadd.s32 $0x3205, v10  }
0x3d2: {  	v63 =	vld.idx.msk [tilespmem:v37+s24+$0x0], $0xffff;
	v25 =	vadd.f32 v58, v25  }
0x3d3: {  	v15 =	vld.idx.msk [tilespmem:v15+s3+$0x0], $0xffff;
	v52 =	vadd.s32 $0x3206, v10;
	v39 =	vadd.f32 v60, v59;
	v47 =	vpop (erf)  }
0x3d4: {  	v44 =	vld.idx.msk [tilespmem:v61+s24+$0x0], $0xffff;
	v25 =	vmul.f32 $2.500000000e-01, v25;
	v48 =	vpop (erf)  }
0x3d5: {  	v43 =	vld.idx.msk [tilespmem:v10+s3+$0x0], $0xffff;
	v10 =	vadd.s32 $0x3207, v10;
	v27 =	vadd.f32 v62, v39;
	v53 =	vadd.f32 $1.000000000e+00, v48  }
0x3d6: {  	v46 =	vld.idx.msk [tilespmem:v46+s24+$0x0], $0xffff;
	v25 =	vmul.f32 $1.442695020e+00, v25  }
0x3d7: {  	v14 =	vld.idx.msk [tilespmem:v14+s3+$0x0], $0xffff;
	v27 =	vadd.f32 v63, v27;
	(erf) = vrcp.f32 v53  }
0x3d8: {  	v54 =	vld.idx.msk [tilespmem:v52+s24+$0x0], $0xffff;
	(erf) = vpow2.f32 v25  }
0x3d9: {  	v18 =	vld.idx.msk [tilespmem:v18+s3+$0x0], $0xffff;
	v27 =	vadd.f32 v44, v27  }
0x3da: {  	v10 =	vld.idx.msk [tilespmem:v10+s24+$0x0], $0xffff  }
0x3db: {  	v13 =	vld.idx.msk [tilespmem:v13+s3+$0x0], $0xffff;
	v27 =	vadd.f32 v46, v27  }
0x3dc: {  	v21 =	vld.idx.msk [tilespmem:v21+s3+$0x0], $0xffff  }
0x3dd: {  	v23 =	vld.idx.msk [tilespmem:v23+s3+$0x0], $0xffff;
	v25 =	vadd.f32 v54, v27  }
0x3de: {  	v12 =	vld.idx.msk [tilespmem:v12+s3+$0x0], $0xffff  }
0x3df: {  	v16 =	vld.idx.msk [tilespmem:v16+s3+$0x0], $0xffff;
	v10 =	vadd.f32 v10, v25  }
0x3e0: {  	v20 =	vld.idx.msk [tilespmem:v20+s3+$0x0], $0xffff;
	v57 =	vpop (erf)  }
0x3e1: {  	v55 =	vld.idx.msk [tilespmem:v32+s3+$0x0], $0xffff;
	v10 =	vmul.f32 $2.500000000e-01, v10;
	v32 =	vpop (erf)  }
0x3e2: {  	v24 =	vld.idx.msk [tilespmem:v24+s3+$0x0], $0xffff;
	v59 =	vadd.f32 $1.000000000e+00, v32  }
0x3e3: {  	v56 =	vld.idx.msk [tilespmem:v28+s3+$0x0], $0xffff;
	v22 =	vadd.s32 v43, v22;
	v10 =	vmul.f32 $1.442695020e+00, v10  }
0x3e4: {  	v26 =	vld.idx.msk [tilespmem:v26+s3+$0x0], $0xffff;
	v15 =	vadd.s32 v15, v22;
	(erf) = vrcp.f32 v59  }
0x3e5: {  	v11 =	vadd.f32 $-1.000000000e+00, v11;
	v14 =	vadd.s32 v14, v15;
	v42 =	vld.idx.msk [tilespmem:v31+s3+$0x0], $0xffff;
	(erf) = vpow2.f32 v10  }
0x3e6: {  	vm4 =	vgt.s32 v14, $0x0;
	v51 =	vor.u32 s0, v0;
	v36 =	vld.idx.msk [tilespmem:v34+s3+$0x0], $0xffff;
	v60 =	vadd.s32 v18, v16  }
0x3e7: {  	v14 =	vsel vm4, $0x3F800000, v2;
	vm5 =	vle.s32 v51, v4;
	v13 =	vadd.s32 v13, v60;
	v61 =	vld.idx.msk [tilespmem:v33+s3+$0x0], $0xffff  }
0x3e8: {  	vm11 =	vle.s32 v51, v5;
	v12 =	vadd.s32 v12, v13;
	v62 =	vadd.s32 v20, v21;
	v39 =	vld.idx.msk [tilespmem:v45+s3+$0x0], $0xffff  }
0x3e9: {  	vm12 =	vle.s32 v51, v6;
	vm0 =	vgt.s32 v12, $0x0;
	v23 =	vadd.s32 v23, v62;
	v63 =	vld.idx.msk [tilespmem:v38+s3+$0x0], $0xffff  }
0x3ea: {  	vm13 =	vle.s32 v51, v7;
	v33 =	vsel vm0, $0x3F800000, v2;
	v58 =	vld.idx.msk [tilespmem:v29+s3+$0x0], $0xffff;
	v24 =	vadd.s32 v24, v23  }
0x3eb: {  	vm14 =	vle.s32 v51, v8;
	v14 =	vadd.f32 v33, v14;
	vm3 =	vgt.s32 v24, $0x0;
	v10 =	vld.idx.msk [tilespmem:v30+s3+$0x0], $0xffff  }
0x3ec: {  	vm5 =	vmand vm5, vm4;
	v45 =	vadd.f32 $-1.000000000e+00, v19;
	v29 =	vld.idx.msk [tilespmem:v35+s3+$0x0], $0xffff;
	v38 =	vsel vm3, $0x3F800000, v2  }
0x3ed: {  	vm0 =	vmand vm11, vm0;
	v44 =	vld.idx.msk [tilespmem:v37+s3+$0x0], $0xffff;
	v14 =	vadd.f32 v38, v14;
	v30 =	vadd.s32 v55, v56;
	v46 =	vpop (erf)  }
0x3ee: {  	v49 =	vadd.s32 v36, v39;
	v16 =	vadd.s32 v61, v63;
	v35 =	vadd.s32 v26, v30;
	v50 =	vpop (erf)  }
0x3ef: {  	v56 =	vadd.f32 $-1.000000000e+00, v48;
	v12 =	vadd.s32 v58, v35;
	v52 =	vadd.f32 $1.000000000e+00, v50  }
0x3f0: {  	vm1 =	vgt.s32 v12, $0x0;
	v12 =	vadd.s32 v42, v49;
	v10 =	vadd.s32 v10, v16  }
0x3f1: {  	v43 =	vsel vm1, $0x3F800000, v2;
	v10 =	vadd.s32 v29, v10;
	(erf) = vrcp.f32 v52  }
0x3f2: {  	v12 =	vadd.s32 v44, v12;
	v13 =	vadd.f32 v43, v14;
	vm2 =	vgt.s32 v10, $0x0  }
0x3f3: {  	v14 =	vmul.f32 v40, v45;
	v10 =	vmul.f32 v17, v11;
	v11 =	vsel vm2, $0x3F800000, v2  }
0x3f4: {  	v53 =	vadd.f32 $-1.000000000e+00, v41;
	vm10 =	vgt.s32 v12, $0x0;
	v11 =	vadd.f32 v11, v13  }
0x3f5: {  	v57 =	vmul.f32 v57, v56;
	v55 =	vsel vm10, $0x3F800000, v2;
	v54 =	vadd.f32 $1.000000000e+00, v14  }
0x3f6: {  	v10 =	vadd.f32 $1.000000000e+00, v10;
	v13 =	vmul.f32 v47, v53;
	v11 =	vadd.f32 v55, v11  }
0x3f7: {  	v58 =	vadd.f32 $-1.000000000e+00, v32;
	v12 =	vnsel vm0, $0x0, v54;
	vm0 =	vmand vm12, vm3  }
0x3f8: {  	v10 =	vnsel vm5, $0x0, v10;
	v13 =	vadd.f32 $1.000000000e+00, v13;
	v11 =	vmax.f32 v11, $1.000000000e+00  }
0x3f9: {  	v60 =	vadd.f32 $-1.000000000e+00, v50;
	v10 =	vadd.f32 v12, v10;
	(erf) = vrcp.f32 v11  }
0x3fa: {  	v59 =	vmul.f32 v46, v58;
	v13 =	vnsel vm0, $0x0, v13;
	v11 =	vadd.f32 $1.000000000e+00, v57;
	v61 =	vpop (erf)  }
0x3fb: {  	vm0 =	vmand vm13, vm1;
	v10 =	vadd.f32 v13, v10;
	v62 =	vmul.f32 v61, v60  }
0x3fc: {  	vm15 =	vle.s32 v51, v9;
	v12 =	vadd.f32 $1.000000000e+00, v59;
	v11 =	vnsel vm0, $0x0, v11  }
0x3fd: {  	vm0 =	vmand vm14, vm2;
	v10 =	vadd.f32 v11, v10;
	v63 =	vadd.f32 $1.000000000e+00, v62  }
0x3fe: {  	v11 =	vnsel vm0, $0x0, v12;
	vm0 =	vmand vm15, vm10  }
0x3ff: {  	v10 =	vadd.f32 v11, v10;
	v11 =	vnsel vm0, $0x0, v63;
	_ =	sdelay $0x1  }
.Ltmp17:
0x400: {  	v10 =	vadd.f32 v11, v10;
	(pc) =	sbr.rel .LBB2_28-.Ltmp17, $3  }
0x401: {  	v11 =	vpop (erf)  }
0x402: {  	v10 =	vmul.f32 v10, v11;
	_ =	sdelay $0x1  }
0x403: {  	[tilespmem:s1+$0x0] =	vst v10  }
.LBB2_30:
0x404: {  	_ =	sfence.sel $0x180000  }
0x405: {  	[bflag:$0x0] =	sbarrier.arrive $0xFFFF  }
0x406: {  	_ =	strace $0x90000047  }
0x407: {  	s0 =	stileid.u32;
	[bflag:$0x2] =	sbarrier.arrive $0xFFFF  }
0x408: {  	p0 =	sne.s32 s0, $0x0;
	s0 =	rddreg [dreg:$0x2]  }
0x409: {  	s0 =	sadd.s32 @!p0 $0x100000, s0  }
0x40a: {  	[sflag:s0] =	ssyncadd.tile.s32 @!p0 $0x1;
	_ =	shalt  }
.Lfunc_end2:
_tile_overlayer_lowered:
.L_overlay_start_2:
0x40b: {  	(tag) =	ssettag $0x2  }
0x40c: {  	s0 =	rddreg [dreg:$0x0];
	s2 =	stileid.u32  }
0x40d: {  	s1 =	rddreg [dreg:$0x1];
	p0 =	sne.s32 s2, $0x0  }
0x40e: {  	s3 =	rddreg [dreg:$0x2];
	[bflag:$0x3] =	sbarrier.arrive $0xFFFF;
	s2 =	simm.s32 @!p0 $0x1C02  }
0x40f: {  	[timem:s3], [sflag:s2] =	dma.local @!p0 [hbm:s0], s1  }
0x410: {  	s0 =	simm.s32 @!p0 $0x2  }
0x411: {  	_ =	swait.ge @!p0 [sflag:s0], s1  }
0x412: {  	s1 =	ssub.s32 @!p0 $0x0, s1;
	[sflag:s0] =	ssyncset.done @!p0 $0x0  }
0x413: {  	[sflag:s0] =	ssyncadd.s32 @!p0 s1  }
0x414: {  	[bflag:$0x3] =	sbarrier.arrive $0xFFFF  }
0x415: {  	_ =	shalt  }

</sc_bundles>
